<compile_context>
chip_gen: v7x
topology: tpu7x:2x2x1
jax: 0.10.2.dev20260603
libtpu: 0.0.44.dev20260713+nightly
codegen_flags: <defaults>
</compile_context>

<pallas_src>
import functools

import jax
import jax.numpy as jnp
from jax import lax
from jax.experimental import pallas as pl
from jax.experimental.pallas import tpu as pltpu
from jax.experimental.pallas import tpu_sc as plsc

B = 16384
N = 1000000
NC = 2
NS = 16
NW = NC * NS
BPW = B // NW
WLANES = 2048
NWIN = (N // WLANES) // 8


def _probe_body(uid_hbm, uf_hbm, if_hbm, out_hbm,
                buf0, buf1, out_v, sem0, sem1):
    wid = lax.axis_index("s") * NC + lax.axis_index("c")
    base = wid * BPW
    fh = lax.shift_right_logical(wid, 3)
    stripe = jnp.bitwise_and(wid, 7)

    bufs = (buf0, buf1)
    sems = (sem0, sem1)
    copies = [None, None]
    k = 0
    for t, tab in enumerate((uf_hbm, if_hbm)):
        for w in range(NWIN):
            off = (w * 8 + stripe) * WLANES
            i = k % 2
            if copies[i] is not None:
                copies[i].wait()
            copies[i] = pltpu.async_copy(
                tab.at[fh, :, pl.ds(off, WLANES)], bufs[i], sems[i])
            k += 1
    for c in copies:
        if c is not None:
            c.wait()

    def blk(j, carry):
        out_v[pl.ds(j * 16, 16)] = buf0[0, pl.ds(j * 16, 16)]
        return carry

    lax.fori_loop(0, BPW // 16, blk, 0)
    pltpu.sync_copy(out_v, out_hbm.at[pl.ds(base, BPW)])


@jax.jit
def _probe_call(user_ids, user_factors, item_factors):
    mesh = plsc.VectorSubcoreMesh(core_axis_name="c", subcore_axis_name="s")
    f = functools.partial(
        pl.kernel,
        mesh=mesh,
        out_type=jax.ShapeDtypeStruct((B,), jnp.float32),
        compiler_params=pltpu.CompilerParams(needs_layout_passes=False),
        scratch_types=[
            pltpu.VMEM((8, WLANES), jnp.float32),
            pltpu.VMEM((8, WLANES), jnp.float32),
            pltpu.VMEM((BPW,), jnp.float32),
            pltpu.SemaphoreType.DMA,
            pltpu.SemaphoreType.DMA,
        ],
    )(_probe_body)
    uf4 = user_factors.T.reshape(4, 8, N)
    if4 = item_factors.T.reshape(4, 8, N)
    return f(user_ids, uf4, if4)


def kernel(user_ids, item_ids, user_factors, item_factors,
           user_biases, item_biases, global_bias):
    out = _probe_call(user_ids, user_factors, item_factors)
    return out + global_bias

# --- scband reference (transcript-rebuilt; emitter-appended) ---
"""Pipeline reference for scband-matrix-factorization-model-61057255080280 (READ-ONLY COPY).

The authoritative reference and input builder live on the scoring server;
editing this copy changes nothing except your own understanding.
"""

import jax, jax.numpy as jnp
import numpy as np

N_USERS = 1000000
N_ITEMS = 1000000
N_FACTORS = 32
BATCH = 16384


def setup_inputs(seed: int = 0) -> dict:
    key = jax.random.key(seed)
    k1, k2, k3, k4 = jax.random.split(key, 4)
    user_ids = jax.random.randint(k1, (BATCH,), 0, N_USERS, dtype=jnp.int64 if jax.config.jax_enable_x64 else jnp.int32).astype(jnp.int32)
    item_ids = jax.random.randint(k2, (BATCH,), 0, N_ITEMS, dtype=jnp.int64 if jax.config.jax_enable_x64 else jnp.int32).astype(jnp.int32)
    user_factors = jax.random.normal(k3, (N_USERS, N_FACTORS), dtype=jnp.float32) * 0.1
    item_factors = jax.random.normal(k4, (N_ITEMS, N_FACTORS), dtype=jnp.float32) * 0.1
    user_biases = jnp.zeros((N_USERS, 1), dtype=jnp.float32)
    item_biases = jnp.zeros((N_ITEMS, 1), dtype=jnp.float32)
    global_bias = jnp.zeros((1,), dtype=jnp.float32)
    return {
        "user_ids": user_ids,
        "item_ids": item_ids,
        "user_factors": user_factors,
        "item_factors": item_factors,
        "user_biases": user_biases,
        "item_biases": item_biases,
        "global_bias": global_bias,
    }


def reference(user_ids, item_ids, user_factors, item_factors, user_biases, item_biases, global_bias):
    user_embedding = jnp.take(user_factors, user_ids, axis=0)   # [B, F]
    item_embedding = jnp.take(item_factors, item_ids, axis=0)   # [B, F]
    user_bias = jnp.take(user_biases, user_ids, axis=0).squeeze(-1)  # [B]
    item_bias = jnp.take(item_biases, item_ids, axis=0).squeeze(-1)  # [B]
    dot_product = (user_embedding * item_embedding).sum(axis=1)      # [B]
    prediction = global_bias + user_bias + item_bias + dot_product
    return prediction

if __name__ == "__main__":
    import jax
    _d = setup_inputs()
    print(jax.jit(kernel)(*tuple(_d.values())))

</pallas_src>

<mosaic_0001>
#map = affine_map<(d0, d1) -> (0)>
#map1 = affine_map<(d0, d1) -> (0, 0, 0)>
module attributes {stable_mosaic.version = 14 : i64} {
  func.func @_probe_body(%arg0: i32, %arg1: i32, %arg2: memref<16384xi32, #tpu.memory_space<hbm>>, %arg3: memref<4x8x1000000xf32, #tpu.memory_space<hbm>>, %arg4: memref<4x8x1000000xf32, #tpu.memory_space<hbm>>, %arg5: memref<16384xf32, #tpu.memory_space<hbm>>, %arg6: memref<8x2048xf32, #tpu.memory_space<vmem>>, %arg7: memref<8x2048xf32, #tpu.memory_space<vmem>>, %arg8: memref<512xf32, #tpu.memory_space<vmem>>, %arg9: memref<!tpu.dma_semaphore, #tpu.memory_space<semaphore_mem>>, %arg10: memref<!tpu.dma_semaphore, #tpu.memory_space<semaphore_mem>>) attributes {dimension_semantics = [#tpu.dimension_semantics<core_parallel>, #tpu.dimension_semantics<subcore_parallel>], iteration_bounds = array<i64: 2, 16>, scalar_prefetch = 0 : i64, scratch_operands = 5 : i64, tpu.core_type = #tpu.core_type<sc_vector_subcore>, window_params = [{transform_indices = #map}, {transform_indices = #map1}, {transform_indices = #map1}, {transform_indices = #map}]} {
    %mul3A = arith.constant 2 : i32
    %mul3A_0 = arith.muli %arg1, %mul3A : i32
    %add3A = arith.addi %mul3A_0, %arg0 : i32
    %mul3A_1 = arith.constant 512 : i32
    %mul3A_2 = arith.muli %add3A, %mul3A_1 : i32
    %shift_right_logical3A = arith.constant 3 : i32
    %shift_right_logical3A_3 = arith.shrui %add3A, %shift_right_logical3A : i32
    %and3A = arith.constant 7 : i32
    %and3A_4 = arith.andi %add3A, %and3A : i32
    %add3A_5 = arith.constant 0 : i32
    %add3A_6 = arith.addi %add3A_5, %and3A_4 : i32
    %mul3A_7 = arith.constant 2048 : i32
    %mul3A_8 = arith.muli %add3A_6, %mul3A_7 : i32
    %dma_start3A = arith.constant 0 : i32
    %dma_start3A_9 = tpu.memref_slice %arg3[%shift_right_logical3A_3, %dma_start3A, %mul3A_8] : memref<4x8x1000000xf32, #tpu.memory_space<hbm>> -> memref<1x8x2048xf32, #tpu.memory_space<hbm>>
    %dma_start3A_10 = tpu.memref_squeeze %dma_start3A_9 : memref<1x8x2048xf32, #tpu.memory_space<hbm>> -> memref<8x2048xf32, #tpu.memory_space<hbm>>
    %dma_start3A_11 = arith.constant 0 : i32
    %dma_start3A_12 = tpu.memref_slice %arg3[%shift_right_logical3A_3, %dma_start3A_11, %mul3A_8] : memref<4x8x1000000xf32, #tpu.memory_space<hbm>> -> memref<1x8x2048xf32, #tpu.memory_space<hbm>>
    %dma_start3A_13 = tpu.memref_squeeze %dma_start3A_12 : memref<1x8x2048xf32, #tpu.memory_space<hbm>> -> memref<8x2048xf32, #tpu.memory_space<hbm>>
    tpu.enqueue_dma source(%dma_start3A_13 : memref<8x2048xf32, #tpu.memory_space<hbm>>) target(%arg6 : memref<8x2048xf32, #tpu.memory_space<vmem>>) target_semaphore(%arg9 : memref<!tpu.dma_semaphore, #tpu.memory_space<semaphore_mem>>)
    %add3A_14 = arith.constant 8 : i32
    %add3A_15 = arith.addi %add3A_14, %and3A_4 : i32
    %mul3A_16 = arith.constant 2048 : i32
    %mul3A_17 = arith.muli %add3A_15, %mul3A_16 : i32
    %dma_start3A_18 = arith.constant 0 : i32
    %dma_start3A_19 = tpu.memref_slice %arg3[%shift_right_logical3A_3, %dma_start3A_18, %mul3A_17] : memref<4x8x1000000xf32, #tpu.memory_space<hbm>> -> memref<1x8x2048xf32, #tpu.memory_space<hbm>>
    %dma_start3A_20 = tpu.memref_squeeze %dma_start3A_19 : memref<1x8x2048xf32, #tpu.memory_space<hbm>> -> memref<8x2048xf32, #tpu.memory_space<hbm>>
    %dma_start3A_21 = arith.constant 0 : i32
    %dma_start3A_22 = tpu.memref_slice %arg3[%shift_right_logical3A_3, %dma_start3A_21, %mul3A_17] : memref<4x8x1000000xf32, #tpu.memory_space<hbm>> -> memref<1x8x2048xf32, #tpu.memory_space<hbm>>
    %dma_start3A_23 = tpu.memref_squeeze %dma_start3A_22 : memref<1x8x2048xf32, #tpu.memory_space<hbm>> -> memref<8x2048xf32, #tpu.memory_space<hbm>>
    tpu.enqueue_dma source(%dma_start3A_23 : memref<8x2048xf32, #tpu.memory_space<hbm>>) target(%arg7 : memref<8x2048xf32, #tpu.memory_space<vmem>>) target_semaphore(%arg10 : memref<!tpu.dma_semaphore, #tpu.memory_space<semaphore_mem>>)
    %add3A_24 = arith.constant 16 : i32
    %add3A_25 = arith.addi %add3A_24, %and3A_4 : i32
    %mul3A_26 = arith.constant 2048 : i32
    %mul3A_27 = arith.muli %add3A_25, %mul3A_26 : i32
    %dma_wait3A = arith.constant 0 : i32
    %dma_wait3A_28 = tpu.memref_slice %arg3[%shift_right_logical3A_3, %dma_wait3A, %mul3A_8] : memref<4x8x1000000xf32, #tpu.memory_space<hbm>> -> memref<1x8x2048xf32, #tpu.memory_space<hbm>>
    %dma_wait3A_29 = tpu.memref_squeeze %dma_wait3A_28 : memref<1x8x2048xf32, #tpu.memory_space<hbm>> -> memref<8x2048xf32, #tpu.memory_space<hbm>>
    %dma_wait3A_30 = arith.constant 0 : i32
    %dma_wait3A_31 = tpu.memref_slice %arg3[%shift_right_logical3A_3, %dma_wait3A_30, %mul3A_8] : memref<4x8x1000000xf32, #tpu.memory_space<hbm>> -> memref<1x8x2048xf32, #tpu.memory_space<hbm>>
    %dma_wait3A_32 = tpu.memref_squeeze %dma_wait3A_31 : memref<1x8x2048xf32, #tpu.memory_space<hbm>> -> memref<8x2048xf32, #tpu.memory_space<hbm>>
    tpu.wait_dma2 semaphore(%arg9 : memref<!tpu.dma_semaphore, #tpu.memory_space<semaphore_mem>>) src(%dma_wait3A_32 : memref<8x2048xf32, #tpu.memory_space<hbm>>) dst(%arg6 : memref<8x2048xf32, #tpu.memory_space<vmem>>)
    %dma_start3A_33 = arith.constant 0 : i32
    %dma_start3A_34 = tpu.memref_slice %arg3[%shift_right_logical3A_3, %dma_start3A_33, %mul3A_27] : memref<4x8x1000000xf32, #tpu.memory_space<hbm>> -> memref<1x8x2048xf32, #tpu.memory_space<hbm>>
    %dma_start3A_35 = tpu.memref_squeeze %dma_start3A_34 : memref<1x8x2048xf32, #tpu.memory_space<hbm>> -> memref<8x2048xf32, #tpu.memory_space<hbm>>
    %dma_start3A_36 = arith.constant 0 : i32
    %dma_start3A_37 = tpu.memref_slice %arg3[%shift_right_logical3A_3, %dma_start3A_36, %mul3A_27] : memref<4x8x1000000xf32, #tpu.memory_space<hbm>> -> memref<1x8x2048xf32, #tpu.memory_space<hbm>>
    %dma_start3A_38 = tpu.memref_squeeze %dma_start3A_37 : memref<1x8x2048xf32, #tpu.memory_space<hbm>> -> memref<8x2048xf32, #tpu.memory_space<hbm>>
    tpu.enqueue_dma source(%dma_start3A_38 : memref<8x2048xf32, #tpu.memory_space<hbm>>) target(%arg6 : memref<8x2048xf32, #tpu.memory_space<vmem>>) target_semaphore(%arg9 : memref<!tpu.dma_semaphore, #tpu.memory_space<semaphore_mem>>)
    %add3A_39 = arith.constant 24 : i32
    %add3A_40 = arith.addi %add3A_39, %and3A_4 : i32
    %mul3A_41 = arith.constant 2048 : i32
    %mul3A_42 = arith.muli %add3A_40, %mul3A_41 : i32
    %dma_wait3A_43 = arith.constant 0 : i32
    %dma_wait3A_44 = tpu.memref_slice %arg3[%shift_right_logical3A_3, %dma_wait3A_43, %mul3A_17] : memref<4x8x1000000xf32, #tpu.memory_space<hbm>> -> memref<1x8x2048xf32, #tpu.memory_space<hbm>>
    %dma_wait3A_45 = tpu.memref_squeeze %dma_wait3A_44 : memref<1x8x2048xf32, #tpu.memory_space<hbm>> -> memref<8x2048xf32, #tpu.memory_space<hbm>>
    %dma_wait3A_46 = arith.constant 0 : i32
    %dma_wait3A_47 = tpu.memref_slice %arg3[%shift_right_logical3A_3, %dma_wait3A_46, %mul3A_17] : memref<4x8x1000000xf32, #tpu.memory_space<hbm>> -> memref<1x8x2048xf32, #tpu.memory_space<hbm>>
    %dma_wait3A_48 = tpu.memref_squeeze %dma_wait3A_47 : memref<1x8x2048xf32, #tpu.memory_space<hbm>> -> memref<8x2048xf32, #tpu.memory_space<hbm>>
    tpu.wait_dma2 semaphore(%arg10 : memref<!tpu.dma_semaphore, #tpu.memory_space<semaphore_mem>>) src(%dma_wait3A_48 : memref<8x2048xf32, #tpu.memory_space<hbm>>) dst(%arg7 : memref<8x2048xf32, #tpu.memory_space<vmem>>)
    %dma_start3A_49 = arith.constant 0 : i32
    %dma_start3A_50 = tpu.memref_slice %arg3[%shift_right_logical3A_3, %dma_start3A_49, %mul3A_42] : memref<4x8x1000000xf32, #tpu.memory_space<hbm>> -> memref<1x8x2048xf32, #tpu.memory_space<hbm>>
    %dma_start3A_51 = tpu.memref_squeeze %dma_start3A_50 : memref<1x8x2048xf32, #tpu.memory_space<hbm>> -> memref<8x2048xf32, #tpu.memory_space<hbm>>
    %dma_start3A_52 = arith.constant 0 : i32
    %dma_start3A_53 = tpu.memref_slice %arg3[%shift_right_logical3A_3, %dma_start3A_52, %mul3A_42] : memref<4x8x1000000xf32, #tpu.memory_space<hbm>> -> memref<1x8x2048xf32, #tpu.memory_space<hbm>>
    %dma_start3A_54 = tpu.memref_squeeze %dma_start3A_53 : memref<1x8x2048xf32, #tpu.memory_space<hbm>> -> memref<8x2048xf32, #tpu.memory_space<hbm>>
    tpu.enqueue_dma source(%dma_start3A_54 : memref<8x2048xf32, #tpu.memory_space<hbm>>) target(%arg7 : memref<8x2048xf32, #tpu.memory_space<vmem>>) target_semaphore(%arg10 : memref<!tpu.dma_semaphore, #tpu.memory_space<semaphore_mem>>)
    %add3A_55 = arith.constant 32 : i32
    %add3A_56 = arith.addi %add3A_55, %and3A_4 : i32
    %mul3A_57 = arith.constant 2048 : i32
    %mul3A_58 = arith.muli %add3A_56, %mul3A_57 : i32
    %dma_wait3A_59 = arith.constant 0 : i32
    %dma_wait3A_60 = tpu.memref_slice %arg3[%shift_right_logical3A_3, %dma_wait3A_59, %mul3A_27] : memref<4x8x1000000xf32, #tpu.memory_space<hbm>> -> memref<1x8x2048xf32, #tpu.memory_space<hbm>>
    %dma_wait3A_61 = tpu.memref_squeeze %dma_wait3A_60 : memref<1x8x2048xf32, #tpu.memory_space<hbm>> -> memref<8x2048xf32, #tpu.memory_space<hbm>>
    %dma_wait3A_62 = arith.constant 0 : i32
    %dma_wait3A_63 = tpu.memref_slice %arg3[%shift_right_logical3A_3, %dma_wait3A_62, %mul3A_27] : memref<4x8x1000000xf32, #tpu.memory_space<hbm>> -> memref<1x8x2048xf32, #tpu.memory_space<hbm>>
    %dma_wait3A_64 = tpu.memref_squeeze %dma_wait3A_63 : memref<1x8x2048xf32, #tpu.memory_space<hbm>> -> memref<8x2048xf32, #tpu.memory_space<hbm>>
    tpu.wait_dma2 semaphore(%arg9 : memref<!tpu.dma_semaphore, #tpu.memory_space<semaphore_mem>>) src(%dma_wait3A_64 : memref<8x2048xf32, #tpu.memory_space<hbm>>) dst(%arg6 : memref<8x2048xf32, #tpu.memory_space<vmem>>)
    %dma_start3A_65 = arith.constant 0 : i32
    %dma_start3A_66 = tpu.memref_slice %arg3[%shift_right_logical3A_3, %dma_start3A_65, %mul3A_58] : memref<4x8x1000000xf32, #tpu.memory_space<hbm>> -> memref<1x8x2048xf32, #tpu.memory_space<hbm>>
    %dma_start3A_67 = tpu.memref_squeeze %dma_start3A_66 : memref<1x8x2048xf32, #tpu.memory_space<hbm>> -> memref<8x2048xf32, #tpu.memory_space<hbm>>
    %dma_start3A_68 = arith.constant 0 : i32
    %dma_start3A_69 = tpu.memref_slice %arg3[%shift_right_logical3A_3, %dma_start3A_68, %mul3A_58] : memref<4x8x1000000xf32, #tpu.memory_space<hbm>> -> memref<1x8x2048xf32, #tpu.memory_space<hbm>>
    %dma_start3A_70 = tpu.memref_squeeze %dma_start3A_69 : memref<1x8x2048xf32, #tpu.memory_space<hbm>> -> memref<8x2048xf32, #tpu.memory_space<hbm>>
    tpu.enqueue_dma source(%dma_start3A_70 : memref<8x2048xf32, #tpu.memory_space<hbm>>) target(%arg6 : memref<8x2048xf32, #tpu.memory_space<vmem>>) target_semaphore(%arg9 : memref<!tpu.dma_semaphore, #tpu.memory_space<semaphore_mem>>)
    %add3A_71 = arith.constant 40 : i32
    %add3A_72 = arith.addi %add3A_71, %and3A_4 : i32
    %mul3A_73 = arith.constant 2048 : i32
    %mul3A_74 = arith.muli %add3A_72, %mul3A_73 : i32
    %dma_wait3A_75 = arith.constant 0 : i32
    %dma_wait3A_76 = tpu.memref_slice %arg3[%shift_right_logical3A_3, %dma_wait3A_75, %mul3A_42] : memref<4x8x1000000xf32, #tpu.memory_space<hbm>> -> memref<1x8x2048xf32, #tpu.memory_space<hbm>>
    %dma_wait3A_77 = tpu.memref_squeeze %dma_wait3A_76 : memref<1x8x2048xf32, #tpu.memory_space<hbm>> -> memref<8x2048xf32, #tpu.memory_space<hbm>>
    %dma_wait3A_78 = arith.constant 0 : i32
    %dma_wait3A_79 = tpu.memref_slice %arg3[%shift_right_logical3A_3, %dma_wait3A_78, %mul3A_42] : memref<4x8x1000000xf32, #tpu.memory_space<hbm>> -> memref<1x8x2048xf32, #tpu.memory_space<hbm>>
    %dma_wait3A_80 = tpu.memref_squeeze %dma_wait3A_79 : memref<1x8x2048xf32, #tpu.memory_space<hbm>> -> memref<8x2048xf32, #tpu.memory_space<hbm>>
    tpu.wait_dma2 semaphore(%arg10 : memref<!tpu.dma_semaphore, #tpu.memory_space<semaphore_mem>>) src(%dma_wait3A_80 : memref<8x2048xf32, #tpu.memory_space<hbm>>) dst(%arg7 : memref<8x2048xf32, #tpu.memory_space<vmem>>)
    %dma_start3A_81 = arith.constant 0 : i32
    %dma_start3A_82 = tpu.memref_slice %arg3[%shift_right_logical3A_3, %dma_start3A_81, %mul3A_74] : memref<4x8x1000000xf32, #tpu.memory_space<hbm>> -> memref<1x8x2048xf32, #tpu.memory_space<hbm>>
    %dma_start3A_83 = tpu.memref_squeeze %dma_start3A_82 : memref<1x8x2048xf32, #tpu.memory_space<hbm>> -> memref<8x2048xf32, #tpu.memory_space<hbm>>
    %dma_start3A_84 = arith.constant 0 : i32
    %dma_start3A_85 = tpu.memref_slice %arg3[%shift_right_logical3A_3, %dma_start3A_84, %mul3A_74] : memref<4x8x1000000xf32, #tpu.memory_space<hbm>> -> memref<1x8x2048xf32, #tpu.memory_space<hbm>>
    %dma_start3A_86 = tpu.memref_squeeze %dma_start3A_85 : memref<1x8x2048xf32, #tpu.memory_space<hbm>> -> memref<8x2048xf32, #tpu.memory_space<hbm>>
    tpu.enqueue_dma source(%dma_start3A_86 : memref<8x2048xf32, #tpu.memory_space<hbm>>) target(%arg7 : memref<8x2048xf32, #tpu.memory_space<vmem>>) target_semaphore(%arg10 : memref<!tpu.dma_semaphore, #tpu.memory_space<semaphore_mem>>)
    %add3A_87 = arith.constant 48 : i32
    %add3A_88 = arith.addi %add3A_87, %and3A_4 : i32
    %mul3A_89 = arith.constant 2048 : i32
    %mul3A_90 = arith.muli %add3A_88, %mul3A_89 : i32
    %dma_wait3A_91 = arith.constant 0 : i32
    %dma_wait3A_92 = tpu.memref_slice %arg3[%shift_right_logical3A_3, %dma_wait3A_91, %mul3A_58] : memref<4x8x1000000xf32, #tpu.memory_space<hbm>> -> memref<1x8x2048xf32, #tpu.memory_space<hbm>>
    %dma_wait3A_93 = tpu.memref_squeeze %dma_wait3A_92 : memref<1x8x2048xf32, #tpu.memory_space<hbm>> -> memref<8x2048xf32, #tpu.memory_space<hbm>>
    %dma_wait3A_94 = arith.constant 0 : i32
    %dma_wait3A_95 = tpu.memref_slice %arg3[%shift_right_logical3A_3, %dma_wait3A_94, %mul3A_58] : memref<4x8x1000000xf32, #tpu.memory_space<hbm>> -> memref<1x8x2048xf32, #tpu.memory_space<hbm>>
    %dma_wait3A_96 = tpu.memref_squeeze %dma_wait3A_95 : memref<1x8x2048xf32, #tpu.memory_space<hbm>> -> memref<8x2048xf32, #tpu.memory_space<hbm>>
    tpu.wait_dma2 semaphore(%arg9 : memref<!tpu.dma_semaphore, #tpu.memory_space<semaphore_mem>>) src(%dma_wait3A_96 : memref<8x2048xf32, #tpu.memory_space<hbm>>) dst(%arg6 : memref<8x2048xf32, #tpu.memory_space<vmem>>)
    %dma_start3A_97 = arith.constant 0 : i32
    %dma_start3A_98 = tpu.memref_slice %arg3[%shift_right_logical3A_3, %dma_start3A_97, %mul3A_90] : memref<4x8x1000000xf32, #tpu.memory_space<hbm>> -> memref<1x8x2048xf32, #tpu.memory_space<hbm>>
    %dma_start3A_99 = tpu.memref_squeeze %dma_start3A_98 : memref<1x8x2048xf32, #tpu.memory_space<hbm>> -> memref<8x2048xf32, #tpu.memory_space<hbm>>
    %dma_start3A_100 = arith.constant 0 : i32
    %dma_start3A_101 = tpu.memref_slice %arg3[%shift_right_logical3A_3, %dma_start3A_100, %mul3A_90] : memref<4x8x1000000xf32, #tpu.memory_space<hbm>> -> memref<1x8x2048xf32, #tpu.memory_space<hbm>>
    %dma_start3A_102 = tpu.memref_squeeze %dma_start3A_101 : memref<1x8x2048xf32, #tpu.memory_space<hbm>> -> memref<8x2048xf32, #tpu.memory_space<hbm>>
    tpu.enqueue_dma source(%dma_start3A_102 : memref<8x2048xf32, #tpu.memory_space<hbm>>) target(%arg6 : memref<8x2048xf32, #tpu.memory_space<vmem>>) target_semaphore(%arg9 : memref<!tpu.dma_semaphore, #tpu.memory_space<semaphore_mem>>)
    %add3A_103 = arith.constant 56 : i32
    %add3A_104 = arith.addi %add3A_103, %and3A_4 : i32
    %mul3A_105 = arith.constant 2048 : i32
    %mul3A_106 = arith.muli %add3A_104, %mul3A_105 : i32
    %dma_wait3A_107 = arith.constant 0 : i32
    %dma_wait3A_108 = tpu.memref_slice %arg3[%shift_right_logical3A_3, %dma_wait3A_107, %mul3A_74] : memref<4x8x1000000xf32, #tpu.memory_space<hbm>> -> memref<1x8x2048xf32, #tpu.memory_space<hbm>>
    %dma_wait3A_109 = tpu.memref_squeeze %dma_wait3A_108 : memref<1x8x2048xf32, #tpu.memory_space<hbm>> -> memref<8x2048xf32, #tpu.memory_space<hbm>>
    %dma_wait3A_110 = arith.constant 0 : i32
    %dma_wait3A_111 = tpu.memref_slice %arg3[%shift_right_logical3A_3, %dma_wait3A_110, %mul3A_74] : memref<4x8x1000000xf32, #tpu.memory_space<hbm>> -> memref<1x8x2048xf32, #tpu.memory_space<hbm>>
    %dma_wait3A_112 = tpu.memref_squeeze %dma_wait3A_111 : memref<1x8x2048xf32, #tpu.memory_space<hbm>> -> memref<8x2048xf32, #tpu.memory_space<hbm>>
    tpu.wait_dma2 semaphore(%arg10 : memref<!tpu.dma_semaphore, #tpu.memory_space<semaphore_mem>>) src(%dma_wait3A_112 : memref<8x2048xf32, #tpu.memory_space<hbm>>) dst(%arg7 : memref<8x2048xf32, #tpu.memory_space<vmem>>)
    %dma_start3A_113 = arith.constant 0 : i32
    %dma_start3A_114 = tpu.memref_slice %arg3[%shift_right_logical3A_3, %dma_start3A_113, %mul3A_106] : memref<4x8x1000000xf32, #tpu.memory_space<hbm>> -> memref<1x8x2048xf32, #tpu.memory_space<hbm>>
    %dma_start3A_115 = tpu.memref_squeeze %dma_start3A_114 : memref<1x8x2048xf32, #tpu.memory_space<hbm>> -> memref<8x2048xf32, #tpu.memory_space<hbm>>
    %dma_start3A_116 = arith.constant 0 : i32
    %dma_start3A_117 = tpu.memref_slice %arg3[%shift_right_logical3A_3, %dma_start3A_116, %mul3A_106] : memref<4x8x1000000xf32, #tpu.memory_space<hbm>> -> memref<1x8x2048xf32, #tpu.memory_space<hbm>>
    %dma_start3A_118 = tpu.memref_squeeze %dma_start3A_117 : memref<1x8x2048xf32, #tpu.memory_space<hbm>> -> memref<8x2048xf32, #tpu.memory_space<hbm>>
    tpu.enqueue_dma source(%dma_start3A_118 : memref<8x2048xf32, #tpu.memory_space<hbm>>) target(%arg7 : memref<8x2048xf32, #tpu.memory_space<vmem>>) target_semaphore(%arg10 : memref<!tpu.dma_semaphore, #tpu.memory_space<semaphore_mem>>)
    %add3A_119 = arith.constant 64 : i32
    %add3A_120 = arith.addi %add3A_119, %and3A_4 : i32
    %mul3A_121 = arith.constant 2048 : i32
    %mul3A_122 = arith.muli %add3A_120, %mul3A_121 : i32
    %dma_wait3A_123 = arith.constant 0 : i32
    %dma_wait3A_124 = tpu.memref_slice %arg3[%shift_right_logical3A_3, %dma_wait3A_123, %mul3A_90] : memref<4x8x1000000xf32, #tpu.memory_space<hbm>> -> memref<1x8x2048xf32, #tpu.memory_space<hbm>>
    %dma_wait3A_125 = tpu.memref_squeeze %dma_wait3A_124 : memref<1x8x2048xf32, #tpu.memory_space<hbm>> -> memref<8x2048xf32, #tpu.memory_space<hbm>>
    %dma_wait3A_126 = arith.constant 0 : i32
    %dma_wait3A_127 = tpu.memref_slice %arg3[%shift_right_logical3A_3, %dma_wait3A_126, %mul3A_90] : memref<4x8x1000000xf32, #tpu.memory_space<hbm>> -> memref<1x8x2048xf32, #tpu.memory_space<hbm>>
    %dma_wait3A_128 = tpu.memref_squeeze %dma_wait3A_127 : memref<1x8x2048xf32, #tpu.memory_space<hbm>> -> memref<8x2048xf32, #tpu.memory_space<hbm>>
    tpu.wait_dma2 semaphore(%arg9 : memref<!tpu.dma_semaphore, #tpu.memory_space<semaphore_mem>>) src(%dma_wait3A_128 : memref<8x2048xf32, #tpu.memory_space<hbm>>) dst(%arg6 : memref<8x2048xf32, #tpu.memory_space<vmem>>)
    %dma_start3A_129 = arith.constant 0 : i32
    %dma_start3A_130 = tpu.memref_slice %arg3[%shift_right_logical3A_3, %dma_start3A_129, %mul3A_122] : memref<4x8x1000000xf32, #tpu.memory_space<hbm>> -> memref<1x8x2048xf32, #tpu.memory_space<hbm>>
    %dma_start3A_131 = tpu.memref_squeeze %dma_start3A_130 : memref<1x8x2048xf32, #tpu.memory_space<hbm>> -> memref<8x2048xf32, #tpu.memory_space<hbm>>
    %dma_start3A_132 = arith.constant 0 : i32
    %dma_start3A_133 = tpu.memref_slice %arg3[%shift_right_logical3A_3, %dma_start3A_132, %mul3A_122] : memref<4x8x1000000xf32, #tpu.memory_space<hbm>> -> memref<1x8x2048xf32, #tpu.memory_space<hbm>>
    %dma_start3A_134 = tpu.memref_squeeze %dma_start3A_133 : memref<1x8x2048xf32, #tpu.memory_space<hbm>> -> memref<8x2048xf32, #tpu.memory_space<hbm>>
    tpu.enqueue_dma source(%dma_start3A_134 : memref<8x2048xf32, #tpu.memory_space<hbm>>) target(%arg6 : memref<8x2048xf32, #tpu.memory_space<vmem>>) target_semaphore(%arg9 : memref<!tpu.dma_semaphore, #tpu.memory_space<semaphore_mem>>)
    %add3A_135 = arith.constant 72 : i32
    %add3A_136 = arith.addi %add3A_135, %and3A_4 : i32
    %mul3A_137 = arith.constant 2048 : i32
    %mul3A_138 = arith.muli %add3A_136, %mul3A_137 : i32
    %dma_wait3A_139 = arith.constant 0 : i32
    %dma_wait3A_140 = tpu.memref_slice %arg3[%shift_right_logical3A_3, %dma_wait3A_139, %mul3A_106] : memref<4x8x1000000xf32, #tpu.memory_space<hbm>> -> memref<1x8x2048xf32, #tpu.memory_space<hbm>>
    %dma_wait3A_141 = tpu.memref_squeeze %dma_wait3A_140 : memref<1x8x2048xf32, #tpu.memory_space<hbm>> -> memref<8x2048xf32, #tpu.memory_space<hbm>>
    %dma_wait3A_142 = arith.constant 0 : i32
    %dma_wait3A_143 = tpu.memref_slice %arg3[%shift_right_logical3A_3, %dma_wait3A_142, %mul3A_106] : memref<4x8x1000000xf32, #tpu.memory_space<hbm>> -> memref<1x8x2048xf32, #tpu.memory_space<hbm>>
    %dma_wait3A_144 = tpu.memref_squeeze %dma_wait3A_143 : memref<1x8x2048xf32, #tpu.memory_space<hbm>> -> memref<8x2048xf32, #tpu.memory_space<hbm>>
    tpu.wait_dma2 semaphore(%arg10 : memref<!tpu.dma_semaphore, #tpu.memory_space<semaphore_mem>>) src(%dma_wait3A_144 : memref<8x2048xf32, #tpu.memory_space<hbm>>) dst(%arg7 : memref<8x2048xf32, #tpu.memory_space<vmem>>)
    %dma_start3A_145 = arith.constant 0 : i32
    %dma_start3A_146 = tpu.memref_slice %arg3[%shift_right_logical3A_3, %dma_start3A_145, %mul3A_138] : memref<4x8x1000000xf32, #tpu.memory_space<hbm>> -> memref<1x8x2048xf32, #tpu.memory_space<hbm>>
    %dma_start3A_147 = tpu.memref_squeeze %dma_start3A_146 : memref<1x8x2048xf32, #tpu.memory_space<hbm>> -> memref<8x2048xf32, #tpu.memory_space<hbm>>
    %dma_start3A_148 = arith.constant 0 : i32
    %dma_start3A_149 = tpu.memref_slice %arg3[%shift_right_logical3A_3, %dma_start3A_148, %mul3A_138] : memref<4x8x1000000xf32, #tpu.memory_space<hbm>> -> memref<1x8x2048xf32, #tpu.memory_space<hbm>>
    %dma_start3A_150 = tpu.memref_squeeze %dma_start3A_149 : memref<1x8x2048xf32, #tpu.memory_space<hbm>> -> memref<8x2048xf32, #tpu.memory_space<hbm>>
    tpu.enqueue_dma source(%dma_start3A_150 : memref<8x2048xf32, #tpu.memory_space<hbm>>) target(%arg7 : memref<8x2048xf32, #tpu.memory_space<vmem>>) target_semaphore(%arg10 : memref<!tpu.dma_semaphore, #tpu.memory_space<semaphore_mem>>)
    %add3A_151 = arith.constant 80 : i32
    %add3A_152 = arith.addi %add3A_151, %and3A_4 : i32
    %mul3A_153 = arith.constant 2048 : i32
    %mul3A_154 = arith.muli %add3A_152, %mul3A_153 : i32
    %dma_wait3A_155 = arith.constant 0 : i32
    %dma_wait3A_156 = tpu.memref_slice %arg3[%shift_right_logical3A_3, %dma_wait3A_155, %mul3A_122] : memref<4x8x1000000xf32, #tpu.memory_space<hbm>> -> memref<1x8x2048xf32, #tpu.memory_space<hbm>>
    %dma_wait3A_157 = tpu.memref_squeeze %dma_wait3A_156 : memref<1x8x2048xf32, #tpu.memory_space<hbm>> -> memref<8x2048xf32, #tpu.memory_space<hbm>>
    %dma_wait3A_158 = arith.constant 0 : i32
    %dma_wait3A_159 = tpu.memref_slice %arg3[%shift_right_logical3A_3, %dma_wait3A_158, %mul3A_122] : memref<4x8x1000000xf32, #tpu.memory_space<hbm>> -> memref<1x8x2048xf32, #tpu.memory_space<hbm>>
    %dma_wait3A_160 = tpu.memref_squeeze %dma_wait3A_159 : memref<1x8x2048xf32, #tpu.memory_space<hbm>> -> memref<8x2048xf32, #tpu.memory_space<hbm>>
    tpu.wait_dma2 semaphore(%arg9 : memref<!tpu.dma_semaphore, #tpu.memory_space<semaphore_mem>>) src(%dma_wait3A_160 : memref<8x2048xf32, #tpu.memory_space<hbm>>) dst(%arg6 : memref<8x2048xf32, #tpu.memory_space<vmem>>)
    %dma_start3A_161 = arith.constant 0 : i32
    %dma_start3A_162 = tpu.memref_slice %arg3[%shift_right_logical3A_3, %dma_start3A_161, %mul3A_154] : memref<4x8x1000000xf32, #tpu.memory_space<hbm>> -> memref<1x8x2048xf32, #tpu.memory_space<hbm>>
    %dma_start3A_163 = tpu.memref_squeeze %dma_start3A_162 : memref<1x8x2048xf32, #tpu.memory_space<hbm>> -> memref<8x2048xf32, #tpu.memory_space<hbm>>
    %dma_start3A_164 = arith.constant 0 : i32
    %dma_start3A_165 = tpu.memref_slice %arg3[%shift_right_logical3A_3, %dma_start3A_164, %mul3A_154] : memref<4x8x1000000xf32, #tpu.memory_space<hbm>> -> memref<1x8x2048xf32, #tpu.memory_space<hbm>>
    %dma_start3A_166 = tpu.memref_squeeze %dma_start3A_165 : memref<1x8x2048xf32, #tpu.memory_space<hbm>> -> memref<8x2048xf32, #tpu.memory_space<hbm>>
    tpu.enqueue_dma source(%dma_start3A_166 : memref<8x2048xf32, #tpu.memory_space<hbm>>) target(%arg6 : memref<8x2048xf32, #tpu.memory_space<vmem>>) target_semaphore(%arg9 : memref<!tpu.dma_semaphore, #tpu.memory_space<semaphore_mem>>)
    %add3A_167 = arith.constant 88 : i32
    %add3A_168 = arith.addi %add3A_167, %and3A_4 : i32
    %mul3A_169 = arith.constant 2048 : i32
    %mul3A_170 = arith.muli %add3A_168, %mul3A_169 : i32
    %dma_wait3A_171 = arith.constant 0 : i32
    %dma_wait3A_172 = tpu.memref_slice %arg3[%shift_right_logical3A_3, %dma_wait3A_171, %mul3A_138] : memref<4x8x1000000xf32, #tpu.memory_space<hbm>> -> memref<1x8x2048xf32, #tpu.memory_space<hbm>>
    %dma_wait3A_173 = tpu.memref_squeeze %dma_wait3A_172 : memref<1x8x2048xf32, #tpu.memory_space<hbm>> -> memref<8x2048xf32, #tpu.memory_space<hbm>>
    %dma_wait3A_174 = arith.constant 0 : i32
    %dma_wait3A_175 = tpu.memref_slice %arg3[%shift_right_logical3A_3, %dma_wait3A_174, %mul3A_138] : memref<4x8x1000000xf32, #tpu.memory_space<hbm>> -> memref<1x8x2048xf32, #tpu.memory_space<hbm>>
    %dma_wait3A_176 = tpu.memref_squeeze %dma_wait3A_175 : memref<1x8x2048xf32, #tpu.memory_space<hbm>> -> memref<8x2048xf32, #tpu.memory_space<hbm>>
    tpu.wait_dma2 semaphore(%arg10 : memref<!tpu.dma_semaphore, #tpu.memory_space<semaphore_mem>>) src(%dma_wait3A_176 : memref<8x2048xf32, #tpu.memory_space<hbm>>) dst(%arg7 : memref<8x2048xf32, #tpu.memory_space<vmem>>)
    %dma_start3A_177 = arith.constant 0 : i32
    %dma_start3A_178 = tpu.memref_slice %arg3[%shift_right_logical3A_3, %dma_start3A_177, %mul3A_170] : memref<4x8x1000000xf32, #tpu.memory_space<hbm>> -> memref<1x8x2048xf32, #tpu.memory_space<hbm>>
    %dma_start3A_179 = tpu.memref_squeeze %dma_start3A_178 : memref<1x8x2048xf32, #tpu.memory_space<hbm>> -> memref<8x2048xf32, #tpu.memory_space<hbm>>
    %dma_start3A_180 = arith.constant 0 : i32
    %dma_start3A_181 = tpu.memref_slice %arg3[%shift_right_logical3A_3, %dma_start3A_180, %mul3A_170] : memref<4x8x1000000xf32, #tpu.memory_space<hbm>> -> memref<1x8x2048xf32, #tpu.memory_space<hbm>>
    %dma_start3A_182 = tpu.memref_squeeze %dma_start3A_181 : memref<1x8x2048xf32, #tpu.memory_space<hbm>> -> memref<8x2048xf32, #tpu.memory_space<hbm>>
    tpu.enqueue_dma source(%dma_start3A_182 : memref<8x2048xf32, #tpu.memory_space<hbm>>) target(%arg7 : memref<8x2048xf32, #tpu.memory_space<vmem>>) target_semaphore(%arg10 : memref<!tpu.dma_semaphore, #tpu.memory_space<semaphore_mem>>)
    %add3A_183 = arith.constant 96 : i32
    %add3A_184 = arith.addi %add3A_183, %and3A_4 : i32
    %mul3A_185 = arith.constant 2048 : i32
    %mul3A_186 = arith.muli %add3A_184, %mul3A_185 : i32
    %dma_wait3A_187 = arith.constant 0 : i32
    %dma_wait3A_188 = tpu.memref_slice %arg3[%shift_right_logical3A_3, %dma_wait3A_187, %mul3A_154] : memref<4x8x1000000xf32, #tpu.memory_space<hbm>> -> memref<1x8x2048xf32, #tpu.memory_space<hbm>>
    %dma_wait3A_189 = tpu.memref_squeeze %dma_wait3A_188 : memref<1x8x2048xf32, #tpu.memory_space<hbm>> -> memref<8x2048xf32, #tpu.memory_space<hbm>>
    %dma_wait3A_190 = arith.constant 0 : i32
    %dma_wait3A_191 = tpu.memref_slice %arg3[%shift_right_logical3A_3, %dma_wait3A_190, %mul3A_154] : memref<4x8x1000000xf32, #tpu.memory_space<hbm>> -> memref<1x8x2048xf32, #tpu.memory_space<hbm>>
    %dma_wait3A_192 = tpu.memref_squeeze %dma_wait3A_191 : memref<1x8x2048xf32, #tpu.memory_space<hbm>> -> memref<8x2048xf32, #tpu.memory_space<hbm>>
    tpu.wait_dma2 semaphore(%arg9 : memref<!tpu.dma_semaphore, #tpu.memory_space<semaphore_mem>>) src(%dma_wait3A_192 : memref<8x2048xf32, #tpu.memory_space<hbm>>) dst(%arg6 : memref<8x2048xf32, #tpu.memory_space<vmem>>)
    %dma_start3A_193 = arith.constant 0 : i32
    %dma_start3A_194 = tpu.memref_slice %arg3[%shift_right_logical3A_3, %dma_start3A_193, %mul3A_186] : memref<4x8x1000000xf32, #tpu.memory_space<hbm>> -> memref<1x8x2048xf32, #tpu.memory_space<hbm>>
    %dma_start3A_195 = tpu.memref_squeeze %dma_start3A_194 : memref<1x8x2048xf32, #tpu.memory_space<hbm>> -> memref<8x2048xf32, #tpu.memory_space<hbm>>
    %dma_start3A_196 = arith.constant 0 : i32
    %dma_start3A_197 = tpu.memref_slice %arg3[%shift_right_logical3A_3, %dma_start3A_196, %mul3A_186] : memref<4x8x1000000xf32, #tpu.memory_space<hbm>> -> memref<1x8x2048xf32, #tpu.memory_space<hbm>>
    %dma_start3A_198 = tpu.memref_squeeze %dma_start3A_197 : memref<1x8x2048xf32, #tpu.memory_space<hbm>> -> memref<8x2048xf32, #tpu.memory_space<hbm>>
    tpu.enqueue_dma source(%dma_start3A_198 : memref<8x2048xf32, #tpu.memory_space<hbm>>) target(%arg6 : memref<8x2048xf32, #tpu.memory_space<vmem>>) target_semaphore(%arg9 : memref<!tpu.dma_semaphore, #tpu.memory_space<semaphore_mem>>)
    %add3A_199 = arith.constant 104 : i32
    %add3A_200 = arith.addi %add3A_199, %and3A_4 : i32
    %mul3A_201 = arith.constant 2048 : i32
    %mul3A_202 = arith.muli %add3A_200, %mul3A_201 : i32
    %dma_wait3A_203 = arith.constant 0 : i32
    %dma_wait3A_204 = tpu.memref_slice %arg3[%shift_right_logical3A_3, %dma_wait3A_203, %mul3A_170] : memref<4x8x1000000xf32, #tpu.memory_space<hbm>> -> memref<1x8x2048xf32, #tpu.memory_space<hbm>>
    %dma_wait3A_205 = tpu.memref_squeeze %dma_wait3A_204 : memref<1x8x2048xf32, #tpu.memory_space<hbm>> -> memref<8x2048xf32, #tpu.memory_space<hbm>>
    %dma_wait3A_206 = arith.constant 0 : i32
    %dma_wait3A_207 = tpu.memref_slice %arg3[%shift_right_logical3A_3, %dma_wait3A_206, %mul3A_170] : memref<4x8x1000000xf32, #tpu.memory_space<hbm>> -> memref<1x8x2048xf32, #tpu.memory_space<hbm>>
    %dma_wait3A_208 = tpu.memref_squeeze %dma_wait3A_207 : memref<1x8x2048xf32, #tpu.memory_space<hbm>> -> memref<8x2048xf32, #tpu.memory_space<hbm>>
    tpu.wait_dma2 semaphore(%arg10 : memref<!tpu.dma_semaphore, #tpu.memory_space<semaphore_mem>>) src(%dma_wait3A_208 : memref<8x2048xf32, #tpu.memory_space<hbm>>) dst(%arg7 : memref<8x2048xf32, #tpu.memory_space<vmem>>)
    %dma_start3A_209 = arith.constant 0 : i32
    %dma_start3A_210 = tpu.memref_slice %arg3[%shift_right_logical3A_3, %dma_start3A_209, %mul3A_202] : memref<4x8x1000000xf32, #tpu.memory_space<hbm>> -> memref<1x8x2048xf32, #tpu.memory_space<hbm>>
    %dma_start3A_211 = tpu.memref_squeeze %dma_start3A_210 : memref<1x8x2048xf32, #tpu.memory_space<hbm>> -> memref<8x2048xf32, #tpu.memory_space<hbm>>
    %dma_start3A_212 = arith.constant 0 : i32
    %dma_start3A_213 = tpu.memref_slice %arg3[%shift_right_logical3A_3, %dma_start3A_212, %mul3A_202] : memref<4x8x1000000xf32, #tpu.memory_space<hbm>> -> memref<1x8x2048xf32, #tpu.memory_space<hbm>>
    %dma_start3A_214 = tpu.memref_squeeze %dma_start3A_213 : memref<1x8x2048xf32, #tpu.memory_space<hbm>> -> memref<8x2048xf32, #tpu.memory_space<hbm>>
    tpu.enqueue_dma source(%dma_start3A_214 : memref<8x2048xf32, #tpu.memory_space<hbm>>) target(%arg7 : memref<8x2048xf32, #tpu.memory_space<vmem>>) target_semaphore(%arg10 : memref<!tpu.dma_semaphore, #tpu.memory_space<semaphore_mem>>)
    %add3A_215 = arith.constant 112 : i32
    %add3A_216 = arith.addi %add3A_215, %and3A_4 : i32
    %mul3A_217 = arith.constant 2048 : i32
    %mul3A_218 = arith.muli %add3A_216, %mul3A_217 : i32
    %dma_wait3A_219 = arith.constant 0 : i32
    %dma_wait3A_220 = tpu.memref_slice %arg3[%shift_right_logical3A_3, %dma_wait3A_219, %mul3A_186] : memref<4x8x1000000xf32, #tpu.memory_space<hbm>> -> memref<1x8x2048xf32, #tpu.memory_space<hbm>>
    %dma_wait3A_221 = tpu.memref_squeeze %dma_wait3A_220 : memref<1x8x2048xf32, #tpu.memory_space<hbm>> -> memref<8x2048xf32, #tpu.memory_space<hbm>>
    %dma_wait3A_222 = arith.constant 0 : i32
    %dma_wait3A_223 = tpu.memref_slice %arg3[%shift_right_logical3A_3, %dma_wait3A_222, %mul3A_186] : memref<4x8x1000000xf32, #tpu.memory_space<hbm>> -> memref<1x8x2048xf32, #tpu.memory_space<hbm>>
    %dma_wait3A_224 = tpu.memref_squeeze %dma_wait3A_223 : memref<1x8x2048xf32, #tpu.memory_space<hbm>> -> memref<8x2048xf32, #tpu.memory_space<hbm>>
    tpu.wait_dma2 semaphore(%arg9 : memref<!tpu.dma_semaphore, #tpu.memory_space<semaphore_mem>>) src(%dma_wait3A_224 : memref<8x2048xf32, #tpu.memory_space<hbm>>) dst(%arg6 : memref<8x2048xf32, #tpu.memory_space<vmem>>)
    %dma_start3A_225 = arith.constant 0 : i32
    %dma_start3A_226 = tpu.memref_slice %arg3[%shift_right_logical3A_3, %dma_start3A_225, %mul3A_218] : memref<4x8x1000000xf32, #tpu.memory_space<hbm>> -> memref<1x8x2048xf32, #tpu.memory_space<hbm>>
    %dma_start3A_227 = tpu.memref_squeeze %dma_start3A_226 : memref<1x8x2048xf32, #tpu.memory_space<hbm>> -> memref<8x2048xf32, #tpu.memory_space<hbm>>
    %dma_start3A_228 = arith.constant 0 : i32
    %dma_start3A_229 = tpu.memref_slice %arg3[%shift_right_logical3A_3, %dma_start3A_228, %mul3A_218] : memref<4x8x1000000xf32, #tpu.memory_space<hbm>> -> memref<1x8x2048xf32, #tpu.memory_space<hbm>>
    %dma_start3A_230 = tpu.memref_squeeze %dma_start3A_229 : memref<1x8x2048xf32, #tpu.memory_space<hbm>> -> memref<8x2048xf32, #tpu.memory_space<hbm>>
    tpu.enqueue_dma source(%dma_start3A_230 : memref<8x2048xf32, #tpu.memory_space<hbm>>) target(%arg6 : memref<8x2048xf32, #tpu.memory_space<vmem>>) target_semaphore(%arg9 : memref<!tpu.dma_semaphore, #tpu.memory_space<semaphore_mem>>)
    %add3A_231 = arith.constant 120 : i32
    %add3A_232 = arith.addi %add3A_231, %and3A_4 : i32
    %mul3A_233 = arith.constant 2048 : i32
    %mul3A_234 = arith.muli %add3A_232, %mul3A_233 : i32
    %dma_wait3A_235 = arith.constant 0 : i32
    %dma_wait3A_236 = tpu.memref_slice %arg3[%shift_right_logical3A_3, %dma_wait3A_235, %mul3A_202] : memref<4x8x1000000xf32, #tpu.memory_space<hbm>> -> memref<1x8x2048xf32, #tpu.memory_space<hbm>>
    %dma_wait3A_237 = tpu.memref_squeeze %dma_wait3A_236 : memref<1x8x2048xf32, #tpu.memory_space<hbm>> -> memref<8x2048xf32, #tpu.memory_space<hbm>>
    %dma_wait3A_238 = arith.constant 0 : i32
    %dma_wait3A_239 = tpu.memref_slice %arg3[%shift_right_logical3A_3, %dma_wait3A_238, %mul3A_202] : memref<4x8x1000000xf32, #tpu.memory_space<hbm>> -> memref<1x8x2048xf32, #tpu.memory_space<hbm>>
    %dma_wait3A_240 = tpu.memref_squeeze %dma_wait3A_239 : memref<1x8x2048xf32, #tpu.memory_space<hbm>> -> memref<8x2048xf32, #tpu.memory_space<hbm>>
    tpu.wait_dma2 semaphore(%arg10 : memref<!tpu.dma_semaphore, #tpu.memory_space<semaphore_mem>>) src(%dma_wait3A_240 : memref<8x2048xf32, #tpu.memory_space<hbm>>) dst(%arg7 : memref<8x2048xf32, #tpu.memory_space<vmem>>)
    %dma_start3A_241 = arith.constant 0 : i32
    %dma_start3A_242 = tpu.memref_slice %arg3[%shift_right_logical3A_3, %dma_start3A_241, %mul3A_234] : memref<4x8x1000000xf32, #tpu.memory_space<hbm>> -> memref<1x8x2048xf32, #tpu.memory_space<hbm>>
    %dma_start3A_243 = tpu.memref_squeeze %dma_start3A_242 : memref<1x8x2048xf32, #tpu.memory_space<hbm>> -> memref<8x2048xf32, #tpu.memory_space<hbm>>
    %dma_start3A_244 = arith.constant 0 : i32
    %dma_start3A_245 = tpu.memref_slice %arg3[%shift_right_logical3A_3, %dma_start3A_244, %mul3A_234] : memref<4x8x1000000xf32, #tpu.memory_space<hbm>> -> memref<1x8x2048xf32, #tpu.memory_space<hbm>>
    %dma_start3A_246 = tpu.memref_squeeze %dma_start3A_245 : memref<1x8x2048xf32, #tpu.memory_space<hbm>> -> memref<8x2048xf32, #tpu.memory_space<hbm>>
    tpu.enqueue_dma source(%dma_start3A_246 : memref<8x2048xf32, #tpu.memory_space<hbm>>) target(%arg7 : memref<8x2048xf32, #tpu.memory_space<vmem>>) target_semaphore(%arg10 : memref<!tpu.dma_semaphore, #tpu.memory_space<semaphore_mem>>)
    %add3A_247 = arith.constant 128 : i32
    %add3A_248 = arith.addi %add3A_247, %and3A_4 : i32
    %mul3A_249 = arith.constant 2048 : i32
    %mul3A_250 = arith.muli %add3A_248, %mul3A_249 : i32
    %dma_wait3A_251 = arith.constant 0 : i32
    %dma_wait3A_252 = tpu.memref_slice %arg3[%shift_right_logical3A_3, %dma_wait3A_251, %mul3A_218] : memref<4x8x1000000xf32, #tpu.memory_space<hbm>> -> memref<1x8x2048xf32, #tpu.memory_space<hbm>>
    %dma_wait3A_253 = tpu.memref_squeeze %dma_wait3A_252 : memref<1x8x2048xf32, #tpu.memory_space<hbm>> -> memref<8x2048xf32, #tpu.memory_space<hbm>>
    %dma_wait3A_254 = arith.constant 0 : i32
    %dma_wait3A_255 = tpu.memref_slice %arg3[%shift_right_logical3A_3, %dma_wait3A_254, %mul3A_218] : memref<4x8x1000000xf32, #tpu.memory_space<hbm>> -> memref<1x8x2048xf32, #tpu.memory_space<hbm>>
    %dma_wait3A_256 = tpu.memref_squeeze %dma_wait3A_255 : memref<1x8x2048xf32, #tpu.memory_space<hbm>> -> memref<8x2048xf32, #tpu.memory_space<hbm>>
    tpu.wait_dma2 semaphore(%arg9 : memref<!tpu.dma_semaphore, #tpu.memory_space<semaphore_mem>>) src(%dma_wait3A_256 : memref<8x2048xf32, #tpu.memory_space<hbm>>) dst(%arg6 : memref<8x2048xf32, #tpu.memory_space<vmem>>)
    %dma_start3A_257 = arith.constant 0 : i32
    %dma_start3A_258 = tpu.memref_slice %arg3[%shift_right_logical3A_3, %dma_start3A_257, %mul3A_250] : memref<4x8x1000000xf32, #tpu.memory_space<hbm>> -> memref<1x8x2048xf32, #tpu.memory_space<hbm>>
    %dma_start3A_259 = tpu.memref_squeeze %dma_start3A_258 : memref<1x8x2048xf32, #tpu.memory_space<hbm>> -> memref<8x2048xf32, #tpu.memory_space<hbm>>
    %dma_start3A_260 = arith.constant 0 : i32
    %dma_start3A_261 = tpu.memref_slice %arg3[%shift_right_logical3A_3, %dma_start3A_260, %mul3A_250] : memref<4x8x1000000xf32, #tpu.memory_space<hbm>> -> memref<1x8x2048xf32, #tpu.memory_space<hbm>>
    %dma_start3A_262 = tpu.memref_squeeze %dma_start3A_261 : memref<1x8x2048xf32, #tpu.memory_space<hbm>> -> memref<8x2048xf32, #tpu.memory_space<hbm>>
    tpu.enqueue_dma source(%dma_start3A_262 : memref<8x2048xf32, #tpu.memory_space<hbm>>) target(%arg6 : memref<8x2048xf32, #tpu.memory_space<vmem>>) target_semaphore(%arg9 : memref<!tpu.dma_semaphore, #tpu.memory_space<semaphore_mem>>)
    %add3A_263 = arith.constant 136 : i32
    %add3A_264 = arith.addi %add3A_263, %and3A_4 : i32
    %mul3A_265 = arith.constant 2048 : i32
    %mul3A_266 = arith.muli %add3A_264, %mul3A_265 : i32
    %dma_wait3A_267 = arith.constant 0 : i32
    %dma_wait3A_268 = tpu.memref_slice %arg3[%shift_right_logical3A_3, %dma_wait3A_267, %mul3A_234] : memref<4x8x1000000xf32, #tpu.memory_space<hbm>> -> memref<1x8x2048xf32, #tpu.memory_space<hbm>>
    %dma_wait3A_269 = tpu.memref_squeeze %dma_wait3A_268 : memref<1x8x2048xf32, #tpu.memory_space<hbm>> -> memref<8x2048xf32, #tpu.memory_space<hbm>>
    %dma_wait3A_270 = arith.constant 0 : i32
    %dma_wait3A_271 = tpu.memref_slice %arg3[%shift_right_logical3A_3, %dma_wait3A_270, %mul3A_234] : memref<4x8x1000000xf32, #tpu.memory_space<hbm>> -> memref<1x8x2048xf32, #tpu.memory_space<hbm>>
    %dma_wait3A_272 = tpu.memref_squeeze %dma_wait3A_271 : memref<1x8x2048xf32, #tpu.memory_space<hbm>> -> memref<8x2048xf32, #tpu.memory_space<hbm>>
    tpu.wait_dma2 semaphore(%arg10 : memref<!tpu.dma_semaphore, #tpu.memory_space<semaphore_mem>>) src(%dma_wait3A_272 : memref<8x2048xf32, #tpu.memory_space<hbm>>) dst(%arg7 : memref<8x2048xf32, #tpu.memory_space<vmem>>)
    %dma_start3A_273 = arith.constant 0 : i32
    %dma_start3A_274 = tpu.memref_slice %arg3[%shift_right_logical3A_3, %dma_start3A_273, %mul3A_266] : memref<4x8x1000000xf32, #tpu.memory_space<hbm>> -> memref<1x8x2048xf32, #tpu.memory_space<hbm>>
    %dma_start3A_275 = tpu.memref_squeeze %dma_start3A_274 : memref<1x8x2048xf32, #tpu.memory_space<hbm>> -> memref<8x2048xf32, #tpu.memory_space<hbm>>
    %dma_start3A_276 = arith.constant 0 : i32
    %dma_start3A_277 = tpu.memref_slice %arg3[%shift_right_logical3A_3, %dma_start3A_276, %mul3A_266] : memref<4x8x1000000xf32, #tpu.memory_space<hbm>> -> memref<1x8x2048xf32, #tpu.memory_space<hbm>>
    %dma_start3A_278 = tpu.memref_squeeze %dma_start3A_277 : memref<1x8x2048xf32, #tpu.memory_space<hbm>> -> memref<8x2048xf32, #tpu.memory_space<hbm>>
    tpu.enqueue_dma source(%dma_start3A_278 : memref<8x2048xf32, #tpu.memory_space<hbm>>) target(%arg7 : memref<8x2048xf32, #tpu.memory_space<vmem>>) target_semaphore(%arg10 : memref<!tpu.dma_semaphore, #tpu.memory_space<semaphore_mem>>)
    %add3A_279 = arith.constant 144 : i32
    %add3A_280 = arith.addi %add3A_279, %and3A_4 : i32
    %mul3A_281 = arith.constant 2048 : i32
    %mul3A_282 = arith.muli %add3A_280, %mul3A_281 : i32
    %dma_wait3A_283 = arith.constant 0 : i32
    %dma_wait3A_284 = tpu.memref_slice %arg3[%shift_right_logical3A_3, %dma_wait3A_283, %mul3A_250] : memref<4x8x1000000xf32, #tpu.memory_space<hbm>> -> memref<1x8x2048xf32, #tpu.memory_space<hbm>>
    %dma_wait3A_285 = tpu.memref_squeeze %dma_wait3A_284 : memref<1x8x2048xf32, #tpu.memory_space<hbm>> -> memref<8x2048xf32, #tpu.memory_space<hbm>>
    %dma_wait3A_286 = arith.constant 0 : i32
    %dma_wait3A_287 = tpu.memref_slice %arg3[%shift_right_logical3A_3, %dma_wait3A_286, %mul3A_250] : memref<4x8x1000000xf32, #tpu.memory_space<hbm>> -> memref<1x8x2048xf32, #tpu.memory_space<hbm>>
    %dma_wait3A_288 = tpu.memref_squeeze %dma_wait3A_287 : memref<1x8x2048xf32, #tpu.memory_space<hbm>> -> memref<8x2048xf32, #tpu.memory_space<hbm>>
    tpu.wait_dma2 semaphore(%arg9 : memref<!tpu.dma_semaphore, #tpu.memory_space<semaphore_mem>>) src(%dma_wait3A_288 : memref<8x2048xf32, #tpu.memory_space<hbm>>) dst(%arg6 : memref<8x2048xf32, #tpu.memory_space<vmem>>)
    %dma_start3A_289 = arith.constant 0 : i32
    %dma_start3A_290 = tpu.memref_slice %arg3[%shift_right_logical3A_3, %dma_start3A_289, %mul3A_282] : memref<4x8x1000000xf32, #tpu.memory_space<hbm>> -> memref<1x8x2048xf32, #tpu.memory_space<hbm>>
    %dma_start3A_291 = tpu.memref_squeeze %dma_start3A_290 : memref<1x8x2048xf32, #tpu.memory_space<hbm>> -> memref<8x2048xf32, #tpu.memory_space<hbm>>
    %dma_start3A_292 = arith.constant 0 : i32
    %dma_start3A_293 = tpu.memref_slice %arg3[%shift_right_logical3A_3, %dma_start3A_292, %mul3A_282] : memref<4x8x1000000xf32, #tpu.memory_space<hbm>> -> memref<1x8x2048xf32, #tpu.memory_space<hbm>>
    %dma_start3A_294 = tpu.memref_squeeze %dma_start3A_293 : memref<1x8x2048xf32, #tpu.memory_space<hbm>> -> memref<8x2048xf32, #tpu.memory_space<hbm>>
    tpu.enqueue_dma source(%dma_start3A_294 : memref<8x2048xf32, #tpu.memory_space<hbm>>) target(%arg6 : memref<8x2048xf32, #tpu.memory_space<vmem>>) target_semaphore(%arg9 : memref<!tpu.dma_semaphore, #tpu.memory_space<semaphore_mem>>)
    %add3A_295 = arith.constant 152 : i32
    %add3A_296 = arith.addi %add3A_295, %and3A_4 : i32
    %mul3A_297 = arith.constant 2048 : i32
    %mul3A_298 = arith.muli %add3A_296, %mul3A_297 : i32
    %dma_wait3A_299 = arith.constant 0 : i32
    %dma_wait3A_300 = tpu.memref_slice %arg3[%shift_right_logical3A_3, %dma_wait3A_299, %mul3A_266] : memref<4x8x1000000xf32, #tpu.memory_space<hbm>> -> memref<1x8x2048xf32, #tpu.memory_space<hbm>>
    %dma_wait3A_301 = tpu.memref_squeeze %dma_wait3A_300 : memref<1x8x2048xf32, #tpu.memory_space<hbm>> -> memref<8x2048xf32, #tpu.memory_space<hbm>>
    %dma_wait3A_302 = arith.constant 0 : i32
    %dma_wait3A_303 = tpu.memref_slice %arg3[%shift_right_logical3A_3, %dma_wait3A_302, %mul3A_266] : memref<4x8x1000000xf32, #tpu.memory_space<hbm>> -> memref<1x8x2048xf32, #tpu.memory_space<hbm>>
    %dma_wait3A_304 = tpu.memref_squeeze %dma_wait3A_303 : memref<1x8x2048xf32, #tpu.memory_space<hbm>> -> memref<8x2048xf32, #tpu.memory_space<hbm>>
    tpu.wait_dma2 semaphore(%arg10 : memref<!tpu.dma_semaphore, #tpu.memory_space<semaphore_mem>>) src(%dma_wait3A_304 : memref<8x2048xf32, #tpu.memory_space<hbm>>) dst(%arg7 : memref<8x2048xf32, #tpu.memory_space<vmem>>)
    %dma_start3A_305 = arith.constant 0 : i32
    %dma_start3A_306 = tpu.memref_slice %arg3[%shift_right_logical3A_3, %dma_start3A_305, %mul3A_298] : memref<4x8x1000000xf32, #tpu.memory_space<hbm>> -> memref<1x8x2048xf32, #tpu.memory_space<hbm>>
    %dma_start3A_307 = tpu.memref_squeeze %dma_start3A_306 : memref<1x8x2048xf32, #tpu.memory_space<hbm>> -> memref<8x2048xf32, #tpu.memory_space<hbm>>
    %dma_start3A_308 = arith.constant 0 : i32
    %dma_start3A_309 = tpu.memref_slice %arg3[%shift_right_logical3A_3, %dma_start3A_308, %mul3A_298] : memref<4x8x1000000xf32, #tpu.memory_space<hbm>> -> memref<1x8x2048xf32, #tpu.memory_space<hbm>>
    %dma_start3A_310 = tpu.memref_squeeze %dma_start3A_309 : memref<1x8x2048xf32, #tpu.memory_space<hbm>> -> memref<8x2048xf32, #tpu.memory_space<hbm>>
    tpu.enqueue_dma source(%dma_start3A_310 : memref<8x2048xf32, #tpu.memory_space<hbm>>) target(%arg7 : memref<8x2048xf32, #tpu.memory_space<vmem>>) target_semaphore(%arg10 : memref<!tpu.dma_semaphore, #tpu.memory_space<semaphore_mem>>)
    %add3A_311 = arith.constant 160 : i32
    %add3A_312 = arith.addi %add3A_311, %and3A_4 : i32
    %mul3A_313 = arith.constant 2048 : i32
    %mul3A_314 = arith.muli %add3A_312, %mul3A_313 : i32
    %dma_wait3A_315 = arith.constant 0 : i32
    %dma_wait3A_316 = tpu.memref_slice %arg3[%shift_right_logical3A_3, %dma_wait3A_315, %mul3A_282] : memref<4x8x1000000xf32, #tpu.memory_space<hbm>> -> memref<1x8x2048xf32, #tpu.memory_space<hbm>>
    %dma_wait3A_317 = tpu.memref_squeeze %dma_wait3A_316 : memref<1x8x2048xf32, #tpu.memory_space<hbm>> -> memref<8x2048xf32, #tpu.memory_space<hbm>>
    %dma_wait3A_318 = arith.constant 0 : i32
    %dma_wait3A_319 = tpu.memref_slice %arg3[%shift_right_logical3A_3, %dma_wait3A_318, %mul3A_282] : memref<4x8x1000000xf32, #tpu.memory_space<hbm>> -> memref<1x8x2048xf32, #tpu.memory_space<hbm>>
    %dma_wait3A_320 = tpu.memref_squeeze %dma_wait3A_319 : memref<1x8x2048xf32, #tpu.memory_space<hbm>> -> memref<8x2048xf32, #tpu.memory_space<hbm>>
    tpu.wait_dma2 semaphore(%arg9 : memref<!tpu.dma_semaphore, #tpu.memory_space<semaphore_mem>>) src(%dma_wait3A_320 : memref<8x2048xf32, #tpu.memory_space<hbm>>) dst(%arg6 : memref<8x2048xf32, #tpu.memory_space<vmem>>)
    %dma_start3A_321 = arith.constant 0 : i32
    %dma_start3A_322 = tpu.memref_slice %arg3[%shift_right_logical3A_3, %dma_start3A_321, %mul3A_314] : memref<4x8x1000000xf32, #tpu.memory_space<hbm>> -> memref<1x8x2048xf32, #tpu.memory_space<hbm>>
    %dma_start3A_323 = tpu.memref_squeeze %dma_start3A_322 : memref<1x8x2048xf32, #tpu.memory_space<hbm>> -> memref<8x2048xf32, #tpu.memory_space<hbm>>
    %dma_start3A_324 = arith.constant 0 : i32
    %dma_start3A_325 = tpu.memref_slice %arg3[%shift_right_logical3A_3, %dma_start3A_324, %mul3A_314] : memref<4x8x1000000xf32, #tpu.memory_space<hbm>> -> memref<1x8x2048xf32, #tpu.memory_space<hbm>>
    %dma_start3A_326 = tpu.memref_squeeze %dma_start3A_325 : memref<1x8x2048xf32, #tpu.memory_space<hbm>> -> memref<8x2048xf32, #tpu.memory_space<hbm>>
    tpu.enqueue_dma source(%dma_start3A_326 : memref<8x2048xf32, #tpu.memory_space<hbm>>) target(%arg6 : memref<8x2048xf32, #tpu.memory_space<vmem>>) target_semaphore(%arg9 : memref<!tpu.dma_semaphore, #tpu.memory_space<semaphore_mem>>)
    %add3A_327 = arith.constant 168 : i32
    %add3A_328 = arith.addi %add3A_327, %and3A_4 : i32
    %mul3A_329 = arith.constant 2048 : i32
    %mul3A_330 = arith.muli %add3A_328, %mul3A_329 : i32
    %dma_wait3A_331 = arith.constant 0 : i32
    %dma_wait3A_332 = tpu.memref_slice %arg3[%shift_right_logical3A_3, %dma_wait3A_331, %mul3A_298] : memref<4x8x1000000xf32, #tpu.memory_space<hbm>> -> memref<1x8x2048xf32, #tpu.memory_space<hbm>>
    %dma_wait3A_333 = tpu.memref_squeeze %dma_wait3A_332 : memref<1x8x2048xf32, #tpu.memory_space<hbm>> -> memref<8x2048xf32, #tpu.memory_space<hbm>>
    %dma_wait3A_334 = arith.constant 0 : i32
    %dma_wait3A_335 = tpu.memref_slice %arg3[%shift_right_logical3A_3, %dma_wait3A_334, %mul3A_298] : memref<4x8x1000000xf32, #tpu.memory_space<hbm>> -> memref<1x8x2048xf32, #tpu.memory_space<hbm>>
    %dma_wait3A_336 = tpu.memref_squeeze %dma_wait3A_335 : memref<1x8x2048xf32, #tpu.memory_space<hbm>> -> memref<8x2048xf32, #tpu.memory_space<hbm>>
    tpu.wait_dma2 semaphore(%arg10 : memref<!tpu.dma_semaphore, #tpu.memory_space<semaphore_mem>>) src(%dma_wait3A_336 : memref<8x2048xf32, #tpu.memory_space<hbm>>) dst(%arg7 : memref<8x2048xf32, #tpu.memory_space<vmem>>)
    %dma_start3A_337 = arith.constant 0 : i32
    %dma_start3A_338 = tpu.memref_slice %arg3[%shift_right_logical3A_3, %dma_start3A_337, %mul3A_330] : memref<4x8x1000000xf32, #tpu.memory_space<hbm>> -> memref<1x8x2048xf32, #tpu.memory_space<hbm>>
    %dma_start3A_339 = tpu.memref_squeeze %dma_start3A_338 : memref<1x8x2048xf32, #tpu.memory_space<hbm>> -> memref<8x2048xf32, #tpu.memory_space<hbm>>
    %dma_start3A_340 = arith.constant 0 : i32
    %dma_start3A_341 = tpu.memref_slice %arg3[%shift_right_logical3A_3, %dma_start3A_340, %mul3A_330] : memref<4x8x1000000xf32, #tpu.memory_space<hbm>> -> memref<1x8x2048xf32, #tpu.memory_space<hbm>>
    %dma_start3A_342 = tpu.memref_squeeze %dma_start3A_341 : memref<1x8x2048xf32, #tpu.memory_space<hbm>> -> memref<8x2048xf32, #tpu.memory_space<hbm>>
    tpu.enqueue_dma source(%dma_start3A_342 : memref<8x2048xf32, #tpu.memory_space<hbm>>) target(%arg7 : memref<8x2048xf32, #tpu.memory_space<vmem>>) target_semaphore(%arg10 : memref<!tpu.dma_semaphore, #tpu.memory_space<semaphore_mem>>)
    %add3A_343 = arith.constant 176 : i32
    %add3A_344 = arith.addi %add3A_343, %and3A_4 : i32
    %mul3A_345 = arith.constant 2048 : i32
    %mul3A_346 = arith.muli %add3A_344, %mul3A_345 : i32
    %dma_wait3A_347 = arith.constant 0 : i32
    %dma_wait3A_348 = tpu.memref_slice %arg3[%shift_right_logical3A_3, %dma_wait3A_347, %mul3A_314] : memref<4x8x1000000xf32, #tpu.memory_space<hbm>> -> memref<1x8x2048xf32, #tpu.memory_space<hbm>>
    %dma_wait3A_349 = tpu.memref_squeeze %dma_wait3A_348 : memref<1x8x2048xf32, #tpu.memory_space<hbm>> -> memref<8x2048xf32, #tpu.memory_space<hbm>>
    %dma_wait3A_350 = arith.constant 0 : i32
    %dma_wait3A_351 = tpu.memref_slice %arg3[%shift_right_logical3A_3, %dma_wait3A_350, %mul3A_314] : memref<4x8x1000000xf32, #tpu.memory_space<hbm>> -> memref<1x8x2048xf32, #tpu.memory_space<hbm>>
    %dma_wait3A_352 = tpu.memref_squeeze %dma_wait3A_351 : memref<1x8x2048xf32, #tpu.memory_space<hbm>> -> memref<8x2048xf32, #tpu.memory_space<hbm>>
    tpu.wait_dma2 semaphore(%arg9 : memref<!tpu.dma_semaphore, #tpu.memory_space<semaphore_mem>>) src(%dma_wait3A_352 : memref<8x2048xf32, #tpu.memory_space<hbm>>) dst(%arg6 : memref<8x2048xf32, #tpu.memory_space<vmem>>)
    %dma_start3A_353 = arith.constant 0 : i32
    %dma_start3A_354 = tpu.memref_slice %arg3[%shift_right_logical3A_3, %dma_start3A_353, %mul3A_346] : memref<4x8x1000000xf32, #tpu.memory_space<hbm>> -> memref<1x8x2048xf32, #tpu.memory_space<hbm>>
    %dma_start3A_355 = tpu.memref_squeeze %dma_start3A_354 : memref<1x8x2048xf32, #tpu.memory_space<hbm>> -> memref<8x2048xf32, #tpu.memory_space<hbm>>
    %dma_start3A_356 = arith.constant 0 : i32
    %dma_start3A_357 = tpu.memref_slice %arg3[%shift_right_logical3A_3, %dma_start3A_356, %mul3A_346] : memref<4x8x1000000xf32, #tpu.memory_space<hbm>> -> memref<1x8x2048xf32, #tpu.memory_space<hbm>>
    %dma_start3A_358 = tpu.memref_squeeze %dma_start3A_357 : memref<1x8x2048xf32, #tpu.memory_space<hbm>> -> memref<8x2048xf32, #tpu.memory_space<hbm>>
    tpu.enqueue_dma source(%dma_start3A_358 : memref<8x2048xf32, #tpu.memory_space<hbm>>) target(%arg6 : memref<8x2048xf32, #tpu.memory_space<vmem>>) target_semaphore(%arg9 : memref<!tpu.dma_semaphore, #tpu.memory_space<semaphore_mem>>)
    %add3A_359 = arith.constant 184 : i32
    %add3A_360 = arith.addi %add3A_359, %and3A_4 : i32
    %mul3A_361 = arith.constant 2048 : i32
    %mul3A_362 = arith.muli %add3A_360, %mul3A_361 : i32
    %dma_wait3A_363 = arith.constant 0 : i32
    %dma_wait3A_364 = tpu.memref_slice %arg3[%shift_right_logical3A_3, %dma_wait3A_363, %mul3A_330] : memref<4x8x1000000xf32, #tpu.memory_space<hbm>> -> memref<1x8x2048xf32, #tpu.memory_space<hbm>>
    %dma_wait3A_365 = tpu.memref_squeeze %dma_wait3A_364 : memref<1x8x2048xf32, #tpu.memory_space<hbm>> -> memref<8x2048xf32, #tpu.memory_space<hbm>>
    %dma_wait3A_366 = arith.constant 0 : i32
    %dma_wait3A_367 = tpu.memref_slice %arg3[%shift_right_logical3A_3, %dma_wait3A_366, %mul3A_330] : memref<4x8x1000000xf32, #tpu.memory_space<hbm>> -> memref<1x8x2048xf32, #tpu.memory_space<hbm>>
    %dma_wait3A_368 = tpu.memref_squeeze %dma_wait3A_367 : memref<1x8x2048xf32, #tpu.memory_space<hbm>> -> memref<8x2048xf32, #tpu.memory_space<hbm>>
    tpu.wait_dma2 semaphore(%arg10 : memref<!tpu.dma_semaphore, #tpu.memory_space<semaphore_mem>>) src(%dma_wait3A_368 : memref<8x2048xf32, #tpu.memory_space<hbm>>) dst(%arg7 : memref<8x2048xf32, #tpu.memory_space<vmem>>)
    %dma_start3A_369 = arith.constant 0 : i32
    %dma_start3A_370 = tpu.memref_slice %arg3[%shift_right_logical3A_3, %dma_start3A_369, %mul3A_362] : memref<4x8x1000000xf32, #tpu.memory_space<hbm>> -> memref<1x8x2048xf32, #tpu.memory_space<hbm>>
    %dma_start3A_371 = tpu.memref_squeeze %dma_start3A_370 : memref<1x8x2048xf32, #tpu.memory_space<hbm>> -> memref<8x2048xf32, #tpu.memory_space<hbm>>
    %dma_start3A_372 = arith.constant 0 : i32
    %dma_start3A_373 = tpu.memref_slice %arg3[%shift_right_logical3A_3, %dma_start3A_372, %mul3A_362] : memref<4x8x1000000xf32, #tpu.memory_space<hbm>> -> memref<1x8x2048xf32, #tpu.memory_space<hbm>>
    %dma_start3A_374 = tpu.memref_squeeze %dma_start3A_373 : memref<1x8x2048xf32, #tpu.memory_space<hbm>> -> memref<8x2048xf32, #tpu.memory_space<hbm>>
    tpu.enqueue_dma source(%dma_start3A_374 : memref<8x2048xf32, #tpu.memory_space<hbm>>) target(%arg7 : memref<8x2048xf32, #tpu.memory_space<vmem>>) target_semaphore(%arg10 : memref<!tpu.dma_semaphore, #tpu.memory_space<semaphore_mem>>)
    %add3A_375 = arith.constant 192 : i32
    %add3A_376 = arith.addi %add3A_375, %and3A_4 : i32
    %mul3A_377 = arith.constant 2048 : i32
    %mul3A_378 = arith.muli %add3A_376, %mul3A_377 : i32
    %dma_wait3A_379 = arith.constant 0 : i32
    %dma_wait3A_380 = tpu.memref_slice %arg3[%shift_right_logical3A_3, %dma_wait3A_379, %mul3A_346] : memref<4x8x1000000xf32, #tpu.memory_space<hbm>> -> memref<1x8x2048xf32, #tpu.memory_space<hbm>>
    %dma_wait3A_381 = tpu.memref_squeeze %dma_wait3A_380 : memref<1x8x2048xf32, #tpu.memory_space<hbm>> -> memref<8x2048xf32, #tpu.memory_space<hbm>>
    %dma_wait3A_382 = arith.constant 0 : i32
    %dma_wait3A_383 = tpu.memref_slice %arg3[%shift_right_logical3A_3, %dma_wait3A_382, %mul3A_346] : memref<4x8x1000000xf32, #tpu.memory_space<hbm>> -> memref<1x8x2048xf32, #tpu.memory_space<hbm>>
    %dma_wait3A_384 = tpu.memref_squeeze %dma_wait3A_383 : memref<1x8x2048xf32, #tpu.memory_space<hbm>> -> memref<8x2048xf32, #tpu.memory_space<hbm>>
    tpu.wait_dma2 semaphore(%arg9 : memref<!tpu.dma_semaphore, #tpu.memory_space<semaphore_mem>>) src(%dma_wait3A_384 : memref<8x2048xf32, #tpu.memory_space<hbm>>) dst(%arg6 : memref<8x2048xf32, #tpu.memory_space<vmem>>)
    %dma_start3A_385 = arith.constant 0 : i32
    %dma_start3A_386 = tpu.memref_slice %arg3[%shift_right_logical3A_3, %dma_start3A_385, %mul3A_378] : memref<4x8x1000000xf32, #tpu.memory_space<hbm>> -> memref<1x8x2048xf32, #tpu.memory_space<hbm>>
    %dma_start3A_387 = tpu.memref_squeeze %dma_start3A_386 : memref<1x8x2048xf32, #tpu.memory_space<hbm>> -> memref<8x2048xf32, #tpu.memory_space<hbm>>
    %dma_start3A_388 = arith.constant 0 : i32
    %dma_start3A_389 = tpu.memref_slice %arg3[%shift_right_logical3A_3, %dma_start3A_388, %mul3A_378] : memref<4x8x1000000xf32, #tpu.memory_space<hbm>> -> memref<1x8x2048xf32, #tpu.memory_space<hbm>>
    %dma_start3A_390 = tpu.memref_squeeze %dma_start3A_389 : memref<1x8x2048xf32, #tpu.memory_space<hbm>> -> memref<8x2048xf32, #tpu.memory_space<hbm>>
    tpu.enqueue_dma source(%dma_start3A_390 : memref<8x2048xf32, #tpu.memory_space<hbm>>) target(%arg6 : memref<8x2048xf32, #tpu.memory_space<vmem>>) target_semaphore(%arg9 : memref<!tpu.dma_semaphore, #tpu.memory_space<semaphore_mem>>)
    %add3A_391 = arith.constant 200 : i32
    %add3A_392 = arith.addi %add3A_391, %and3A_4 : i32
    %mul3A_393 = arith.constant 2048 : i32
    %mul3A_394 = arith.muli %add3A_392, %mul3A_393 : i32
    %dma_wait3A_395 = arith.constant 0 : i32
    %dma_wait3A_396 = tpu.memref_slice %arg3[%shift_right_logical3A_3, %dma_wait3A_395, %mul3A_362] : memref<4x8x1000000xf32, #tpu.memory_space<hbm>> -> memref<1x8x2048xf32, #tpu.memory_space<hbm>>
    %dma_wait3A_397 = tpu.memref_squeeze %dma_wait3A_396 : memref<1x8x2048xf32, #tpu.memory_space<hbm>> -> memref<8x2048xf32, #tpu.memory_space<hbm>>
    %dma_wait3A_398 = arith.constant 0 : i32
    %dma_wait3A_399 = tpu.memref_slice %arg3[%shift_right_logical3A_3, %dma_wait3A_398, %mul3A_362] : memref<4x8x1000000xf32, #tpu.memory_space<hbm>> -> memref<1x8x2048xf32, #tpu.memory_space<hbm>>
    %dma_wait3A_400 = tpu.memref_squeeze %dma_wait3A_399 : memref<1x8x2048xf32, #tpu.memory_space<hbm>> -> memref<8x2048xf32, #tpu.memory_space<hbm>>
    tpu.wait_dma2 semaphore(%arg10 : memref<!tpu.dma_semaphore, #tpu.memory_space<semaphore_mem>>) src(%dma_wait3A_400 : memref<8x2048xf32, #tpu.memory_space<hbm>>) dst(%arg7 : memref<8x2048xf32, #tpu.memory_space<vmem>>)
    %dma_start3A_401 = arith.constant 0 : i32
    %dma_start3A_402 = tpu.memref_slice %arg3[%shift_right_logical3A_3, %dma_start3A_401, %mul3A_394] : memref<4x8x1000000xf32, #tpu.memory_space<hbm>> -> memref<1x8x2048xf32, #tpu.memory_space<hbm>>
    %dma_start3A_403 = tpu.memref_squeeze %dma_start3A_402 : memref<1x8x2048xf32, #tpu.memory_space<hbm>> -> memref<8x2048xf32, #tpu.memory_space<hbm>>
    %dma_start3A_404 = arith.constant 0 : i32
    %dma_start3A_405 = tpu.memref_slice %arg3[%shift_right_logical3A_3, %dma_start3A_404, %mul3A_394] : memref<4x8x1000000xf32, #tpu.memory_space<hbm>> -> memref<1x8x2048xf32, #tpu.memory_space<hbm>>
    %dma_start3A_406 = tpu.memref_squeeze %dma_start3A_405 : memref<1x8x2048xf32, #tpu.memory_space<hbm>> -> memref<8x2048xf32, #tpu.memory_space<hbm>>
    tpu.enqueue_dma source(%dma_start3A_406 : memref<8x2048xf32, #tpu.memory_space<hbm>>) target(%arg7 : memref<8x2048xf32, #tpu.memory_space<vmem>>) target_semaphore(%arg10 : memref<!tpu.dma_semaphore, #tpu.memory_space<semaphore_mem>>)
    %add3A_407 = arith.constant 208 : i32
    %add3A_408 = arith.addi %add3A_407, %and3A_4 : i32
    %mul3A_409 = arith.constant 2048 : i32
    %mul3A_410 = arith.muli %add3A_408, %mul3A_409 : i32
    %dma_wait3A_411 = arith.constant 0 : i32
    %dma_wait3A_412 = tpu.memref_slice %arg3[%shift_right_logical3A_3, %dma_wait3A_411, %mul3A_378] : memref<4x8x1000000xf32, #tpu.memory_space<hbm>> -> memref<1x8x2048xf32, #tpu.memory_space<hbm>>
    %dma_wait3A_413 = tpu.memref_squeeze %dma_wait3A_412 : memref<1x8x2048xf32, #tpu.memory_space<hbm>> -> memref<8x2048xf32, #tpu.memory_space<hbm>>
    %dma_wait3A_414 = arith.constant 0 : i32
    %dma_wait3A_415 = tpu.memref_slice %arg3[%shift_right_logical3A_3, %dma_wait3A_414, %mul3A_378] : memref<4x8x1000000xf32, #tpu.memory_space<hbm>> -> memref<1x8x2048xf32, #tpu.memory_space<hbm>>
    %dma_wait3A_416 = tpu.memref_squeeze %dma_wait3A_415 : memref<1x8x2048xf32, #tpu.memory_space<hbm>> -> memref<8x2048xf32, #tpu.memory_space<hbm>>
    tpu.wait_dma2 semaphore(%arg9 : memref<!tpu.dma_semaphore, #tpu.memory_space<semaphore_mem>>) src(%dma_wait3A_416 : memref<8x2048xf32, #tpu.memory_space<hbm>>) dst(%arg6 : memref<8x2048xf32, #tpu.memory_space<vmem>>)
    %dma_start3A_417 = arith.constant 0 : i32
    %dma_start3A_418 = tpu.memref_slice %arg3[%shift_right_logical3A_3, %dma_start3A_417, %mul3A_410] : memref<4x8x1000000xf32, #tpu.memory_space<hbm>> -> memref<1x8x2048xf32, #tpu.memory_space<hbm>>
    %dma_start3A_419 = tpu.memref_squeeze %dma_start3A_418 : memref<1x8x2048xf32, #tpu.memory_space<hbm>> -> memref<8x2048xf32, #tpu.memory_space<hbm>>
    %dma_start3A_420 = arith.constant 0 : i32
    %dma_start3A_421 = tpu.memref_slice %arg3[%shift_right_logical3A_3, %dma_start3A_420, %mul3A_410] : memref<4x8x1000000xf32, #tpu.memory_space<hbm>> -> memref<1x8x2048xf32, #tpu.memory_space<hbm>>
    %dma_start3A_422 = tpu.memref_squeeze %dma_start3A_421 : memref<1x8x2048xf32, #tpu.memory_space<hbm>> -> memref<8x2048xf32, #tpu.memory_space<hbm>>
    tpu.enqueue_dma source(%dma_start3A_422 : memref<8x2048xf32, #tpu.memory_space<hbm>>) target(%arg6 : memref<8x2048xf32, #tpu.memory_space<vmem>>) target_semaphore(%arg9 : memref<!tpu.dma_semaphore, #tpu.memory_space<semaphore_mem>>)
    %add3A_423 = arith.constant 216 : i32
    %add3A_424 = arith.addi %add3A_423, %and3A_4 : i32
    %mul3A_425 = arith.constant 2048 : i32
    %mul3A_426 = arith.muli %add3A_424, %mul3A_425 : i32
    %dma_wait3A_427 = arith.constant 0 : i32
    %dma_wait3A_428 = tpu.memref_slice %arg3[%shift_right_logical3A_3, %dma_wait3A_427, %mul3A_394] : memref<4x8x1000000xf32, #tpu.memory_space<hbm>> -> memref<1x8x2048xf32, #tpu.memory_space<hbm>>
    %dma_wait3A_429 = tpu.memref_squeeze %dma_wait3A_428 : memref<1x8x2048xf32, #tpu.memory_space<hbm>> -> memref<8x2048xf32, #tpu.memory_space<hbm>>
    %dma_wait3A_430 = arith.constant 0 : i32
    %dma_wait3A_431 = tpu.memref_slice %arg3[%shift_right_logical3A_3, %dma_wait3A_430, %mul3A_394] : memref<4x8x1000000xf32, #tpu.memory_space<hbm>> -> memref<1x8x2048xf32, #tpu.memory_space<hbm>>
    %dma_wait3A_432 = tpu.memref_squeeze %dma_wait3A_431 : memref<1x8x2048xf32, #tpu.memory_space<hbm>> -> memref<8x2048xf32, #tpu.memory_space<hbm>>
    tpu.wait_dma2 semaphore(%arg10 : memref<!tpu.dma_semaphore, #tpu.memory_space<semaphore_mem>>) src(%dma_wait3A_432 : memref<8x2048xf32, #tpu.memory_space<hbm>>) dst(%arg7 : memref<8x2048xf32, #tpu.memory_space<vmem>>)
    %dma_start3A_433 = arith.constant 0 : i32
    %dma_start3A_434 = tpu.memref_slice %arg3[%shift_right_logical3A_3, %dma_start3A_433, %mul3A_426] : memref<4x8x1000000xf32, #tpu.memory_space<hbm>> -> memref<1x8x2048xf32, #tpu.memory_space<hbm>>
    %dma_start3A_435 = tpu.memref_squeeze %dma_start3A_434 : memref<1x8x2048xf32, #tpu.memory_space<hbm>> -> memref<8x2048xf32, #tpu.memory_space<hbm>>
    %dma_start3A_436 = arith.constant 0 : i32
    %dma_start3A_437 = tpu.memref_slice %arg3[%shift_right_logical3A_3, %dma_start3A_436, %mul3A_426] : memref<4x8x1000000xf32, #tpu.memory_space<hbm>> -> memref<1x8x2048xf32, #tpu.memory_space<hbm>>
    %dma_start3A_438 = tpu.memref_squeeze %dma_start3A_437 : memref<1x8x2048xf32, #tpu.memory_space<hbm>> -> memref<8x2048xf32, #tpu.memory_space<hbm>>
    tpu.enqueue_dma source(%dma_start3A_438 : memref<8x2048xf32, #tpu.memory_space<hbm>>) target(%arg7 : memref<8x2048xf32, #tpu.memory_space<vmem>>) target_semaphore(%arg10 : memref<!tpu.dma_semaphore, #tpu.memory_space<semaphore_mem>>)
    %add3A_439 = arith.constant 224 : i32
    %add3A_440 = arith.addi %add3A_439, %and3A_4 : i32
    %mul3A_441 = arith.constant 2048 : i32
    %mul3A_442 = arith.muli %add3A_440, %mul3A_441 : i32
    %dma_wait3A_443 = arith.constant 0 : i32
    %dma_wait3A_444 = tpu.memref_slice %arg3[%shift_right_logical3A_3, %dma_wait3A_443, %mul3A_410] : memref<4x8x1000000xf32, #tpu.memory_space<hbm>> -> memref<1x8x2048xf32, #tpu.memory_space<hbm>>
    %dma_wait3A_445 = tpu.memref_squeeze %dma_wait3A_444 : memref<1x8x2048xf32, #tpu.memory_space<hbm>> -> memref<8x2048xf32, #tpu.memory_space<hbm>>
    %dma_wait3A_446 = arith.constant 0 : i32
    %dma_wait3A_447 = tpu.memref_slice %arg3[%shift_right_logical3A_3, %dma_wait3A_446, %mul3A_410] : memref<4x8x1000000xf32, #tpu.memory_space<hbm>> -> memref<1x8x2048xf32, #tpu.memory_space<hbm>>
    %dma_wait3A_448 = tpu.memref_squeeze %dma_wait3A_447 : memref<1x8x2048xf32, #tpu.memory_space<hbm>> -> memref<8x2048xf32, #tpu.memory_space<hbm>>
    tpu.wait_dma2 semaphore(%arg9 : memref<!tpu.dma_semaphore, #tpu.memory_space<semaphore_mem>>) src(%dma_wait3A_448 : memref<8x2048xf32, #tpu.memory_space<hbm>>) dst(%arg6 : memref<8x2048xf32, #tpu.memory_space<vmem>>)
    %dma_start3A_449 = arith.constant 0 : i32
    %dma_start3A_450 = tpu.memref_slice %arg3[%shift_right_logical3A_3, %dma_start3A_449, %mul3A_442] : memref<4x8x1000000xf32, #tpu.memory_space<hbm>> -> memref<1x8x2048xf32, #tpu.memory_space<hbm>>
    %dma_start3A_451 = tpu.memref_squeeze %dma_start3A_450 : memref<1x8x2048xf32, #tpu.memory_space<hbm>> -> memref<8x2048xf32, #tpu.memory_space<hbm>>
    %dma_start3A_452 = arith.constant 0 : i32
    %dma_start3A_453 = tpu.memref_slice %arg3[%shift_right_logical3A_3, %dma_start3A_452, %mul3A_442] : memref<4x8x1000000xf32, #tpu.memory_space<hbm>> -> memref<1x8x2048xf32, #tpu.memory_space<hbm>>
    %dma_start3A_454 = tpu.memref_squeeze %dma_start3A_453 : memref<1x8x2048xf32, #tpu.memory_space<hbm>> -> memref<8x2048xf32, #tpu.memory_space<hbm>>
    tpu.enqueue_dma source(%dma_start3A_454 : memref<8x2048xf32, #tpu.memory_space<hbm>>) target(%arg6 : memref<8x2048xf32, #tpu.memory_space<vmem>>) target_semaphore(%arg9 : memref<!tpu.dma_semaphore, #tpu.memory_space<semaphore_mem>>)
    %add3A_455 = arith.constant 232 : i32
    %add3A_456 = arith.addi %add3A_455, %and3A_4 : i32
    %mul3A_457 = arith.constant 2048 : i32
    %mul3A_458 = arith.muli %add3A_456, %mul3A_457 : i32
    %dma_wait3A_459 = arith.constant 0 : i32
    %dma_wait3A_460 = tpu.memref_slice %arg3[%shift_right_logical3A_3, %dma_wait3A_459, %mul3A_426] : memref<4x8x1000000xf32, #tpu.memory_space<hbm>> -> memref<1x8x2048xf32, #tpu.memory_space<hbm>>
    %dma_wait3A_461 = tpu.memref_squeeze %dma_wait3A_460 : memref<1x8x2048xf32, #tpu.memory_space<hbm>> -> memref<8x2048xf32, #tpu.memory_space<hbm>>
    %dma_wait3A_462 = arith.constant 0 : i32
    %dma_wait3A_463 = tpu.memref_slice %arg3[%shift_right_logical3A_3, %dma_wait3A_462, %mul3A_426] : memref<4x8x1000000xf32, #tpu.memory_space<hbm>> -> memref<1x8x2048xf32, #tpu.memory_space<hbm>>
    %dma_wait3A_464 = tpu.memref_squeeze %dma_wait3A_463 : memref<1x8x2048xf32, #tpu.memory_space<hbm>> -> memref<8x2048xf32, #tpu.memory_space<hbm>>
    tpu.wait_dma2 semaphore(%arg10 : memref<!tpu.dma_semaphore, #tpu.memory_space<semaphore_mem>>) src(%dma_wait3A_464 : memref<8x2048xf32, #tpu.memory_space<hbm>>) dst(%arg7 : memref<8x2048xf32, #tpu.memory_space<vmem>>)
    %dma_start3A_465 = arith.constant 0 : i32
    %dma_start3A_466 = tpu.memref_slice %arg3[%shift_right_logical3A_3, %dma_start3A_465, %mul3A_458] : memref<4x8x1000000xf32, #tpu.memory_space<hbm>> -> memref<1x8x2048xf32, #tpu.memory_space<hbm>>
    %dma_start3A_467 = tpu.memref_squeeze %dma_start3A_466 : memref<1x8x2048xf32, #tpu.memory_space<hbm>> -> memref<8x2048xf32, #tpu.memory_space<hbm>>
    %dma_start3A_468 = arith.constant 0 : i32
    %dma_start3A_469 = tpu.memref_slice %arg3[%shift_right_logical3A_3, %dma_start3A_468, %mul3A_458] : memref<4x8x1000000xf32, #tpu.memory_space<hbm>> -> memref<1x8x2048xf32, #tpu.memory_space<hbm>>
    %dma_start3A_470 = tpu.memref_squeeze %dma_start3A_469 : memref<1x8x2048xf32, #tpu.memory_space<hbm>> -> memref<8x2048xf32, #tpu.memory_space<hbm>>
    tpu.enqueue_dma source(%dma_start3A_470 : memref<8x2048xf32, #tpu.memory_space<hbm>>) target(%arg7 : memref<8x2048xf32, #tpu.memory_space<vmem>>) target_semaphore(%arg10 : memref<!tpu.dma_semaphore, #tpu.memory_space<semaphore_mem>>)
    %add3A_471 = arith.constant 240 : i32
    %add3A_472 = arith.addi %add3A_471, %and3A_4 : i32
    %mul3A_473 = arith.constant 2048 : i32
    %mul3A_474 = arith.muli %add3A_472, %mul3A_473 : i32
    %dma_wait3A_475 = arith.constant 0 : i32
    %dma_wait3A_476 = tpu.memref_slice %arg3[%shift_right_logical3A_3, %dma_wait3A_475, %mul3A_442] : memref<4x8x1000000xf32, #tpu.memory_space<hbm>> -> memref<1x8x2048xf32, #tpu.memory_space<hbm>>
    %dma_wait3A_477 = tpu.memref_squeeze %dma_wait3A_476 : memref<1x8x2048xf32, #tpu.memory_space<hbm>> -> memref<8x2048xf32, #tpu.memory_space<hbm>>
    %dma_wait3A_478 = arith.constant 0 : i32
    %dma_wait3A_479 = tpu.memref_slice %arg3[%shift_right_logical3A_3, %dma_wait3A_478, %mul3A_442] : memref<4x8x1000000xf32, #tpu.memory_space<hbm>> -> memref<1x8x2048xf32, #tpu.memory_space<hbm>>
    %dma_wait3A_480 = tpu.memref_squeeze %dma_wait3A_479 : memref<1x8x2048xf32, #tpu.memory_space<hbm>> -> memref<8x2048xf32, #tpu.memory_space<hbm>>
    tpu.wait_dma2 semaphore(%arg9 : memref<!tpu.dma_semaphore, #tpu.memory_space<semaphore_mem>>) src(%dma_wait3A_480 : memref<8x2048xf32, #tpu.memory_space<hbm>>) dst(%arg6 : memref<8x2048xf32, #tpu.memory_space<vmem>>)
    %dma_start3A_481 = arith.constant 0 : i32
    %dma_start3A_482 = tpu.memref_slice %arg3[%shift_right_logical3A_3, %dma_start3A_481, %mul3A_474] : memref<4x8x1000000xf32, #tpu.memory_space<hbm>> -> memref<1x8x2048xf32, #tpu.memory_space<hbm>>
    %dma_start3A_483 = tpu.memref_squeeze %dma_start3A_482 : memref<1x8x2048xf32, #tpu.memory_space<hbm>> -> memref<8x2048xf32, #tpu.memory_space<hbm>>
    %dma_start3A_484 = arith.constant 0 : i32
    %dma_start3A_485 = tpu.memref_slice %arg3[%shift_right_logical3A_3, %dma_start3A_484, %mul3A_474] : memref<4x8x1000000xf32, #tpu.memory_space<hbm>> -> memref<1x8x2048xf32, #tpu.memory_space<hbm>>
    %dma_start3A_486 = tpu.memref_squeeze %dma_start3A_485 : memref<1x8x2048xf32, #tpu.memory_space<hbm>> -> memref<8x2048xf32, #tpu.memory_space<hbm>>
    tpu.enqueue_dma source(%dma_start3A_486 : memref<8x2048xf32, #tpu.memory_space<hbm>>) target(%arg6 : memref<8x2048xf32, #tpu.memory_space<vmem>>) target_semaphore(%arg9 : memref<!tpu.dma_semaphore, #tpu.memory_space<semaphore_mem>>)
    %add3A_487 = arith.constant 248 : i32
    %add3A_488 = arith.addi %add3A_487, %and3A_4 : i32
    %mul3A_489 = arith.constant 2048 : i32
    %mul3A_490 = arith.muli %add3A_488, %mul3A_489 : i32
    %dma_wait3A_491 = arith.constant 0 : i32
    %dma_wait3A_492 = tpu.memref_slice %arg3[%shift_right_logical3A_3, %dma_wait3A_491, %mul3A_458] : memref<4x8x1000000xf32, #tpu.memory_space<hbm>> -> memref<1x8x2048xf32, #tpu.memory_space<hbm>>
    %dma_wait3A_493 = tpu.memref_squeeze %dma_wait3A_492 : memref<1x8x2048xf32, #tpu.memory_space<hbm>> -> memref<8x2048xf32, #tpu.memory_space<hbm>>
    %dma_wait3A_494 = arith.constant 0 : i32
    %dma_wait3A_495 = tpu.memref_slice %arg3[%shift_right_logical3A_3, %dma_wait3A_494, %mul3A_458] : memref<4x8x1000000xf32, #tpu.memory_space<hbm>> -> memref<1x8x2048xf32, #tpu.memory_space<hbm>>
    %dma_wait3A_496 = tpu.memref_squeeze %dma_wait3A_495 : memref<1x8x2048xf32, #tpu.memory_space<hbm>> -> memref<8x2048xf32, #tpu.memory_space<hbm>>
    tpu.wait_dma2 semaphore(%arg10 : memref<!tpu.dma_semaphore, #tpu.memory_space<semaphore_mem>>) src(%dma_wait3A_496 : memref<8x2048xf32, #tpu.memory_space<hbm>>) dst(%arg7 : memref<8x2048xf32, #tpu.memory_space<vmem>>)
    %dma_start3A_497 = arith.constant 0 : i32
    %dma_start3A_498 = tpu.memref_slice %arg3[%shift_right_logical3A_3, %dma_start3A_497, %mul3A_490] : memref<4x8x1000000xf32, #tpu.memory_space<hbm>> -> memref<1x8x2048xf32, #tpu.memory_space<hbm>>
    %dma_start3A_499 = tpu.memref_squeeze %dma_start3A_498 : memref<1x8x2048xf32, #tpu.memory_space<hbm>> -> memref<8x2048xf32, #tpu.memory_space<hbm>>
    %dma_start3A_500 = arith.constant 0 : i32
    %dma_start3A_501 = tpu.memref_slice %arg3[%shift_right_logical3A_3, %dma_start3A_500, %mul3A_490] : memref<4x8x1000000xf32, #tpu.memory_space<hbm>> -> memref<1x8x2048xf32, #tpu.memory_space<hbm>>
    %dma_start3A_502 = tpu.memref_squeeze %dma_start3A_501 : memref<1x8x2048xf32, #tpu.memory_space<hbm>> -> memref<8x2048xf32, #tpu.memory_space<hbm>>
    tpu.enqueue_dma source(%dma_start3A_502 : memref<8x2048xf32, #tpu.memory_space<hbm>>) target(%arg7 : memref<8x2048xf32, #tpu.memory_space<vmem>>) target_semaphore(%arg10 : memref<!tpu.dma_semaphore, #tpu.memory_space<semaphore_mem>>)
    %add3A_503 = arith.constant 256 : i32
    %add3A_504 = arith.addi %add3A_503, %and3A_4 : i32
    %mul3A_505 = arith.constant 2048 : i32
    %mul3A_506 = arith.muli %add3A_504, %mul3A_505 : i32
    %dma_wait3A_507 = arith.constant 0 : i32
    %dma_wait3A_508 = tpu.memref_slice %arg3[%shift_right_logical3A_3, %dma_wait3A_507, %mul3A_474] : memref<4x8x1000000xf32, #tpu.memory_space<hbm>> -> memref<1x8x2048xf32, #tpu.memory_space<hbm>>
    %dma_wait3A_509 = tpu.memref_squeeze %dma_wait3A_508 : memref<1x8x2048xf32, #tpu.memory_space<hbm>> -> memref<8x2048xf32, #tpu.memory_space<hbm>>
    %dma_wait3A_510 = arith.constant 0 : i32
    %dma_wait3A_511 = tpu.memref_slice %arg3[%shift_right_logical3A_3, %dma_wait3A_510, %mul3A_474] : memref<4x8x1000000xf32, #tpu.memory_space<hbm>> -> memref<1x8x2048xf32, #tpu.memory_space<hbm>>
    %dma_wait3A_512 = tpu.memref_squeeze %dma_wait3A_511 : memref<1x8x2048xf32, #tpu.memory_space<hbm>> -> memref<8x2048xf32, #tpu.memory_space<hbm>>
    tpu.wait_dma2 semaphore(%arg9 : memref<!tpu.dma_semaphore, #tpu.memory_space<semaphore_mem>>) src(%dma_wait3A_512 : memref<8x2048xf32, #tpu.memory_space<hbm>>) dst(%arg6 : memref<8x2048xf32, #tpu.memory_space<vmem>>)
    %dma_start3A_513 = arith.constant 0 : i32
    %dma_start3A_514 = tpu.memref_slice %arg3[%shift_right_logical3A_3, %dma_start3A_513, %mul3A_506] : memref<4x8x1000000xf32, #tpu.memory_space<hbm>> -> memref<1x8x2048xf32, #tpu.memory_space<hbm>>
    %dma_start3A_515 = tpu.memref_squeeze %dma_start3A_514 : memref<1x8x2048xf32, #tpu.memory_space<hbm>> -> memref<8x2048xf32, #tpu.memory_space<hbm>>
    %dma_start3A_516 = arith.constant 0 : i32
    %dma_start3A_517 = tpu.memref_slice %arg3[%shift_right_logical3A_3, %dma_start3A_516, %mul3A_506] : memref<4x8x1000000xf32, #tpu.memory_space<hbm>> -> memref<1x8x2048xf32, #tpu.memory_space<hbm>>
    %dma_start3A_518 = tpu.memref_squeeze %dma_start3A_517 : memref<1x8x2048xf32, #tpu.memory_space<hbm>> -> memref<8x2048xf32, #tpu.memory_space<hbm>>
    tpu.enqueue_dma source(%dma_start3A_518 : memref<8x2048xf32, #tpu.memory_space<hbm>>) target(%arg6 : memref<8x2048xf32, #tpu.memory_space<vmem>>) target_semaphore(%arg9 : memref<!tpu.dma_semaphore, #tpu.memory_space<semaphore_mem>>)
    %add3A_519 = arith.constant 264 : i32
    %add3A_520 = arith.addi %add3A_519, %and3A_4 : i32
    %mul3A_521 = arith.constant 2048 : i32
    %mul3A_522 = arith.muli %add3A_520, %mul3A_521 : i32
    %dma_wait3A_523 = arith.constant 0 : i32
    %dma_wait3A_524 = tpu.memref_slice %arg3[%shift_right_logical3A_3, %dma_wait3A_523, %mul3A_490] : memref<4x8x1000000xf32, #tpu.memory_space<hbm>> -> memref<1x8x2048xf32, #tpu.memory_space<hbm>>
    %dma_wait3A_525 = tpu.memref_squeeze %dma_wait3A_524 : memref<1x8x2048xf32, #tpu.memory_space<hbm>> -> memref<8x2048xf32, #tpu.memory_space<hbm>>
    %dma_wait3A_526 = arith.constant 0 : i32
    %dma_wait3A_527 = tpu.memref_slice %arg3[%shift_right_logical3A_3, %dma_wait3A_526, %mul3A_490] : memref<4x8x1000000xf32, #tpu.memory_space<hbm>> -> memref<1x8x2048xf32, #tpu.memory_space<hbm>>
    %dma_wait3A_528 = tpu.memref_squeeze %dma_wait3A_527 : memref<1x8x2048xf32, #tpu.memory_space<hbm>> -> memref<8x2048xf32, #tpu.memory_space<hbm>>
    tpu.wait_dma2 semaphore(%arg10 : memref<!tpu.dma_semaphore, #tpu.memory_space<semaphore_mem>>) src(%dma_wait3A_528 : memref<8x2048xf32, #tpu.memory_space<hbm>>) dst(%arg7 : memref<8x2048xf32, #tpu.memory_space<vmem>>)
    %dma_start3A_529 = arith.constant 0 : i32
    %dma_start3A_530 = tpu.memref_slice %arg3[%shift_right_logical3A_3, %dma_start3A_529, %mul3A_522] : memref<4x8x1000000xf32, #tpu.memory_space<hbm>> -> memref<1x8x2048xf32, #tpu.memory_space<hbm>>
    %dma_start3A_531 = tpu.memref_squeeze %dma_start3A_530 : memref<1x8x2048xf32, #tpu.memory_space<hbm>> -> memref<8x2048xf32, #tpu.memory_space<hbm>>
    %dma_start3A_532 = arith.constant 0 : i32
    %dma_start3A_533 = tpu.memref_slice %arg3[%shift_right_logical3A_3, %dma_start3A_532, %mul3A_522] : memref<4x8x1000000xf32, #tpu.memory_space<hbm>> -> memref<1x8x2048xf32, #tpu.memory_space<hbm>>
    %dma_start3A_534 = tpu.memref_squeeze %dma_start3A_533 : memref<1x8x2048xf32, #tpu.memory_space<hbm>> -> memref<8x2048xf32, #tpu.memory_space<hbm>>
    tpu.enqueue_dma source(%dma_start3A_534 : memref<8x2048xf32, #tpu.memory_space<hbm>>) target(%arg7 : memref<8x2048xf32, #tpu.memory_space<vmem>>) target_semaphore(%arg10 : memref<!tpu.dma_semaphore, #tpu.memory_space<semaphore_mem>>)
    %add3A_535 = arith.constant 272 : i32
    %add3A_536 = arith.addi %add3A_535, %and3A_4 : i32
    %mul3A_537 = arith.constant 2048 : i32
    %mul3A_538 = arith.muli %add3A_536, %mul3A_537 : i32
    %dma_wait3A_539 = arith.constant 0 : i32
    %dma_wait3A_540 = tpu.memref_slice %arg3[%shift_right_logical3A_3, %dma_wait3A_539, %mul3A_506] : memref<4x8x1000000xf32, #tpu.memory_space<hbm>> -> memref<1x8x2048xf32, #tpu.memory_space<hbm>>
    %dma_wait3A_541 = tpu.memref_squeeze %dma_wait3A_540 : memref<1x8x2048xf32, #tpu.memory_space<hbm>> -> memref<8x2048xf32, #tpu.memory_space<hbm>>
    %dma_wait3A_542 = arith.constant 0 : i32
    %dma_wait3A_543 = tpu.memref_slice %arg3[%shift_right_logical3A_3, %dma_wait3A_542, %mul3A_506] : memref<4x8x1000000xf32, #tpu.memory_space<hbm>> -> memref<1x8x2048xf32, #tpu.memory_space<hbm>>
    %dma_wait3A_544 = tpu.memref_squeeze %dma_wait3A_543 : memref<1x8x2048xf32, #tpu.memory_space<hbm>> -> memref<8x2048xf32, #tpu.memory_space<hbm>>
    tpu.wait_dma2 semaphore(%arg9 : memref<!tpu.dma_semaphore, #tpu.memory_space<semaphore_mem>>) src(%dma_wait3A_544 : memref<8x2048xf32, #tpu.memory_space<hbm>>) dst(%arg6 : memref<8x2048xf32, #tpu.memory_space<vmem>>)
    %dma_start3A_545 = arith.constant 0 : i32
    %dma_start3A_546 = tpu.memref_slice %arg3[%shift_right_logical3A_3, %dma_start3A_545, %mul3A_538] : memref<4x8x1000000xf32, #tpu.memory_space<hbm>> -> memref<1x8x2048xf32, #tpu.memory_space<hbm>>
    %dma_start3A_547 = tpu.memref_squeeze %dma_start3A_546 : memref<1x8x2048xf32, #tpu.memory_space<hbm>> -> memref<8x2048xf32, #tpu.memory_space<hbm>>
    %dma_start3A_548 = arith.constant 0 : i32
    %dma_start3A_549 = tpu.memref_slice %arg3[%shift_right_logical3A_3, %dma_start3A_548, %mul3A_538] : memref<4x8x1000000xf32, #tpu.memory_space<hbm>> -> memref<1x8x2048xf32, #tpu.memory_space<hbm>>
    %dma_start3A_550 = tpu.memref_squeeze %dma_start3A_549 : memref<1x8x2048xf32, #tpu.memory_space<hbm>> -> memref<8x2048xf32, #tpu.memory_space<hbm>>
    tpu.enqueue_dma source(%dma_start3A_550 : memref<8x2048xf32, #tpu.memory_space<hbm>>) target(%arg6 : memref<8x2048xf32, #tpu.memory_space<vmem>>) target_semaphore(%arg9 : memref<!tpu.dma_semaphore, #tpu.memory_space<semaphore_mem>>)
    %add3A_551 = arith.constant 280 : i32
    %add3A_552 = arith.addi %add3A_551, %and3A_4 : i32
    %mul3A_553 = arith.constant 2048 : i32
    %mul3A_554 = arith.muli %add3A_552, %mul3A_553 : i32
    %dma_wait3A_555 = arith.constant 0 : i32
    %dma_wait3A_556 = tpu.memref_slice %arg3[%shift_right_logical3A_3, %dma_wait3A_555, %mul3A_522] : memref<4x8x1000000xf32, #tpu.memory_space<hbm>> -> memref<1x8x2048xf32, #tpu.memory_space<hbm>>
    %dma_wait3A_557 = tpu.memref_squeeze %dma_wait3A_556 : memref<1x8x2048xf32, #tpu.memory_space<hbm>> -> memref<8x2048xf32, #tpu.memory_space<hbm>>
    %dma_wait3A_558 = arith.constant 0 : i32
    %dma_wait3A_559 = tpu.memref_slice %arg3[%shift_right_logical3A_3, %dma_wait3A_558, %mul3A_522] : memref<4x8x1000000xf32, #tpu.memory_space<hbm>> -> memref<1x8x2048xf32, #tpu.memory_space<hbm>>
    %dma_wait3A_560 = tpu.memref_squeeze %dma_wait3A_559 : memref<1x8x2048xf32, #tpu.memory_space<hbm>> -> memref<8x2048xf32, #tpu.memory_space<hbm>>
    tpu.wait_dma2 semaphore(%arg10 : memref<!tpu.dma_semaphore, #tpu.memory_space<semaphore_mem>>) src(%dma_wait3A_560 : memref<8x2048xf32, #tpu.memory_space<hbm>>) dst(%arg7 : memref<8x2048xf32, #tpu.memory_space<vmem>>)
    %dma_start3A_561 = arith.constant 0 : i32
    %dma_start3A_562 = tpu.memref_slice %arg3[%shift_right_logical3A_3, %dma_start3A_561, %mul3A_554] : memref<4x8x1000000xf32, #tpu.memory_space<hbm>> -> memref<1x8x2048xf32, #tpu.memory_space<hbm>>
    %dma_start3A_563 = tpu.memref_squeeze %dma_start3A_562 : memref<1x8x2048xf32, #tpu.memory_space<hbm>> -> memref<8x2048xf32, #tpu.memory_space<hbm>>
    %dma_start3A_564 = arith.constant 0 : i32
    %dma_start3A_565 = tpu.memref_slice %arg3[%shift_right_logical3A_3, %dma_start3A_564, %mul3A_554] : memref<4x8x1000000xf32, #tpu.memory_space<hbm>> -> memref<1x8x2048xf32, #tpu.memory_space<hbm>>
    %dma_start3A_566 = tpu.memref_squeeze %dma_start3A_565 : memref<1x8x2048xf32, #tpu.memory_space<hbm>> -> memref<8x2048xf32, #tpu.memory_space<hbm>>
    tpu.enqueue_dma source(%dma_start3A_566 : memref<8x2048xf32, #tpu.memory_space<hbm>>) target(%arg7 : memref<8x2048xf32, #tpu.memory_space<vmem>>) target_semaphore(%arg10 : memref<!tpu.dma_semaphore, #tpu.memory_space<semaphore_mem>>)
    %add3A_567 = arith.constant 288 : i32
    %add3A_568 = arith.addi %add3A_567, %and3A_4 : i32
    %mul3A_569 = arith.constant 2048 : i32
    %mul3A_570 = arith.muli %add3A_568, %mul3A_569 : i32
    %dma_wait3A_571 = arith.constant 0 : i32
    %dma_wait3A_572 = tpu.memref_slice %arg3[%shift_right_logical3A_3, %dma_wait3A_571, %mul3A_538] : memref<4x8x1000000xf32, #tpu.memory_space<hbm>> -> memref<1x8x2048xf32, #tpu.memory_space<hbm>>
    %dma_wait3A_573 = tpu.memref_squeeze %dma_wait3A_572 : memref<1x8x2048xf32, #tpu.memory_space<hbm>> -> memref<8x2048xf32, #tpu.memory_space<hbm>>
    %dma_wait3A_574 = arith.constant 0 : i32
    %dma_wait3A_575 = tpu.memref_slice %arg3[%shift_right_logical3A_3, %dma_wait3A_574, %mul3A_538] : memref<4x8x1000000xf32, #tpu.memory_space<hbm>> -> memref<1x8x2048xf32, #tpu.memory_space<hbm>>
    %dma_wait3A_576 = tpu.memref_squeeze %dma_wait3A_575 : memref<1x8x2048xf32, #tpu.memory_space<hbm>> -> memref<8x2048xf32, #tpu.memory_space<hbm>>
    tpu.wait_dma2 semaphore(%arg9 : memref<!tpu.dma_semaphore, #tpu.memory_space<semaphore_mem>>) src(%dma_wait3A_576 : memref<8x2048xf32, #tpu.memory_space<hbm>>) dst(%arg6 : memref<8x2048xf32, #tpu.memory_space<vmem>>)
    %dma_start3A_577 = arith.constant 0 : i32
    %dma_start3A_578 = tpu.memref_slice %arg3[%shift_right_logical3A_3, %dma_start3A_577, %mul3A_570] : memref<4x8x1000000xf32, #tpu.memory_space<hbm>> -> memref<1x8x2048xf32, #tpu.memory_space<hbm>>
    %dma_start3A_579 = tpu.memref_squeeze %dma_start3A_578 : memref<1x8x2048xf32, #tpu.memory_space<hbm>> -> memref<8x2048xf32, #tpu.memory_space<hbm>>
    %dma_start3A_580 = arith.constant 0 : i32
    %dma_start3A_581 = tpu.memref_slice %arg3[%shift_right_logical3A_3, %dma_start3A_580, %mul3A_570] : memref<4x8x1000000xf32, #tpu.memory_space<hbm>> -> memref<1x8x2048xf32, #tpu.memory_space<hbm>>
    %dma_start3A_582 = tpu.memref_squeeze %dma_start3A_581 : memref<1x8x2048xf32, #tpu.memory_space<hbm>> -> memref<8x2048xf32, #tpu.memory_space<hbm>>
    tpu.enqueue_dma source(%dma_start3A_582 : memref<8x2048xf32, #tpu.memory_space<hbm>>) target(%arg6 : memref<8x2048xf32, #tpu.memory_space<vmem>>) target_semaphore(%arg9 : memref<!tpu.dma_semaphore, #tpu.memory_space<semaphore_mem>>)
    %add3A_583 = arith.constant 296 : i32
    %add3A_584 = arith.addi %add3A_583, %and3A_4 : i32
    %mul3A_585 = arith.constant 2048 : i32
    %mul3A_586 = arith.muli %add3A_584, %mul3A_585 : i32
    %dma_wait3A_587 = arith.constant 0 : i32
    %dma_wait3A_588 = tpu.memref_slice %arg3[%shift_right_logical3A_3, %dma_wait3A_587, %mul3A_554] : memref<4x8x1000000xf32, #tpu.memory_space<hbm>> -> memref<1x8x2048xf32, #tpu.memory_space<hbm>>
    %dma_wait3A_589 = tpu.memref_squeeze %dma_wait3A_588 : memref<1x8x2048xf32, #tpu.memory_space<hbm>> -> memref<8x2048xf32, #tpu.memory_space<hbm>>
    %dma_wait3A_590 = arith.constant 0 : i32
    %dma_wait3A_591 = tpu.memref_slice %arg3[%shift_right_logical3A_3, %dma_wait3A_590, %mul3A_554] : memref<4x8x1000000xf32, #tpu.memory_space<hbm>> -> memref<1x8x2048xf32, #tpu.memory_space<hbm>>
    %dma_wait3A_592 = tpu.memref_squeeze %dma_wait3A_591 : memref<1x8x2048xf32, #tpu.memory_space<hbm>> -> memref<8x2048xf32, #tpu.memory_space<hbm>>
    tpu.wait_dma2 semaphore(%arg10 : memref<!tpu.dma_semaphore, #tpu.memory_space<semaphore_mem>>) src(%dma_wait3A_592 : memref<8x2048xf32, #tpu.memory_space<hbm>>) dst(%arg7 : memref<8x2048xf32, #tpu.memory_space<vmem>>)
    %dma_start3A_593 = arith.constant 0 : i32
    %dma_start3A_594 = tpu.memref_slice %arg3[%shift_right_logical3A_3, %dma_start3A_593, %mul3A_586] : memref<4x8x1000000xf32, #tpu.memory_space<hbm>> -> memref<1x8x2048xf32, #tpu.memory_space<hbm>>
    %dma_start3A_595 = tpu.memref_squeeze %dma_start3A_594 : memref<1x8x2048xf32, #tpu.memory_space<hbm>> -> memref<8x2048xf32, #tpu.memory_space<hbm>>
    %dma_start3A_596 = arith.constant 0 : i32
    %dma_start3A_597 = tpu.memref_slice %arg3[%shift_right_logical3A_3, %dma_start3A_596, %mul3A_586] : memref<4x8x1000000xf32, #tpu.memory_space<hbm>> -> memref<1x8x2048xf32, #tpu.memory_space<hbm>>
    %dma_start3A_598 = tpu.memref_squeeze %dma_start3A_597 : memref<1x8x2048xf32, #tpu.memory_space<hbm>> -> memref<8x2048xf32, #tpu.memory_space<hbm>>
    tpu.enqueue_dma source(%dma_start3A_598 : memref<8x2048xf32, #tpu.memory_space<hbm>>) target(%arg7 : memref<8x2048xf32, #tpu.memory_space<vmem>>) target_semaphore(%arg10 : memref<!tpu.dma_semaphore, #tpu.memory_space<semaphore_mem>>)
    %add3A_599 = arith.constant 304 : i32
    %add3A_600 = arith.addi %add3A_599, %and3A_4 : i32
    %mul3A_601 = arith.constant 2048 : i32
    %mul3A_602 = arith.muli %add3A_600, %mul3A_601 : i32
    %dma_wait3A_603 = arith.constant 0 : i32
    %dma_wait3A_604 = tpu.memref_slice %arg3[%shift_right_logical3A_3, %dma_wait3A_603, %mul3A_570] : memref<4x8x1000000xf32, #tpu.memory_space<hbm>> -> memref<1x8x2048xf32, #tpu.memory_space<hbm>>
    %dma_wait3A_605 = tpu.memref_squeeze %dma_wait3A_604 : memref<1x8x2048xf32, #tpu.memory_space<hbm>> -> memref<8x2048xf32, #tpu.memory_space<hbm>>
    %dma_wait3A_606 = arith.constant 0 : i32
    %dma_wait3A_607 = tpu.memref_slice %arg3[%shift_right_logical3A_3, %dma_wait3A_606, %mul3A_570] : memref<4x8x1000000xf32, #tpu.memory_space<hbm>> -> memref<1x8x2048xf32, #tpu.memory_space<hbm>>
    %dma_wait3A_608 = tpu.memref_squeeze %dma_wait3A_607 : memref<1x8x2048xf32, #tpu.memory_space<hbm>> -> memref<8x2048xf32, #tpu.memory_space<hbm>>
    tpu.wait_dma2 semaphore(%arg9 : memref<!tpu.dma_semaphore, #tpu.memory_space<semaphore_mem>>) src(%dma_wait3A_608 : memref<8x2048xf32, #tpu.memory_space<hbm>>) dst(%arg6 : memref<8x2048xf32, #tpu.memory_space<vmem>>)
    %dma_start3A_609 = arith.constant 0 : i32
    %dma_start3A_610 = tpu.memref_slice %arg3[%shift_right_logical3A_3, %dma_start3A_609, %mul3A_602] : memref<4x8x1000000xf32, #tpu.memory_space<hbm>> -> memref<1x8x2048xf32, #tpu.memory_space<hbm>>
    %dma_start3A_611 = tpu.memref_squeeze %dma_start3A_610 : memref<1x8x2048xf32, #tpu.memory_space<hbm>> -> memref<8x2048xf32, #tpu.memory_space<hbm>>
    %dma_start3A_612 = arith.constant 0 : i32
    %dma_start3A_613 = tpu.memref_slice %arg3[%shift_right_logical3A_3, %dma_start3A_612, %mul3A_602] : memref<4x8x1000000xf32, #tpu.memory_space<hbm>> -> memref<1x8x2048xf32, #tpu.memory_space<hbm>>
    %dma_start3A_614 = tpu.memref_squeeze %dma_start3A_613 : memref<1x8x2048xf32, #tpu.memory_space<hbm>> -> memref<8x2048xf32, #tpu.memory_space<hbm>>
    tpu.enqueue_dma source(%dma_start3A_614 : memref<8x2048xf32, #tpu.memory_space<hbm>>) target(%arg6 : memref<8x2048xf32, #tpu.memory_space<vmem>>) target_semaphore(%arg9 : memref<!tpu.dma_semaphore, #tpu.memory_space<semaphore_mem>>)
    %add3A_615 = arith.constant 312 : i32
    %add3A_616 = arith.addi %add3A_615, %and3A_4 : i32
    %mul3A_617 = arith.constant 2048 : i32
    %mul3A_618 = arith.muli %add3A_616, %mul3A_617 : i32
    %dma_wait3A_619 = arith.constant 0 : i32
    %dma_wait3A_620 = tpu.memref_slice %arg3[%shift_right_logical3A_3, %dma_wait3A_619, %mul3A_586] : memref<4x8x1000000xf32, #tpu.memory_space<hbm>> -> memref<1x8x2048xf32, #tpu.memory_space<hbm>>
    %dma_wait3A_621 = tpu.memref_squeeze %dma_wait3A_620 : memref<1x8x2048xf32, #tpu.memory_space<hbm>> -> memref<8x2048xf32, #tpu.memory_space<hbm>>
    %dma_wait3A_622 = arith.constant 0 : i32
    %dma_wait3A_623 = tpu.memref_slice %arg3[%shift_right_logical3A_3, %dma_wait3A_622, %mul3A_586] : memref<4x8x1000000xf32, #tpu.memory_space<hbm>> -> memref<1x8x2048xf32, #tpu.memory_space<hbm>>
    %dma_wait3A_624 = tpu.memref_squeeze %dma_wait3A_623 : memref<1x8x2048xf32, #tpu.memory_space<hbm>> -> memref<8x2048xf32, #tpu.memory_space<hbm>>
    tpu.wait_dma2 semaphore(%arg10 : memref<!tpu.dma_semaphore, #tpu.memory_space<semaphore_mem>>) src(%dma_wait3A_624 : memref<8x2048xf32, #tpu.memory_space<hbm>>) dst(%arg7 : memref<8x2048xf32, #tpu.memory_space<vmem>>)
    %dma_start3A_625 = arith.constant 0 : i32
    %dma_start3A_626 = tpu.memref_slice %arg3[%shift_right_logical3A_3, %dma_start3A_625, %mul3A_618] : memref<4x8x1000000xf32, #tpu.memory_space<hbm>> -> memref<1x8x2048xf32, #tpu.memory_space<hbm>>
    %dma_start3A_627 = tpu.memref_squeeze %dma_start3A_626 : memref<1x8x2048xf32, #tpu.memory_space<hbm>> -> memref<8x2048xf32, #tpu.memory_space<hbm>>
    %dma_start3A_628 = arith.constant 0 : i32
    %dma_start3A_629 = tpu.memref_slice %arg3[%shift_right_logical3A_3, %dma_start3A_628, %mul3A_618] : memref<4x8x1000000xf32, #tpu.memory_space<hbm>> -> memref<1x8x2048xf32, #tpu.memory_space<hbm>>
    %dma_start3A_630 = tpu.memref_squeeze %dma_start3A_629 : memref<1x8x2048xf32, #tpu.memory_space<hbm>> -> memref<8x2048xf32, #tpu.memory_space<hbm>>
    tpu.enqueue_dma source(%dma_start3A_630 : memref<8x2048xf32, #tpu.memory_space<hbm>>) target(%arg7 : memref<8x2048xf32, #tpu.memory_space<vmem>>) target_semaphore(%arg10 : memref<!tpu.dma_semaphore, #tpu.memory_space<semaphore_mem>>)
    %add3A_631 = arith.constant 320 : i32
    %add3A_632 = arith.addi %add3A_631, %and3A_4 : i32
    %mul3A_633 = arith.constant 2048 : i32
    %mul3A_634 = arith.muli %add3A_632, %mul3A_633 : i32
    %dma_wait3A_635 = arith.constant 0 : i32
    %dma_wait3A_636 = tpu.memref_slice %arg3[%shift_right_logical3A_3, %dma_wait3A_635, %mul3A_602] : memref<4x8x1000000xf32, #tpu.memory_space<hbm>> -> memref<1x8x2048xf32, #tpu.memory_space<hbm>>
    %dma_wait3A_637 = tpu.memref_squeeze %dma_wait3A_636 : memref<1x8x2048xf32, #tpu.memory_space<hbm>> -> memref<8x2048xf32, #tpu.memory_space<hbm>>
    %dma_wait3A_638 = arith.constant 0 : i32
    %dma_wait3A_639 = tpu.memref_slice %arg3[%shift_right_logical3A_3, %dma_wait3A_638, %mul3A_602] : memref<4x8x1000000xf32, #tpu.memory_space<hbm>> -> memref<1x8x2048xf32, #tpu.memory_space<hbm>>
    %dma_wait3A_640 = tpu.memref_squeeze %dma_wait3A_639 : memref<1x8x2048xf32, #tpu.memory_space<hbm>> -> memref<8x2048xf32, #tpu.memory_space<hbm>>
    tpu.wait_dma2 semaphore(%arg9 : memref<!tpu.dma_semaphore, #tpu.memory_space<semaphore_mem>>) src(%dma_wait3A_640 : memref<8x2048xf32, #tpu.memory_space<hbm>>) dst(%arg6 : memref<8x2048xf32, #tpu.memory_space<vmem>>)
    %dma_start3A_641 = arith.constant 0 : i32
    %dma_start3A_642 = tpu.memref_slice %arg3[%shift_right_logical3A_3, %dma_start3A_641, %mul3A_634] : memref<4x8x1000000xf32, #tpu.memory_space<hbm>> -> memref<1x8x2048xf32, #tpu.memory_space<hbm>>
    %dma_start3A_643 = tpu.memref_squeeze %dma_start3A_642 : memref<1x8x2048xf32, #tpu.memory_space<hbm>> -> memref<8x2048xf32, #tpu.memory_space<hbm>>
    %dma_start3A_644 = arith.constant 0 : i32
    %dma_start3A_645 = tpu.memref_slice %arg3[%shift_right_logical3A_3, %dma_start3A_644, %mul3A_634] : memref<4x8x1000000xf32, #tpu.memory_space<hbm>> -> memref<1x8x2048xf32, #tpu.memory_space<hbm>>
    %dma_start3A_646 = tpu.memref_squeeze %dma_start3A_645 : memref<1x8x2048xf32, #tpu.memory_space<hbm>> -> memref<8x2048xf32, #tpu.memory_space<hbm>>
    tpu.enqueue_dma source(%dma_start3A_646 : memref<8x2048xf32, #tpu.memory_space<hbm>>) target(%arg6 : memref<8x2048xf32, #tpu.memory_space<vmem>>) target_semaphore(%arg9 : memref<!tpu.dma_semaphore, #tpu.memory_space<semaphore_mem>>)
    %add3A_647 = arith.constant 328 : i32
    %add3A_648 = arith.addi %add3A_647, %and3A_4 : i32
    %mul3A_649 = arith.constant 2048 : i32
    %mul3A_650 = arith.muli %add3A_648, %mul3A_649 : i32
    %dma_wait3A_651 = arith.constant 0 : i32
    %dma_wait3A_652 = tpu.memref_slice %arg3[%shift_right_logical3A_3, %dma_wait3A_651, %mul3A_618] : memref<4x8x1000000xf32, #tpu.memory_space<hbm>> -> memref<1x8x2048xf32, #tpu.memory_space<hbm>>
    %dma_wait3A_653 = tpu.memref_squeeze %dma_wait3A_652 : memref<1x8x2048xf32, #tpu.memory_space<hbm>> -> memref<8x2048xf32, #tpu.memory_space<hbm>>
    %dma_wait3A_654 = arith.constant 0 : i32
    %dma_wait3A_655 = tpu.memref_slice %arg3[%shift_right_logical3A_3, %dma_wait3A_654, %mul3A_618] : memref<4x8x1000000xf32, #tpu.memory_space<hbm>> -> memref<1x8x2048xf32, #tpu.memory_space<hbm>>
    %dma_wait3A_656 = tpu.memref_squeeze %dma_wait3A_655 : memref<1x8x2048xf32, #tpu.memory_space<hbm>> -> memref<8x2048xf32, #tpu.memory_space<hbm>>
    tpu.wait_dma2 semaphore(%arg10 : memref<!tpu.dma_semaphore, #tpu.memory_space<semaphore_mem>>) src(%dma_wait3A_656 : memref<8x2048xf32, #tpu.memory_space<hbm>>) dst(%arg7 : memref<8x2048xf32, #tpu.memory_space<vmem>>)
    %dma_start3A_657 = arith.constant 0 : i32
    %dma_start3A_658 = tpu.memref_slice %arg3[%shift_right_logical3A_3, %dma_start3A_657, %mul3A_650] : memref<4x8x1000000xf32, #tpu.memory_space<hbm>> -> memref<1x8x2048xf32, #tpu.memory_space<hbm>>
    %dma_start3A_659 = tpu.memref_squeeze %dma_start3A_658 : memref<1x8x2048xf32, #tpu.memory_space<hbm>> -> memref<8x2048xf32, #tpu.memory_space<hbm>>
    %dma_start3A_660 = arith.constant 0 : i32
    %dma_start3A_661 = tpu.memref_slice %arg3[%shift_right_logical3A_3, %dma_start3A_660, %mul3A_650] : memref<4x8x1000000xf32, #tpu.memory_space<hbm>> -> memref<1x8x2048xf32, #tpu.memory_space<hbm>>
    %dma_start3A_662 = tpu.memref_squeeze %dma_start3A_661 : memref<1x8x2048xf32, #tpu.memory_space<hbm>> -> memref<8x2048xf32, #tpu.memory_space<hbm>>
    tpu.enqueue_dma source(%dma_start3A_662 : memref<8x2048xf32, #tpu.memory_space<hbm>>) target(%arg7 : memref<8x2048xf32, #tpu.memory_space<vmem>>) target_semaphore(%arg10 : memref<!tpu.dma_semaphore, #tpu.memory_space<semaphore_mem>>)
    %add3A_663 = arith.constant 336 : i32
    %add3A_664 = arith.addi %add3A_663, %and3A_4 : i32
    %mul3A_665 = arith.constant 2048 : i32
    %mul3A_666 = arith.muli %add3A_664, %mul3A_665 : i32
    %dma_wait3A_667 = arith.constant 0 : i32
    %dma_wait3A_668 = tpu.memref_slice %arg3[%shift_right_logical3A_3, %dma_wait3A_667, %mul3A_634] : memref<4x8x1000000xf32, #tpu.memory_space<hbm>> -> memref<1x8x2048xf32, #tpu.memory_space<hbm>>
    %dma_wait3A_669 = tpu.memref_squeeze %dma_wait3A_668 : memref<1x8x2048xf32, #tpu.memory_space<hbm>> -> memref<8x2048xf32, #tpu.memory_space<hbm>>
    %dma_wait3A_670 = arith.constant 0 : i32
    %dma_wait3A_671 = tpu.memref_slice %arg3[%shift_right_logical3A_3, %dma_wait3A_670, %mul3A_634] : memref<4x8x1000000xf32, #tpu.memory_space<hbm>> -> memref<1x8x2048xf32, #tpu.memory_space<hbm>>
    %dma_wait3A_672 = tpu.memref_squeeze %dma_wait3A_671 : memref<1x8x2048xf32, #tpu.memory_space<hbm>> -> memref<8x2048xf32, #tpu.memory_space<hbm>>
    tpu.wait_dma2 semaphore(%arg9 : memref<!tpu.dma_semaphore, #tpu.memory_space<semaphore_mem>>) src(%dma_wait3A_672 : memref<8x2048xf32, #tpu.memory_space<hbm>>) dst(%arg6 : memref<8x2048xf32, #tpu.memory_space<vmem>>)
    %dma_start3A_673 = arith.constant 0 : i32
    %dma_start3A_674 = tpu.memref_slice %arg3[%shift_right_logical3A_3, %dma_start3A_673, %mul3A_666] : memref<4x8x1000000xf32, #tpu.memory_space<hbm>> -> memref<1x8x2048xf32, #tpu.memory_space<hbm>>
    %dma_start3A_675 = tpu.memref_squeeze %dma_start3A_674 : memref<1x8x2048xf32, #tpu.memory_space<hbm>> -> memref<8x2048xf32, #tpu.memory_space<hbm>>
    %dma_start3A_676 = arith.constant 0 : i32
    %dma_start3A_677 = tpu.memref_slice %arg3[%shift_right_logical3A_3, %dma_start3A_676, %mul3A_666] : memref<4x8x1000000xf32, #tpu.memory_space<hbm>> -> memref<1x8x2048xf32, #tpu.memory_space<hbm>>
    %dma_start3A_678 = tpu.memref_squeeze %dma_start3A_677 : memref<1x8x2048xf32, #tpu.memory_space<hbm>> -> memref<8x2048xf32, #tpu.memory_space<hbm>>
    tpu.enqueue_dma source(%dma_start3A_678 : memref<8x2048xf32, #tpu.memory_space<hbm>>) target(%arg6 : memref<8x2048xf32, #tpu.memory_space<vmem>>) target_semaphore(%arg9 : memref<!tpu.dma_semaphore, #tpu.memory_space<semaphore_mem>>)
    %add3A_679 = arith.constant 344 : i32
    %add3A_680 = arith.addi %add3A_679, %and3A_4 : i32
    %mul3A_681 = arith.constant 2048 : i32
    %mul3A_682 = arith.muli %add3A_680, %mul3A_681 : i32
    %dma_wait3A_683 = arith.constant 0 : i32
    %dma_wait3A_684 = tpu.memref_slice %arg3[%shift_right_logical3A_3, %dma_wait3A_683, %mul3A_650] : memref<4x8x1000000xf32, #tpu.memory_space<hbm>> -> memref<1x8x2048xf32, #tpu.memory_space<hbm>>
    %dma_wait3A_685 = tpu.memref_squeeze %dma_wait3A_684 : memref<1x8x2048xf32, #tpu.memory_space<hbm>> -> memref<8x2048xf32, #tpu.memory_space<hbm>>
    %dma_wait3A_686 = arith.constant 0 : i32
    %dma_wait3A_687 = tpu.memref_slice %arg3[%shift_right_logical3A_3, %dma_wait3A_686, %mul3A_650] : memref<4x8x1000000xf32, #tpu.memory_space<hbm>> -> memref<1x8x2048xf32, #tpu.memory_space<hbm>>
    %dma_wait3A_688 = tpu.memref_squeeze %dma_wait3A_687 : memref<1x8x2048xf32, #tpu.memory_space<hbm>> -> memref<8x2048xf32, #tpu.memory_space<hbm>>
    tpu.wait_dma2 semaphore(%arg10 : memref<!tpu.dma_semaphore, #tpu.memory_space<semaphore_mem>>) src(%dma_wait3A_688 : memref<8x2048xf32, #tpu.memory_space<hbm>>) dst(%arg7 : memref<8x2048xf32, #tpu.memory_space<vmem>>)
    %dma_start3A_689 = arith.constant 0 : i32
    %dma_start3A_690 = tpu.memref_slice %arg3[%shift_right_logical3A_3, %dma_start3A_689, %mul3A_682] : memref<4x8x1000000xf32, #tpu.memory_space<hbm>> -> memref<1x8x2048xf32, #tpu.memory_space<hbm>>
    %dma_start3A_691 = tpu.memref_squeeze %dma_start3A_690 : memref<1x8x2048xf32, #tpu.memory_space<hbm>> -> memref<8x2048xf32, #tpu.memory_space<hbm>>
    %dma_start3A_692 = arith.constant 0 : i32
    %dma_start3A_693 = tpu.memref_slice %arg3[%shift_right_logical3A_3, %dma_start3A_692, %mul3A_682] : memref<4x8x1000000xf32, #tpu.memory_space<hbm>> -> memref<1x8x2048xf32, #tpu.memory_space<hbm>>
    %dma_start3A_694 = tpu.memref_squeeze %dma_start3A_693 : memref<1x8x2048xf32, #tpu.memory_space<hbm>> -> memref<8x2048xf32, #tpu.memory_space<hbm>>
    tpu.enqueue_dma source(%dma_start3A_694 : memref<8x2048xf32, #tpu.memory_space<hbm>>) target(%arg7 : memref<8x2048xf32, #tpu.memory_space<vmem>>) target_semaphore(%arg10 : memref<!tpu.dma_semaphore, #tpu.memory_space<semaphore_mem>>)
    %add3A_695 = arith.constant 352 : i32
    %add3A_696 = arith.addi %add3A_695, %and3A_4 : i32
    %mul3A_697 = arith.constant 2048 : i32
    %mul3A_698 = arith.muli %add3A_696, %mul3A_697 : i32
    %dma_wait3A_699 = arith.constant 0 : i32
    %dma_wait3A_700 = tpu.memref_slice %arg3[%shift_right_logical3A_3, %dma_wait3A_699, %mul3A_666] : memref<4x8x1000000xf32, #tpu.memory_space<hbm>> -> memref<1x8x2048xf32, #tpu.memory_space<hbm>>
    %dma_wait3A_701 = tpu.memref_squeeze %dma_wait3A_700 : memref<1x8x2048xf32, #tpu.memory_space<hbm>> -> memref<8x2048xf32, #tpu.memory_space<hbm>>
    %dma_wait3A_702 = arith.constant 0 : i32
    %dma_wait3A_703 = tpu.memref_slice %arg3[%shift_right_logical3A_3, %dma_wait3A_702, %mul3A_666] : memref<4x8x1000000xf32, #tpu.memory_space<hbm>> -> memref<1x8x2048xf32, #tpu.memory_space<hbm>>
    %dma_wait3A_704 = tpu.memref_squeeze %dma_wait3A_703 : memref<1x8x2048xf32, #tpu.memory_space<hbm>> -> memref<8x2048xf32, #tpu.memory_space<hbm>>
    tpu.wait_dma2 semaphore(%arg9 : memref<!tpu.dma_semaphore, #tpu.memory_space<semaphore_mem>>) src(%dma_wait3A_704 : memref<8x2048xf32, #tpu.memory_space<hbm>>) dst(%arg6 : memref<8x2048xf32, #tpu.memory_space<vmem>>)
    %dma_start3A_705 = arith.constant 0 : i32
    %dma_start3A_706 = tpu.memref_slice %arg3[%shift_right_logical3A_3, %dma_start3A_705, %mul3A_698] : memref<4x8x1000000xf32, #tpu.memory_space<hbm>> -> memref<1x8x2048xf32, #tpu.memory_space<hbm>>
    %dma_start3A_707 = tpu.memref_squeeze %dma_start3A_706 : memref<1x8x2048xf32, #tpu.memory_space<hbm>> -> memref<8x2048xf32, #tpu.memory_space<hbm>>
    %dma_start3A_708 = arith.constant 0 : i32
    %dma_start3A_709 = tpu.memref_slice %arg3[%shift_right_logical3A_3, %dma_start3A_708, %mul3A_698] : memref<4x8x1000000xf32, #tpu.memory_space<hbm>> -> memref<1x8x2048xf32, #tpu.memory_space<hbm>>
    %dma_start3A_710 = tpu.memref_squeeze %dma_start3A_709 : memref<1x8x2048xf32, #tpu.memory_space<hbm>> -> memref<8x2048xf32, #tpu.memory_space<hbm>>
    tpu.enqueue_dma source(%dma_start3A_710 : memref<8x2048xf32, #tpu.memory_space<hbm>>) target(%arg6 : memref<8x2048xf32, #tpu.memory_space<vmem>>) target_semaphore(%arg9 : memref<!tpu.dma_semaphore, #tpu.memory_space<semaphore_mem>>)
    %add3A_711 = arith.constant 360 : i32
    %add3A_712 = arith.addi %add3A_711, %and3A_4 : i32
    %mul3A_713 = arith.constant 2048 : i32
    %mul3A_714 = arith.muli %add3A_712, %mul3A_713 : i32
    %dma_wait3A_715 = arith.constant 0 : i32
    %dma_wait3A_716 = tpu.memref_slice %arg3[%shift_right_logical3A_3, %dma_wait3A_715, %mul3A_682] : memref<4x8x1000000xf32, #tpu.memory_space<hbm>> -> memref<1x8x2048xf32, #tpu.memory_space<hbm>>
    %dma_wait3A_717 = tpu.memref_squeeze %dma_wait3A_716 : memref<1x8x2048xf32, #tpu.memory_space<hbm>> -> memref<8x2048xf32, #tpu.memory_space<hbm>>
    %dma_wait3A_718 = arith.constant 0 : i32
    %dma_wait3A_719 = tpu.memref_slice %arg3[%shift_right_logical3A_3, %dma_wait3A_718, %mul3A_682] : memref<4x8x1000000xf32, #tpu.memory_space<hbm>> -> memref<1x8x2048xf32, #tpu.memory_space<hbm>>
    %dma_wait3A_720 = tpu.memref_squeeze %dma_wait3A_719 : memref<1x8x2048xf32, #tpu.memory_space<hbm>> -> memref<8x2048xf32, #tpu.memory_space<hbm>>
    tpu.wait_dma2 semaphore(%arg10 : memref<!tpu.dma_semaphore, #tpu.memory_space<semaphore_mem>>) src(%dma_wait3A_720 : memref<8x2048xf32, #tpu.memory_space<hbm>>) dst(%arg7 : memref<8x2048xf32, #tpu.memory_space<vmem>>)
    %dma_start3A_721 = arith.constant 0 : i32
    %dma_start3A_722 = tpu.memref_slice %arg3[%shift_right_logical3A_3, %dma_start3A_721, %mul3A_714] : memref<4x8x1000000xf32, #tpu.memory_space<hbm>> -> memref<1x8x2048xf32, #tpu.memory_space<hbm>>
    %dma_start3A_723 = tpu.memref_squeeze %dma_start3A_722 : memref<1x8x2048xf32, #tpu.memory_space<hbm>> -> memref<8x2048xf32, #tpu.memory_space<hbm>>
    %dma_start3A_724 = arith.constant 0 : i32
    %dma_start3A_725 = tpu.memref_slice %arg3[%shift_right_logical3A_3, %dma_start3A_724, %mul3A_714] : memref<4x8x1000000xf32, #tpu.memory_space<hbm>> -> memref<1x8x2048xf32, #tpu.memory_space<hbm>>
    %dma_start3A_726 = tpu.memref_squeeze %dma_start3A_725 : memref<1x8x2048xf32, #tpu.memory_space<hbm>> -> memref<8x2048xf32, #tpu.memory_space<hbm>>
    tpu.enqueue_dma source(%dma_start3A_726 : memref<8x2048xf32, #tpu.memory_space<hbm>>) target(%arg7 : memref<8x2048xf32, #tpu.memory_space<vmem>>) target_semaphore(%arg10 : memref<!tpu.dma_semaphore, #tpu.memory_space<semaphore_mem>>)
    %add3A_727 = arith.constant 368 : i32
    %add3A_728 = arith.addi %add3A_727, %and3A_4 : i32
    %mul3A_729 = arith.constant 2048 : i32
    %mul3A_730 = arith.muli %add3A_728, %mul3A_729 : i32
    %dma_wait3A_731 = arith.constant 0 : i32
    %dma_wait3A_732 = tpu.memref_slice %arg3[%shift_right_logical3A_3, %dma_wait3A_731, %mul3A_698] : memref<4x8x1000000xf32, #tpu.memory_space<hbm>> -> memref<1x8x2048xf32, #tpu.memory_space<hbm>>
    %dma_wait3A_733 = tpu.memref_squeeze %dma_wait3A_732 : memref<1x8x2048xf32, #tpu.memory_space<hbm>> -> memref<8x2048xf32, #tpu.memory_space<hbm>>
    %dma_wait3A_734 = arith.constant 0 : i32
    %dma_wait3A_735 = tpu.memref_slice %arg3[%shift_right_logical3A_3, %dma_wait3A_734, %mul3A_698] : memref<4x8x1000000xf32, #tpu.memory_space<hbm>> -> memref<1x8x2048xf32, #tpu.memory_space<hbm>>
    %dma_wait3A_736 = tpu.memref_squeeze %dma_wait3A_735 : memref<1x8x2048xf32, #tpu.memory_space<hbm>> -> memref<8x2048xf32, #tpu.memory_space<hbm>>
    tpu.wait_dma2 semaphore(%arg9 : memref<!tpu.dma_semaphore, #tpu.memory_space<semaphore_mem>>) src(%dma_wait3A_736 : memref<8x2048xf32, #tpu.memory_space<hbm>>) dst(%arg6 : memref<8x2048xf32, #tpu.memory_space<vmem>>)
    %dma_start3A_737 = arith.constant 0 : i32
    %dma_start3A_738 = tpu.memref_slice %arg3[%shift_right_logical3A_3, %dma_start3A_737, %mul3A_730] : memref<4x8x1000000xf32, #tpu.memory_space<hbm>> -> memref<1x8x2048xf32, #tpu.memory_space<hbm>>
    %dma_start3A_739 = tpu.memref_squeeze %dma_start3A_738 : memref<1x8x2048xf32, #tpu.memory_space<hbm>> -> memref<8x2048xf32, #tpu.memory_space<hbm>>
    %dma_start3A_740 = arith.constant 0 : i32
    %dma_start3A_741 = tpu.memref_slice %arg3[%shift_right_logical3A_3, %dma_start3A_740, %mul3A_730] : memref<4x8x1000000xf32, #tpu.memory_space<hbm>> -> memref<1x8x2048xf32, #tpu.memory_space<hbm>>
    %dma_start3A_742 = tpu.memref_squeeze %dma_start3A_741 : memref<1x8x2048xf32, #tpu.memory_space<hbm>> -> memref<8x2048xf32, #tpu.memory_space<hbm>>
    tpu.enqueue_dma source(%dma_start3A_742 : memref<8x2048xf32, #tpu.memory_space<hbm>>) target(%arg6 : memref<8x2048xf32, #tpu.memory_space<vmem>>) target_semaphore(%arg9 : memref<!tpu.dma_semaphore, #tpu.memory_space<semaphore_mem>>)
    %add3A_743 = arith.constant 376 : i32
    %add3A_744 = arith.addi %add3A_743, %and3A_4 : i32
    %mul3A_745 = arith.constant 2048 : i32
    %mul3A_746 = arith.muli %add3A_744, %mul3A_745 : i32
    %dma_wait3A_747 = arith.constant 0 : i32
    %dma_wait3A_748 = tpu.memref_slice %arg3[%shift_right_logical3A_3, %dma_wait3A_747, %mul3A_714] : memref<4x8x1000000xf32, #tpu.memory_space<hbm>> -> memref<1x8x2048xf32, #tpu.memory_space<hbm>>
    %dma_wait3A_749 = tpu.memref_squeeze %dma_wait3A_748 : memref<1x8x2048xf32, #tpu.memory_space<hbm>> -> memref<8x2048xf32, #tpu.memory_space<hbm>>
    %dma_wait3A_750 = arith.constant 0 : i32
    %dma_wait3A_751 = tpu.memref_slice %arg3[%shift_right_logical3A_3, %dma_wait3A_750, %mul3A_714] : memref<4x8x1000000xf32, #tpu.memory_space<hbm>> -> memref<1x8x2048xf32, #tpu.memory_space<hbm>>
    %dma_wait3A_752 = tpu.memref_squeeze %dma_wait3A_751 : memref<1x8x2048xf32, #tpu.memory_space<hbm>> -> memref<8x2048xf32, #tpu.memory_space<hbm>>
    tpu.wait_dma2 semaphore(%arg10 : memref<!tpu.dma_semaphore, #tpu.memory_space<semaphore_mem>>) src(%dma_wait3A_752 : memref<8x2048xf32, #tpu.memory_space<hbm>>) dst(%arg7 : memref<8x2048xf32, #tpu.memory_space<vmem>>)
    %dma_start3A_753 = arith.constant 0 : i32
    %dma_start3A_754 = tpu.memref_slice %arg3[%shift_right_logical3A_3, %dma_start3A_753, %mul3A_746] : memref<4x8x1000000xf32, #tpu.memory_space<hbm>> -> memref<1x8x2048xf32, #tpu.memory_space<hbm>>
    %dma_start3A_755 = tpu.memref_squeeze %dma_start3A_754 : memref<1x8x2048xf32, #tpu.memory_space<hbm>> -> memref<8x2048xf32, #tpu.memory_space<hbm>>
    %dma_start3A_756 = arith.constant 0 : i32
    %dma_start3A_757 = tpu.memref_slice %arg3[%shift_right_logical3A_3, %dma_start3A_756, %mul3A_746] : memref<4x8x1000000xf32, #tpu.memory_space<hbm>> -> memref<1x8x2048xf32, #tpu.memory_space<hbm>>
    %dma_start3A_758 = tpu.memref_squeeze %dma_start3A_757 : memref<1x8x2048xf32, #tpu.memory_space<hbm>> -> memref<8x2048xf32, #tpu.memory_space<hbm>>
    tpu.enqueue_dma source(%dma_start3A_758 : memref<8x2048xf32, #tpu.memory_space<hbm>>) target(%arg7 : memref<8x2048xf32, #tpu.memory_space<vmem>>) target_semaphore(%arg10 : memref<!tpu.dma_semaphore, #tpu.memory_space<semaphore_mem>>)
    %add3A_759 = arith.constant 384 : i32
    %add3A_760 = arith.addi %add3A_759, %and3A_4 : i32
    %mul3A_761 = arith.constant 2048 : i32
    %mul3A_762 = arith.muli %add3A_760, %mul3A_761 : i32
    %dma_wait3A_763 = arith.constant 0 : i32
    %dma_wait3A_764 = tpu.memref_slice %arg3[%shift_right_logical3A_3, %dma_wait3A_763, %mul3A_730] : memref<4x8x1000000xf32, #tpu.memory_space<hbm>> -> memref<1x8x2048xf32, #tpu.memory_space<hbm>>
    %dma_wait3A_765 = tpu.memref_squeeze %dma_wait3A_764 : memref<1x8x2048xf32, #tpu.memory_space<hbm>> -> memref<8x2048xf32, #tpu.memory_space<hbm>>
    %dma_wait3A_766 = arith.constant 0 : i32
    %dma_wait3A_767 = tpu.memref_slice %arg3[%shift_right_logical3A_3, %dma_wait3A_766, %mul3A_730] : memref<4x8x1000000xf32, #tpu.memory_space<hbm>> -> memref<1x8x2048xf32, #tpu.memory_space<hbm>>
    %dma_wait3A_768 = tpu.memref_squeeze %dma_wait3A_767 : memref<1x8x2048xf32, #tpu.memory_space<hbm>> -> memref<8x2048xf32, #tpu.memory_space<hbm>>
    tpu.wait_dma2 semaphore(%arg9 : memref<!tpu.dma_semaphore, #tpu.memory_space<semaphore_mem>>) src(%dma_wait3A_768 : memref<8x2048xf32, #tpu.memory_space<hbm>>) dst(%arg6 : memref<8x2048xf32, #tpu.memory_space<vmem>>)
    %dma_start3A_769 = arith.constant 0 : i32
    %dma_start3A_770 = tpu.memref_slice %arg3[%shift_right_logical3A_3, %dma_start3A_769, %mul3A_762] : memref<4x8x1000000xf32, #tpu.memory_space<hbm>> -> memref<1x8x2048xf32, #tpu.memory_space<hbm>>
    %dma_start3A_771 = tpu.memref_squeeze %dma_start3A_770 : memref<1x8x2048xf32, #tpu.memory_space<hbm>> -> memref<8x2048xf32, #tpu.memory_space<hbm>>
    %dma_start3A_772 = arith.constant 0 : i32
    %dma_start3A_773 = tpu.memref_slice %arg3[%shift_right_logical3A_3, %dma_start3A_772, %mul3A_762] : memref<4x8x1000000xf32, #tpu.memory_space<hbm>> -> memref<1x8x2048xf32, #tpu.memory_space<hbm>>
    %dma_start3A_774 = tpu.memref_squeeze %dma_start3A_773 : memref<1x8x2048xf32, #tpu.memory_space<hbm>> -> memref<8x2048xf32, #tpu.memory_space<hbm>>
    tpu.enqueue_dma source(%dma_start3A_774 : memref<8x2048xf32, #tpu.memory_space<hbm>>) target(%arg6 : memref<8x2048xf32, #tpu.memory_space<vmem>>) target_semaphore(%arg9 : memref<!tpu.dma_semaphore, #tpu.memory_space<semaphore_mem>>)
    %add3A_775 = arith.constant 392 : i32
    %add3A_776 = arith.addi %add3A_775, %and3A_4 : i32
    %mul3A_777 = arith.constant 2048 : i32
    %mul3A_778 = arith.muli %add3A_776, %mul3A_777 : i32
    %dma_wait3A_779 = arith.constant 0 : i32
    %dma_wait3A_780 = tpu.memref_slice %arg3[%shift_right_logical3A_3, %dma_wait3A_779, %mul3A_746] : memref<4x8x1000000xf32, #tpu.memory_space<hbm>> -> memref<1x8x2048xf32, #tpu.memory_space<hbm>>
    %dma_wait3A_781 = tpu.memref_squeeze %dma_wait3A_780 : memref<1x8x2048xf32, #tpu.memory_space<hbm>> -> memref<8x2048xf32, #tpu.memory_space<hbm>>
    %dma_wait3A_782 = arith.constant 0 : i32
    %dma_wait3A_783 = tpu.memref_slice %arg3[%shift_right_logical3A_3, %dma_wait3A_782, %mul3A_746] : memref<4x8x1000000xf32, #tpu.memory_space<hbm>> -> memref<1x8x2048xf32, #tpu.memory_space<hbm>>
    %dma_wait3A_784 = tpu.memref_squeeze %dma_wait3A_783 : memref<1x8x2048xf32, #tpu.memory_space<hbm>> -> memref<8x2048xf32, #tpu.memory_space<hbm>>
    tpu.wait_dma2 semaphore(%arg10 : memref<!tpu.dma_semaphore, #tpu.memory_space<semaphore_mem>>) src(%dma_wait3A_784 : memref<8x2048xf32, #tpu.memory_space<hbm>>) dst(%arg7 : memref<8x2048xf32, #tpu.memory_space<vmem>>)
    %dma_start3A_785 = arith.constant 0 : i32
    %dma_start3A_786 = tpu.memref_slice %arg3[%shift_right_logical3A_3, %dma_start3A_785, %mul3A_778] : memref<4x8x1000000xf32, #tpu.memory_space<hbm>> -> memref<1x8x2048xf32, #tpu.memory_space<hbm>>
    %dma_start3A_787 = tpu.memref_squeeze %dma_start3A_786 : memref<1x8x2048xf32, #tpu.memory_space<hbm>> -> memref<8x2048xf32, #tpu.memory_space<hbm>>
    %dma_start3A_788 = arith.constant 0 : i32
    %dma_start3A_789 = tpu.memref_slice %arg3[%shift_right_logical3A_3, %dma_start3A_788, %mul3A_778] : memref<4x8x1000000xf32, #tpu.memory_space<hbm>> -> memref<1x8x2048xf32, #tpu.memory_space<hbm>>
    %dma_start3A_790 = tpu.memref_squeeze %dma_start3A_789 : memref<1x8x2048xf32, #tpu.memory_space<hbm>> -> memref<8x2048xf32, #tpu.memory_space<hbm>>
    tpu.enqueue_dma source(%dma_start3A_790 : memref<8x2048xf32, #tpu.memory_space<hbm>>) target(%arg7 : memref<8x2048xf32, #tpu.memory_space<vmem>>) target_semaphore(%arg10 : memref<!tpu.dma_semaphore, #tpu.memory_space<semaphore_mem>>)
    %add3A_791 = arith.constant 400 : i32
    %add3A_792 = arith.addi %add3A_791, %and3A_4 : i32
    %mul3A_793 = arith.constant 2048 : i32
    %mul3A_794 = arith.muli %add3A_792, %mul3A_793 : i32
    %dma_wait3A_795 = arith.constant 0 : i32
    %dma_wait3A_796 = tpu.memref_slice %arg3[%shift_right_logical3A_3, %dma_wait3A_795, %mul3A_762] : memref<4x8x1000000xf32, #tpu.memory_space<hbm>> -> memref<1x8x2048xf32, #tpu.memory_space<hbm>>
    %dma_wait3A_797 = tpu.memref_squeeze %dma_wait3A_796 : memref<1x8x2048xf32, #tpu.memory_space<hbm>> -> memref<8x2048xf32, #tpu.memory_space<hbm>>
    %dma_wait3A_798 = arith.constant 0 : i32
    %dma_wait3A_799 = tpu.memref_slice %arg3[%shift_right_logical3A_3, %dma_wait3A_798, %mul3A_762] : memref<4x8x1000000xf32, #tpu.memory_space<hbm>> -> memref<1x8x2048xf32, #tpu.memory_space<hbm>>
    %dma_wait3A_800 = tpu.memref_squeeze %dma_wait3A_799 : memref<1x8x2048xf32, #tpu.memory_space<hbm>> -> memref<8x2048xf32, #tpu.memory_space<hbm>>
    tpu.wait_dma2 semaphore(%arg9 : memref<!tpu.dma_semaphore, #tpu.memory_space<semaphore_mem>>) src(%dma_wait3A_800 : memref<8x2048xf32, #tpu.memory_space<hbm>>) dst(%arg6 : memref<8x2048xf32, #tpu.memory_space<vmem>>)
    %dma_start3A_801 = arith.constant 0 : i32
    %dma_start3A_802 = tpu.memref_slice %arg3[%shift_right_logical3A_3, %dma_start3A_801, %mul3A_794] : memref<4x8x1000000xf32, #tpu.memory_space<hbm>> -> memref<1x8x2048xf32, #tpu.memory_space<hbm>>
    %dma_start3A_803 = tpu.memref_squeeze %dma_start3A_802 : memref<1x8x2048xf32, #tpu.memory_space<hbm>> -> memref<8x2048xf32, #tpu.memory_space<hbm>>
    %dma_start3A_804 = arith.constant 0 : i32
    %dma_start3A_805 = tpu.memref_slice %arg3[%shift_right_logical3A_3, %dma_start3A_804, %mul3A_794] : memref<4x8x1000000xf32, #tpu.memory_space<hbm>> -> memref<1x8x2048xf32, #tpu.memory_space<hbm>>
    %dma_start3A_806 = tpu.memref_squeeze %dma_start3A_805 : memref<1x8x2048xf32, #tpu.memory_space<hbm>> -> memref<8x2048xf32, #tpu.memory_space<hbm>>
    tpu.enqueue_dma source(%dma_start3A_806 : memref<8x2048xf32, #tpu.memory_space<hbm>>) target(%arg6 : memref<8x2048xf32, #tpu.memory_space<vmem>>) target_semaphore(%arg9 : memref<!tpu.dma_semaphore, #tpu.memory_space<semaphore_mem>>)
    %add3A_807 = arith.constant 408 : i32
    %add3A_808 = arith.addi %add3A_807, %and3A_4 : i32
    %mul3A_809 = arith.constant 2048 : i32
    %mul3A_810 = arith.muli %add3A_808, %mul3A_809 : i32
    %dma_wait3A_811 = arith.constant 0 : i32
    %dma_wait3A_812 = tpu.memref_slice %arg3[%shift_right_logical3A_3, %dma_wait3A_811, %mul3A_778] : memref<4x8x1000000xf32, #tpu.memory_space<hbm>> -> memref<1x8x2048xf32, #tpu.memory_space<hbm>>
    %dma_wait3A_813 = tpu.memref_squeeze %dma_wait3A_812 : memref<1x8x2048xf32, #tpu.memory_space<hbm>> -> memref<8x2048xf32, #tpu.memory_space<hbm>>
    %dma_wait3A_814 = arith.constant 0 : i32
    %dma_wait3A_815 = tpu.memref_slice %arg3[%shift_right_logical3A_3, %dma_wait3A_814, %mul3A_778] : memref<4x8x1000000xf32, #tpu.memory_space<hbm>> -> memref<1x8x2048xf32, #tpu.memory_space<hbm>>
    %dma_wait3A_816 = tpu.memref_squeeze %dma_wait3A_815 : memref<1x8x2048xf32, #tpu.memory_space<hbm>> -> memref<8x2048xf32, #tpu.memory_space<hbm>>
    tpu.wait_dma2 semaphore(%arg10 : memref<!tpu.dma_semaphore, #tpu.memory_space<semaphore_mem>>) src(%dma_wait3A_816 : memref<8x2048xf32, #tpu.memory_space<hbm>>) dst(%arg7 : memref<8x2048xf32, #tpu.memory_space<vmem>>)
    %dma_start3A_817 = arith.constant 0 : i32
    %dma_start3A_818 = tpu.memref_slice %arg3[%shift_right_logical3A_3, %dma_start3A_817, %mul3A_810] : memref<4x8x1000000xf32, #tpu.memory_space<hbm>> -> memref<1x8x2048xf32, #tpu.memory_space<hbm>>
    %dma_start3A_819 = tpu.memref_squeeze %dma_start3A_818 : memref<1x8x2048xf32, #tpu.memory_space<hbm>> -> memref<8x2048xf32, #tpu.memory_space<hbm>>
    %dma_start3A_820 = arith.constant 0 : i32
    %dma_start3A_821 = tpu.memref_slice %arg3[%shift_right_logical3A_3, %dma_start3A_820, %mul3A_810] : memref<4x8x1000000xf32, #tpu.memory_space<hbm>> -> memref<1x8x2048xf32, #tpu.memory_space<hbm>>
    %dma_start3A_822 = tpu.memref_squeeze %dma_start3A_821 : memref<1x8x2048xf32, #tpu.memory_space<hbm>> -> memref<8x2048xf32, #tpu.memory_space<hbm>>
    tpu.enqueue_dma source(%dma_start3A_822 : memref<8x2048xf32, #tpu.memory_space<hbm>>) target(%arg7 : memref<8x2048xf32, #tpu.memory_space<vmem>>) target_semaphore(%arg10 : memref<!tpu.dma_semaphore, #tpu.memory_space<semaphore_mem>>)
    %add3A_823 = arith.constant 416 : i32
    %add3A_824 = arith.addi %add3A_823, %and3A_4 : i32
    %mul3A_825 = arith.constant 2048 : i32
    %mul3A_826 = arith.muli %add3A_824, %mul3A_825 : i32
    %dma_wait3A_827 = arith.constant 0 : i32
    %dma_wait3A_828 = tpu.memref_slice %arg3[%shift_right_logical3A_3, %dma_wait3A_827, %mul3A_794] : memref<4x8x1000000xf32, #tpu.memory_space<hbm>> -> memref<1x8x2048xf32, #tpu.memory_space<hbm>>
    %dma_wait3A_829 = tpu.memref_squeeze %dma_wait3A_828 : memref<1x8x2048xf32, #tpu.memory_space<hbm>> -> memref<8x2048xf32, #tpu.memory_space<hbm>>
    %dma_wait3A_830 = arith.constant 0 : i32
    %dma_wait3A_831 = tpu.memref_slice %arg3[%shift_right_logical3A_3, %dma_wait3A_830, %mul3A_794] : memref<4x8x1000000xf32, #tpu.memory_space<hbm>> -> memref<1x8x2048xf32, #tpu.memory_space<hbm>>
    %dma_wait3A_832 = tpu.memref_squeeze %dma_wait3A_831 : memref<1x8x2048xf32, #tpu.memory_space<hbm>> -> memref<8x2048xf32, #tpu.memory_space<hbm>>
    tpu.wait_dma2 semaphore(%arg9 : memref<!tpu.dma_semaphore, #tpu.memory_space<semaphore_mem>>) src(%dma_wait3A_832 : memref<8x2048xf32, #tpu.memory_space<hbm>>) dst(%arg6 : memref<8x2048xf32, #tpu.memory_space<vmem>>)
    %dma_start3A_833 = arith.constant 0 : i32
    %dma_start3A_834 = tpu.memref_slice %arg3[%shift_right_logical3A_3, %dma_start3A_833, %mul3A_826] : memref<4x8x1000000xf32, #tpu.memory_space<hbm>> -> memref<1x8x2048xf32, #tpu.memory_space<hbm>>
    %dma_start3A_835 = tpu.memref_squeeze %dma_start3A_834 : memref<1x8x2048xf32, #tpu.memory_space<hbm>> -> memref<8x2048xf32, #tpu.memory_space<hbm>>
    %dma_start3A_836 = arith.constant 0 : i32
    %dma_start3A_837 = tpu.memref_slice %arg3[%shift_right_logical3A_3, %dma_start3A_836, %mul3A_826] : memref<4x8x1000000xf32, #tpu.memory_space<hbm>> -> memref<1x8x2048xf32, #tpu.memory_space<hbm>>
    %dma_start3A_838 = tpu.memref_squeeze %dma_start3A_837 : memref<1x8x2048xf32, #tpu.memory_space<hbm>> -> memref<8x2048xf32, #tpu.memory_space<hbm>>
    tpu.enqueue_dma source(%dma_start3A_838 : memref<8x2048xf32, #tpu.memory_space<hbm>>) target(%arg6 : memref<8x2048xf32, #tpu.memory_space<vmem>>) target_semaphore(%arg9 : memref<!tpu.dma_semaphore, #tpu.memory_space<semaphore_mem>>)
    %add3A_839 = arith.constant 424 : i32
    %add3A_840 = arith.addi %add3A_839, %and3A_4 : i32
    %mul3A_841 = arith.constant 2048 : i32
    %mul3A_842 = arith.muli %add3A_840, %mul3A_841 : i32
    %dma_wait3A_843 = arith.constant 0 : i32
    %dma_wait3A_844 = tpu.memref_slice %arg3[%shift_right_logical3A_3, %dma_wait3A_843, %mul3A_810] : memref<4x8x1000000xf32, #tpu.memory_space<hbm>> -> memref<1x8x2048xf32, #tpu.memory_space<hbm>>
    %dma_wait3A_845 = tpu.memref_squeeze %dma_wait3A_844 : memref<1x8x2048xf32, #tpu.memory_space<hbm>> -> memref<8x2048xf32, #tpu.memory_space<hbm>>
    %dma_wait3A_846 = arith.constant 0 : i32
    %dma_wait3A_847 = tpu.memref_slice %arg3[%shift_right_logical3A_3, %dma_wait3A_846, %mul3A_810] : memref<4x8x1000000xf32, #tpu.memory_space<hbm>> -> memref<1x8x2048xf32, #tpu.memory_space<hbm>>
    %dma_wait3A_848 = tpu.memref_squeeze %dma_wait3A_847 : memref<1x8x2048xf32, #tpu.memory_space<hbm>> -> memref<8x2048xf32, #tpu.memory_space<hbm>>
    tpu.wait_dma2 semaphore(%arg10 : memref<!tpu.dma_semaphore, #tpu.memory_space<semaphore_mem>>) src(%dma_wait3A_848 : memref<8x2048xf32, #tpu.memory_space<hbm>>) dst(%arg7 : memref<8x2048xf32, #tpu.memory_space<vmem>>)
    %dma_start3A_849 = arith.constant 0 : i32
    %dma_start3A_850 = tpu.memref_slice %arg3[%shift_right_logical3A_3, %dma_start3A_849, %mul3A_842] : memref<4x8x1000000xf32, #tpu.memory_space<hbm>> -> memref<1x8x2048xf32, #tpu.memory_space<hbm>>
    %dma_start3A_851 = tpu.memref_squeeze %dma_start3A_850 : memref<1x8x2048xf32, #tpu.memory_space<hbm>> -> memref<8x2048xf32, #tpu.memory_space<hbm>>
    %dma_start3A_852 = arith.constant 0 : i32
    %dma_start3A_853 = tpu.memref_slice %arg3[%shift_right_logical3A_3, %dma_start3A_852, %mul3A_842] : memref<4x8x1000000xf32, #tpu.memory_space<hbm>> -> memref<1x8x2048xf32, #tpu.memory_space<hbm>>
    %dma_start3A_854 = tpu.memref_squeeze %dma_start3A_853 : memref<1x8x2048xf32, #tpu.memory_space<hbm>> -> memref<8x2048xf32, #tpu.memory_space<hbm>>
    tpu.enqueue_dma source(%dma_start3A_854 : memref<8x2048xf32, #tpu.memory_space<hbm>>) target(%arg7 : memref<8x2048xf32, #tpu.memory_space<vmem>>) target_semaphore(%arg10 : memref<!tpu.dma_semaphore, #tpu.memory_space<semaphore_mem>>)
    %add3A_855 = arith.constant 432 : i32
    %add3A_856 = arith.addi %add3A_855, %and3A_4 : i32
    %mul3A_857 = arith.constant 2048 : i32
    %mul3A_858 = arith.muli %add3A_856, %mul3A_857 : i32
    %dma_wait3A_859 = arith.constant 0 : i32
    %dma_wait3A_860 = tpu.memref_slice %arg3[%shift_right_logical3A_3, %dma_wait3A_859, %mul3A_826] : memref<4x8x1000000xf32, #tpu.memory_space<hbm>> -> memref<1x8x2048xf32, #tpu.memory_space<hbm>>
    %dma_wait3A_861 = tpu.memref_squeeze %dma_wait3A_860 : memref<1x8x2048xf32, #tpu.memory_space<hbm>> -> memref<8x2048xf32, #tpu.memory_space<hbm>>
    %dma_wait3A_862 = arith.constant 0 : i32
    %dma_wait3A_863 = tpu.memref_slice %arg3[%shift_right_logical3A_3, %dma_wait3A_862, %mul3A_826] : memref<4x8x1000000xf32, #tpu.memory_space<hbm>> -> memref<1x8x2048xf32, #tpu.memory_space<hbm>>
    %dma_wait3A_864 = tpu.memref_squeeze %dma_wait3A_863 : memref<1x8x2048xf32, #tpu.memory_space<hbm>> -> memref<8x2048xf32, #tpu.memory_space<hbm>>
    tpu.wait_dma2 semaphore(%arg9 : memref<!tpu.dma_semaphore, #tpu.memory_space<semaphore_mem>>) src(%dma_wait3A_864 : memref<8x2048xf32, #tpu.memory_space<hbm>>) dst(%arg6 : memref<8x2048xf32, #tpu.memory_space<vmem>>)
    %dma_start3A_865 = arith.constant 0 : i32
    %dma_start3A_866 = tpu.memref_slice %arg3[%shift_right_logical3A_3, %dma_start3A_865, %mul3A_858] : memref<4x8x1000000xf32, #tpu.memory_space<hbm>> -> memref<1x8x2048xf32, #tpu.memory_space<hbm>>
    %dma_start3A_867 = tpu.memref_squeeze %dma_start3A_866 : memref<1x8x2048xf32, #tpu.memory_space<hbm>> -> memref<8x2048xf32, #tpu.memory_space<hbm>>
    %dma_start3A_868 = arith.constant 0 : i32
    %dma_start3A_869 = tpu.memref_slice %arg3[%shift_right_logical3A_3, %dma_start3A_868, %mul3A_858] : memref<4x8x1000000xf32, #tpu.memory_space<hbm>> -> memref<1x8x2048xf32, #tpu.memory_space<hbm>>
    %dma_start3A_870 = tpu.memref_squeeze %dma_start3A_869 : memref<1x8x2048xf32, #tpu.memory_space<hbm>> -> memref<8x2048xf32, #tpu.memory_space<hbm>>
    tpu.enqueue_dma source(%dma_start3A_870 : memref<8x2048xf32, #tpu.memory_space<hbm>>) target(%arg6 : memref<8x2048xf32, #tpu.memory_space<vmem>>) target_semaphore(%arg9 : memref<!tpu.dma_semaphore, #tpu.memory_space<semaphore_mem>>)
    %add3A_871 = arith.constant 440 : i32
    %add3A_872 = arith.addi %add3A_871, %and3A_4 : i32
    %mul3A_873 = arith.constant 2048 : i32
    %mul3A_874 = arith.muli %add3A_872, %mul3A_873 : i32
    %dma_wait3A_875 = arith.constant 0 : i32
    %dma_wait3A_876 = tpu.memref_slice %arg3[%shift_right_logical3A_3, %dma_wait3A_875, %mul3A_842] : memref<4x8x1000000xf32, #tpu.memory_space<hbm>> -> memref<1x8x2048xf32, #tpu.memory_space<hbm>>
    %dma_wait3A_877 = tpu.memref_squeeze %dma_wait3A_876 : memref<1x8x2048xf32, #tpu.memory_space<hbm>> -> memref<8x2048xf32, #tpu.memory_space<hbm>>
    %dma_wait3A_878 = arith.constant 0 : i32
    %dma_wait3A_879 = tpu.memref_slice %arg3[%shift_right_logical3A_3, %dma_wait3A_878, %mul3A_842] : memref<4x8x1000000xf32, #tpu.memory_space<hbm>> -> memref<1x8x2048xf32, #tpu.memory_space<hbm>>
    %dma_wait3A_880 = tpu.memref_squeeze %dma_wait3A_879 : memref<1x8x2048xf32, #tpu.memory_space<hbm>> -> memref<8x2048xf32, #tpu.memory_space<hbm>>
    tpu.wait_dma2 semaphore(%arg10 : memref<!tpu.dma_semaphore, #tpu.memory_space<semaphore_mem>>) src(%dma_wait3A_880 : memref<8x2048xf32, #tpu.memory_space<hbm>>) dst(%arg7 : memref<8x2048xf32, #tpu.memory_space<vmem>>)
    %dma_start3A_881 = arith.constant 0 : i32
    %dma_start3A_882 = tpu.memref_slice %arg3[%shift_right_logical3A_3, %dma_start3A_881, %mul3A_874] : memref<4x8x1000000xf32, #tpu.memory_space<hbm>> -> memref<1x8x2048xf32, #tpu.memory_space<hbm>>
    %dma_start3A_883 = tpu.memref_squeeze %dma_start3A_882 : memref<1x8x2048xf32, #tpu.memory_space<hbm>> -> memref<8x2048xf32, #tpu.memory_space<hbm>>
    %dma_start3A_884 = arith.constant 0 : i32
    %dma_start3A_885 = tpu.memref_slice %arg3[%shift_right_logical3A_3, %dma_start3A_884, %mul3A_874] : memref<4x8x1000000xf32, #tpu.memory_space<hbm>> -> memref<1x8x2048xf32, #tpu.memory_space<hbm>>
    %dma_start3A_886 = tpu.memref_squeeze %dma_start3A_885 : memref<1x8x2048xf32, #tpu.memory_space<hbm>> -> memref<8x2048xf32, #tpu.memory_space<hbm>>
    tpu.enqueue_dma source(%dma_start3A_886 : memref<8x2048xf32, #tpu.memory_space<hbm>>) target(%arg7 : memref<8x2048xf32, #tpu.memory_space<vmem>>) target_semaphore(%arg10 : memref<!tpu.dma_semaphore, #tpu.memory_space<semaphore_mem>>)
    %add3A_887 = arith.constant 448 : i32
    %add3A_888 = arith.addi %add3A_887, %and3A_4 : i32
    %mul3A_889 = arith.constant 2048 : i32
    %mul3A_890 = arith.muli %add3A_888, %mul3A_889 : i32
    %dma_wait3A_891 = arith.constant 0 : i32
    %dma_wait3A_892 = tpu.memref_slice %arg3[%shift_right_logical3A_3, %dma_wait3A_891, %mul3A_858] : memref<4x8x1000000xf32, #tpu.memory_space<hbm>> -> memref<1x8x2048xf32, #tpu.memory_space<hbm>>
    %dma_wait3A_893 = tpu.memref_squeeze %dma_wait3A_892 : memref<1x8x2048xf32, #tpu.memory_space<hbm>> -> memref<8x2048xf32, #tpu.memory_space<hbm>>
    %dma_wait3A_894 = arith.constant 0 : i32
    %dma_wait3A_895 = tpu.memref_slice %arg3[%shift_right_logical3A_3, %dma_wait3A_894, %mul3A_858] : memref<4x8x1000000xf32, #tpu.memory_space<hbm>> -> memref<1x8x2048xf32, #tpu.memory_space<hbm>>
    %dma_wait3A_896 = tpu.memref_squeeze %dma_wait3A_895 : memref<1x8x2048xf32, #tpu.memory_space<hbm>> -> memref<8x2048xf32, #tpu.memory_space<hbm>>
    tpu.wait_dma2 semaphore(%arg9 : memref<!tpu.dma_semaphore, #tpu.memory_space<semaphore_mem>>) src(%dma_wait3A_896 : memref<8x2048xf32, #tpu.memory_space<hbm>>) dst(%arg6 : memref<8x2048xf32, #tpu.memory_space<vmem>>)
    %dma_start3A_897 = arith.constant 0 : i32
    %dma_start3A_898 = tpu.memref_slice %arg3[%shift_right_logical3A_3, %dma_start3A_897, %mul3A_890] : memref<4x8x1000000xf32, #tpu.memory_space<hbm>> -> memref<1x8x2048xf32, #tpu.memory_space<hbm>>
    %dma_start3A_899 = tpu.memref_squeeze %dma_start3A_898 : memref<1x8x2048xf32, #tpu.memory_space<hbm>> -> memref<8x2048xf32, #tpu.memory_space<hbm>>
    %dma_start3A_900 = arith.constant 0 : i32
    %dma_start3A_901 = tpu.memref_slice %arg3[%shift_right_logical3A_3, %dma_start3A_900, %mul3A_890] : memref<4x8x1000000xf32, #tpu.memory_space<hbm>> -> memref<1x8x2048xf32, #tpu.memory_space<hbm>>
    %dma_start3A_902 = tpu.memref_squeeze %dma_start3A_901 : memref<1x8x2048xf32, #tpu.memory_space<hbm>> -> memref<8x2048xf32, #tpu.memory_space<hbm>>
    tpu.enqueue_dma source(%dma_start3A_902 : memref<8x2048xf32, #tpu.memory_space<hbm>>) target(%arg6 : memref<8x2048xf32, #tpu.memory_space<vmem>>) target_semaphore(%arg9 : memref<!tpu.dma_semaphore, #tpu.memory_space<semaphore_mem>>)
    %add3A_903 = arith.constant 456 : i32
    %add3A_904 = arith.addi %add3A_903, %and3A_4 : i32
    %mul3A_905 = arith.constant 2048 : i32
    %mul3A_906 = arith.muli %add3A_904, %mul3A_905 : i32
    %dma_wait3A_907 = arith.constant 0 : i32
    %dma_wait3A_908 = tpu.memref_slice %arg3[%shift_right_logical3A_3, %dma_wait3A_907, %mul3A_874] : memref<4x8x1000000xf32, #tpu.memory_space<hbm>> -> memref<1x8x2048xf32, #tpu.memory_space<hbm>>
    %dma_wait3A_909 = tpu.memref_squeeze %dma_wait3A_908 : memref<1x8x2048xf32, #tpu.memory_space<hbm>> -> memref<8x2048xf32, #tpu.memory_space<hbm>>
    %dma_wait3A_910 = arith.constant 0 : i32
    %dma_wait3A_911 = tpu.memref_slice %arg3[%shift_right_logical3A_3, %dma_wait3A_910, %mul3A_874] : memref<4x8x1000000xf32, #tpu.memory_space<hbm>> -> memref<1x8x2048xf32, #tpu.memory_space<hbm>>
    %dma_wait3A_912 = tpu.memref_squeeze %dma_wait3A_911 : memref<1x8x2048xf32, #tpu.memory_space<hbm>> -> memref<8x2048xf32, #tpu.memory_space<hbm>>
    tpu.wait_dma2 semaphore(%arg10 : memref<!tpu.dma_semaphore, #tpu.memory_space<semaphore_mem>>) src(%dma_wait3A_912 : memref<8x2048xf32, #tpu.memory_space<hbm>>) dst(%arg7 : memref<8x2048xf32, #tpu.memory_space<vmem>>)
    %dma_start3A_913 = arith.constant 0 : i32
    %dma_start3A_914 = tpu.memref_slice %arg3[%shift_right_logical3A_3, %dma_start3A_913, %mul3A_906] : memref<4x8x1000000xf32, #tpu.memory_space<hbm>> -> memref<1x8x2048xf32, #tpu.memory_space<hbm>>
    %dma_start3A_915 = tpu.memref_squeeze %dma_start3A_914 : memref<1x8x2048xf32, #tpu.memory_space<hbm>> -> memref<8x2048xf32, #tpu.memory_space<hbm>>
    %dma_start3A_916 = arith.constant 0 : i32
    %dma_start3A_917 = tpu.memref_slice %arg3[%shift_right_logical3A_3, %dma_start3A_916, %mul3A_906] : memref<4x8x1000000xf32, #tpu.memory_space<hbm>> -> memref<1x8x2048xf32, #tpu.memory_space<hbm>>
    %dma_start3A_918 = tpu.memref_squeeze %dma_start3A_917 : memref<1x8x2048xf32, #tpu.memory_space<hbm>> -> memref<8x2048xf32, #tpu.memory_space<hbm>>
    tpu.enqueue_dma source(%dma_start3A_918 : memref<8x2048xf32, #tpu.memory_space<hbm>>) target(%arg7 : memref<8x2048xf32, #tpu.memory_space<vmem>>) target_semaphore(%arg10 : memref<!tpu.dma_semaphore, #tpu.memory_space<semaphore_mem>>)
    %add3A_919 = arith.constant 464 : i32
    %add3A_920 = arith.addi %add3A_919, %and3A_4 : i32
    %mul3A_921 = arith.constant 2048 : i32
    %mul3A_922 = arith.muli %add3A_920, %mul3A_921 : i32
    %dma_wait3A_923 = arith.constant 0 : i32
    %dma_wait3A_924 = tpu.memref_slice %arg3[%shift_right_logical3A_3, %dma_wait3A_923, %mul3A_890] : memref<4x8x1000000xf32, #tpu.memory_space<hbm>> -> memref<1x8x2048xf32, #tpu.memory_space<hbm>>
    %dma_wait3A_925 = tpu.memref_squeeze %dma_wait3A_924 : memref<1x8x2048xf32, #tpu.memory_space<hbm>> -> memref<8x2048xf32, #tpu.memory_space<hbm>>
    %dma_wait3A_926 = arith.constant 0 : i32
    %dma_wait3A_927 = tpu.memref_slice %arg3[%shift_right_logical3A_3, %dma_wait3A_926, %mul3A_890] : memref<4x8x1000000xf32, #tpu.memory_space<hbm>> -> memref<1x8x2048xf32, #tpu.memory_space<hbm>>
    %dma_wait3A_928 = tpu.memref_squeeze %dma_wait3A_927 : memref<1x8x2048xf32, #tpu.memory_space<hbm>> -> memref<8x2048xf32, #tpu.memory_space<hbm>>
    tpu.wait_dma2 semaphore(%arg9 : memref<!tpu.dma_semaphore, #tpu.memory_space<semaphore_mem>>) src(%dma_wait3A_928 : memref<8x2048xf32, #tpu.memory_space<hbm>>) dst(%arg6 : memref<8x2048xf32, #tpu.memory_space<vmem>>)
    %dma_start3A_929 = arith.constant 0 : i32
    %dma_start3A_930 = tpu.memref_slice %arg3[%shift_right_logical3A_3, %dma_start3A_929, %mul3A_922] : memref<4x8x1000000xf32, #tpu.memory_space<hbm>> -> memref<1x8x2048xf32, #tpu.memory_space<hbm>>
    %dma_start3A_931 = tpu.memref_squeeze %dma_start3A_930 : memref<1x8x2048xf32, #tpu.memory_space<hbm>> -> memref<8x2048xf32, #tpu.memory_space<hbm>>
    %dma_start3A_932 = arith.constant 0 : i32
    %dma_start3A_933 = tpu.memref_slice %arg3[%shift_right_logical3A_3, %dma_start3A_932, %mul3A_922] : memref<4x8x1000000xf32, #tpu.memory_space<hbm>> -> memref<1x8x2048xf32, #tpu.memory_space<hbm>>
    %dma_start3A_934 = tpu.memref_squeeze %dma_start3A_933 : memref<1x8x2048xf32, #tpu.memory_space<hbm>> -> memref<8x2048xf32, #tpu.memory_space<hbm>>
    tpu.enqueue_dma source(%dma_start3A_934 : memref<8x2048xf32, #tpu.memory_space<hbm>>) target(%arg6 : memref<8x2048xf32, #tpu.memory_space<vmem>>) target_semaphore(%arg9 : memref<!tpu.dma_semaphore, #tpu.memory_space<semaphore_mem>>)
    %add3A_935 = arith.constant 472 : i32
    %add3A_936 = arith.addi %add3A_935, %and3A_4 : i32
    %mul3A_937 = arith.constant 2048 : i32
    %mul3A_938 = arith.muli %add3A_936, %mul3A_937 : i32
    %dma_wait3A_939 = arith.constant 0 : i32
    %dma_wait3A_940 = tpu.memref_slice %arg3[%shift_right_logical3A_3, %dma_wait3A_939, %mul3A_906] : memref<4x8x1000000xf32, #tpu.memory_space<hbm>> -> memref<1x8x2048xf32, #tpu.memory_space<hbm>>
    %dma_wait3A_941 = tpu.memref_squeeze %dma_wait3A_940 : memref<1x8x2048xf32, #tpu.memory_space<hbm>> -> memref<8x2048xf32, #tpu.memory_space<hbm>>
    %dma_wait3A_942 = arith.constant 0 : i32
    %dma_wait3A_943 = tpu.memref_slice %arg3[%shift_right_logical3A_3, %dma_wait3A_942, %mul3A_906] : memref<4x8x1000000xf32, #tpu.memory_space<hbm>> -> memref<1x8x2048xf32, #tpu.memory_space<hbm>>
    %dma_wait3A_944 = tpu.memref_squeeze %dma_wait3A_943 : memref<1x8x2048xf32, #tpu.memory_space<hbm>> -> memref<8x2048xf32, #tpu.memory_space<hbm>>
    tpu.wait_dma2 semaphore(%arg10 : memref<!tpu.dma_semaphore, #tpu.memory_space<semaphore_mem>>) src(%dma_wait3A_944 : memref<8x2048xf32, #tpu.memory_space<hbm>>) dst(%arg7 : memref<8x2048xf32, #tpu.memory_space<vmem>>)
    %dma_start3A_945 = arith.constant 0 : i32
    %dma_start3A_946 = tpu.memref_slice %arg3[%shift_right_logical3A_3, %dma_start3A_945, %mul3A_938] : memref<4x8x1000000xf32, #tpu.memory_space<hbm>> -> memref<1x8x2048xf32, #tpu.memory_space<hbm>>
    %dma_start3A_947 = tpu.memref_squeeze %dma_start3A_946 : memref<1x8x2048xf32, #tpu.memory_space<hbm>> -> memref<8x2048xf32, #tpu.memory_space<hbm>>
    %dma_start3A_948 = arith.constant 0 : i32
    %dma_start3A_949 = tpu.memref_slice %arg3[%shift_right_logical3A_3, %dma_start3A_948, %mul3A_938] : memref<4x8x1000000xf32, #tpu.memory_space<hbm>> -> memref<1x8x2048xf32, #tpu.memory_space<hbm>>
    %dma_start3A_950 = tpu.memref_squeeze %dma_start3A_949 : memref<1x8x2048xf32, #tpu.memory_space<hbm>> -> memref<8x2048xf32, #tpu.memory_space<hbm>>
    tpu.enqueue_dma source(%dma_start3A_950 : memref<8x2048xf32, #tpu.memory_space<hbm>>) target(%arg7 : memref<8x2048xf32, #tpu.memory_space<vmem>>) target_semaphore(%arg10 : memref<!tpu.dma_semaphore, #tpu.memory_space<semaphore_mem>>)
    %add3A_951 = arith.constant 480 : i32
    %add3A_952 = arith.addi %add3A_951, %and3A_4 : i32
    %mul3A_953 = arith.constant 2048 : i32
    %mul3A_954 = arith.muli %add3A_952, %mul3A_953 : i32
    %dma_wait3A_955 = arith.constant 0 : i32
    %dma_wait3A_956 = tpu.memref_slice %arg3[%shift_right_logical3A_3, %dma_wait3A_955, %mul3A_922] : memref<4x8x1000000xf32, #tpu.memory_space<hbm>> -> memref<1x8x2048xf32, #tpu.memory_space<hbm>>
    %dma_wait3A_957 = tpu.memref_squeeze %dma_wait3A_956 : memref<1x8x2048xf32, #tpu.memory_space<hbm>> -> memref<8x2048xf32, #tpu.memory_space<hbm>>
    %dma_wait3A_958 = arith.constant 0 : i32
    %dma_wait3A_959 = tpu.memref_slice %arg3[%shift_right_logical3A_3, %dma_wait3A_958, %mul3A_922] : memref<4x8x1000000xf32, #tpu.memory_space<hbm>> -> memref<1x8x2048xf32, #tpu.memory_space<hbm>>
    %dma_wait3A_960 = tpu.memref_squeeze %dma_wait3A_959 : memref<1x8x2048xf32, #tpu.memory_space<hbm>> -> memref<8x2048xf32, #tpu.memory_space<hbm>>
    tpu.wait_dma2 semaphore(%arg9 : memref<!tpu.dma_semaphore, #tpu.memory_space<semaphore_mem>>) src(%dma_wait3A_960 : memref<8x2048xf32, #tpu.memory_space<hbm>>) dst(%arg6 : memref<8x2048xf32, #tpu.memory_space<vmem>>)
    %dma_start3A_961 = arith.constant 0 : i32
    %dma_start3A_962 = tpu.memref_slice %arg3[%shift_right_logical3A_3, %dma_start3A_961, %mul3A_954] : memref<4x8x1000000xf32, #tpu.memory_space<hbm>> -> memref<1x8x2048xf32, #tpu.memory_space<hbm>>
    %dma_start3A_963 = tpu.memref_squeeze %dma_start3A_962 : memref<1x8x2048xf32, #tpu.memory_space<hbm>> -> memref<8x2048xf32, #tpu.memory_space<hbm>>
    %dma_start3A_964 = arith.constant 0 : i32
    %dma_start3A_965 = tpu.memref_slice %arg3[%shift_right_logical3A_3, %dma_start3A_964, %mul3A_954] : memref<4x8x1000000xf32, #tpu.memory_space<hbm>> -> memref<1x8x2048xf32, #tpu.memory_space<hbm>>
    %dma_start3A_966 = tpu.memref_squeeze %dma_start3A_965 : memref<1x8x2048xf32, #tpu.memory_space<hbm>> -> memref<8x2048xf32, #tpu.memory_space<hbm>>
    tpu.enqueue_dma source(%dma_start3A_966 : memref<8x2048xf32, #tpu.memory_space<hbm>>) target(%arg6 : memref<8x2048xf32, #tpu.memory_space<vmem>>) target_semaphore(%arg9 : memref<!tpu.dma_semaphore, #tpu.memory_space<semaphore_mem>>)
    %add3A_967 = arith.constant 0 : i32
    %add3A_968 = arith.addi %add3A_967, %and3A_4 : i32
    %mul3A_969 = arith.constant 2048 : i32
    %mul3A_970 = arith.muli %add3A_968, %mul3A_969 : i32
    %dma_wait3A_971 = arith.constant 0 : i32
    %dma_wait3A_972 = tpu.memref_slice %arg3[%shift_right_logical3A_3, %dma_wait3A_971, %mul3A_938] : memref<4x8x1000000xf32, #tpu.memory_space<hbm>> -> memref<1x8x2048xf32, #tpu.memory_space<hbm>>
    %dma_wait3A_973 = tpu.memref_squeeze %dma_wait3A_972 : memref<1x8x2048xf32, #tpu.memory_space<hbm>> -> memref<8x2048xf32, #tpu.memory_space<hbm>>
    %dma_wait3A_974 = arith.constant 0 : i32
    %dma_wait3A_975 = tpu.memref_slice %arg3[%shift_right_logical3A_3, %dma_wait3A_974, %mul3A_938] : memref<4x8x1000000xf32, #tpu.memory_space<hbm>> -> memref<1x8x2048xf32, #tpu.memory_space<hbm>>
    %dma_wait3A_976 = tpu.memref_squeeze %dma_wait3A_975 : memref<1x8x2048xf32, #tpu.memory_space<hbm>> -> memref<8x2048xf32, #tpu.memory_space<hbm>>
    tpu.wait_dma2 semaphore(%arg10 : memref<!tpu.dma_semaphore, #tpu.memory_space<semaphore_mem>>) src(%dma_wait3A_976 : memref<8x2048xf32, #tpu.memory_space<hbm>>) dst(%arg7 : memref<8x2048xf32, #tpu.memory_space<vmem>>)
    %dma_start3A_977 = arith.constant 0 : i32
    %dma_start3A_978 = tpu.memref_slice %arg4[%shift_right_logical3A_3, %dma_start3A_977, %mul3A_970] : memref<4x8x1000000xf32, #tpu.memory_space<hbm>> -> memref<1x8x2048xf32, #tpu.memory_space<hbm>>
    %dma_start3A_979 = tpu.memref_squeeze %dma_start3A_978 : memref<1x8x2048xf32, #tpu.memory_space<hbm>> -> memref<8x2048xf32, #tpu.memory_space<hbm>>
    %dma_start3A_980 = arith.constant 0 : i32
    %dma_start3A_981 = tpu.memref_slice %arg4[%shift_right_logical3A_3, %dma_start3A_980, %mul3A_970] : memref<4x8x1000000xf32, #tpu.memory_space<hbm>> -> memref<1x8x2048xf32, #tpu.memory_space<hbm>>
    %dma_start3A_982 = tpu.memref_squeeze %dma_start3A_981 : memref<1x8x2048xf32, #tpu.memory_space<hbm>> -> memref<8x2048xf32, #tpu.memory_space<hbm>>
    tpu.enqueue_dma source(%dma_start3A_982 : memref<8x2048xf32, #tpu.memory_space<hbm>>) target(%arg7 : memref<8x2048xf32, #tpu.memory_space<vmem>>) target_semaphore(%arg10 : memref<!tpu.dma_semaphore, #tpu.memory_space<semaphore_mem>>)
    %add3A_983 = arith.constant 8 : i32
    %add3A_984 = arith.addi %add3A_983, %and3A_4 : i32
    %mul3A_985 = arith.constant 2048 : i32
    %mul3A_986 = arith.muli %add3A_984, %mul3A_985 : i32
    %dma_wait3A_987 = arith.constant 0 : i32
    %dma_wait3A_988 = tpu.memref_slice %arg3[%shift_right_logical3A_3, %dma_wait3A_987, %mul3A_954] : memref<4x8x1000000xf32, #tpu.memory_space<hbm>> -> memref<1x8x2048xf32, #tpu.memory_space<hbm>>
    %dma_wait3A_989 = tpu.memref_squeeze %dma_wait3A_988 : memref<1x8x2048xf32, #tpu.memory_space<hbm>> -> memref<8x2048xf32, #tpu.memory_space<hbm>>
    %dma_wait3A_990 = arith.constant 0 : i32
    %dma_wait3A_991 = tpu.memref_slice %arg3[%shift_right_logical3A_3, %dma_wait3A_990, %mul3A_954] : memref<4x8x1000000xf32, #tpu.memory_space<hbm>> -> memref<1x8x2048xf32, #tpu.memory_space<hbm>>
    %dma_wait3A_992 = tpu.memref_squeeze %dma_wait3A_991 : memref<1x8x2048xf32, #tpu.memory_space<hbm>> -> memref<8x2048xf32, #tpu.memory_space<hbm>>
    tpu.wait_dma2 semaphore(%arg9 : memref<!tpu.dma_semaphore, #tpu.memory_space<semaphore_mem>>) src(%dma_wait3A_992 : memref<8x2048xf32, #tpu.memory_space<hbm>>) dst(%arg6 : memref<8x2048xf32, #tpu.memory_space<vmem>>)
    %dma_start3A_993 = arith.constant 0 : i32
    %dma_start3A_994 = tpu.memref_slice %arg4[%shift_right_logical3A_3, %dma_start3A_993, %mul3A_986] : memref<4x8x1000000xf32, #tpu.memory_space<hbm>> -> memref<1x8x2048xf32, #tpu.memory_space<hbm>>
    %dma_start3A_995 = tpu.memref_squeeze %dma_start3A_994 : memref<1x8x2048xf32, #tpu.memory_space<hbm>> -> memref<8x2048xf32, #tpu.memory_space<hbm>>
    %dma_start3A_996 = arith.constant 0 : i32
    %dma_start3A_997 = tpu.memref_slice %arg4[%shift_right_logical3A_3, %dma_start3A_996, %mul3A_986] : memref<4x8x1000000xf32, #tpu.memory_space<hbm>> -> memref<1x8x2048xf32, #tpu.memory_space<hbm>>
    %dma_start3A_998 = tpu.memref_squeeze %dma_start3A_997 : memref<1x8x2048xf32, #tpu.memory_space<hbm>> -> memref<8x2048xf32, #tpu.memory_space<hbm>>
    tpu.enqueue_dma source(%dma_start3A_998 : memref<8x2048xf32, #tpu.memory_space<hbm>>) target(%arg6 : memref<8x2048xf32, #tpu.memory_space<vmem>>) target_semaphore(%arg9 : memref<!tpu.dma_semaphore, #tpu.memory_space<semaphore_mem>>)
    %add3A_999 = arith.constant 16 : i32
    %add3A_1000 = arith.addi %add3A_999, %and3A_4 : i32
    %mul3A_1001 = arith.constant 2048 : i32
    %mul3A_1002 = arith.muli %add3A_1000, %mul3A_1001 : i32
    %dma_wait3A_1003 = arith.constant 0 : i32
    %dma_wait3A_1004 = tpu.memref_slice %arg4[%shift_right_logical3A_3, %dma_wait3A_1003, %mul3A_970] : memref<4x8x1000000xf32, #tpu.memory_space<hbm>> -> memref<1x8x2048xf32, #tpu.memory_space<hbm>>
    %dma_wait3A_1005 = tpu.memref_squeeze %dma_wait3A_1004 : memref<1x8x2048xf32, #tpu.memory_space<hbm>> -> memref<8x2048xf32, #tpu.memory_space<hbm>>
    %dma_wait3A_1006 = arith.constant 0 : i32
    %dma_wait3A_1007 = tpu.memref_slice %arg4[%shift_right_logical3A_3, %dma_wait3A_1006, %mul3A_970] : memref<4x8x1000000xf32, #tpu.memory_space<hbm>> -> memref<1x8x2048xf32, #tpu.memory_space<hbm>>
    %dma_wait3A_1008 = tpu.memref_squeeze %dma_wait3A_1007 : memref<1x8x2048xf32, #tpu.memory_space<hbm>> -> memref<8x2048xf32, #tpu.memory_space<hbm>>
    tpu.wait_dma2 semaphore(%arg10 : memref<!tpu.dma_semaphore, #tpu.memory_space<semaphore_mem>>) src(%dma_wait3A_1008 : memref<8x2048xf32, #tpu.memory_space<hbm>>) dst(%arg7 : memref<8x2048xf32, #tpu.memory_space<vmem>>)
    %dma_start3A_1009 = arith.constant 0 : i32
    %dma_start3A_1010 = tpu.memref_slice %arg4[%shift_right_logical3A_3, %dma_start3A_1009, %mul3A_1002] : memref<4x8x1000000xf32, #tpu.memory_space<hbm>> -> memref<1x8x2048xf32, #tpu.memory_space<hbm>>
    %dma_start3A_1011 = tpu.memref_squeeze %dma_start3A_1010 : memref<1x8x2048xf32, #tpu.memory_space<hbm>> -> memref<8x2048xf32, #tpu.memory_space<hbm>>
    %dma_start3A_1012 = arith.constant 0 : i32
    %dma_start3A_1013 = tpu.memref_slice %arg4[%shift_right_logical3A_3, %dma_start3A_1012, %mul3A_1002] : memref<4x8x1000000xf32, #tpu.memory_space<hbm>> -> memref<1x8x2048xf32, #tpu.memory_space<hbm>>
    %dma_start3A_1014 = tpu.memref_squeeze %dma_start3A_1013 : memref<1x8x2048xf32, #tpu.memory_space<hbm>> -> memref<8x2048xf32, #tpu.memory_space<hbm>>
    tpu.enqueue_dma source(%dma_start3A_1014 : memref<8x2048xf32, #tpu.memory_space<hbm>>) target(%arg7 : memref<8x2048xf32, #tpu.memory_space<vmem>>) target_semaphore(%arg10 : memref<!tpu.dma_semaphore, #tpu.memory_space<semaphore_mem>>)
    %add3A_1015 = arith.constant 24 : i32
    %add3A_1016 = arith.addi %add3A_1015, %and3A_4 : i32
    %mul3A_1017 = arith.constant 2048 : i32
    %mul3A_1018 = arith.muli %add3A_1016, %mul3A_1017 : i32
    %dma_wait3A_1019 = arith.constant 0 : i32
    %dma_wait3A_1020 = tpu.memref_slice %arg4[%shift_right_logical3A_3, %dma_wait3A_1019, %mul3A_986] : memref<4x8x1000000xf32, #tpu.memory_space<hbm>> -> memref<1x8x2048xf32, #tpu.memory_space<hbm>>
    %dma_wait3A_1021 = tpu.memref_squeeze %dma_wait3A_1020 : memref<1x8x2048xf32, #tpu.memory_space<hbm>> -> memref<8x2048xf32, #tpu.memory_space<hbm>>
    %dma_wait3A_1022 = arith.constant 0 : i32
    %dma_wait3A_1023 = tpu.memref_slice %arg4[%shift_right_logical3A_3, %dma_wait3A_1022, %mul3A_986] : memref<4x8x1000000xf32, #tpu.memory_space<hbm>> -> memref<1x8x2048xf32, #tpu.memory_space<hbm>>
    %dma_wait3A_1024 = tpu.memref_squeeze %dma_wait3A_1023 : memref<1x8x2048xf32, #tpu.memory_space<hbm>> -> memref<8x2048xf32, #tpu.memory_space<hbm>>
    tpu.wait_dma2 semaphore(%arg9 : memref<!tpu.dma_semaphore, #tpu.memory_space<semaphore_mem>>) src(%dma_wait3A_1024 : memref<8x2048xf32, #tpu.memory_space<hbm>>) dst(%arg6 : memref<8x2048xf32, #tpu.memory_space<vmem>>)
    %dma_start3A_1025 = arith.constant 0 : i32
    %dma_start3A_1026 = tpu.memref_slice %arg4[%shift_right_logical3A_3, %dma_start3A_1025, %mul3A_1018] : memref<4x8x1000000xf32, #tpu.memory_space<hbm>> -> memref<1x8x2048xf32, #tpu.memory_space<hbm>>
    %dma_start3A_1027 = tpu.memref_squeeze %dma_start3A_1026 : memref<1x8x2048xf32, #tpu.memory_space<hbm>> -> memref<8x2048xf32, #tpu.memory_space<hbm>>
    %dma_start3A_1028 = arith.constant 0 : i32
    %dma_start3A_1029 = tpu.memref_slice %arg4[%shift_right_logical3A_3, %dma_start3A_1028, %mul3A_1018] : memref<4x8x1000000xf32, #tpu.memory_space<hbm>> -> memref<1x8x2048xf32, #tpu.memory_space<hbm>>
    %dma_start3A_1030 = tpu.memref_squeeze %dma_start3A_1029 : memref<1x8x2048xf32, #tpu.memory_space<hbm>> -> memref<8x2048xf32, #tpu.memory_space<hbm>>
    tpu.enqueue_dma source(%dma_start3A_1030 : memref<8x2048xf32, #tpu.memory_space<hbm>>) target(%arg6 : memref<8x2048xf32, #tpu.memory_space<vmem>>) target_semaphore(%arg9 : memref<!tpu.dma_semaphore, #tpu.memory_space<semaphore_mem>>)
    %add3A_1031 = arith.constant 32 : i32
    %add3A_1032 = arith.addi %add3A_1031, %and3A_4 : i32
    %mul3A_1033 = arith.constant 2048 : i32
    %mul3A_1034 = arith.muli %add3A_1032, %mul3A_1033 : i32
    %dma_wait3A_1035 = arith.constant 0 : i32
    %dma_wait3A_1036 = tpu.memref_slice %arg4[%shift_right_logical3A_3, %dma_wait3A_1035, %mul3A_1002] : memref<4x8x1000000xf32, #tpu.memory_space<hbm>> -> memref<1x8x2048xf32, #tpu.memory_space<hbm>>
    %dma_wait3A_1037 = tpu.memref_squeeze %dma_wait3A_1036 : memref<1x8x2048xf32, #tpu.memory_space<hbm>> -> memref<8x2048xf32, #tpu.memory_space<hbm>>
    %dma_wait3A_1038 = arith.constant 0 : i32
    %dma_wait3A_1039 = tpu.memref_slice %arg4[%shift_right_logical3A_3, %dma_wait3A_1038, %mul3A_1002] : memref<4x8x1000000xf32, #tpu.memory_space<hbm>> -> memref<1x8x2048xf32, #tpu.memory_space<hbm>>
    %dma_wait3A_1040 = tpu.memref_squeeze %dma_wait3A_1039 : memref<1x8x2048xf32, #tpu.memory_space<hbm>> -> memref<8x2048xf32, #tpu.memory_space<hbm>>
    tpu.wait_dma2 semaphore(%arg10 : memref<!tpu.dma_semaphore, #tpu.memory_space<semaphore_mem>>) src(%dma_wait3A_1040 : memref<8x2048xf32, #tpu.memory_space<hbm>>) dst(%arg7 : memref<8x2048xf32, #tpu.memory_space<vmem>>)
    %dma_start3A_1041 = arith.constant 0 : i32
    %dma_start3A_1042 = tpu.memref_slice %arg4[%shift_right_logical3A_3, %dma_start3A_1041, %mul3A_1034] : memref<4x8x1000000xf32, #tpu.memory_space<hbm>> -> memref<1x8x2048xf32, #tpu.memory_space<hbm>>
    %dma_start3A_1043 = tpu.memref_squeeze %dma_start3A_1042 : memref<1x8x2048xf32, #tpu.memory_space<hbm>> -> memref<8x2048xf32, #tpu.memory_space<hbm>>
    %dma_start3A_1044 = arith.constant 0 : i32
    %dma_start3A_1045 = tpu.memref_slice %arg4[%shift_right_logical3A_3, %dma_start3A_1044, %mul3A_1034] : memref<4x8x1000000xf32, #tpu.memory_space<hbm>> -> memref<1x8x2048xf32, #tpu.memory_space<hbm>>
    %dma_start3A_1046 = tpu.memref_squeeze %dma_start3A_1045 : memref<1x8x2048xf32, #tpu.memory_space<hbm>> -> memref<8x2048xf32, #tpu.memory_space<hbm>>
    tpu.enqueue_dma source(%dma_start3A_1046 : memref<8x2048xf32, #tpu.memory_space<hbm>>) target(%arg7 : memref<8x2048xf32, #tpu.memory_space<vmem>>) target_semaphore(%arg10 : memref<!tpu.dma_semaphore, #tpu.memory_space<semaphore_mem>>)
    %add3A_1047 = arith.constant 40 : i32
    %add3A_1048 = arith.addi %add3A_1047, %and3A_4 : i32
    %mul3A_1049 = arith.constant 2048 : i32
    %mul3A_1050 = arith.muli %add3A_1048, %mul3A_1049 : i32
    %dma_wait3A_1051 = arith.constant 0 : i32
    %dma_wait3A_1052 = tpu.memref_slice %arg4[%shift_right_logical3A_3, %dma_wait3A_1051, %mul3A_1018] : memref<4x8x1000000xf32, #tpu.memory_space<hbm>> -> memref<1x8x2048xf32, #tpu.memory_space<hbm>>
    %dma_wait3A_1053 = tpu.memref_squeeze %dma_wait3A_1052 : memref<1x8x2048xf32, #tpu.memory_space<hbm>> -> memref<8x2048xf32, #tpu.memory_space<hbm>>
    %dma_wait3A_1054 = arith.constant 0 : i32
    %dma_wait3A_1055 = tpu.memref_slice %arg4[%shift_right_logical3A_3, %dma_wait3A_1054, %mul3A_1018] : memref<4x8x1000000xf32, #tpu.memory_space<hbm>> -> memref<1x8x2048xf32, #tpu.memory_space<hbm>>
    %dma_wait3A_1056 = tpu.memref_squeeze %dma_wait3A_1055 : memref<1x8x2048xf32, #tpu.memory_space<hbm>> -> memref<8x2048xf32, #tpu.memory_space<hbm>>
    tpu.wait_dma2 semaphore(%arg9 : memref<!tpu.dma_semaphore, #tpu.memory_space<semaphore_mem>>) src(%dma_wait3A_1056 : memref<8x2048xf32, #tpu.memory_space<hbm>>) dst(%arg6 : memref<8x2048xf32, #tpu.memory_space<vmem>>)
    %dma_start3A_1057 = arith.constant 0 : i32
    %dma_start3A_1058 = tpu.memref_slice %arg4[%shift_right_logical3A_3, %dma_start3A_1057, %mul3A_1050] : memref<4x8x1000000xf32, #tpu.memory_space<hbm>> -> memref<1x8x2048xf32, #tpu.memory_space<hbm>>
    %dma_start3A_1059 = tpu.memref_squeeze %dma_start3A_1058 : memref<1x8x2048xf32, #tpu.memory_space<hbm>> -> memref<8x2048xf32, #tpu.memory_space<hbm>>
    %dma_start3A_1060 = arith.constant 0 : i32
    %dma_start3A_1061 = tpu.memref_slice %arg4[%shift_right_logical3A_3, %dma_start3A_1060, %mul3A_1050] : memref<4x8x1000000xf32, #tpu.memory_space<hbm>> -> memref<1x8x2048xf32, #tpu.memory_space<hbm>>
    %dma_start3A_1062 = tpu.memref_squeeze %dma_start3A_1061 : memref<1x8x2048xf32, #tpu.memory_space<hbm>> -> memref<8x2048xf32, #tpu.memory_space<hbm>>
    tpu.enqueue_dma source(%dma_start3A_1062 : memref<8x2048xf32, #tpu.memory_space<hbm>>) target(%arg6 : memref<8x2048xf32, #tpu.memory_space<vmem>>) target_semaphore(%arg9 : memref<!tpu.dma_semaphore, #tpu.memory_space<semaphore_mem>>)
    %add3A_1063 = arith.constant 48 : i32
    %add3A_1064 = arith.addi %add3A_1063, %and3A_4 : i32
    %mul3A_1065 = arith.constant 2048 : i32
    %mul3A_1066 = arith.muli %add3A_1064, %mul3A_1065 : i32
    %dma_wait3A_1067 = arith.constant 0 : i32
    %dma_wait3A_1068 = tpu.memref_slice %arg4[%shift_right_logical3A_3, %dma_wait3A_1067, %mul3A_1034] : memref<4x8x1000000xf32, #tpu.memory_space<hbm>> -> memref<1x8x2048xf32, #tpu.memory_space<hbm>>
    %dma_wait3A_1069 = tpu.memref_squeeze %dma_wait3A_1068 : memref<1x8x2048xf32, #tpu.memory_space<hbm>> -> memref<8x2048xf32, #tpu.memory_space<hbm>>
    %dma_wait3A_1070 = arith.constant 0 : i32
    %dma_wait3A_1071 = tpu.memref_slice %arg4[%shift_right_logical3A_3, %dma_wait3A_1070, %mul3A_1034] : memref<4x8x1000000xf32, #tpu.memory_space<hbm>> -> memref<1x8x2048xf32, #tpu.memory_space<hbm>>
    %dma_wait3A_1072 = tpu.memref_squeeze %dma_wait3A_1071 : memref<1x8x2048xf32, #tpu.memory_space<hbm>> -> memref<8x2048xf32, #tpu.memory_space<hbm>>
    tpu.wait_dma2 semaphore(%arg10 : memref<!tpu.dma_semaphore, #tpu.memory_space<semaphore_mem>>) src(%dma_wait3A_1072 : memref<8x2048xf32, #tpu.memory_space<hbm>>) dst(%arg7 : memref<8x2048xf32, #tpu.memory_space<vmem>>)
    %dma_start3A_1073 = arith.constant 0 : i32
    %dma_start3A_1074 = tpu.memref_slice %arg4[%shift_right_logical3A_3, %dma_start3A_1073, %mul3A_1066] : memref<4x8x1000000xf32, #tpu.memory_space<hbm>> -> memref<1x8x2048xf32, #tpu.memory_space<hbm>>
    %dma_start3A_1075 = tpu.memref_squeeze %dma_start3A_1074 : memref<1x8x2048xf32, #tpu.memory_space<hbm>> -> memref<8x2048xf32, #tpu.memory_space<hbm>>
    %dma_start3A_1076 = arith.constant 0 : i32
    %dma_start3A_1077 = tpu.memref_slice %arg4[%shift_right_logical3A_3, %dma_start3A_1076, %mul3A_1066] : memref<4x8x1000000xf32, #tpu.memory_space<hbm>> -> memref<1x8x2048xf32, #tpu.memory_space<hbm>>
    %dma_start3A_1078 = tpu.memref_squeeze %dma_start3A_1077 : memref<1x8x2048xf32, #tpu.memory_space<hbm>> -> memref<8x2048xf32, #tpu.memory_space<hbm>>
    tpu.enqueue_dma source(%dma_start3A_1078 : memref<8x2048xf32, #tpu.memory_space<hbm>>) target(%arg7 : memref<8x2048xf32, #tpu.memory_space<vmem>>) target_semaphore(%arg10 : memref<!tpu.dma_semaphore, #tpu.memory_space<semaphore_mem>>)
    %add3A_1079 = arith.constant 56 : i32
    %add3A_1080 = arith.addi %add3A_1079, %and3A_4 : i32
    %mul3A_1081 = arith.constant 2048 : i32
    %mul3A_1082 = arith.muli %add3A_1080, %mul3A_1081 : i32
    %dma_wait3A_1083 = arith.constant 0 : i32
    %dma_wait3A_1084 = tpu.memref_slice %arg4[%shift_right_logical3A_3, %dma_wait3A_1083, %mul3A_1050] : memref<4x8x1000000xf32, #tpu.memory_space<hbm>> -> memref<1x8x2048xf32, #tpu.memory_space<hbm>>
    %dma_wait3A_1085 = tpu.memref_squeeze %dma_wait3A_1084 : memref<1x8x2048xf32, #tpu.memory_space<hbm>> -> memref<8x2048xf32, #tpu.memory_space<hbm>>
    %dma_wait3A_1086 = arith.constant 0 : i32
    %dma_wait3A_1087 = tpu.memref_slice %arg4[%shift_right_logical3A_3, %dma_wait3A_1086, %mul3A_1050] : memref<4x8x1000000xf32, #tpu.memory_space<hbm>> -> memref<1x8x2048xf32, #tpu.memory_space<hbm>>
    %dma_wait3A_1088 = tpu.memref_squeeze %dma_wait3A_1087 : memref<1x8x2048xf32, #tpu.memory_space<hbm>> -> memref<8x2048xf32, #tpu.memory_space<hbm>>
    tpu.wait_dma2 semaphore(%arg9 : memref<!tpu.dma_semaphore, #tpu.memory_space<semaphore_mem>>) src(%dma_wait3A_1088 : memref<8x2048xf32, #tpu.memory_space<hbm>>) dst(%arg6 : memref<8x2048xf32, #tpu.memory_space<vmem>>)
    %dma_start3A_1089 = arith.constant 0 : i32
    %dma_start3A_1090 = tpu.memref_slice %arg4[%shift_right_logical3A_3, %dma_start3A_1089, %mul3A_1082] : memref<4x8x1000000xf32, #tpu.memory_space<hbm>> -> memref<1x8x2048xf32, #tpu.memory_space<hbm>>
    %dma_start3A_1091 = tpu.memref_squeeze %dma_start3A_1090 : memref<1x8x2048xf32, #tpu.memory_space<hbm>> -> memref<8x2048xf32, #tpu.memory_space<hbm>>
    %dma_start3A_1092 = arith.constant 0 : i32
    %dma_start3A_1093 = tpu.memref_slice %arg4[%shift_right_logical3A_3, %dma_start3A_1092, %mul3A_1082] : memref<4x8x1000000xf32, #tpu.memory_space<hbm>> -> memref<1x8x2048xf32, #tpu.memory_space<hbm>>
    %dma_start3A_1094 = tpu.memref_squeeze %dma_start3A_1093 : memref<1x8x2048xf32, #tpu.memory_space<hbm>> -> memref<8x2048xf32, #tpu.memory_space<hbm>>
    tpu.enqueue_dma source(%dma_start3A_1094 : memref<8x2048xf32, #tpu.memory_space<hbm>>) target(%arg6 : memref<8x2048xf32, #tpu.memory_space<vmem>>) target_semaphore(%arg9 : memref<!tpu.dma_semaphore, #tpu.memory_space<semaphore_mem>>)
    %add3A_1095 = arith.constant 64 : i32
    %add3A_1096 = arith.addi %add3A_1095, %and3A_4 : i32
    %mul3A_1097 = arith.constant 2048 : i32
    %mul3A_1098 = arith.muli %add3A_1096, %mul3A_1097 : i32
    %dma_wait3A_1099 = arith.constant 0 : i32
    %dma_wait3A_1100 = tpu.memref_slice %arg4[%shift_right_logical3A_3, %dma_wait3A_1099, %mul3A_1066] : memref<4x8x1000000xf32, #tpu.memory_space<hbm>> -> memref<1x8x2048xf32, #tpu.memory_space<hbm>>
    %dma_wait3A_1101 = tpu.memref_squeeze %dma_wait3A_1100 : memref<1x8x2048xf32, #tpu.memory_space<hbm>> -> memref<8x2048xf32, #tpu.memory_space<hbm>>
    %dma_wait3A_1102 = arith.constant 0 : i32
    %dma_wait3A_1103 = tpu.memref_slice %arg4[%shift_right_logical3A_3, %dma_wait3A_1102, %mul3A_1066] : memref<4x8x1000000xf32, #tpu.memory_space<hbm>> -> memref<1x8x2048xf32, #tpu.memory_space<hbm>>
    %dma_wait3A_1104 = tpu.memref_squeeze %dma_wait3A_1103 : memref<1x8x2048xf32, #tpu.memory_space<hbm>> -> memref<8x2048xf32, #tpu.memory_space<hbm>>
    tpu.wait_dma2 semaphore(%arg10 : memref<!tpu.dma_semaphore, #tpu.memory_space<semaphore_mem>>) src(%dma_wait3A_1104 : memref<8x2048xf32, #tpu.memory_space<hbm>>) dst(%arg7 : memref<8x2048xf32, #tpu.memory_space<vmem>>)
    %dma_start3A_1105 = arith.constant 0 : i32
    %dma_start3A_1106 = tpu.memref_slice %arg4[%shift_right_logical3A_3, %dma_start3A_1105, %mul3A_1098] : memref<4x8x1000000xf32, #tpu.memory_space<hbm>> -> memref<1x8x2048xf32, #tpu.memory_space<hbm>>
    %dma_start3A_1107 = tpu.memref_squeeze %dma_start3A_1106 : memref<1x8x2048xf32, #tpu.memory_space<hbm>> -> memref<8x2048xf32, #tpu.memory_space<hbm>>
    %dma_start3A_1108 = arith.constant 0 : i32
    %dma_start3A_1109 = tpu.memref_slice %arg4[%shift_right_logical3A_3, %dma_start3A_1108, %mul3A_1098] : memref<4x8x1000000xf32, #tpu.memory_space<hbm>> -> memref<1x8x2048xf32, #tpu.memory_space<hbm>>
    %dma_start3A_1110 = tpu.memref_squeeze %dma_start3A_1109 : memref<1x8x2048xf32, #tpu.memory_space<hbm>> -> memref<8x2048xf32, #tpu.memory_space<hbm>>
    tpu.enqueue_dma source(%dma_start3A_1110 : memref<8x2048xf32, #tpu.memory_space<hbm>>) target(%arg7 : memref<8x2048xf32, #tpu.memory_space<vmem>>) target_semaphore(%arg10 : memref<!tpu.dma_semaphore, #tpu.memory_space<semaphore_mem>>)
    %add3A_1111 = arith.constant 72 : i32
    %add3A_1112 = arith.addi %add3A_1111, %and3A_4 : i32
    %mul3A_1113 = arith.constant 2048 : i32
    %mul3A_1114 = arith.muli %add3A_1112, %mul3A_1113 : i32
    %dma_wait3A_1115 = arith.constant 0 : i32
    %dma_wait3A_1116 = tpu.memref_slice %arg4[%shift_right_logical3A_3, %dma_wait3A_1115, %mul3A_1082] : memref<4x8x1000000xf32, #tpu.memory_space<hbm>> -> memref<1x8x2048xf32, #tpu.memory_space<hbm>>
    %dma_wait3A_1117 = tpu.memref_squeeze %dma_wait3A_1116 : memref<1x8x2048xf32, #tpu.memory_space<hbm>> -> memref<8x2048xf32, #tpu.memory_space<hbm>>
    %dma_wait3A_1118 = arith.constant 0 : i32
    %dma_wait3A_1119 = tpu.memref_slice %arg4[%shift_right_logical3A_3, %dma_wait3A_1118, %mul3A_1082] : memref<4x8x1000000xf32, #tpu.memory_space<hbm>> -> memref<1x8x2048xf32, #tpu.memory_space<hbm>>
    %dma_wait3A_1120 = tpu.memref_squeeze %dma_wait3A_1119 : memref<1x8x2048xf32, #tpu.memory_space<hbm>> -> memref<8x2048xf32, #tpu.memory_space<hbm>>
    tpu.wait_dma2 semaphore(%arg9 : memref<!tpu.dma_semaphore, #tpu.memory_space<semaphore_mem>>) src(%dma_wait3A_1120 : memref<8x2048xf32, #tpu.memory_space<hbm>>) dst(%arg6 : memref<8x2048xf32, #tpu.memory_space<vmem>>)
    %dma_start3A_1121 = arith.constant 0 : i32
    %dma_start3A_1122 = tpu.memref_slice %arg4[%shift_right_logical3A_3, %dma_start3A_1121, %mul3A_1114] : memref<4x8x1000000xf32, #tpu.memory_space<hbm>> -> memref<1x8x2048xf32, #tpu.memory_space<hbm>>
    %dma_start3A_1123 = tpu.memref_squeeze %dma_start3A_1122 : memref<1x8x2048xf32, #tpu.memory_space<hbm>> -> memref<8x2048xf32, #tpu.memory_space<hbm>>
    %dma_start3A_1124 = arith.constant 0 : i32
    %dma_start3A_1125 = tpu.memref_slice %arg4[%shift_right_logical3A_3, %dma_start3A_1124, %mul3A_1114] : memref<4x8x1000000xf32, #tpu.memory_space<hbm>> -> memref<1x8x2048xf32, #tpu.memory_space<hbm>>
    %dma_start3A_1126 = tpu.memref_squeeze %dma_start3A_1125 : memref<1x8x2048xf32, #tpu.memory_space<hbm>> -> memref<8x2048xf32, #tpu.memory_space<hbm>>
    tpu.enqueue_dma source(%dma_start3A_1126 : memref<8x2048xf32, #tpu.memory_space<hbm>>) target(%arg6 : memref<8x2048xf32, #tpu.memory_space<vmem>>) target_semaphore(%arg9 : memref<!tpu.dma_semaphore, #tpu.memory_space<semaphore_mem>>)
    %add3A_1127 = arith.constant 80 : i32
    %add3A_1128 = arith.addi %add3A_1127, %and3A_4 : i32
    %mul3A_1129 = arith.constant 2048 : i32
    %mul3A_1130 = arith.muli %add3A_1128, %mul3A_1129 : i32
    %dma_wait3A_1131 = arith.constant 0 : i32
    %dma_wait3A_1132 = tpu.memref_slice %arg4[%shift_right_logical3A_3, %dma_wait3A_1131, %mul3A_1098] : memref<4x8x1000000xf32, #tpu.memory_space<hbm>> -> memref<1x8x2048xf32, #tpu.memory_space<hbm>>
    %dma_wait3A_1133 = tpu.memref_squeeze %dma_wait3A_1132 : memref<1x8x2048xf32, #tpu.memory_space<hbm>> -> memref<8x2048xf32, #tpu.memory_space<hbm>>
    %dma_wait3A_1134 = arith.constant 0 : i32
    %dma_wait3A_1135 = tpu.memref_slice %arg4[%shift_right_logical3A_3, %dma_wait3A_1134, %mul3A_1098] : memref<4x8x1000000xf32, #tpu.memory_space<hbm>> -> memref<1x8x2048xf32, #tpu.memory_space<hbm>>
    %dma_wait3A_1136 = tpu.memref_squeeze %dma_wait3A_1135 : memref<1x8x2048xf32, #tpu.memory_space<hbm>> -> memref<8x2048xf32, #tpu.memory_space<hbm>>
    tpu.wait_dma2 semaphore(%arg10 : memref<!tpu.dma_semaphore, #tpu.memory_space<semaphore_mem>>) src(%dma_wait3A_1136 : memref<8x2048xf32, #tpu.memory_space<hbm>>) dst(%arg7 : memref<8x2048xf32, #tpu.memory_space<vmem>>)
    %dma_start3A_1137 = arith.constant 0 : i32
    %dma_start3A_1138 = tpu.memref_slice %arg4[%shift_right_logical3A_3, %dma_start3A_1137, %mul3A_1130] : memref<4x8x1000000xf32, #tpu.memory_space<hbm>> -> memref<1x8x2048xf32, #tpu.memory_space<hbm>>
    %dma_start3A_1139 = tpu.memref_squeeze %dma_start3A_1138 : memref<1x8x2048xf32, #tpu.memory_space<hbm>> -> memref<8x2048xf32, #tpu.memory_space<hbm>>
    %dma_start3A_1140 = arith.constant 0 : i32
    %dma_start3A_1141 = tpu.memref_slice %arg4[%shift_right_logical3A_3, %dma_start3A_1140, %mul3A_1130] : memref<4x8x1000000xf32, #tpu.memory_space<hbm>> -> memref<1x8x2048xf32, #tpu.memory_space<hbm>>
    %dma_start3A_1142 = tpu.memref_squeeze %dma_start3A_1141 : memref<1x8x2048xf32, #tpu.memory_space<hbm>> -> memref<8x2048xf32, #tpu.memory_space<hbm>>
    tpu.enqueue_dma source(%dma_start3A_1142 : memref<8x2048xf32, #tpu.memory_space<hbm>>) target(%arg7 : memref<8x2048xf32, #tpu.memory_space<vmem>>) target_semaphore(%arg10 : memref<!tpu.dma_semaphore, #tpu.memory_space<semaphore_mem>>)
    %add3A_1143 = arith.constant 88 : i32
    %add3A_1144 = arith.addi %add3A_1143, %and3A_4 : i32
    %mul3A_1145 = arith.constant 2048 : i32
    %mul3A_1146 = arith.muli %add3A_1144, %mul3A_1145 : i32
    %dma_wait3A_1147 = arith.constant 0 : i32
    %dma_wait3A_1148 = tpu.memref_slice %arg4[%shift_right_logical3A_3, %dma_wait3A_1147, %mul3A_1114] : memref<4x8x1000000xf32, #tpu.memory_space<hbm>> -> memref<1x8x2048xf32, #tpu.memory_space<hbm>>
    %dma_wait3A_1149 = tpu.memref_squeeze %dma_wait3A_1148 : memref<1x8x2048xf32, #tpu.memory_space<hbm>> -> memref<8x2048xf32, #tpu.memory_space<hbm>>
    %dma_wait3A_1150 = arith.constant 0 : i32
    %dma_wait3A_1151 = tpu.memref_slice %arg4[%shift_right_logical3A_3, %dma_wait3A_1150, %mul3A_1114] : memref<4x8x1000000xf32, #tpu.memory_space<hbm>> -> memref<1x8x2048xf32, #tpu.memory_space<hbm>>
    %dma_wait3A_1152 = tpu.memref_squeeze %dma_wait3A_1151 : memref<1x8x2048xf32, #tpu.memory_space<hbm>> -> memref<8x2048xf32, #tpu.memory_space<hbm>>
    tpu.wait_dma2 semaphore(%arg9 : memref<!tpu.dma_semaphore, #tpu.memory_space<semaphore_mem>>) src(%dma_wait3A_1152 : memref<8x2048xf32, #tpu.memory_space<hbm>>) dst(%arg6 : memref<8x2048xf32, #tpu.memory_space<vmem>>)
    %dma_start3A_1153 = arith.constant 0 : i32
    %dma_start3A_1154 = tpu.memref_slice %arg4[%shift_right_logical3A_3, %dma_start3A_1153, %mul3A_1146] : memref<4x8x1000000xf32, #tpu.memory_space<hbm>> -> memref<1x8x2048xf32, #tpu.memory_space<hbm>>
    %dma_start3A_1155 = tpu.memref_squeeze %dma_start3A_1154 : memref<1x8x2048xf32, #tpu.memory_space<hbm>> -> memref<8x2048xf32, #tpu.memory_space<hbm>>
    %dma_start3A_1156 = arith.constant 0 : i32
    %dma_start3A_1157 = tpu.memref_slice %arg4[%shift_right_logical3A_3, %dma_start3A_1156, %mul3A_1146] : memref<4x8x1000000xf32, #tpu.memory_space<hbm>> -> memref<1x8x2048xf32, #tpu.memory_space<hbm>>
    %dma_start3A_1158 = tpu.memref_squeeze %dma_start3A_1157 : memref<1x8x2048xf32, #tpu.memory_space<hbm>> -> memref<8x2048xf32, #tpu.memory_space<hbm>>
    tpu.enqueue_dma source(%dma_start3A_1158 : memref<8x2048xf32, #tpu.memory_space<hbm>>) target(%arg6 : memref<8x2048xf32, #tpu.memory_space<vmem>>) target_semaphore(%arg9 : memref<!tpu.dma_semaphore, #tpu.memory_space<semaphore_mem>>)
    %add3A_1159 = arith.constant 96 : i32
    %add3A_1160 = arith.addi %add3A_1159, %and3A_4 : i32
    %mul3A_1161 = arith.constant 2048 : i32
    %mul3A_1162 = arith.muli %add3A_1160, %mul3A_1161 : i32
    %dma_wait3A_1163 = arith.constant 0 : i32
    %dma_wait3A_1164 = tpu.memref_slice %arg4[%shift_right_logical3A_3, %dma_wait3A_1163, %mul3A_1130] : memref<4x8x1000000xf32, #tpu.memory_space<hbm>> -> memref<1x8x2048xf32, #tpu.memory_space<hbm>>
    %dma_wait3A_1165 = tpu.memref_squeeze %dma_wait3A_1164 : memref<1x8x2048xf32, #tpu.memory_space<hbm>> -> memref<8x2048xf32, #tpu.memory_space<hbm>>
    %dma_wait3A_1166 = arith.constant 0 : i32
    %dma_wait3A_1167 = tpu.memref_slice %arg4[%shift_right_logical3A_3, %dma_wait3A_1166, %mul3A_1130] : memref<4x8x1000000xf32, #tpu.memory_space<hbm>> -> memref<1x8x2048xf32, #tpu.memory_space<hbm>>
    %dma_wait3A_1168 = tpu.memref_squeeze %dma_wait3A_1167 : memref<1x8x2048xf32, #tpu.memory_space<hbm>> -> memref<8x2048xf32, #tpu.memory_space<hbm>>
    tpu.wait_dma2 semaphore(%arg10 : memref<!tpu.dma_semaphore, #tpu.memory_space<semaphore_mem>>) src(%dma_wait3A_1168 : memref<8x2048xf32, #tpu.memory_space<hbm>>) dst(%arg7 : memref<8x2048xf32, #tpu.memory_space<vmem>>)
    %dma_start3A_1169 = arith.constant 0 : i32
    %dma_start3A_1170 = tpu.memref_slice %arg4[%shift_right_logical3A_3, %dma_start3A_1169, %mul3A_1162] : memref<4x8x1000000xf32, #tpu.memory_space<hbm>> -> memref<1x8x2048xf32, #tpu.memory_space<hbm>>
    %dma_start3A_1171 = tpu.memref_squeeze %dma_start3A_1170 : memref<1x8x2048xf32, #tpu.memory_space<hbm>> -> memref<8x2048xf32, #tpu.memory_space<hbm>>
    %dma_start3A_1172 = arith.constant 0 : i32
    %dma_start3A_1173 = tpu.memref_slice %arg4[%shift_right_logical3A_3, %dma_start3A_1172, %mul3A_1162] : memref<4x8x1000000xf32, #tpu.memory_space<hbm>> -> memref<1x8x2048xf32, #tpu.memory_space<hbm>>
    %dma_start3A_1174 = tpu.memref_squeeze %dma_start3A_1173 : memref<1x8x2048xf32, #tpu.memory_space<hbm>> -> memref<8x2048xf32, #tpu.memory_space<hbm>>
    tpu.enqueue_dma source(%dma_start3A_1174 : memref<8x2048xf32, #tpu.memory_space<hbm>>) target(%arg7 : memref<8x2048xf32, #tpu.memory_space<vmem>>) target_semaphore(%arg10 : memref<!tpu.dma_semaphore, #tpu.memory_space<semaphore_mem>>)
    %add3A_1175 = arith.constant 104 : i32
    %add3A_1176 = arith.addi %add3A_1175, %and3A_4 : i32
    %mul3A_1177 = arith.constant 2048 : i32
    %mul3A_1178 = arith.muli %add3A_1176, %mul3A_1177 : i32
    %dma_wait3A_1179 = arith.constant 0 : i32
    %dma_wait3A_1180 = tpu.memref_slice %arg4[%shift_right_logical3A_3, %dma_wait3A_1179, %mul3A_1146] : memref<4x8x1000000xf32, #tpu.memory_space<hbm>> -> memref<1x8x2048xf32, #tpu.memory_space<hbm>>
    %dma_wait3A_1181 = tpu.memref_squeeze %dma_wait3A_1180 : memref<1x8x2048xf32, #tpu.memory_space<hbm>> -> memref<8x2048xf32, #tpu.memory_space<hbm>>
    %dma_wait3A_1182 = arith.constant 0 : i32
    %dma_wait3A_1183 = tpu.memref_slice %arg4[%shift_right_logical3A_3, %dma_wait3A_1182, %mul3A_1146] : memref<4x8x1000000xf32, #tpu.memory_space<hbm>> -> memref<1x8x2048xf32, #tpu.memory_space<hbm>>
    %dma_wait3A_1184 = tpu.memref_squeeze %dma_wait3A_1183 : memref<1x8x2048xf32, #tpu.memory_space<hbm>> -> memref<8x2048xf32, #tpu.memory_space<hbm>>
    tpu.wait_dma2 semaphore(%arg9 : memref<!tpu.dma_semaphore, #tpu.memory_space<semaphore_mem>>) src(%dma_wait3A_1184 : memref<8x2048xf32, #tpu.memory_space<hbm>>) dst(%arg6 : memref<8x2048xf32, #tpu.memory_space<vmem>>)
    %dma_start3A_1185 = arith.constant 0 : i32
    %dma_start3A_1186 = tpu.memref_slice %arg4[%shift_right_logical3A_3, %dma_start3A_1185, %mul3A_1178] : memref<4x8x1000000xf32, #tpu.memory_space<hbm>> -> memref<1x8x2048xf32, #tpu.memory_space<hbm>>
    %dma_start3A_1187 = tpu.memref_squeeze %dma_start3A_1186 : memref<1x8x2048xf32, #tpu.memory_space<hbm>> -> memref<8x2048xf32, #tpu.memory_space<hbm>>
    %dma_start3A_1188 = arith.constant 0 : i32
    %dma_start3A_1189 = tpu.memref_slice %arg4[%shift_right_logical3A_3, %dma_start3A_1188, %mul3A_1178] : memref<4x8x1000000xf32, #tpu.memory_space<hbm>> -> memref<1x8x2048xf32, #tpu.memory_space<hbm>>
    %dma_start3A_1190 = tpu.memref_squeeze %dma_start3A_1189 : memref<1x8x2048xf32, #tpu.memory_space<hbm>> -> memref<8x2048xf32, #tpu.memory_space<hbm>>
    tpu.enqueue_dma source(%dma_start3A_1190 : memref<8x2048xf32, #tpu.memory_space<hbm>>) target(%arg6 : memref<8x2048xf32, #tpu.memory_space<vmem>>) target_semaphore(%arg9 : memref<!tpu.dma_semaphore, #tpu.memory_space<semaphore_mem>>)
    %add3A_1191 = arith.constant 112 : i32
    %add3A_1192 = arith.addi %add3A_1191, %and3A_4 : i32
    %mul3A_1193 = arith.constant 2048 : i32
    %mul3A_1194 = arith.muli %add3A_1192, %mul3A_1193 : i32
    %dma_wait3A_1195 = arith.constant 0 : i32
    %dma_wait3A_1196 = tpu.memref_slice %arg4[%shift_right_logical3A_3, %dma_wait3A_1195, %mul3A_1162] : memref<4x8x1000000xf32, #tpu.memory_space<hbm>> -> memref<1x8x2048xf32, #tpu.memory_space<hbm>>
    %dma_wait3A_1197 = tpu.memref_squeeze %dma_wait3A_1196 : memref<1x8x2048xf32, #tpu.memory_space<hbm>> -> memref<8x2048xf32, #tpu.memory_space<hbm>>
    %dma_wait3A_1198 = arith.constant 0 : i32
    %dma_wait3A_1199 = tpu.memref_slice %arg4[%shift_right_logical3A_3, %dma_wait3A_1198, %mul3A_1162] : memref<4x8x1000000xf32, #tpu.memory_space<hbm>> -> memref<1x8x2048xf32, #tpu.memory_space<hbm>>
    %dma_wait3A_1200 = tpu.memref_squeeze %dma_wait3A_1199 : memref<1x8x2048xf32, #tpu.memory_space<hbm>> -> memref<8x2048xf32, #tpu.memory_space<hbm>>
    tpu.wait_dma2 semaphore(%arg10 : memref<!tpu.dma_semaphore, #tpu.memory_space<semaphore_mem>>) src(%dma_wait3A_1200 : memref<8x2048xf32, #tpu.memory_space<hbm>>) dst(%arg7 : memref<8x2048xf32, #tpu.memory_space<vmem>>)
    %dma_start3A_1201 = arith.constant 0 : i32
    %dma_start3A_1202 = tpu.memref_slice %arg4[%shift_right_logical3A_3, %dma_start3A_1201, %mul3A_1194] : memref<4x8x1000000xf32, #tpu.memory_space<hbm>> -> memref<1x8x2048xf32, #tpu.memory_space<hbm>>
    %dma_start3A_1203 = tpu.memref_squeeze %dma_start3A_1202 : memref<1x8x2048xf32, #tpu.memory_space<hbm>> -> memref<8x2048xf32, #tpu.memory_space<hbm>>
    %dma_start3A_1204 = arith.constant 0 : i32
    %dma_start3A_1205 = tpu.memref_slice %arg4[%shift_right_logical3A_3, %dma_start3A_1204, %mul3A_1194] : memref<4x8x1000000xf32, #tpu.memory_space<hbm>> -> memref<1x8x2048xf32, #tpu.memory_space<hbm>>
    %dma_start3A_1206 = tpu.memref_squeeze %dma_start3A_1205 : memref<1x8x2048xf32, #tpu.memory_space<hbm>> -> memref<8x2048xf32, #tpu.memory_space<hbm>>
    tpu.enqueue_dma source(%dma_start3A_1206 : memref<8x2048xf32, #tpu.memory_space<hbm>>) target(%arg7 : memref<8x2048xf32, #tpu.memory_space<vmem>>) target_semaphore(%arg10 : memref<!tpu.dma_semaphore, #tpu.memory_space<semaphore_mem>>)
    %add3A_1207 = arith.constant 120 : i32
    %add3A_1208 = arith.addi %add3A_1207, %and3A_4 : i32
    %mul3A_1209 = arith.constant 2048 : i32
    %mul3A_1210 = arith.muli %add3A_1208, %mul3A_1209 : i32
    %dma_wait3A_1211 = arith.constant 0 : i32
    %dma_wait3A_1212 = tpu.memref_slice %arg4[%shift_right_logical3A_3, %dma_wait3A_1211, %mul3A_1178] : memref<4x8x1000000xf32, #tpu.memory_space<hbm>> -> memref<1x8x2048xf32, #tpu.memory_space<hbm>>
    %dma_wait3A_1213 = tpu.memref_squeeze %dma_wait3A_1212 : memref<1x8x2048xf32, #tpu.memory_space<hbm>> -> memref<8x2048xf32, #tpu.memory_space<hbm>>
    %dma_wait3A_1214 = arith.constant 0 : i32
    %dma_wait3A_1215 = tpu.memref_slice %arg4[%shift_right_logical3A_3, %dma_wait3A_1214, %mul3A_1178] : memref<4x8x1000000xf32, #tpu.memory_space<hbm>> -> memref<1x8x2048xf32, #tpu.memory_space<hbm>>
    %dma_wait3A_1216 = tpu.memref_squeeze %dma_wait3A_1215 : memref<1x8x2048xf32, #tpu.memory_space<hbm>> -> memref<8x2048xf32, #tpu.memory_space<hbm>>
    tpu.wait_dma2 semaphore(%arg9 : memref<!tpu.dma_semaphore, #tpu.memory_space<semaphore_mem>>) src(%dma_wait3A_1216 : memref<8x2048xf32, #tpu.memory_space<hbm>>) dst(%arg6 : memref<8x2048xf32, #tpu.memory_space<vmem>>)
    %dma_start3A_1217 = arith.constant 0 : i32
    %dma_start3A_1218 = tpu.memref_slice %arg4[%shift_right_logical3A_3, %dma_start3A_1217, %mul3A_1210] : memref<4x8x1000000xf32, #tpu.memory_space<hbm>> -> memref<1x8x2048xf32, #tpu.memory_space<hbm>>
    %dma_start3A_1219 = tpu.memref_squeeze %dma_start3A_1218 : memref<1x8x2048xf32, #tpu.memory_space<hbm>> -> memref<8x2048xf32, #tpu.memory_space<hbm>>
    %dma_start3A_1220 = arith.constant 0 : i32
    %dma_start3A_1221 = tpu.memref_slice %arg4[%shift_right_logical3A_3, %dma_start3A_1220, %mul3A_1210] : memref<4x8x1000000xf32, #tpu.memory_space<hbm>> -> memref<1x8x2048xf32, #tpu.memory_space<hbm>>
    %dma_start3A_1222 = tpu.memref_squeeze %dma_start3A_1221 : memref<1x8x2048xf32, #tpu.memory_space<hbm>> -> memref<8x2048xf32, #tpu.memory_space<hbm>>
    tpu.enqueue_dma source(%dma_start3A_1222 : memref<8x2048xf32, #tpu.memory_space<hbm>>) target(%arg6 : memref<8x2048xf32, #tpu.memory_space<vmem>>) target_semaphore(%arg9 : memref<!tpu.dma_semaphore, #tpu.memory_space<semaphore_mem>>)
    %add3A_1223 = arith.constant 128 : i32
    %add3A_1224 = arith.addi %add3A_1223, %and3A_4 : i32
    %mul3A_1225 = arith.constant 2048 : i32
    %mul3A_1226 = arith.muli %add3A_1224, %mul3A_1225 : i32
    %dma_wait3A_1227 = arith.constant 0 : i32
    %dma_wait3A_1228 = tpu.memref_slice %arg4[%shift_right_logical3A_3, %dma_wait3A_1227, %mul3A_1194] : memref<4x8x1000000xf32, #tpu.memory_space<hbm>> -> memref<1x8x2048xf32, #tpu.memory_space<hbm>>
    %dma_wait3A_1229 = tpu.memref_squeeze %dma_wait3A_1228 : memref<1x8x2048xf32, #tpu.memory_space<hbm>> -> memref<8x2048xf32, #tpu.memory_space<hbm>>
    %dma_wait3A_1230 = arith.constant 0 : i32
    %dma_wait3A_1231 = tpu.memref_slice %arg4[%shift_right_logical3A_3, %dma_wait3A_1230, %mul3A_1194] : memref<4x8x1000000xf32, #tpu.memory_space<hbm>> -> memref<1x8x2048xf32, #tpu.memory_space<hbm>>
    %dma_wait3A_1232 = tpu.memref_squeeze %dma_wait3A_1231 : memref<1x8x2048xf32, #tpu.memory_space<hbm>> -> memref<8x2048xf32, #tpu.memory_space<hbm>>
    tpu.wait_dma2 semaphore(%arg10 : memref<!tpu.dma_semaphore, #tpu.memory_space<semaphore_mem>>) src(%dma_wait3A_1232 : memref<8x2048xf32, #tpu.memory_space<hbm>>) dst(%arg7 : memref<8x2048xf32, #tpu.memory_space<vmem>>)
    %dma_start3A_1233 = arith.constant 0 : i32
    %dma_start3A_1234 = tpu.memref_slice %arg4[%shift_right_logical3A_3, %dma_start3A_1233, %mul3A_1226] : memref<4x8x1000000xf32, #tpu.memory_space<hbm>> -> memref<1x8x2048xf32, #tpu.memory_space<hbm>>
    %dma_start3A_1235 = tpu.memref_squeeze %dma_start3A_1234 : memref<1x8x2048xf32, #tpu.memory_space<hbm>> -> memref<8x2048xf32, #tpu.memory_space<hbm>>
    %dma_start3A_1236 = arith.constant 0 : i32
    %dma_start3A_1237 = tpu.memref_slice %arg4[%shift_right_logical3A_3, %dma_start3A_1236, %mul3A_1226] : memref<4x8x1000000xf32, #tpu.memory_space<hbm>> -> memref<1x8x2048xf32, #tpu.memory_space<hbm>>
    %dma_start3A_1238 = tpu.memref_squeeze %dma_start3A_1237 : memref<1x8x2048xf32, #tpu.memory_space<hbm>> -> memref<8x2048xf32, #tpu.memory_space<hbm>>
    tpu.enqueue_dma source(%dma_start3A_1238 : memref<8x2048xf32, #tpu.memory_space<hbm>>) target(%arg7 : memref<8x2048xf32, #tpu.memory_space<vmem>>) target_semaphore(%arg10 : memref<!tpu.dma_semaphore, #tpu.memory_space<semaphore_mem>>)
    %add3A_1239 = arith.constant 136 : i32
    %add3A_1240 = arith.addi %add3A_1239, %and3A_4 : i32
    %mul3A_1241 = arith.constant 2048 : i32
    %mul3A_1242 = arith.muli %add3A_1240, %mul3A_1241 : i32
    %dma_wait3A_1243 = arith.constant 0 : i32
    %dma_wait3A_1244 = tpu.memref_slice %arg4[%shift_right_logical3A_3, %dma_wait3A_1243, %mul3A_1210] : memref<4x8x1000000xf32, #tpu.memory_space<hbm>> -> memref<1x8x2048xf32, #tpu.memory_space<hbm>>
    %dma_wait3A_1245 = tpu.memref_squeeze %dma_wait3A_1244 : memref<1x8x2048xf32, #tpu.memory_space<hbm>> -> memref<8x2048xf32, #tpu.memory_space<hbm>>
    %dma_wait3A_1246 = arith.constant 0 : i32
    %dma_wait3A_1247 = tpu.memref_slice %arg4[%shift_right_logical3A_3, %dma_wait3A_1246, %mul3A_1210] : memref<4x8x1000000xf32, #tpu.memory_space<hbm>> -> memref<1x8x2048xf32, #tpu.memory_space<hbm>>
    %dma_wait3A_1248 = tpu.memref_squeeze %dma_wait3A_1247 : memref<1x8x2048xf32, #tpu.memory_space<hbm>> -> memref<8x2048xf32, #tpu.memory_space<hbm>>
    tpu.wait_dma2 semaphore(%arg9 : memref<!tpu.dma_semaphore, #tpu.memory_space<semaphore_mem>>) src(%dma_wait3A_1248 : memref<8x2048xf32, #tpu.memory_space<hbm>>) dst(%arg6 : memref<8x2048xf32, #tpu.memory_space<vmem>>)
    %dma_start3A_1249 = arith.constant 0 : i32
    %dma_start3A_1250 = tpu.memref_slice %arg4[%shift_right_logical3A_3, %dma_start3A_1249, %mul3A_1242] : memref<4x8x1000000xf32, #tpu.memory_space<hbm>> -> memref<1x8x2048xf32, #tpu.memory_space<hbm>>
    %dma_start3A_1251 = tpu.memref_squeeze %dma_start3A_1250 : memref<1x8x2048xf32, #tpu.memory_space<hbm>> -> memref<8x2048xf32, #tpu.memory_space<hbm>>
    %dma_start3A_1252 = arith.constant 0 : i32
    %dma_start3A_1253 = tpu.memref_slice %arg4[%shift_right_logical3A_3, %dma_start3A_1252, %mul3A_1242] : memref<4x8x1000000xf32, #tpu.memory_space<hbm>> -> memref<1x8x2048xf32, #tpu.memory_space<hbm>>
    %dma_start3A_1254 = tpu.memref_squeeze %dma_start3A_1253 : memref<1x8x2048xf32, #tpu.memory_space<hbm>> -> memref<8x2048xf32, #tpu.memory_space<hbm>>
    tpu.enqueue_dma source(%dma_start3A_1254 : memref<8x2048xf32, #tpu.memory_space<hbm>>) target(%arg6 : memref<8x2048xf32, #tpu.memory_space<vmem>>) target_semaphore(%arg9 : memref<!tpu.dma_semaphore, #tpu.memory_space<semaphore_mem>>)
    %add3A_1255 = arith.constant 144 : i32
    %add3A_1256 = arith.addi %add3A_1255, %and3A_4 : i32
    %mul3A_1257 = arith.constant 2048 : i32
    %mul3A_1258 = arith.muli %add3A_1256, %mul3A_1257 : i32
    %dma_wait3A_1259 = arith.constant 0 : i32
    %dma_wait3A_1260 = tpu.memref_slice %arg4[%shift_right_logical3A_3, %dma_wait3A_1259, %mul3A_1226] : memref<4x8x1000000xf32, #tpu.memory_space<hbm>> -> memref<1x8x2048xf32, #tpu.memory_space<hbm>>
    %dma_wait3A_1261 = tpu.memref_squeeze %dma_wait3A_1260 : memref<1x8x2048xf32, #tpu.memory_space<hbm>> -> memref<8x2048xf32, #tpu.memory_space<hbm>>
    %dma_wait3A_1262 = arith.constant 0 : i32
    %dma_wait3A_1263 = tpu.memref_slice %arg4[%shift_right_logical3A_3, %dma_wait3A_1262, %mul3A_1226] : memref<4x8x1000000xf32, #tpu.memory_space<hbm>> -> memref<1x8x2048xf32, #tpu.memory_space<hbm>>
    %dma_wait3A_1264 = tpu.memref_squeeze %dma_wait3A_1263 : memref<1x8x2048xf32, #tpu.memory_space<hbm>> -> memref<8x2048xf32, #tpu.memory_space<hbm>>
    tpu.wait_dma2 semaphore(%arg10 : memref<!tpu.dma_semaphore, #tpu.memory_space<semaphore_mem>>) src(%dma_wait3A_1264 : memref<8x2048xf32, #tpu.memory_space<hbm>>) dst(%arg7 : memref<8x2048xf32, #tpu.memory_space<vmem>>)
    %dma_start3A_1265 = arith.constant 0 : i32
    %dma_start3A_1266 = tpu.memref_slice %arg4[%shift_right_logical3A_3, %dma_start3A_1265, %mul3A_1258] : memref<4x8x1000000xf32, #tpu.memory_space<hbm>> -> memref<1x8x2048xf32, #tpu.memory_space<hbm>>
    %dma_start3A_1267 = tpu.memref_squeeze %dma_start3A_1266 : memref<1x8x2048xf32, #tpu.memory_space<hbm>> -> memref<8x2048xf32, #tpu.memory_space<hbm>>
    %dma_start3A_1268 = arith.constant 0 : i32
    %dma_start3A_1269 = tpu.memref_slice %arg4[%shift_right_logical3A_3, %dma_start3A_1268, %mul3A_1258] : memref<4x8x1000000xf32, #tpu.memory_space<hbm>> -> memref<1x8x2048xf32, #tpu.memory_space<hbm>>
    %dma_start3A_1270 = tpu.memref_squeeze %dma_start3A_1269 : memref<1x8x2048xf32, #tpu.memory_space<hbm>> -> memref<8x2048xf32, #tpu.memory_space<hbm>>
    tpu.enqueue_dma source(%dma_start3A_1270 : memref<8x2048xf32, #tpu.memory_space<hbm>>) target(%arg7 : memref<8x2048xf32, #tpu.memory_space<vmem>>) target_semaphore(%arg10 : memref<!tpu.dma_semaphore, #tpu.memory_space<semaphore_mem>>)
    %add3A_1271 = arith.constant 152 : i32
    %add3A_1272 = arith.addi %add3A_1271, %and3A_4 : i32
    %mul3A_1273 = arith.constant 2048 : i32
    %mul3A_1274 = arith.muli %add3A_1272, %mul3A_1273 : i32
    %dma_wait3A_1275 = arith.constant 0 : i32
    %dma_wait3A_1276 = tpu.memref_slice %arg4[%shift_right_logical3A_3, %dma_wait3A_1275, %mul3A_1242] : memref<4x8x1000000xf32, #tpu.memory_space<hbm>> -> memref<1x8x2048xf32, #tpu.memory_space<hbm>>
    %dma_wait3A_1277 = tpu.memref_squeeze %dma_wait3A_1276 : memref<1x8x2048xf32, #tpu.memory_space<hbm>> -> memref<8x2048xf32, #tpu.memory_space<hbm>>
    %dma_wait3A_1278 = arith.constant 0 : i32
    %dma_wait3A_1279 = tpu.memref_slice %arg4[%shift_right_logical3A_3, %dma_wait3A_1278, %mul3A_1242] : memref<4x8x1000000xf32, #tpu.memory_space<hbm>> -> memref<1x8x2048xf32, #tpu.memory_space<hbm>>
    %dma_wait3A_1280 = tpu.memref_squeeze %dma_wait3A_1279 : memref<1x8x2048xf32, #tpu.memory_space<hbm>> -> memref<8x2048xf32, #tpu.memory_space<hbm>>
    tpu.wait_dma2 semaphore(%arg9 : memref<!tpu.dma_semaphore, #tpu.memory_space<semaphore_mem>>) src(%dma_wait3A_1280 : memref<8x2048xf32, #tpu.memory_space<hbm>>) dst(%arg6 : memref<8x2048xf32, #tpu.memory_space<vmem>>)
    %dma_start3A_1281 = arith.constant 0 : i32
    %dma_start3A_1282 = tpu.memref_slice %arg4[%shift_right_logical3A_3, %dma_start3A_1281, %mul3A_1274] : memref<4x8x1000000xf32, #tpu.memory_space<hbm>> -> memref<1x8x2048xf32, #tpu.memory_space<hbm>>
    %dma_start3A_1283 = tpu.memref_squeeze %dma_start3A_1282 : memref<1x8x2048xf32, #tpu.memory_space<hbm>> -> memref<8x2048xf32, #tpu.memory_space<hbm>>
    %dma_start3A_1284 = arith.constant 0 : i32
    %dma_start3A_1285 = tpu.memref_slice %arg4[%shift_right_logical3A_3, %dma_start3A_1284, %mul3A_1274] : memref<4x8x1000000xf32, #tpu.memory_space<hbm>> -> memref<1x8x2048xf32, #tpu.memory_space<hbm>>
    %dma_start3A_1286 = tpu.memref_squeeze %dma_start3A_1285 : memref<1x8x2048xf32, #tpu.memory_space<hbm>> -> memref<8x2048xf32, #tpu.memory_space<hbm>>
    tpu.enqueue_dma source(%dma_start3A_1286 : memref<8x2048xf32, #tpu.memory_space<hbm>>) target(%arg6 : memref<8x2048xf32, #tpu.memory_space<vmem>>) target_semaphore(%arg9 : memref<!tpu.dma_semaphore, #tpu.memory_space<semaphore_mem>>)
    %add3A_1287 = arith.constant 160 : i32
    %add3A_1288 = arith.addi %add3A_1287, %and3A_4 : i32
    %mul3A_1289 = arith.constant 2048 : i32
    %mul3A_1290 = arith.muli %add3A_1288, %mul3A_1289 : i32
    %dma_wait3A_1291 = arith.constant 0 : i32
    %dma_wait3A_1292 = tpu.memref_slice %arg4[%shift_right_logical3A_3, %dma_wait3A_1291, %mul3A_1258] : memref<4x8x1000000xf32, #tpu.memory_space<hbm>> -> memref<1x8x2048xf32, #tpu.memory_space<hbm>>
    %dma_wait3A_1293 = tpu.memref_squeeze %dma_wait3A_1292 : memref<1x8x2048xf32, #tpu.memory_space<hbm>> -> memref<8x2048xf32, #tpu.memory_space<hbm>>
    %dma_wait3A_1294 = arith.constant 0 : i32
    %dma_wait3A_1295 = tpu.memref_slice %arg4[%shift_right_logical3A_3, %dma_wait3A_1294, %mul3A_1258] : memref<4x8x1000000xf32, #tpu.memory_space<hbm>> -> memref<1x8x2048xf32, #tpu.memory_space<hbm>>
    %dma_wait3A_1296 = tpu.memref_squeeze %dma_wait3A_1295 : memref<1x8x2048xf32, #tpu.memory_space<hbm>> -> memref<8x2048xf32, #tpu.memory_space<hbm>>
    tpu.wait_dma2 semaphore(%arg10 : memref<!tpu.dma_semaphore, #tpu.memory_space<semaphore_mem>>) src(%dma_wait3A_1296 : memref<8x2048xf32, #tpu.memory_space<hbm>>) dst(%arg7 : memref<8x2048xf32, #tpu.memory_space<vmem>>)
    %dma_start3A_1297 = arith.constant 0 : i32
    %dma_start3A_1298 = tpu.memref_slice %arg4[%shift_right_logical3A_3, %dma_start3A_1297, %mul3A_1290] : memref<4x8x1000000xf32, #tpu.memory_space<hbm>> -> memref<1x8x2048xf32, #tpu.memory_space<hbm>>
    %dma_start3A_1299 = tpu.memref_squeeze %dma_start3A_1298 : memref<1x8x2048xf32, #tpu.memory_space<hbm>> -> memref<8x2048xf32, #tpu.memory_space<hbm>>
    %dma_start3A_1300 = arith.constant 0 : i32
    %dma_start3A_1301 = tpu.memref_slice %arg4[%shift_right_logical3A_3, %dma_start3A_1300, %mul3A_1290] : memref<4x8x1000000xf32, #tpu.memory_space<hbm>> -> memref<1x8x2048xf32, #tpu.memory_space<hbm>>
    %dma_start3A_1302 = tpu.memref_squeeze %dma_start3A_1301 : memref<1x8x2048xf32, #tpu.memory_space<hbm>> -> memref<8x2048xf32, #tpu.memory_space<hbm>>
    tpu.enqueue_dma source(%dma_start3A_1302 : memref<8x2048xf32, #tpu.memory_space<hbm>>) target(%arg7 : memref<8x2048xf32, #tpu.memory_space<vmem>>) target_semaphore(%arg10 : memref<!tpu.dma_semaphore, #tpu.memory_space<semaphore_mem>>)
    %add3A_1303 = arith.constant 168 : i32
    %add3A_1304 = arith.addi %add3A_1303, %and3A_4 : i32
    %mul3A_1305 = arith.constant 2048 : i32
    %mul3A_1306 = arith.muli %add3A_1304, %mul3A_1305 : i32
    %dma_wait3A_1307 = arith.constant 0 : i32
    %dma_wait3A_1308 = tpu.memref_slice %arg4[%shift_right_logical3A_3, %dma_wait3A_1307, %mul3A_1274] : memref<4x8x1000000xf32, #tpu.memory_space<hbm>> -> memref<1x8x2048xf32, #tpu.memory_space<hbm>>
    %dma_wait3A_1309 = tpu.memref_squeeze %dma_wait3A_1308 : memref<1x8x2048xf32, #tpu.memory_space<hbm>> -> memref<8x2048xf32, #tpu.memory_space<hbm>>
    %dma_wait3A_1310 = arith.constant 0 : i32
    %dma_wait3A_1311 = tpu.memref_slice %arg4[%shift_right_logical3A_3, %dma_wait3A_1310, %mul3A_1274] : memref<4x8x1000000xf32, #tpu.memory_space<hbm>> -> memref<1x8x2048xf32, #tpu.memory_space<hbm>>
    %dma_wait3A_1312 = tpu.memref_squeeze %dma_wait3A_1311 : memref<1x8x2048xf32, #tpu.memory_space<hbm>> -> memref<8x2048xf32, #tpu.memory_space<hbm>>
    tpu.wait_dma2 semaphore(%arg9 : memref<!tpu.dma_semaphore, #tpu.memory_space<semaphore_mem>>) src(%dma_wait3A_1312 : memref<8x2048xf32, #tpu.memory_space<hbm>>) dst(%arg6 : memref<8x2048xf32, #tpu.memory_space<vmem>>)
    %dma_start3A_1313 = arith.constant 0 : i32
    %dma_start3A_1314 = tpu.memref_slice %arg4[%shift_right_logical3A_3, %dma_start3A_1313, %mul3A_1306] : memref<4x8x1000000xf32, #tpu.memory_space<hbm>> -> memref<1x8x2048xf32, #tpu.memory_space<hbm>>
    %dma_start3A_1315 = tpu.memref_squeeze %dma_start3A_1314 : memref<1x8x2048xf32, #tpu.memory_space<hbm>> -> memref<8x2048xf32, #tpu.memory_space<hbm>>
    %dma_start3A_1316 = arith.constant 0 : i32
    %dma_start3A_1317 = tpu.memref_slice %arg4[%shift_right_logical3A_3, %dma_start3A_1316, %mul3A_1306] : memref<4x8x1000000xf32, #tpu.memory_space<hbm>> -> memref<1x8x2048xf32, #tpu.memory_space<hbm>>
    %dma_start3A_1318 = tpu.memref_squeeze %dma_start3A_1317 : memref<1x8x2048xf32, #tpu.memory_space<hbm>> -> memref<8x2048xf32, #tpu.memory_space<hbm>>
    tpu.enqueue_dma source(%dma_start3A_1318 : memref<8x2048xf32, #tpu.memory_space<hbm>>) target(%arg6 : memref<8x2048xf32, #tpu.memory_space<vmem>>) target_semaphore(%arg9 : memref<!tpu.dma_semaphore, #tpu.memory_space<semaphore_mem>>)
    %add3A_1319 = arith.constant 176 : i32
    %add3A_1320 = arith.addi %add3A_1319, %and3A_4 : i32
    %mul3A_1321 = arith.constant 2048 : i32
    %mul3A_1322 = arith.muli %add3A_1320, %mul3A_1321 : i32
    %dma_wait3A_1323 = arith.constant 0 : i32
    %dma_wait3A_1324 = tpu.memref_slice %arg4[%shift_right_logical3A_3, %dma_wait3A_1323, %mul3A_1290] : memref<4x8x1000000xf32, #tpu.memory_space<hbm>> -> memref<1x8x2048xf32, #tpu.memory_space<hbm>>
    %dma_wait3A_1325 = tpu.memref_squeeze %dma_wait3A_1324 : memref<1x8x2048xf32, #tpu.memory_space<hbm>> -> memref<8x2048xf32, #tpu.memory_space<hbm>>
    %dma_wait3A_1326 = arith.constant 0 : i32
    %dma_wait3A_1327 = tpu.memref_slice %arg4[%shift_right_logical3A_3, %dma_wait3A_1326, %mul3A_1290] : memref<4x8x1000000xf32, #tpu.memory_space<hbm>> -> memref<1x8x2048xf32, #tpu.memory_space<hbm>>
    %dma_wait3A_1328 = tpu.memref_squeeze %dma_wait3A_1327 : memref<1x8x2048xf32, #tpu.memory_space<hbm>> -> memref<8x2048xf32, #tpu.memory_space<hbm>>
    tpu.wait_dma2 semaphore(%arg10 : memref<!tpu.dma_semaphore, #tpu.memory_space<semaphore_mem>>) src(%dma_wait3A_1328 : memref<8x2048xf32, #tpu.memory_space<hbm>>) dst(%arg7 : memref<8x2048xf32, #tpu.memory_space<vmem>>)
    %dma_start3A_1329 = arith.constant 0 : i32
    %dma_start3A_1330 = tpu.memref_slice %arg4[%shift_right_logical3A_3, %dma_start3A_1329, %mul3A_1322] : memref<4x8x1000000xf32, #tpu.memory_space<hbm>> -> memref<1x8x2048xf32, #tpu.memory_space<hbm>>
    %dma_start3A_1331 = tpu.memref_squeeze %dma_start3A_1330 : memref<1x8x2048xf32, #tpu.memory_space<hbm>> -> memref<8x2048xf32, #tpu.memory_space<hbm>>
    %dma_start3A_1332 = arith.constant 0 : i32
    %dma_start3A_1333 = tpu.memref_slice %arg4[%shift_right_logical3A_3, %dma_start3A_1332, %mul3A_1322] : memref<4x8x1000000xf32, #tpu.memory_space<hbm>> -> memref<1x8x2048xf32, #tpu.memory_space<hbm>>
    %dma_start3A_1334 = tpu.memref_squeeze %dma_start3A_1333 : memref<1x8x2048xf32, #tpu.memory_space<hbm>> -> memref<8x2048xf32, #tpu.memory_space<hbm>>
    tpu.enqueue_dma source(%dma_start3A_1334 : memref<8x2048xf32, #tpu.memory_space<hbm>>) target(%arg7 : memref<8x2048xf32, #tpu.memory_space<vmem>>) target_semaphore(%arg10 : memref<!tpu.dma_semaphore, #tpu.memory_space<semaphore_mem>>)
    %add3A_1335 = arith.constant 184 : i32
    %add3A_1336 = arith.addi %add3A_1335, %and3A_4 : i32
    %mul3A_1337 = arith.constant 2048 : i32
    %mul3A_1338 = arith.muli %add3A_1336, %mul3A_1337 : i32
    %dma_wait3A_1339 = arith.constant 0 : i32
    %dma_wait3A_1340 = tpu.memref_slice %arg4[%shift_right_logical3A_3, %dma_wait3A_1339, %mul3A_1306] : memref<4x8x1000000xf32, #tpu.memory_space<hbm>> -> memref<1x8x2048xf32, #tpu.memory_space<hbm>>
    %dma_wait3A_1341 = tpu.memref_squeeze %dma_wait3A_1340 : memref<1x8x2048xf32, #tpu.memory_space<hbm>> -> memref<8x2048xf32, #tpu.memory_space<hbm>>
    %dma_wait3A_1342 = arith.constant 0 : i32
    %dma_wait3A_1343 = tpu.memref_slice %arg4[%shift_right_logical3A_3, %dma_wait3A_1342, %mul3A_1306] : memref<4x8x1000000xf32, #tpu.memory_space<hbm>> -> memref<1x8x2048xf32, #tpu.memory_space<hbm>>
    %dma_wait3A_1344 = tpu.memref_squeeze %dma_wait3A_1343 : memref<1x8x2048xf32, #tpu.memory_space<hbm>> -> memref<8x2048xf32, #tpu.memory_space<hbm>>
    tpu.wait_dma2 semaphore(%arg9 : memref<!tpu.dma_semaphore, #tpu.memory_space<semaphore_mem>>) src(%dma_wait3A_1344 : memref<8x2048xf32, #tpu.memory_space<hbm>>) dst(%arg6 : memref<8x2048xf32, #tpu.memory_space<vmem>>)
    %dma_start3A_1345 = arith.constant 0 : i32
    %dma_start3A_1346 = tpu.memref_slice %arg4[%shift_right_logical3A_3, %dma_start3A_1345, %mul3A_1338] : memref<4x8x1000000xf32, #tpu.memory_space<hbm>> -> memref<1x8x2048xf32, #tpu.memory_space<hbm>>
    %dma_start3A_1347 = tpu.memref_squeeze %dma_start3A_1346 : memref<1x8x2048xf32, #tpu.memory_space<hbm>> -> memref<8x2048xf32, #tpu.memory_space<hbm>>
    %dma_start3A_1348 = arith.constant 0 : i32
    %dma_start3A_1349 = tpu.memref_slice %arg4[%shift_right_logical3A_3, %dma_start3A_1348, %mul3A_1338] : memref<4x8x1000000xf32, #tpu.memory_space<hbm>> -> memref<1x8x2048xf32, #tpu.memory_space<hbm>>
    %dma_start3A_1350 = tpu.memref_squeeze %dma_start3A_1349 : memref<1x8x2048xf32, #tpu.memory_space<hbm>> -> memref<8x2048xf32, #tpu.memory_space<hbm>>
    tpu.enqueue_dma source(%dma_start3A_1350 : memref<8x2048xf32, #tpu.memory_space<hbm>>) target(%arg6 : memref<8x2048xf32, #tpu.memory_space<vmem>>) target_semaphore(%arg9 : memref<!tpu.dma_semaphore, #tpu.memory_space<semaphore_mem>>)
    %add3A_1351 = arith.constant 192 : i32
    %add3A_1352 = arith.addi %add3A_1351, %and3A_4 : i32
    %mul3A_1353 = arith.constant 2048 : i32
    %mul3A_1354 = arith.muli %add3A_1352, %mul3A_1353 : i32
    %dma_wait3A_1355 = arith.constant 0 : i32
    %dma_wait3A_1356 = tpu.memref_slice %arg4[%shift_right_logical3A_3, %dma_wait3A_1355, %mul3A_1322] : memref<4x8x1000000xf32, #tpu.memory_space<hbm>> -> memref<1x8x2048xf32, #tpu.memory_space<hbm>>
    %dma_wait3A_1357 = tpu.memref_squeeze %dma_wait3A_1356 : memref<1x8x2048xf32, #tpu.memory_space<hbm>> -> memref<8x2048xf32, #tpu.memory_space<hbm>>
    %dma_wait3A_1358 = arith.constant 0 : i32
    %dma_wait3A_1359 = tpu.memref_slice %arg4[%shift_right_logical3A_3, %dma_wait3A_1358, %mul3A_1322] : memref<4x8x1000000xf32, #tpu.memory_space<hbm>> -> memref<1x8x2048xf32, #tpu.memory_space<hbm>>
    %dma_wait3A_1360 = tpu.memref_squeeze %dma_wait3A_1359 : memref<1x8x2048xf32, #tpu.memory_space<hbm>> -> memref<8x2048xf32, #tpu.memory_space<hbm>>
    tpu.wait_dma2 semaphore(%arg10 : memref<!tpu.dma_semaphore, #tpu.memory_space<semaphore_mem>>) src(%dma_wait3A_1360 : memref<8x2048xf32, #tpu.memory_space<hbm>>) dst(%arg7 : memref<8x2048xf32, #tpu.memory_space<vmem>>)
    %dma_start3A_1361 = arith.constant 0 : i32
    %dma_start3A_1362 = tpu.memref_slice %arg4[%shift_right_logical3A_3, %dma_start3A_1361, %mul3A_1354] : memref<4x8x1000000xf32, #tpu.memory_space<hbm>> -> memref<1x8x2048xf32, #tpu.memory_space<hbm>>
    %dma_start3A_1363 = tpu.memref_squeeze %dma_start3A_1362 : memref<1x8x2048xf32, #tpu.memory_space<hbm>> -> memref<8x2048xf32, #tpu.memory_space<hbm>>
    %dma_start3A_1364 = arith.constant 0 : i32
    %dma_start3A_1365 = tpu.memref_slice %arg4[%shift_right_logical3A_3, %dma_start3A_1364, %mul3A_1354] : memref<4x8x1000000xf32, #tpu.memory_space<hbm>> -> memref<1x8x2048xf32, #tpu.memory_space<hbm>>
    %dma_start3A_1366 = tpu.memref_squeeze %dma_start3A_1365 : memref<1x8x2048xf32, #tpu.memory_space<hbm>> -> memref<8x2048xf32, #tpu.memory_space<hbm>>
    tpu.enqueue_dma source(%dma_start3A_1366 : memref<8x2048xf32, #tpu.memory_space<hbm>>) target(%arg7 : memref<8x2048xf32, #tpu.memory_space<vmem>>) target_semaphore(%arg10 : memref<!tpu.dma_semaphore, #tpu.memory_space<semaphore_mem>>)
    %add3A_1367 = arith.constant 200 : i32
    %add3A_1368 = arith.addi %add3A_1367, %and3A_4 : i32
    %mul3A_1369 = arith.constant 2048 : i32
    %mul3A_1370 = arith.muli %add3A_1368, %mul3A_1369 : i32
    %dma_wait3A_1371 = arith.constant 0 : i32
    %dma_wait3A_1372 = tpu.memref_slice %arg4[%shift_right_logical3A_3, %dma_wait3A_1371, %mul3A_1338] : memref<4x8x1000000xf32, #tpu.memory_space<hbm>> -> memref<1x8x2048xf32, #tpu.memory_space<hbm>>
    %dma_wait3A_1373 = tpu.memref_squeeze %dma_wait3A_1372 : memref<1x8x2048xf32, #tpu.memory_space<hbm>> -> memref<8x2048xf32, #tpu.memory_space<hbm>>
    %dma_wait3A_1374 = arith.constant 0 : i32
    %dma_wait3A_1375 = tpu.memref_slice %arg4[%shift_right_logical3A_3, %dma_wait3A_1374, %mul3A_1338] : memref<4x8x1000000xf32, #tpu.memory_space<hbm>> -> memref<1x8x2048xf32, #tpu.memory_space<hbm>>
    %dma_wait3A_1376 = tpu.memref_squeeze %dma_wait3A_1375 : memref<1x8x2048xf32, #tpu.memory_space<hbm>> -> memref<8x2048xf32, #tpu.memory_space<hbm>>
    tpu.wait_dma2 semaphore(%arg9 : memref<!tpu.dma_semaphore, #tpu.memory_space<semaphore_mem>>) src(%dma_wait3A_1376 : memref<8x2048xf32, #tpu.memory_space<hbm>>) dst(%arg6 : memref<8x2048xf32, #tpu.memory_space<vmem>>)
    %dma_start3A_1377 = arith.constant 0 : i32
    %dma_start3A_1378 = tpu.memref_slice %arg4[%shift_right_logical3A_3, %dma_start3A_1377, %mul3A_1370] : memref<4x8x1000000xf32, #tpu.memory_space<hbm>> -> memref<1x8x2048xf32, #tpu.memory_space<hbm>>
    %dma_start3A_1379 = tpu.memref_squeeze %dma_start3A_1378 : memref<1x8x2048xf32, #tpu.memory_space<hbm>> -> memref<8x2048xf32, #tpu.memory_space<hbm>>
    %dma_start3A_1380 = arith.constant 0 : i32
    %dma_start3A_1381 = tpu.memref_slice %arg4[%shift_right_logical3A_3, %dma_start3A_1380, %mul3A_1370] : memref<4x8x1000000xf32, #tpu.memory_space<hbm>> -> memref<1x8x2048xf32, #tpu.memory_space<hbm>>
    %dma_start3A_1382 = tpu.memref_squeeze %dma_start3A_1381 : memref<1x8x2048xf32, #tpu.memory_space<hbm>> -> memref<8x2048xf32, #tpu.memory_space<hbm>>
    tpu.enqueue_dma source(%dma_start3A_1382 : memref<8x2048xf32, #tpu.memory_space<hbm>>) target(%arg6 : memref<8x2048xf32, #tpu.memory_space<vmem>>) target_semaphore(%arg9 : memref<!tpu.dma_semaphore, #tpu.memory_space<semaphore_mem>>)
    %add3A_1383 = arith.constant 208 : i32
    %add3A_1384 = arith.addi %add3A_1383, %and3A_4 : i32
    %mul3A_1385 = arith.constant 2048 : i32
    %mul3A_1386 = arith.muli %add3A_1384, %mul3A_1385 : i32
    %dma_wait3A_1387 = arith.constant 0 : i32
    %dma_wait3A_1388 = tpu.memref_slice %arg4[%shift_right_logical3A_3, %dma_wait3A_1387, %mul3A_1354] : memref<4x8x1000000xf32, #tpu.memory_space<hbm>> -> memref<1x8x2048xf32, #tpu.memory_space<hbm>>
    %dma_wait3A_1389 = tpu.memref_squeeze %dma_wait3A_1388 : memref<1x8x2048xf32, #tpu.memory_space<hbm>> -> memref<8x2048xf32, #tpu.memory_space<hbm>>
    %dma_wait3A_1390 = arith.constant 0 : i32
    %dma_wait3A_1391 = tpu.memref_slice %arg4[%shift_right_logical3A_3, %dma_wait3A_1390, %mul3A_1354] : memref<4x8x1000000xf32, #tpu.memory_space<hbm>> -> memref<1x8x2048xf32, #tpu.memory_space<hbm>>
    %dma_wait3A_1392 = tpu.memref_squeeze %dma_wait3A_1391 : memref<1x8x2048xf32, #tpu.memory_space<hbm>> -> memref<8x2048xf32, #tpu.memory_space<hbm>>
    tpu.wait_dma2 semaphore(%arg10 : memref<!tpu.dma_semaphore, #tpu.memory_space<semaphore_mem>>) src(%dma_wait3A_1392 : memref<8x2048xf32, #tpu.memory_space<hbm>>) dst(%arg7 : memref<8x2048xf32, #tpu.memory_space<vmem>>)
    %dma_start3A_1393 = arith.constant 0 : i32
    %dma_start3A_1394 = tpu.memref_slice %arg4[%shift_right_logical3A_3, %dma_start3A_1393, %mul3A_1386] : memref<4x8x1000000xf32, #tpu.memory_space<hbm>> -> memref<1x8x2048xf32, #tpu.memory_space<hbm>>
    %dma_start3A_1395 = tpu.memref_squeeze %dma_start3A_1394 : memref<1x8x2048xf32, #tpu.memory_space<hbm>> -> memref<8x2048xf32, #tpu.memory_space<hbm>>
    %dma_start3A_1396 = arith.constant 0 : i32
    %dma_start3A_1397 = tpu.memref_slice %arg4[%shift_right_logical3A_3, %dma_start3A_1396, %mul3A_1386] : memref<4x8x1000000xf32, #tpu.memory_space<hbm>> -> memref<1x8x2048xf32, #tpu.memory_space<hbm>>
    %dma_start3A_1398 = tpu.memref_squeeze %dma_start3A_1397 : memref<1x8x2048xf32, #tpu.memory_space<hbm>> -> memref<8x2048xf32, #tpu.memory_space<hbm>>
    tpu.enqueue_dma source(%dma_start3A_1398 : memref<8x2048xf32, #tpu.memory_space<hbm>>) target(%arg7 : memref<8x2048xf32, #tpu.memory_space<vmem>>) target_semaphore(%arg10 : memref<!tpu.dma_semaphore, #tpu.memory_space<semaphore_mem>>)
    %add3A_1399 = arith.constant 216 : i32
    %add3A_1400 = arith.addi %add3A_1399, %and3A_4 : i32
    %mul3A_1401 = arith.constant 2048 : i32
    %mul3A_1402 = arith.muli %add3A_1400, %mul3A_1401 : i32
    %dma_wait3A_1403 = arith.constant 0 : i32
    %dma_wait3A_1404 = tpu.memref_slice %arg4[%shift_right_logical3A_3, %dma_wait3A_1403, %mul3A_1370] : memref<4x8x1000000xf32, #tpu.memory_space<hbm>> -> memref<1x8x2048xf32, #tpu.memory_space<hbm>>
    %dma_wait3A_1405 = tpu.memref_squeeze %dma_wait3A_1404 : memref<1x8x2048xf32, #tpu.memory_space<hbm>> -> memref<8x2048xf32, #tpu.memory_space<hbm>>
    %dma_wait3A_1406 = arith.constant 0 : i32
    %dma_wait3A_1407 = tpu.memref_slice %arg4[%shift_right_logical3A_3, %dma_wait3A_1406, %mul3A_1370] : memref<4x8x1000000xf32, #tpu.memory_space<hbm>> -> memref<1x8x2048xf32, #tpu.memory_space<hbm>>
    %dma_wait3A_1408 = tpu.memref_squeeze %dma_wait3A_1407 : memref<1x8x2048xf32, #tpu.memory_space<hbm>> -> memref<8x2048xf32, #tpu.memory_space<hbm>>
    tpu.wait_dma2 semaphore(%arg9 : memref<!tpu.dma_semaphore, #tpu.memory_space<semaphore_mem>>) src(%dma_wait3A_1408 : memref<8x2048xf32, #tpu.memory_space<hbm>>) dst(%arg6 : memref<8x2048xf32, #tpu.memory_space<vmem>>)
    %dma_start3A_1409 = arith.constant 0 : i32
    %dma_start3A_1410 = tpu.memref_slice %arg4[%shift_right_logical3A_3, %dma_start3A_1409, %mul3A_1402] : memref<4x8x1000000xf32, #tpu.memory_space<hbm>> -> memref<1x8x2048xf32, #tpu.memory_space<hbm>>
    %dma_start3A_1411 = tpu.memref_squeeze %dma_start3A_1410 : memref<1x8x2048xf32, #tpu.memory_space<hbm>> -> memref<8x2048xf32, #tpu.memory_space<hbm>>
    %dma_start3A_1412 = arith.constant 0 : i32
    %dma_start3A_1413 = tpu.memref_slice %arg4[%shift_right_logical3A_3, %dma_start3A_1412, %mul3A_1402] : memref<4x8x1000000xf32, #tpu.memory_space<hbm>> -> memref<1x8x2048xf32, #tpu.memory_space<hbm>>
    %dma_start3A_1414 = tpu.memref_squeeze %dma_start3A_1413 : memref<1x8x2048xf32, #tpu.memory_space<hbm>> -> memref<8x2048xf32, #tpu.memory_space<hbm>>
    tpu.enqueue_dma source(%dma_start3A_1414 : memref<8x2048xf32, #tpu.memory_space<hbm>>) target(%arg6 : memref<8x2048xf32, #tpu.memory_space<vmem>>) target_semaphore(%arg9 : memref<!tpu.dma_semaphore, #tpu.memory_space<semaphore_mem>>)
    %add3A_1415 = arith.constant 224 : i32
    %add3A_1416 = arith.addi %add3A_1415, %and3A_4 : i32
    %mul3A_1417 = arith.constant 2048 : i32
    %mul3A_1418 = arith.muli %add3A_1416, %mul3A_1417 : i32
    %dma_wait3A_1419 = arith.constant 0 : i32
    %dma_wait3A_1420 = tpu.memref_slice %arg4[%shift_right_logical3A_3, %dma_wait3A_1419, %mul3A_1386] : memref<4x8x1000000xf32, #tpu.memory_space<hbm>> -> memref<1x8x2048xf32, #tpu.memory_space<hbm>>
    %dma_wait3A_1421 = tpu.memref_squeeze %dma_wait3A_1420 : memref<1x8x2048xf32, #tpu.memory_space<hbm>> -> memref<8x2048xf32, #tpu.memory_space<hbm>>
    %dma_wait3A_1422 = arith.constant 0 : i32
    %dma_wait3A_1423 = tpu.memref_slice %arg4[%shift_right_logical3A_3, %dma_wait3A_1422, %mul3A_1386] : memref<4x8x1000000xf32, #tpu.memory_space<hbm>> -> memref<1x8x2048xf32, #tpu.memory_space<hbm>>
    %dma_wait3A_1424 = tpu.memref_squeeze %dma_wait3A_1423 : memref<1x8x2048xf32, #tpu.memory_space<hbm>> -> memref<8x2048xf32, #tpu.memory_space<hbm>>
    tpu.wait_dma2 semaphore(%arg10 : memref<!tpu.dma_semaphore, #tpu.memory_space<semaphore_mem>>) src(%dma_wait3A_1424 : memref<8x2048xf32, #tpu.memory_space<hbm>>) dst(%arg7 : memref<8x2048xf32, #tpu.memory_space<vmem>>)
    %dma_start3A_1425 = arith.constant 0 : i32
    %dma_start3A_1426 = tpu.memref_slice %arg4[%shift_right_logical3A_3, %dma_start3A_1425, %mul3A_1418] : memref<4x8x1000000xf32, #tpu.memory_space<hbm>> -> memref<1x8x2048xf32, #tpu.memory_space<hbm>>
    %dma_start3A_1427 = tpu.memref_squeeze %dma_start3A_1426 : memref<1x8x2048xf32, #tpu.memory_space<hbm>> -> memref<8x2048xf32, #tpu.memory_space<hbm>>
    %dma_start3A_1428 = arith.constant 0 : i32
    %dma_start3A_1429 = tpu.memref_slice %arg4[%shift_right_logical3A_3, %dma_start3A_1428, %mul3A_1418] : memref<4x8x1000000xf32, #tpu.memory_space<hbm>> -> memref<1x8x2048xf32, #tpu.memory_space<hbm>>
    %dma_start3A_1430 = tpu.memref_squeeze %dma_start3A_1429 : memref<1x8x2048xf32, #tpu.memory_space<hbm>> -> memref<8x2048xf32, #tpu.memory_space<hbm>>
    tpu.enqueue_dma source(%dma_start3A_1430 : memref<8x2048xf32, #tpu.memory_space<hbm>>) target(%arg7 : memref<8x2048xf32, #tpu.memory_space<vmem>>) target_semaphore(%arg10 : memref<!tpu.dma_semaphore, #tpu.memory_space<semaphore_mem>>)
    %add3A_1431 = arith.constant 232 : i32
    %add3A_1432 = arith.addi %add3A_1431, %and3A_4 : i32
    %mul3A_1433 = arith.constant 2048 : i32
    %mul3A_1434 = arith.muli %add3A_1432, %mul3A_1433 : i32
    %dma_wait3A_1435 = arith.constant 0 : i32
    %dma_wait3A_1436 = tpu.memref_slice %arg4[%shift_right_logical3A_3, %dma_wait3A_1435, %mul3A_1402] : memref<4x8x1000000xf32, #tpu.memory_space<hbm>> -> memref<1x8x2048xf32, #tpu.memory_space<hbm>>
    %dma_wait3A_1437 = tpu.memref_squeeze %dma_wait3A_1436 : memref<1x8x2048xf32, #tpu.memory_space<hbm>> -> memref<8x2048xf32, #tpu.memory_space<hbm>>
    %dma_wait3A_1438 = arith.constant 0 : i32
    %dma_wait3A_1439 = tpu.memref_slice %arg4[%shift_right_logical3A_3, %dma_wait3A_1438, %mul3A_1402] : memref<4x8x1000000xf32, #tpu.memory_space<hbm>> -> memref<1x8x2048xf32, #tpu.memory_space<hbm>>
    %dma_wait3A_1440 = tpu.memref_squeeze %dma_wait3A_1439 : memref<1x8x2048xf32, #tpu.memory_space<hbm>> -> memref<8x2048xf32, #tpu.memory_space<hbm>>
    tpu.wait_dma2 semaphore(%arg9 : memref<!tpu.dma_semaphore, #tpu.memory_space<semaphore_mem>>) src(%dma_wait3A_1440 : memref<8x2048xf32, #tpu.memory_space<hbm>>) dst(%arg6 : memref<8x2048xf32, #tpu.memory_space<vmem>>)
    %dma_start3A_1441 = arith.constant 0 : i32
    %dma_start3A_1442 = tpu.memref_slice %arg4[%shift_right_logical3A_3, %dma_start3A_1441, %mul3A_1434] : memref<4x8x1000000xf32, #tpu.memory_space<hbm>> -> memref<1x8x2048xf32, #tpu.memory_space<hbm>>
    %dma_start3A_1443 = tpu.memref_squeeze %dma_start3A_1442 : memref<1x8x2048xf32, #tpu.memory_space<hbm>> -> memref<8x2048xf32, #tpu.memory_space<hbm>>
    %dma_start3A_1444 = arith.constant 0 : i32
    %dma_start3A_1445 = tpu.memref_slice %arg4[%shift_right_logical3A_3, %dma_start3A_1444, %mul3A_1434] : memref<4x8x1000000xf32, #tpu.memory_space<hbm>> -> memref<1x8x2048xf32, #tpu.memory_space<hbm>>
    %dma_start3A_1446 = tpu.memref_squeeze %dma_start3A_1445 : memref<1x8x2048xf32, #tpu.memory_space<hbm>> -> memref<8x2048xf32, #tpu.memory_space<hbm>>
    tpu.enqueue_dma source(%dma_start3A_1446 : memref<8x2048xf32, #tpu.memory_space<hbm>>) target(%arg6 : memref<8x2048xf32, #tpu.memory_space<vmem>>) target_semaphore(%arg9 : memref<!tpu.dma_semaphore, #tpu.memory_space<semaphore_mem>>)
    %add3A_1447 = arith.constant 240 : i32
    %add3A_1448 = arith.addi %add3A_1447, %and3A_4 : i32
    %mul3A_1449 = arith.constant 2048 : i32
    %mul3A_1450 = arith.muli %add3A_1448, %mul3A_1449 : i32
    %dma_wait3A_1451 = arith.constant 0 : i32
    %dma_wait3A_1452 = tpu.memref_slice %arg4[%shift_right_logical3A_3, %dma_wait3A_1451, %mul3A_1418] : memref<4x8x1000000xf32, #tpu.memory_space<hbm>> -> memref<1x8x2048xf32, #tpu.memory_space<hbm>>
    %dma_wait3A_1453 = tpu.memref_squeeze %dma_wait3A_1452 : memref<1x8x2048xf32, #tpu.memory_space<hbm>> -> memref<8x2048xf32, #tpu.memory_space<hbm>>
    %dma_wait3A_1454 = arith.constant 0 : i32
    %dma_wait3A_1455 = tpu.memref_slice %arg4[%shift_right_logical3A_3, %dma_wait3A_1454, %mul3A_1418] : memref<4x8x1000000xf32, #tpu.memory_space<hbm>> -> memref<1x8x2048xf32, #tpu.memory_space<hbm>>
    %dma_wait3A_1456 = tpu.memref_squeeze %dma_wait3A_1455 : memref<1x8x2048xf32, #tpu.memory_space<hbm>> -> memref<8x2048xf32, #tpu.memory_space<hbm>>
    tpu.wait_dma2 semaphore(%arg10 : memref<!tpu.dma_semaphore, #tpu.memory_space<semaphore_mem>>) src(%dma_wait3A_1456 : memref<8x2048xf32, #tpu.memory_space<hbm>>) dst(%arg7 : memref<8x2048xf32, #tpu.memory_space<vmem>>)
    %dma_start3A_1457 = arith.constant 0 : i32
    %dma_start3A_1458 = tpu.memref_slice %arg4[%shift_right_logical3A_3, %dma_start3A_1457, %mul3A_1450] : memref<4x8x1000000xf32, #tpu.memory_space<hbm>> -> memref<1x8x2048xf32, #tpu.memory_space<hbm>>
    %dma_start3A_1459 = tpu.memref_squeeze %dma_start3A_1458 : memref<1x8x2048xf32, #tpu.memory_space<hbm>> -> memref<8x2048xf32, #tpu.memory_space<hbm>>
    %dma_start3A_1460 = arith.constant 0 : i32
    %dma_start3A_1461 = tpu.memref_slice %arg4[%shift_right_logical3A_3, %dma_start3A_1460, %mul3A_1450] : memref<4x8x1000000xf32, #tpu.memory_space<hbm>> -> memref<1x8x2048xf32, #tpu.memory_space<hbm>>
    %dma_start3A_1462 = tpu.memref_squeeze %dma_start3A_1461 : memref<1x8x2048xf32, #tpu.memory_space<hbm>> -> memref<8x2048xf32, #tpu.memory_space<hbm>>
    tpu.enqueue_dma source(%dma_start3A_1462 : memref<8x2048xf32, #tpu.memory_space<hbm>>) target(%arg7 : memref<8x2048xf32, #tpu.memory_space<vmem>>) target_semaphore(%arg10 : memref<!tpu.dma_semaphore, #tpu.memory_space<semaphore_mem>>)
    %add3A_1463 = arith.constant 248 : i32
    %add3A_1464 = arith.addi %add3A_1463, %and3A_4 : i32
    %mul3A_1465 = arith.constant 2048 : i32
    %mul3A_1466 = arith.muli %add3A_1464, %mul3A_1465 : i32
    %dma_wait3A_1467 = arith.constant 0 : i32
    %dma_wait3A_1468 = tpu.memref_slice %arg4[%shift_right_logical3A_3, %dma_wait3A_1467, %mul3A_1434] : memref<4x8x1000000xf32, #tpu.memory_space<hbm>> -> memref<1x8x2048xf32, #tpu.memory_space<hbm>>
    %dma_wait3A_1469 = tpu.memref_squeeze %dma_wait3A_1468 : memref<1x8x2048xf32, #tpu.memory_space<hbm>> -> memref<8x2048xf32, #tpu.memory_space<hbm>>
    %dma_wait3A_1470 = arith.constant 0 : i32
    %dma_wait3A_1471 = tpu.memref_slice %arg4[%shift_right_logical3A_3, %dma_wait3A_1470, %mul3A_1434] : memref<4x8x1000000xf32, #tpu.memory_space<hbm>> -> memref<1x8x2048xf32, #tpu.memory_space<hbm>>
    %dma_wait3A_1472 = tpu.memref_squeeze %dma_wait3A_1471 : memref<1x8x2048xf32, #tpu.memory_space<hbm>> -> memref<8x2048xf32, #tpu.memory_space<hbm>>
    tpu.wait_dma2 semaphore(%arg9 : memref<!tpu.dma_semaphore, #tpu.memory_space<semaphore_mem>>) src(%dma_wait3A_1472 : memref<8x2048xf32, #tpu.memory_space<hbm>>) dst(%arg6 : memref<8x2048xf32, #tpu.memory_space<vmem>>)
    %dma_start3A_1473 = arith.constant 0 : i32
    %dma_start3A_1474 = tpu.memref_slice %arg4[%shift_right_logical3A_3, %dma_start3A_1473, %mul3A_1466] : memref<4x8x1000000xf32, #tpu.memory_space<hbm>> -> memref<1x8x2048xf32, #tpu.memory_space<hbm>>
    %dma_start3A_1475 = tpu.memref_squeeze %dma_start3A_1474 : memref<1x8x2048xf32, #tpu.memory_space<hbm>> -> memref<8x2048xf32, #tpu.memory_space<hbm>>
    %dma_start3A_1476 = arith.constant 0 : i32
    %dma_start3A_1477 = tpu.memref_slice %arg4[%shift_right_logical3A_3, %dma_start3A_1476, %mul3A_1466] : memref<4x8x1000000xf32, #tpu.memory_space<hbm>> -> memref<1x8x2048xf32, #tpu.memory_space<hbm>>
    %dma_start3A_1478 = tpu.memref_squeeze %dma_start3A_1477 : memref<1x8x2048xf32, #tpu.memory_space<hbm>> -> memref<8x2048xf32, #tpu.memory_space<hbm>>
    tpu.enqueue_dma source(%dma_start3A_1478 : memref<8x2048xf32, #tpu.memory_space<hbm>>) target(%arg6 : memref<8x2048xf32, #tpu.memory_space<vmem>>) target_semaphore(%arg9 : memref<!tpu.dma_semaphore, #tpu.memory_space<semaphore_mem>>)
    %add3A_1479 = arith.constant 256 : i32
    %add3A_1480 = arith.addi %add3A_1479, %and3A_4 : i32
    %mul3A_1481 = arith.constant 2048 : i32
    %mul3A_1482 = arith.muli %add3A_1480, %mul3A_1481 : i32
    %dma_wait3A_1483 = arith.constant 0 : i32
    %dma_wait3A_1484 = tpu.memref_slice %arg4[%shift_right_logical3A_3, %dma_wait3A_1483, %mul3A_1450] : memref<4x8x1000000xf32, #tpu.memory_space<hbm>> -> memref<1x8x2048xf32, #tpu.memory_space<hbm>>
    %dma_wait3A_1485 = tpu.memref_squeeze %dma_wait3A_1484 : memref<1x8x2048xf32, #tpu.memory_space<hbm>> -> memref<8x2048xf32, #tpu.memory_space<hbm>>
    %dma_wait3A_1486 = arith.constant 0 : i32
    %dma_wait3A_1487 = tpu.memref_slice %arg4[%shift_right_logical3A_3, %dma_wait3A_1486, %mul3A_1450] : memref<4x8x1000000xf32, #tpu.memory_space<hbm>> -> memref<1x8x2048xf32, #tpu.memory_space<hbm>>
    %dma_wait3A_1488 = tpu.memref_squeeze %dma_wait3A_1487 : memref<1x8x2048xf32, #tpu.memory_space<hbm>> -> memref<8x2048xf32, #tpu.memory_space<hbm>>
    tpu.wait_dma2 semaphore(%arg10 : memref<!tpu.dma_semaphore, #tpu.memory_space<semaphore_mem>>) src(%dma_wait3A_1488 : memref<8x2048xf32, #tpu.memory_space<hbm>>) dst(%arg7 : memref<8x2048xf32, #tpu.memory_space<vmem>>)
    %dma_start3A_1489 = arith.constant 0 : i32
    %dma_start3A_1490 = tpu.memref_slice %arg4[%shift_right_logical3A_3, %dma_start3A_1489, %mul3A_1482] : memref<4x8x1000000xf32, #tpu.memory_space<hbm>> -> memref<1x8x2048xf32, #tpu.memory_space<hbm>>
    %dma_start3A_1491 = tpu.memref_squeeze %dma_start3A_1490 : memref<1x8x2048xf32, #tpu.memory_space<hbm>> -> memref<8x2048xf32, #tpu.memory_space<hbm>>
    %dma_start3A_1492 = arith.constant 0 : i32
    %dma_start3A_1493 = tpu.memref_slice %arg4[%shift_right_logical3A_3, %dma_start3A_1492, %mul3A_1482] : memref<4x8x1000000xf32, #tpu.memory_space<hbm>> -> memref<1x8x2048xf32, #tpu.memory_space<hbm>>
    %dma_start3A_1494 = tpu.memref_squeeze %dma_start3A_1493 : memref<1x8x2048xf32, #tpu.memory_space<hbm>> -> memref<8x2048xf32, #tpu.memory_space<hbm>>
    tpu.enqueue_dma source(%dma_start3A_1494 : memref<8x2048xf32, #tpu.memory_space<hbm>>) target(%arg7 : memref<8x2048xf32, #tpu.memory_space<vmem>>) target_semaphore(%arg10 : memref<!tpu.dma_semaphore, #tpu.memory_space<semaphore_mem>>)
    %add3A_1495 = arith.constant 264 : i32
    %add3A_1496 = arith.addi %add3A_1495, %and3A_4 : i32
    %mul3A_1497 = arith.constant 2048 : i32
    %mul3A_1498 = arith.muli %add3A_1496, %mul3A_1497 : i32
    %dma_wait3A_1499 = arith.constant 0 : i32
    %dma_wait3A_1500 = tpu.memref_slice %arg4[%shift_right_logical3A_3, %dma_wait3A_1499, %mul3A_1466] : memref<4x8x1000000xf32, #tpu.memory_space<hbm>> -> memref<1x8x2048xf32, #tpu.memory_space<hbm>>
    %dma_wait3A_1501 = tpu.memref_squeeze %dma_wait3A_1500 : memref<1x8x2048xf32, #tpu.memory_space<hbm>> -> memref<8x2048xf32, #tpu.memory_space<hbm>>
    %dma_wait3A_1502 = arith.constant 0 : i32
    %dma_wait3A_1503 = tpu.memref_slice %arg4[%shift_right_logical3A_3, %dma_wait3A_1502, %mul3A_1466] : memref<4x8x1000000xf32, #tpu.memory_space<hbm>> -> memref<1x8x2048xf32, #tpu.memory_space<hbm>>
    %dma_wait3A_1504 = tpu.memref_squeeze %dma_wait3A_1503 : memref<1x8x2048xf32, #tpu.memory_space<hbm>> -> memref<8x2048xf32, #tpu.memory_space<hbm>>
    tpu.wait_dma2 semaphore(%arg9 : memref<!tpu.dma_semaphore, #tpu.memory_space<semaphore_mem>>) src(%dma_wait3A_1504 : memref<8x2048xf32, #tpu.memory_space<hbm>>) dst(%arg6 : memref<8x2048xf32, #tpu.memory_space<vmem>>)
    %dma_start3A_1505 = arith.constant 0 : i32
    %dma_start3A_1506 = tpu.memref_slice %arg4[%shift_right_logical3A_3, %dma_start3A_1505, %mul3A_1498] : memref<4x8x1000000xf32, #tpu.memory_space<hbm>> -> memref<1x8x2048xf32, #tpu.memory_space<hbm>>
    %dma_start3A_1507 = tpu.memref_squeeze %dma_start3A_1506 : memref<1x8x2048xf32, #tpu.memory_space<hbm>> -> memref<8x2048xf32, #tpu.memory_space<hbm>>
    %dma_start3A_1508 = arith.constant 0 : i32
    %dma_start3A_1509 = tpu.memref_slice %arg4[%shift_right_logical3A_3, %dma_start3A_1508, %mul3A_1498] : memref<4x8x1000000xf32, #tpu.memory_space<hbm>> -> memref<1x8x2048xf32, #tpu.memory_space<hbm>>
    %dma_start3A_1510 = tpu.memref_squeeze %dma_start3A_1509 : memref<1x8x2048xf32, #tpu.memory_space<hbm>> -> memref<8x2048xf32, #tpu.memory_space<hbm>>
    tpu.enqueue_dma source(%dma_start3A_1510 : memref<8x2048xf32, #tpu.memory_space<hbm>>) target(%arg6 : memref<8x2048xf32, #tpu.memory_space<vmem>>) target_semaphore(%arg9 : memref<!tpu.dma_semaphore, #tpu.memory_space<semaphore_mem>>)
    %add3A_1511 = arith.constant 272 : i32
    %add3A_1512 = arith.addi %add3A_1511, %and3A_4 : i32
    %mul3A_1513 = arith.constant 2048 : i32
    %mul3A_1514 = arith.muli %add3A_1512, %mul3A_1513 : i32
    %dma_wait3A_1515 = arith.constant 0 : i32
    %dma_wait3A_1516 = tpu.memref_slice %arg4[%shift_right_logical3A_3, %dma_wait3A_1515, %mul3A_1482] : memref<4x8x1000000xf32, #tpu.memory_space<hbm>> -> memref<1x8x2048xf32, #tpu.memory_space<hbm>>
    %dma_wait3A_1517 = tpu.memref_squeeze %dma_wait3A_1516 : memref<1x8x2048xf32, #tpu.memory_space<hbm>> -> memref<8x2048xf32, #tpu.memory_space<hbm>>
    %dma_wait3A_1518 = arith.constant 0 : i32
    %dma_wait3A_1519 = tpu.memref_slice %arg4[%shift_right_logical3A_3, %dma_wait3A_1518, %mul3A_1482] : memref<4x8x1000000xf32, #tpu.memory_space<hbm>> -> memref<1x8x2048xf32, #tpu.memory_space<hbm>>
    %dma_wait3A_1520 = tpu.memref_squeeze %dma_wait3A_1519 : memref<1x8x2048xf32, #tpu.memory_space<hbm>> -> memref<8x2048xf32, #tpu.memory_space<hbm>>
    tpu.wait_dma2 semaphore(%arg10 : memref<!tpu.dma_semaphore, #tpu.memory_space<semaphore_mem>>) src(%dma_wait3A_1520 : memref<8x2048xf32, #tpu.memory_space<hbm>>) dst(%arg7 : memref<8x2048xf32, #tpu.memory_space<vmem>>)
    %dma_start3A_1521 = arith.constant 0 : i32
    %dma_start3A_1522 = tpu.memref_slice %arg4[%shift_right_logical3A_3, %dma_start3A_1521, %mul3A_1514] : memref<4x8x1000000xf32, #tpu.memory_space<hbm>> -> memref<1x8x2048xf32, #tpu.memory_space<hbm>>
    %dma_start3A_1523 = tpu.memref_squeeze %dma_start3A_1522 : memref<1x8x2048xf32, #tpu.memory_space<hbm>> -> memref<8x2048xf32, #tpu.memory_space<hbm>>
    %dma_start3A_1524 = arith.constant 0 : i32
    %dma_start3A_1525 = tpu.memref_slice %arg4[%shift_right_logical3A_3, %dma_start3A_1524, %mul3A_1514] : memref<4x8x1000000xf32, #tpu.memory_space<hbm>> -> memref<1x8x2048xf32, #tpu.memory_space<hbm>>
    %dma_start3A_1526 = tpu.memref_squeeze %dma_start3A_1525 : memref<1x8x2048xf32, #tpu.memory_space<hbm>> -> memref<8x2048xf32, #tpu.memory_space<hbm>>
    tpu.enqueue_dma source(%dma_start3A_1526 : memref<8x2048xf32, #tpu.memory_space<hbm>>) target(%arg7 : memref<8x2048xf32, #tpu.memory_space<vmem>>) target_semaphore(%arg10 : memref<!tpu.dma_semaphore, #tpu.memory_space<semaphore_mem>>)
    %add3A_1527 = arith.constant 280 : i32
    %add3A_1528 = arith.addi %add3A_1527, %and3A_4 : i32
    %mul3A_1529 = arith.constant 2048 : i32
    %mul3A_1530 = arith.muli %add3A_1528, %mul3A_1529 : i32
    %dma_wait3A_1531 = arith.constant 0 : i32
    %dma_wait3A_1532 = tpu.memref_slice %arg4[%shift_right_logical3A_3, %dma_wait3A_1531, %mul3A_1498] : memref<4x8x1000000xf32, #tpu.memory_space<hbm>> -> memref<1x8x2048xf32, #tpu.memory_space<hbm>>
    %dma_wait3A_1533 = tpu.memref_squeeze %dma_wait3A_1532 : memref<1x8x2048xf32, #tpu.memory_space<hbm>> -> memref<8x2048xf32, #tpu.memory_space<hbm>>
    %dma_wait3A_1534 = arith.constant 0 : i32
    %dma_wait3A_1535 = tpu.memref_slice %arg4[%shift_right_logical3A_3, %dma_wait3A_1534, %mul3A_1498] : memref<4x8x1000000xf32, #tpu.memory_space<hbm>> -> memref<1x8x2048xf32, #tpu.memory_space<hbm>>
    %dma_wait3A_1536 = tpu.memref_squeeze %dma_wait3A_1535 : memref<1x8x2048xf32, #tpu.memory_space<hbm>> -> memref<8x2048xf32, #tpu.memory_space<hbm>>
    tpu.wait_dma2 semaphore(%arg9 : memref<!tpu.dma_semaphore, #tpu.memory_space<semaphore_mem>>) src(%dma_wait3A_1536 : memref<8x2048xf32, #tpu.memory_space<hbm>>) dst(%arg6 : memref<8x2048xf32, #tpu.memory_space<vmem>>)
    %dma_start3A_1537 = arith.constant 0 : i32
    %dma_start3A_1538 = tpu.memref_slice %arg4[%shift_right_logical3A_3, %dma_start3A_1537, %mul3A_1530] : memref<4x8x1000000xf32, #tpu.memory_space<hbm>> -> memref<1x8x2048xf32, #tpu.memory_space<hbm>>
    %dma_start3A_1539 = tpu.memref_squeeze %dma_start3A_1538 : memref<1x8x2048xf32, #tpu.memory_space<hbm>> -> memref<8x2048xf32, #tpu.memory_space<hbm>>
    %dma_start3A_1540 = arith.constant 0 : i32
    %dma_start3A_1541 = tpu.memref_slice %arg4[%shift_right_logical3A_3, %dma_start3A_1540, %mul3A_1530] : memref<4x8x1000000xf32, #tpu.memory_space<hbm>> -> memref<1x8x2048xf32, #tpu.memory_space<hbm>>
    %dma_start3A_1542 = tpu.memref_squeeze %dma_start3A_1541 : memref<1x8x2048xf32, #tpu.memory_space<hbm>> -> memref<8x2048xf32, #tpu.memory_space<hbm>>
    tpu.enqueue_dma source(%dma_start3A_1542 : memref<8x2048xf32, #tpu.memory_space<hbm>>) target(%arg6 : memref<8x2048xf32, #tpu.memory_space<vmem>>) target_semaphore(%arg9 : memref<!tpu.dma_semaphore, #tpu.memory_space<semaphore_mem>>)
    %add3A_1543 = arith.constant 288 : i32
    %add3A_1544 = arith.addi %add3A_1543, %and3A_4 : i32
    %mul3A_1545 = arith.constant 2048 : i32
    %mul3A_1546 = arith.muli %add3A_1544, %mul3A_1545 : i32
    %dma_wait3A_1547 = arith.constant 0 : i32
    %dma_wait3A_1548 = tpu.memref_slice %arg4[%shift_right_logical3A_3, %dma_wait3A_1547, %mul3A_1514] : memref<4x8x1000000xf32, #tpu.memory_space<hbm>> -> memref<1x8x2048xf32, #tpu.memory_space<hbm>>
    %dma_wait3A_1549 = tpu.memref_squeeze %dma_wait3A_1548 : memref<1x8x2048xf32, #tpu.memory_space<hbm>> -> memref<8x2048xf32, #tpu.memory_space<hbm>>
    %dma_wait3A_1550 = arith.constant 0 : i32
    %dma_wait3A_1551 = tpu.memref_slice %arg4[%shift_right_logical3A_3, %dma_wait3A_1550, %mul3A_1514] : memref<4x8x1000000xf32, #tpu.memory_space<hbm>> -> memref<1x8x2048xf32, #tpu.memory_space<hbm>>
    %dma_wait3A_1552 = tpu.memref_squeeze %dma_wait3A_1551 : memref<1x8x2048xf32, #tpu.memory_space<hbm>> -> memref<8x2048xf32, #tpu.memory_space<hbm>>
    tpu.wait_dma2 semaphore(%arg10 : memref<!tpu.dma_semaphore, #tpu.memory_space<semaphore_mem>>) src(%dma_wait3A_1552 : memref<8x2048xf32, #tpu.memory_space<hbm>>) dst(%arg7 : memref<8x2048xf32, #tpu.memory_space<vmem>>)
    %dma_start3A_1553 = arith.constant 0 : i32
    %dma_start3A_1554 = tpu.memref_slice %arg4[%shift_right_logical3A_3, %dma_start3A_1553, %mul3A_1546] : memref<4x8x1000000xf32, #tpu.memory_space<hbm>> -> memref<1x8x2048xf32, #tpu.memory_space<hbm>>
    %dma_start3A_1555 = tpu.memref_squeeze %dma_start3A_1554 : memref<1x8x2048xf32, #tpu.memory_space<hbm>> -> memref<8x2048xf32, #tpu.memory_space<hbm>>
    %dma_start3A_1556 = arith.constant 0 : i32
    %dma_start3A_1557 = tpu.memref_slice %arg4[%shift_right_logical3A_3, %dma_start3A_1556, %mul3A_1546] : memref<4x8x1000000xf32, #tpu.memory_space<hbm>> -> memref<1x8x2048xf32, #tpu.memory_space<hbm>>
    %dma_start3A_1558 = tpu.memref_squeeze %dma_start3A_1557 : memref<1x8x2048xf32, #tpu.memory_space<hbm>> -> memref<8x2048xf32, #tpu.memory_space<hbm>>
    tpu.enqueue_dma source(%dma_start3A_1558 : memref<8x2048xf32, #tpu.memory_space<hbm>>) target(%arg7 : memref<8x2048xf32, #tpu.memory_space<vmem>>) target_semaphore(%arg10 : memref<!tpu.dma_semaphore, #tpu.memory_space<semaphore_mem>>)
    %add3A_1559 = arith.constant 296 : i32
    %add3A_1560 = arith.addi %add3A_1559, %and3A_4 : i32
    %mul3A_1561 = arith.constant 2048 : i32
    %mul3A_1562 = arith.muli %add3A_1560, %mul3A_1561 : i32
    %dma_wait3A_1563 = arith.constant 0 : i32
    %dma_wait3A_1564 = tpu.memref_slice %arg4[%shift_right_logical3A_3, %dma_wait3A_1563, %mul3A_1530] : memref<4x8x1000000xf32, #tpu.memory_space<hbm>> -> memref<1x8x2048xf32, #tpu.memory_space<hbm>>
    %dma_wait3A_1565 = tpu.memref_squeeze %dma_wait3A_1564 : memref<1x8x2048xf32, #tpu.memory_space<hbm>> -> memref<8x2048xf32, #tpu.memory_space<hbm>>
    %dma_wait3A_1566 = arith.constant 0 : i32
    %dma_wait3A_1567 = tpu.memref_slice %arg4[%shift_right_logical3A_3, %dma_wait3A_1566, %mul3A_1530] : memref<4x8x1000000xf32, #tpu.memory_space<hbm>> -> memref<1x8x2048xf32, #tpu.memory_space<hbm>>
    %dma_wait3A_1568 = tpu.memref_squeeze %dma_wait3A_1567 : memref<1x8x2048xf32, #tpu.memory_space<hbm>> -> memref<8x2048xf32, #tpu.memory_space<hbm>>
    tpu.wait_dma2 semaphore(%arg9 : memref<!tpu.dma_semaphore, #tpu.memory_space<semaphore_mem>>) src(%dma_wait3A_1568 : memref<8x2048xf32, #tpu.memory_space<hbm>>) dst(%arg6 : memref<8x2048xf32, #tpu.memory_space<vmem>>)
    %dma_start3A_1569 = arith.constant 0 : i32
    %dma_start3A_1570 = tpu.memref_slice %arg4[%shift_right_logical3A_3, %dma_start3A_1569, %mul3A_1562] : memref<4x8x1000000xf32, #tpu.memory_space<hbm>> -> memref<1x8x2048xf32, #tpu.memory_space<hbm>>
    %dma_start3A_1571 = tpu.memref_squeeze %dma_start3A_1570 : memref<1x8x2048xf32, #tpu.memory_space<hbm>> -> memref<8x2048xf32, #tpu.memory_space<hbm>>
    %dma_start3A_1572 = arith.constant 0 : i32
    %dma_start3A_1573 = tpu.memref_slice %arg4[%shift_right_logical3A_3, %dma_start3A_1572, %mul3A_1562] : memref<4x8x1000000xf32, #tpu.memory_space<hbm>> -> memref<1x8x2048xf32, #tpu.memory_space<hbm>>
    %dma_start3A_1574 = tpu.memref_squeeze %dma_start3A_1573 : memref<1x8x2048xf32, #tpu.memory_space<hbm>> -> memref<8x2048xf32, #tpu.memory_space<hbm>>
    tpu.enqueue_dma source(%dma_start3A_1574 : memref<8x2048xf32, #tpu.memory_space<hbm>>) target(%arg6 : memref<8x2048xf32, #tpu.memory_space<vmem>>) target_semaphore(%arg9 : memref<!tpu.dma_semaphore, #tpu.memory_space<semaphore_mem>>)
    %add3A_1575 = arith.constant 304 : i32
    %add3A_1576 = arith.addi %add3A_1575, %and3A_4 : i32
    %mul3A_1577 = arith.constant 2048 : i32
    %mul3A_1578 = arith.muli %add3A_1576, %mul3A_1577 : i32
    %dma_wait3A_1579 = arith.constant 0 : i32
    %dma_wait3A_1580 = tpu.memref_slice %arg4[%shift_right_logical3A_3, %dma_wait3A_1579, %mul3A_1546] : memref<4x8x1000000xf32, #tpu.memory_space<hbm>> -> memref<1x8x2048xf32, #tpu.memory_space<hbm>>
    %dma_wait3A_1581 = tpu.memref_squeeze %dma_wait3A_1580 : memref<1x8x2048xf32, #tpu.memory_space<hbm>> -> memref<8x2048xf32, #tpu.memory_space<hbm>>
    %dma_wait3A_1582 = arith.constant 0 : i32
    %dma_wait3A_1583 = tpu.memref_slice %arg4[%shift_right_logical3A_3, %dma_wait3A_1582, %mul3A_1546] : memref<4x8x1000000xf32, #tpu.memory_space<hbm>> -> memref<1x8x2048xf32, #tpu.memory_space<hbm>>
    %dma_wait3A_1584 = tpu.memref_squeeze %dma_wait3A_1583 : memref<1x8x2048xf32, #tpu.memory_space<hbm>> -> memref<8x2048xf32, #tpu.memory_space<hbm>>
    tpu.wait_dma2 semaphore(%arg10 : memref<!tpu.dma_semaphore, #tpu.memory_space<semaphore_mem>>) src(%dma_wait3A_1584 : memref<8x2048xf32, #tpu.memory_space<hbm>>) dst(%arg7 : memref<8x2048xf32, #tpu.memory_space<vmem>>)
    %dma_start3A_1585 = arith.constant 0 : i32
    %dma_start3A_1586 = tpu.memref_slice %arg4[%shift_right_logical3A_3, %dma_start3A_1585, %mul3A_1578] : memref<4x8x1000000xf32, #tpu.memory_space<hbm>> -> memref<1x8x2048xf32, #tpu.memory_space<hbm>>
    %dma_start3A_1587 = tpu.memref_squeeze %dma_start3A_1586 : memref<1x8x2048xf32, #tpu.memory_space<hbm>> -> memref<8x2048xf32, #tpu.memory_space<hbm>>
    %dma_start3A_1588 = arith.constant 0 : i32
    %dma_start3A_1589 = tpu.memref_slice %arg4[%shift_right_logical3A_3, %dma_start3A_1588, %mul3A_1578] : memref<4x8x1000000xf32, #tpu.memory_space<hbm>> -> memref<1x8x2048xf32, #tpu.memory_space<hbm>>
    %dma_start3A_1590 = tpu.memref_squeeze %dma_start3A_1589 : memref<1x8x2048xf32, #tpu.memory_space<hbm>> -> memref<8x2048xf32, #tpu.memory_space<hbm>>
    tpu.enqueue_dma source(%dma_start3A_1590 : memref<8x2048xf32, #tpu.memory_space<hbm>>) target(%arg7 : memref<8x2048xf32, #tpu.memory_space<vmem>>) target_semaphore(%arg10 : memref<!tpu.dma_semaphore, #tpu.memory_space<semaphore_mem>>)
    %add3A_1591 = arith.constant 312 : i32
    %add3A_1592 = arith.addi %add3A_1591, %and3A_4 : i32
    %mul3A_1593 = arith.constant 2048 : i32
    %mul3A_1594 = arith.muli %add3A_1592, %mul3A_1593 : i32
    %dma_wait3A_1595 = arith.constant 0 : i32
    %dma_wait3A_1596 = tpu.memref_slice %arg4[%shift_right_logical3A_3, %dma_wait3A_1595, %mul3A_1562] : memref<4x8x1000000xf32, #tpu.memory_space<hbm>> -> memref<1x8x2048xf32, #tpu.memory_space<hbm>>
    %dma_wait3A_1597 = tpu.memref_squeeze %dma_wait3A_1596 : memref<1x8x2048xf32, #tpu.memory_space<hbm>> -> memref<8x2048xf32, #tpu.memory_space<hbm>>
    %dma_wait3A_1598 = arith.constant 0 : i32
    %dma_wait3A_1599 = tpu.memref_slice %arg4[%shift_right_logical3A_3, %dma_wait3A_1598, %mul3A_1562] : memref<4x8x1000000xf32, #tpu.memory_space<hbm>> -> memref<1x8x2048xf32, #tpu.memory_space<hbm>>
    %dma_wait3A_1600 = tpu.memref_squeeze %dma_wait3A_1599 : memref<1x8x2048xf32, #tpu.memory_space<hbm>> -> memref<8x2048xf32, #tpu.memory_space<hbm>>
    tpu.wait_dma2 semaphore(%arg9 : memref<!tpu.dma_semaphore, #tpu.memory_space<semaphore_mem>>) src(%dma_wait3A_1600 : memref<8x2048xf32, #tpu.memory_space<hbm>>) dst(%arg6 : memref<8x2048xf32, #tpu.memory_space<vmem>>)
    %dma_start3A_1601 = arith.constant 0 : i32
    %dma_start3A_1602 = tpu.memref_slice %arg4[%shift_right_logical3A_3, %dma_start3A_1601, %mul3A_1594] : memref<4x8x1000000xf32, #tpu.memory_space<hbm>> -> memref<1x8x2048xf32, #tpu.memory_space<hbm>>
    %dma_start3A_1603 = tpu.memref_squeeze %dma_start3A_1602 : memref<1x8x2048xf32, #tpu.memory_space<hbm>> -> memref<8x2048xf32, #tpu.memory_space<hbm>>
    %dma_start3A_1604 = arith.constant 0 : i32
    %dma_start3A_1605 = tpu.memref_slice %arg4[%shift_right_logical3A_3, %dma_start3A_1604, %mul3A_1594] : memref<4x8x1000000xf32, #tpu.memory_space<hbm>> -> memref<1x8x2048xf32, #tpu.memory_space<hbm>>
    %dma_start3A_1606 = tpu.memref_squeeze %dma_start3A_1605 : memref<1x8x2048xf32, #tpu.memory_space<hbm>> -> memref<8x2048xf32, #tpu.memory_space<hbm>>
    tpu.enqueue_dma source(%dma_start3A_1606 : memref<8x2048xf32, #tpu.memory_space<hbm>>) target(%arg6 : memref<8x2048xf32, #tpu.memory_space<vmem>>) target_semaphore(%arg9 : memref<!tpu.dma_semaphore, #tpu.memory_space<semaphore_mem>>)
    %add3A_1607 = arith.constant 320 : i32
    %add3A_1608 = arith.addi %add3A_1607, %and3A_4 : i32
    %mul3A_1609 = arith.constant 2048 : i32
    %mul3A_1610 = arith.muli %add3A_1608, %mul3A_1609 : i32
    %dma_wait3A_1611 = arith.constant 0 : i32
    %dma_wait3A_1612 = tpu.memref_slice %arg4[%shift_right_logical3A_3, %dma_wait3A_1611, %mul3A_1578] : memref<4x8x1000000xf32, #tpu.memory_space<hbm>> -> memref<1x8x2048xf32, #tpu.memory_space<hbm>>
    %dma_wait3A_1613 = tpu.memref_squeeze %dma_wait3A_1612 : memref<1x8x2048xf32, #tpu.memory_space<hbm>> -> memref<8x2048xf32, #tpu.memory_space<hbm>>
    %dma_wait3A_1614 = arith.constant 0 : i32
    %dma_wait3A_1615 = tpu.memref_slice %arg4[%shift_right_logical3A_3, %dma_wait3A_1614, %mul3A_1578] : memref<4x8x1000000xf32, #tpu.memory_space<hbm>> -> memref<1x8x2048xf32, #tpu.memory_space<hbm>>
    %dma_wait3A_1616 = tpu.memref_squeeze %dma_wait3A_1615 : memref<1x8x2048xf32, #tpu.memory_space<hbm>> -> memref<8x2048xf32, #tpu.memory_space<hbm>>
    tpu.wait_dma2 semaphore(%arg10 : memref<!tpu.dma_semaphore, #tpu.memory_space<semaphore_mem>>) src(%dma_wait3A_1616 : memref<8x2048xf32, #tpu.memory_space<hbm>>) dst(%arg7 : memref<8x2048xf32, #tpu.memory_space<vmem>>)
    %dma_start3A_1617 = arith.constant 0 : i32
    %dma_start3A_1618 = tpu.memref_slice %arg4[%shift_right_logical3A_3, %dma_start3A_1617, %mul3A_1610] : memref<4x8x1000000xf32, #tpu.memory_space<hbm>> -> memref<1x8x2048xf32, #tpu.memory_space<hbm>>
    %dma_start3A_1619 = tpu.memref_squeeze %dma_start3A_1618 : memref<1x8x2048xf32, #tpu.memory_space<hbm>> -> memref<8x2048xf32, #tpu.memory_space<hbm>>
    %dma_start3A_1620 = arith.constant 0 : i32
    %dma_start3A_1621 = tpu.memref_slice %arg4[%shift_right_logical3A_3, %dma_start3A_1620, %mul3A_1610] : memref<4x8x1000000xf32, #tpu.memory_space<hbm>> -> memref<1x8x2048xf32, #tpu.memory_space<hbm>>
    %dma_start3A_1622 = tpu.memref_squeeze %dma_start3A_1621 : memref<1x8x2048xf32, #tpu.memory_space<hbm>> -> memref<8x2048xf32, #tpu.memory_space<hbm>>
    tpu.enqueue_dma source(%dma_start3A_1622 : memref<8x2048xf32, #tpu.memory_space<hbm>>) target(%arg7 : memref<8x2048xf32, #tpu.memory_space<vmem>>) target_semaphore(%arg10 : memref<!tpu.dma_semaphore, #tpu.memory_space<semaphore_mem>>)
    %add3A_1623 = arith.constant 328 : i32
    %add3A_1624 = arith.addi %add3A_1623, %and3A_4 : i32
    %mul3A_1625 = arith.constant 2048 : i32
    %mul3A_1626 = arith.muli %add3A_1624, %mul3A_1625 : i32
    %dma_wait3A_1627 = arith.constant 0 : i32
    %dma_wait3A_1628 = tpu.memref_slice %arg4[%shift_right_logical3A_3, %dma_wait3A_1627, %mul3A_1594] : memref<4x8x1000000xf32, #tpu.memory_space<hbm>> -> memref<1x8x2048xf32, #tpu.memory_space<hbm>>
    %dma_wait3A_1629 = tpu.memref_squeeze %dma_wait3A_1628 : memref<1x8x2048xf32, #tpu.memory_space<hbm>> -> memref<8x2048xf32, #tpu.memory_space<hbm>>
    %dma_wait3A_1630 = arith.constant 0 : i32
    %dma_wait3A_1631 = tpu.memref_slice %arg4[%shift_right_logical3A_3, %dma_wait3A_1630, %mul3A_1594] : memref<4x8x1000000xf32, #tpu.memory_space<hbm>> -> memref<1x8x2048xf32, #tpu.memory_space<hbm>>
    %dma_wait3A_1632 = tpu.memref_squeeze %dma_wait3A_1631 : memref<1x8x2048xf32, #tpu.memory_space<hbm>> -> memref<8x2048xf32, #tpu.memory_space<hbm>>
    tpu.wait_dma2 semaphore(%arg9 : memref<!tpu.dma_semaphore, #tpu.memory_space<semaphore_mem>>) src(%dma_wait3A_1632 : memref<8x2048xf32, #tpu.memory_space<hbm>>) dst(%arg6 : memref<8x2048xf32, #tpu.memory_space<vmem>>)
    %dma_start3A_1633 = arith.constant 0 : i32
    %dma_start3A_1634 = tpu.memref_slice %arg4[%shift_right_logical3A_3, %dma_start3A_1633, %mul3A_1626] : memref<4x8x1000000xf32, #tpu.memory_space<hbm>> -> memref<1x8x2048xf32, #tpu.memory_space<hbm>>
    %dma_start3A_1635 = tpu.memref_squeeze %dma_start3A_1634 : memref<1x8x2048xf32, #tpu.memory_space<hbm>> -> memref<8x2048xf32, #tpu.memory_space<hbm>>
    %dma_start3A_1636 = arith.constant 0 : i32
    %dma_start3A_1637 = tpu.memref_slice %arg4[%shift_right_logical3A_3, %dma_start3A_1636, %mul3A_1626] : memref<4x8x1000000xf32, #tpu.memory_space<hbm>> -> memref<1x8x2048xf32, #tpu.memory_space<hbm>>
    %dma_start3A_1638 = tpu.memref_squeeze %dma_start3A_1637 : memref<1x8x2048xf32, #tpu.memory_space<hbm>> -> memref<8x2048xf32, #tpu.memory_space<hbm>>
    tpu.enqueue_dma source(%dma_start3A_1638 : memref<8x2048xf32, #tpu.memory_space<hbm>>) target(%arg6 : memref<8x2048xf32, #tpu.memory_space<vmem>>) target_semaphore(%arg9 : memref<!tpu.dma_semaphore, #tpu.memory_space<semaphore_mem>>)
    %add3A_1639 = arith.constant 336 : i32
    %add3A_1640 = arith.addi %add3A_1639, %and3A_4 : i32
    %mul3A_1641 = arith.constant 2048 : i32
    %mul3A_1642 = arith.muli %add3A_1640, %mul3A_1641 : i32
    %dma_wait3A_1643 = arith.constant 0 : i32
    %dma_wait3A_1644 = tpu.memref_slice %arg4[%shift_right_logical3A_3, %dma_wait3A_1643, %mul3A_1610] : memref<4x8x1000000xf32, #tpu.memory_space<hbm>> -> memref<1x8x2048xf32, #tpu.memory_space<hbm>>
    %dma_wait3A_1645 = tpu.memref_squeeze %dma_wait3A_1644 : memref<1x8x2048xf32, #tpu.memory_space<hbm>> -> memref<8x2048xf32, #tpu.memory_space<hbm>>
    %dma_wait3A_1646 = arith.constant 0 : i32
    %dma_wait3A_1647 = tpu.memref_slice %arg4[%shift_right_logical3A_3, %dma_wait3A_1646, %mul3A_1610] : memref<4x8x1000000xf32, #tpu.memory_space<hbm>> -> memref<1x8x2048xf32, #tpu.memory_space<hbm>>
    %dma_wait3A_1648 = tpu.memref_squeeze %dma_wait3A_1647 : memref<1x8x2048xf32, #tpu.memory_space<hbm>> -> memref<8x2048xf32, #tpu.memory_space<hbm>>
    tpu.wait_dma2 semaphore(%arg10 : memref<!tpu.dma_semaphore, #tpu.memory_space<semaphore_mem>>) src(%dma_wait3A_1648 : memref<8x2048xf32, #tpu.memory_space<hbm>>) dst(%arg7 : memref<8x2048xf32, #tpu.memory_space<vmem>>)
    %dma_start3A_1649 = arith.constant 0 : i32
    %dma_start3A_1650 = tpu.memref_slice %arg4[%shift_right_logical3A_3, %dma_start3A_1649, %mul3A_1642] : memref<4x8x1000000xf32, #tpu.memory_space<hbm>> -> memref<1x8x2048xf32, #tpu.memory_space<hbm>>
    %dma_start3A_1651 = tpu.memref_squeeze %dma_start3A_1650 : memref<1x8x2048xf32, #tpu.memory_space<hbm>> -> memref<8x2048xf32, #tpu.memory_space<hbm>>
    %dma_start3A_1652 = arith.constant 0 : i32
    %dma_start3A_1653 = tpu.memref_slice %arg4[%shift_right_logical3A_3, %dma_start3A_1652, %mul3A_1642] : memref<4x8x1000000xf32, #tpu.memory_space<hbm>> -> memref<1x8x2048xf32, #tpu.memory_space<hbm>>
    %dma_start3A_1654 = tpu.memref_squeeze %dma_start3A_1653 : memref<1x8x2048xf32, #tpu.memory_space<hbm>> -> memref<8x2048xf32, #tpu.memory_space<hbm>>
    tpu.enqueue_dma source(%dma_start3A_1654 : memref<8x2048xf32, #tpu.memory_space<hbm>>) target(%arg7 : memref<8x2048xf32, #tpu.memory_space<vmem>>) target_semaphore(%arg10 : memref<!tpu.dma_semaphore, #tpu.memory_space<semaphore_mem>>)
    %add3A_1655 = arith.constant 344 : i32
    %add3A_1656 = arith.addi %add3A_1655, %and3A_4 : i32
    %mul3A_1657 = arith.constant 2048 : i32
    %mul3A_1658 = arith.muli %add3A_1656, %mul3A_1657 : i32
    %dma_wait3A_1659 = arith.constant 0 : i32
    %dma_wait3A_1660 = tpu.memref_slice %arg4[%shift_right_logical3A_3, %dma_wait3A_1659, %mul3A_1626] : memref<4x8x1000000xf32, #tpu.memory_space<hbm>> -> memref<1x8x2048xf32, #tpu.memory_space<hbm>>
    %dma_wait3A_1661 = tpu.memref_squeeze %dma_wait3A_1660 : memref<1x8x2048xf32, #tpu.memory_space<hbm>> -> memref<8x2048xf32, #tpu.memory_space<hbm>>
    %dma_wait3A_1662 = arith.constant 0 : i32
    %dma_wait3A_1663 = tpu.memref_slice %arg4[%shift_right_logical3A_3, %dma_wait3A_1662, %mul3A_1626] : memref<4x8x1000000xf32, #tpu.memory_space<hbm>> -> memref<1x8x2048xf32, #tpu.memory_space<hbm>>
    %dma_wait3A_1664 = tpu.memref_squeeze %dma_wait3A_1663 : memref<1x8x2048xf32, #tpu.memory_space<hbm>> -> memref<8x2048xf32, #tpu.memory_space<hbm>>
    tpu.wait_dma2 semaphore(%arg9 : memref<!tpu.dma_semaphore, #tpu.memory_space<semaphore_mem>>) src(%dma_wait3A_1664 : memref<8x2048xf32, #tpu.memory_space<hbm>>) dst(%arg6 : memref<8x2048xf32, #tpu.memory_space<vmem>>)
    %dma_start3A_1665 = arith.constant 0 : i32
    %dma_start3A_1666 = tpu.memref_slice %arg4[%shift_right_logical3A_3, %dma_start3A_1665, %mul3A_1658] : memref<4x8x1000000xf32, #tpu.memory_space<hbm>> -> memref<1x8x2048xf32, #tpu.memory_space<hbm>>
    %dma_start3A_1667 = tpu.memref_squeeze %dma_start3A_1666 : memref<1x8x2048xf32, #tpu.memory_space<hbm>> -> memref<8x2048xf32, #tpu.memory_space<hbm>>
    %dma_start3A_1668 = arith.constant 0 : i32
    %dma_start3A_1669 = tpu.memref_slice %arg4[%shift_right_logical3A_3, %dma_start3A_1668, %mul3A_1658] : memref<4x8x1000000xf32, #tpu.memory_space<hbm>> -> memref<1x8x2048xf32, #tpu.memory_space<hbm>>
    %dma_start3A_1670 = tpu.memref_squeeze %dma_start3A_1669 : memref<1x8x2048xf32, #tpu.memory_space<hbm>> -> memref<8x2048xf32, #tpu.memory_space<hbm>>
    tpu.enqueue_dma source(%dma_start3A_1670 : memref<8x2048xf32, #tpu.memory_space<hbm>>) target(%arg6 : memref<8x2048xf32, #tpu.memory_space<vmem>>) target_semaphore(%arg9 : memref<!tpu.dma_semaphore, #tpu.memory_space<semaphore_mem>>)
    %add3A_1671 = arith.constant 352 : i32
    %add3A_1672 = arith.addi %add3A_1671, %and3A_4 : i32
    %mul3A_1673 = arith.constant 2048 : i32
    %mul3A_1674 = arith.muli %add3A_1672, %mul3A_1673 : i32
    %dma_wait3A_1675 = arith.constant 0 : i32
    %dma_wait3A_1676 = tpu.memref_slice %arg4[%shift_right_logical3A_3, %dma_wait3A_1675, %mul3A_1642] : memref<4x8x1000000xf32, #tpu.memory_space<hbm>> -> memref<1x8x2048xf32, #tpu.memory_space<hbm>>
    %dma_wait3A_1677 = tpu.memref_squeeze %dma_wait3A_1676 : memref<1x8x2048xf32, #tpu.memory_space<hbm>> -> memref<8x2048xf32, #tpu.memory_space<hbm>>
    %dma_wait3A_1678 = arith.constant 0 : i32
    %dma_wait3A_1679 = tpu.memref_slice %arg4[%shift_right_logical3A_3, %dma_wait3A_1678, %mul3A_1642] : memref<4x8x1000000xf32, #tpu.memory_space<hbm>> -> memref<1x8x2048xf32, #tpu.memory_space<hbm>>
    %dma_wait3A_1680 = tpu.memref_squeeze %dma_wait3A_1679 : memref<1x8x2048xf32, #tpu.memory_space<hbm>> -> memref<8x2048xf32, #tpu.memory_space<hbm>>
    tpu.wait_dma2 semaphore(%arg10 : memref<!tpu.dma_semaphore, #tpu.memory_space<semaphore_mem>>) src(%dma_wait3A_1680 : memref<8x2048xf32, #tpu.memory_space<hbm>>) dst(%arg7 : memref<8x2048xf32, #tpu.memory_space<vmem>>)
    %dma_start3A_1681 = arith.constant 0 : i32
    %dma_start3A_1682 = tpu.memref_slice %arg4[%shift_right_logical3A_3, %dma_start3A_1681, %mul3A_1674] : memref<4x8x1000000xf32, #tpu.memory_space<hbm>> -> memref<1x8x2048xf32, #tpu.memory_space<hbm>>
    %dma_start3A_1683 = tpu.memref_squeeze %dma_start3A_1682 : memref<1x8x2048xf32, #tpu.memory_space<hbm>> -> memref<8x2048xf32, #tpu.memory_space<hbm>>
    %dma_start3A_1684 = arith.constant 0 : i32
    %dma_start3A_1685 = tpu.memref_slice %arg4[%shift_right_logical3A_3, %dma_start3A_1684, %mul3A_1674] : memref<4x8x1000000xf32, #tpu.memory_space<hbm>> -> memref<1x8x2048xf32, #tpu.memory_space<hbm>>
    %dma_start3A_1686 = tpu.memref_squeeze %dma_start3A_1685 : memref<1x8x2048xf32, #tpu.memory_space<hbm>> -> memref<8x2048xf32, #tpu.memory_space<hbm>>
    tpu.enqueue_dma source(%dma_start3A_1686 : memref<8x2048xf32, #tpu.memory_space<hbm>>) target(%arg7 : memref<8x2048xf32, #tpu.memory_space<vmem>>) target_semaphore(%arg10 : memref<!tpu.dma_semaphore, #tpu.memory_space<semaphore_mem>>)
    %add3A_1687 = arith.constant 360 : i32
    %add3A_1688 = arith.addi %add3A_1687, %and3A_4 : i32
    %mul3A_1689 = arith.constant 2048 : i32
    %mul3A_1690 = arith.muli %add3A_1688, %mul3A_1689 : i32
    %dma_wait3A_1691 = arith.constant 0 : i32
    %dma_wait3A_1692 = tpu.memref_slice %arg4[%shift_right_logical3A_3, %dma_wait3A_1691, %mul3A_1658] : memref<4x8x1000000xf32, #tpu.memory_space<hbm>> -> memref<1x8x2048xf32, #tpu.memory_space<hbm>>
    %dma_wait3A_1693 = tpu.memref_squeeze %dma_wait3A_1692 : memref<1x8x2048xf32, #tpu.memory_space<hbm>> -> memref<8x2048xf32, #tpu.memory_space<hbm>>
    %dma_wait3A_1694 = arith.constant 0 : i32
    %dma_wait3A_1695 = tpu.memref_slice %arg4[%shift_right_logical3A_3, %dma_wait3A_1694, %mul3A_1658] : memref<4x8x1000000xf32, #tpu.memory_space<hbm>> -> memref<1x8x2048xf32, #tpu.memory_space<hbm>>
    %dma_wait3A_1696 = tpu.memref_squeeze %dma_wait3A_1695 : memref<1x8x2048xf32, #tpu.memory_space<hbm>> -> memref<8x2048xf32, #tpu.memory_space<hbm>>
    tpu.wait_dma2 semaphore(%arg9 : memref<!tpu.dma_semaphore, #tpu.memory_space<semaphore_mem>>) src(%dma_wait3A_1696 : memref<8x2048xf32, #tpu.memory_space<hbm>>) dst(%arg6 : memref<8x2048xf32, #tpu.memory_space<vmem>>)
    %dma_start3A_1697 = arith.constant 0 : i32
    %dma_start3A_1698 = tpu.memref_slice %arg4[%shift_right_logical3A_3, %dma_start3A_1697, %mul3A_1690] : memref<4x8x1000000xf32, #tpu.memory_space<hbm>> -> memref<1x8x2048xf32, #tpu.memory_space<hbm>>
    %dma_start3A_1699 = tpu.memref_squeeze %dma_start3A_1698 : memref<1x8x2048xf32, #tpu.memory_space<hbm>> -> memref<8x2048xf32, #tpu.memory_space<hbm>>
    %dma_start3A_1700 = arith.constant 0 : i32
    %dma_start3A_1701 = tpu.memref_slice %arg4[%shift_right_logical3A_3, %dma_start3A_1700, %mul3A_1690] : memref<4x8x1000000xf32, #tpu.memory_space<hbm>> -> memref<1x8x2048xf32, #tpu.memory_space<hbm>>
    %dma_start3A_1702 = tpu.memref_squeeze %dma_start3A_1701 : memref<1x8x2048xf32, #tpu.memory_space<hbm>> -> memref<8x2048xf32, #tpu.memory_space<hbm>>
    tpu.enqueue_dma source(%dma_start3A_1702 : memref<8x2048xf32, #tpu.memory_space<hbm>>) target(%arg6 : memref<8x2048xf32, #tpu.memory_space<vmem>>) target_semaphore(%arg9 : memref<!tpu.dma_semaphore, #tpu.memory_space<semaphore_mem>>)
    %add3A_1703 = arith.constant 368 : i32
    %add3A_1704 = arith.addi %add3A_1703, %and3A_4 : i32
    %mul3A_1705 = arith.constant 2048 : i32
    %mul3A_1706 = arith.muli %add3A_1704, %mul3A_1705 : i32
    %dma_wait3A_1707 = arith.constant 0 : i32
    %dma_wait3A_1708 = tpu.memref_slice %arg4[%shift_right_logical3A_3, %dma_wait3A_1707, %mul3A_1674] : memref<4x8x1000000xf32, #tpu.memory_space<hbm>> -> memref<1x8x2048xf32, #tpu.memory_space<hbm>>
    %dma_wait3A_1709 = tpu.memref_squeeze %dma_wait3A_1708 : memref<1x8x2048xf32, #tpu.memory_space<hbm>> -> memref<8x2048xf32, #tpu.memory_space<hbm>>
    %dma_wait3A_1710 = arith.constant 0 : i32
    %dma_wait3A_1711 = tpu.memref_slice %arg4[%shift_right_logical3A_3, %dma_wait3A_1710, %mul3A_1674] : memref<4x8x1000000xf32, #tpu.memory_space<hbm>> -> memref<1x8x2048xf32, #tpu.memory_space<hbm>>
    %dma_wait3A_1712 = tpu.memref_squeeze %dma_wait3A_1711 : memref<1x8x2048xf32, #tpu.memory_space<hbm>> -> memref<8x2048xf32, #tpu.memory_space<hbm>>
    tpu.wait_dma2 semaphore(%arg10 : memref<!tpu.dma_semaphore, #tpu.memory_space<semaphore_mem>>) src(%dma_wait3A_1712 : memref<8x2048xf32, #tpu.memory_space<hbm>>) dst(%arg7 : memref<8x2048xf32, #tpu.memory_space<vmem>>)
    %dma_start3A_1713 = arith.constant 0 : i32
    %dma_start3A_1714 = tpu.memref_slice %arg4[%shift_right_logical3A_3, %dma_start3A_1713, %mul3A_1706] : memref<4x8x1000000xf32, #tpu.memory_space<hbm>> -> memref<1x8x2048xf32, #tpu.memory_space<hbm>>
    %dma_start3A_1715 = tpu.memref_squeeze %dma_start3A_1714 : memref<1x8x2048xf32, #tpu.memory_space<hbm>> -> memref<8x2048xf32, #tpu.memory_space<hbm>>
    %dma_start3A_1716 = arith.constant 0 : i32
    %dma_start3A_1717 = tpu.memref_slice %arg4[%shift_right_logical3A_3, %dma_start3A_1716, %mul3A_1706] : memref<4x8x1000000xf32, #tpu.memory_space<hbm>> -> memref<1x8x2048xf32, #tpu.memory_space<hbm>>
    %dma_start3A_1718 = tpu.memref_squeeze %dma_start3A_1717 : memref<1x8x2048xf32, #tpu.memory_space<hbm>> -> memref<8x2048xf32, #tpu.memory_space<hbm>>
    tpu.enqueue_dma source(%dma_start3A_1718 : memref<8x2048xf32, #tpu.memory_space<hbm>>) target(%arg7 : memref<8x2048xf32, #tpu.memory_space<vmem>>) target_semaphore(%arg10 : memref<!tpu.dma_semaphore, #tpu.memory_space<semaphore_mem>>)
    %add3A_1719 = arith.constant 376 : i32
    %add3A_1720 = arith.addi %add3A_1719, %and3A_4 : i32
    %mul3A_1721 = arith.constant 2048 : i32
    %mul3A_1722 = arith.muli %add3A_1720, %mul3A_1721 : i32
    %dma_wait3A_1723 = arith.constant 0 : i32
    %dma_wait3A_1724 = tpu.memref_slice %arg4[%shift_right_logical3A_3, %dma_wait3A_1723, %mul3A_1690] : memref<4x8x1000000xf32, #tpu.memory_space<hbm>> -> memref<1x8x2048xf32, #tpu.memory_space<hbm>>
    %dma_wait3A_1725 = tpu.memref_squeeze %dma_wait3A_1724 : memref<1x8x2048xf32, #tpu.memory_space<hbm>> -> memref<8x2048xf32, #tpu.memory_space<hbm>>
    %dma_wait3A_1726 = arith.constant 0 : i32
    %dma_wait3A_1727 = tpu.memref_slice %arg4[%shift_right_logical3A_3, %dma_wait3A_1726, %mul3A_1690] : memref<4x8x1000000xf32, #tpu.memory_space<hbm>> -> memref<1x8x2048xf32, #tpu.memory_space<hbm>>
    %dma_wait3A_1728 = tpu.memref_squeeze %dma_wait3A_1727 : memref<1x8x2048xf32, #tpu.memory_space<hbm>> -> memref<8x2048xf32, #tpu.memory_space<hbm>>
    tpu.wait_dma2 semaphore(%arg9 : memref<!tpu.dma_semaphore, #tpu.memory_space<semaphore_mem>>) src(%dma_wait3A_1728 : memref<8x2048xf32, #tpu.memory_space<hbm>>) dst(%arg6 : memref<8x2048xf32, #tpu.memory_space<vmem>>)
    %dma_start3A_1729 = arith.constant 0 : i32
    %dma_start3A_1730 = tpu.memref_slice %arg4[%shift_right_logical3A_3, %dma_start3A_1729, %mul3A_1722] : memref<4x8x1000000xf32, #tpu.memory_space<hbm>> -> memref<1x8x2048xf32, #tpu.memory_space<hbm>>
    %dma_start3A_1731 = tpu.memref_squeeze %dma_start3A_1730 : memref<1x8x2048xf32, #tpu.memory_space<hbm>> -> memref<8x2048xf32, #tpu.memory_space<hbm>>
    %dma_start3A_1732 = arith.constant 0 : i32
    %dma_start3A_1733 = tpu.memref_slice %arg4[%shift_right_logical3A_3, %dma_start3A_1732, %mul3A_1722] : memref<4x8x1000000xf32, #tpu.memory_space<hbm>> -> memref<1x8x2048xf32, #tpu.memory_space<hbm>>
    %dma_start3A_1734 = tpu.memref_squeeze %dma_start3A_1733 : memref<1x8x2048xf32, #tpu.memory_space<hbm>> -> memref<8x2048xf32, #tpu.memory_space<hbm>>
    tpu.enqueue_dma source(%dma_start3A_1734 : memref<8x2048xf32, #tpu.memory_space<hbm>>) target(%arg6 : memref<8x2048xf32, #tpu.memory_space<vmem>>) target_semaphore(%arg9 : memref<!tpu.dma_semaphore, #tpu.memory_space<semaphore_mem>>)
    %add3A_1735 = arith.constant 384 : i32
    %add3A_1736 = arith.addi %add3A_1735, %and3A_4 : i32
    %mul3A_1737 = arith.constant 2048 : i32
    %mul3A_1738 = arith.muli %add3A_1736, %mul3A_1737 : i32
    %dma_wait3A_1739 = arith.constant 0 : i32
    %dma_wait3A_1740 = tpu.memref_slice %arg4[%shift_right_logical3A_3, %dma_wait3A_1739, %mul3A_1706] : memref<4x8x1000000xf32, #tpu.memory_space<hbm>> -> memref<1x8x2048xf32, #tpu.memory_space<hbm>>
    %dma_wait3A_1741 = tpu.memref_squeeze %dma_wait3A_1740 : memref<1x8x2048xf32, #tpu.memory_space<hbm>> -> memref<8x2048xf32, #tpu.memory_space<hbm>>
    %dma_wait3A_1742 = arith.constant 0 : i32
    %dma_wait3A_1743 = tpu.memref_slice %arg4[%shift_right_logical3A_3, %dma_wait3A_1742, %mul3A_1706] : memref<4x8x1000000xf32, #tpu.memory_space<hbm>> -> memref<1x8x2048xf32, #tpu.memory_space<hbm>>
    %dma_wait3A_1744 = tpu.memref_squeeze %dma_wait3A_1743 : memref<1x8x2048xf32, #tpu.memory_space<hbm>> -> memref<8x2048xf32, #tpu.memory_space<hbm>>
    tpu.wait_dma2 semaphore(%arg10 : memref<!tpu.dma_semaphore, #tpu.memory_space<semaphore_mem>>) src(%dma_wait3A_1744 : memref<8x2048xf32, #tpu.memory_space<hbm>>) dst(%arg7 : memref<8x2048xf32, #tpu.memory_space<vmem>>)
    %dma_start3A_1745 = arith.constant 0 : i32
    %dma_start3A_1746 = tpu.memref_slice %arg4[%shift_right_logical3A_3, %dma_start3A_1745, %mul3A_1738] : memref<4x8x1000000xf32, #tpu.memory_space<hbm>> -> memref<1x8x2048xf32, #tpu.memory_space<hbm>>
    %dma_start3A_1747 = tpu.memref_squeeze %dma_start3A_1746 : memref<1x8x2048xf32, #tpu.memory_space<hbm>> -> memref<8x2048xf32, #tpu.memory_space<hbm>>
    %dma_start3A_1748 = arith.constant 0 : i32
    %dma_start3A_1749 = tpu.memref_slice %arg4[%shift_right_logical3A_3, %dma_start3A_1748, %mul3A_1738] : memref<4x8x1000000xf32, #tpu.memory_space<hbm>> -> memref<1x8x2048xf32, #tpu.memory_space<hbm>>
    %dma_start3A_1750 = tpu.memref_squeeze %dma_start3A_1749 : memref<1x8x2048xf32, #tpu.memory_space<hbm>> -> memref<8x2048xf32, #tpu.memory_space<hbm>>
    tpu.enqueue_dma source(%dma_start3A_1750 : memref<8x2048xf32, #tpu.memory_space<hbm>>) target(%arg7 : memref<8x2048xf32, #tpu.memory_space<vmem>>) target_semaphore(%arg10 : memref<!tpu.dma_semaphore, #tpu.memory_space<semaphore_mem>>)
    %add3A_1751 = arith.constant 392 : i32
    %add3A_1752 = arith.addi %add3A_1751, %and3A_4 : i32
    %mul3A_1753 = arith.constant 2048 : i32
    %mul3A_1754 = arith.muli %add3A_1752, %mul3A_1753 : i32
    %dma_wait3A_1755 = arith.constant 0 : i32
    %dma_wait3A_1756 = tpu.memref_slice %arg4[%shift_right_logical3A_3, %dma_wait3A_1755, %mul3A_1722] : memref<4x8x1000000xf32, #tpu.memory_space<hbm>> -> memref<1x8x2048xf32, #tpu.memory_space<hbm>>
    %dma_wait3A_1757 = tpu.memref_squeeze %dma_wait3A_1756 : memref<1x8x2048xf32, #tpu.memory_space<hbm>> -> memref<8x2048xf32, #tpu.memory_space<hbm>>
    %dma_wait3A_1758 = arith.constant 0 : i32
    %dma_wait3A_1759 = tpu.memref_slice %arg4[%shift_right_logical3A_3, %dma_wait3A_1758, %mul3A_1722] : memref<4x8x1000000xf32, #tpu.memory_space<hbm>> -> memref<1x8x2048xf32, #tpu.memory_space<hbm>>
    %dma_wait3A_1760 = tpu.memref_squeeze %dma_wait3A_1759 : memref<1x8x2048xf32, #tpu.memory_space<hbm>> -> memref<8x2048xf32, #tpu.memory_space<hbm>>
    tpu.wait_dma2 semaphore(%arg9 : memref<!tpu.dma_semaphore, #tpu.memory_space<semaphore_mem>>) src(%dma_wait3A_1760 : memref<8x2048xf32, #tpu.memory_space<hbm>>) dst(%arg6 : memref<8x2048xf32, #tpu.memory_space<vmem>>)
    %dma_start3A_1761 = arith.constant 0 : i32
    %dma_start3A_1762 = tpu.memref_slice %arg4[%shift_right_logical3A_3, %dma_start3A_1761, %mul3A_1754] : memref<4x8x1000000xf32, #tpu.memory_space<hbm>> -> memref<1x8x2048xf32, #tpu.memory_space<hbm>>
    %dma_start3A_1763 = tpu.memref_squeeze %dma_start3A_1762 : memref<1x8x2048xf32, #tpu.memory_space<hbm>> -> memref<8x2048xf32, #tpu.memory_space<hbm>>
    %dma_start3A_1764 = arith.constant 0 : i32
    %dma_start3A_1765 = tpu.memref_slice %arg4[%shift_right_logical3A_3, %dma_start3A_1764, %mul3A_1754] : memref<4x8x1000000xf32, #tpu.memory_space<hbm>> -> memref<1x8x2048xf32, #tpu.memory_space<hbm>>
    %dma_start3A_1766 = tpu.memref_squeeze %dma_start3A_1765 : memref<1x8x2048xf32, #tpu.memory_space<hbm>> -> memref<8x2048xf32, #tpu.memory_space<hbm>>
    tpu.enqueue_dma source(%dma_start3A_1766 : memref<8x2048xf32, #tpu.memory_space<hbm>>) target(%arg6 : memref<8x2048xf32, #tpu.memory_space<vmem>>) target_semaphore(%arg9 : memref<!tpu.dma_semaphore, #tpu.memory_space<semaphore_mem>>)
    %add3A_1767 = arith.constant 400 : i32
    %add3A_1768 = arith.addi %add3A_1767, %and3A_4 : i32
    %mul3A_1769 = arith.constant 2048 : i32
    %mul3A_1770 = arith.muli %add3A_1768, %mul3A_1769 : i32
    %dma_wait3A_1771 = arith.constant 0 : i32
    %dma_wait3A_1772 = tpu.memref_slice %arg4[%shift_right_logical3A_3, %dma_wait3A_1771, %mul3A_1738] : memref<4x8x1000000xf32, #tpu.memory_space<hbm>> -> memref<1x8x2048xf32, #tpu.memory_space<hbm>>
    %dma_wait3A_1773 = tpu.memref_squeeze %dma_wait3A_1772 : memref<1x8x2048xf32, #tpu.memory_space<hbm>> -> memref<8x2048xf32, #tpu.memory_space<hbm>>
    %dma_wait3A_1774 = arith.constant 0 : i32
    %dma_wait3A_1775 = tpu.memref_slice %arg4[%shift_right_logical3A_3, %dma_wait3A_1774, %mul3A_1738] : memref<4x8x1000000xf32, #tpu.memory_space<hbm>> -> memref<1x8x2048xf32, #tpu.memory_space<hbm>>
    %dma_wait3A_1776 = tpu.memref_squeeze %dma_wait3A_1775 : memref<1x8x2048xf32, #tpu.memory_space<hbm>> -> memref<8x2048xf32, #tpu.memory_space<hbm>>
    tpu.wait_dma2 semaphore(%arg10 : memref<!tpu.dma_semaphore, #tpu.memory_space<semaphore_mem>>) src(%dma_wait3A_1776 : memref<8x2048xf32, #tpu.memory_space<hbm>>) dst(%arg7 : memref<8x2048xf32, #tpu.memory_space<vmem>>)
    %dma_start3A_1777 = arith.constant 0 : i32
    %dma_start3A_1778 = tpu.memref_slice %arg4[%shift_right_logical3A_3, %dma_start3A_1777, %mul3A_1770] : memref<4x8x1000000xf32, #tpu.memory_space<hbm>> -> memref<1x8x2048xf32, #tpu.memory_space<hbm>>
    %dma_start3A_1779 = tpu.memref_squeeze %dma_start3A_1778 : memref<1x8x2048xf32, #tpu.memory_space<hbm>> -> memref<8x2048xf32, #tpu.memory_space<hbm>>
    %dma_start3A_1780 = arith.constant 0 : i32
    %dma_start3A_1781 = tpu.memref_slice %arg4[%shift_right_logical3A_3, %dma_start3A_1780, %mul3A_1770] : memref<4x8x1000000xf32, #tpu.memory_space<hbm>> -> memref<1x8x2048xf32, #tpu.memory_space<hbm>>
    %dma_start3A_1782 = tpu.memref_squeeze %dma_start3A_1781 : memref<1x8x2048xf32, #tpu.memory_space<hbm>> -> memref<8x2048xf32, #tpu.memory_space<hbm>>
    tpu.enqueue_dma source(%dma_start3A_1782 : memref<8x2048xf32, #tpu.memory_space<hbm>>) target(%arg7 : memref<8x2048xf32, #tpu.memory_space<vmem>>) target_semaphore(%arg10 : memref<!tpu.dma_semaphore, #tpu.memory_space<semaphore_mem>>)
    %add3A_1783 = arith.constant 408 : i32
    %add3A_1784 = arith.addi %add3A_1783, %and3A_4 : i32
    %mul3A_1785 = arith.constant 2048 : i32
    %mul3A_1786 = arith.muli %add3A_1784, %mul3A_1785 : i32
    %dma_wait3A_1787 = arith.constant 0 : i32
    %dma_wait3A_1788 = tpu.memref_slice %arg4[%shift_right_logical3A_3, %dma_wait3A_1787, %mul3A_1754] : memref<4x8x1000000xf32, #tpu.memory_space<hbm>> -> memref<1x8x2048xf32, #tpu.memory_space<hbm>>
    %dma_wait3A_1789 = tpu.memref_squeeze %dma_wait3A_1788 : memref<1x8x2048xf32, #tpu.memory_space<hbm>> -> memref<8x2048xf32, #tpu.memory_space<hbm>>
    %dma_wait3A_1790 = arith.constant 0 : i32
    %dma_wait3A_1791 = tpu.memref_slice %arg4[%shift_right_logical3A_3, %dma_wait3A_1790, %mul3A_1754] : memref<4x8x1000000xf32, #tpu.memory_space<hbm>> -> memref<1x8x2048xf32, #tpu.memory_space<hbm>>
    %dma_wait3A_1792 = tpu.memref_squeeze %dma_wait3A_1791 : memref<1x8x2048xf32, #tpu.memory_space<hbm>> -> memref<8x2048xf32, #tpu.memory_space<hbm>>
    tpu.wait_dma2 semaphore(%arg9 : memref<!tpu.dma_semaphore, #tpu.memory_space<semaphore_mem>>) src(%dma_wait3A_1792 : memref<8x2048xf32, #tpu.memory_space<hbm>>) dst(%arg6 : memref<8x2048xf32, #tpu.memory_space<vmem>>)
    %dma_start3A_1793 = arith.constant 0 : i32
    %dma_start3A_1794 = tpu.memref_slice %arg4[%shift_right_logical3A_3, %dma_start3A_1793, %mul3A_1786] : memref<4x8x1000000xf32, #tpu.memory_space<hbm>> -> memref<1x8x2048xf32, #tpu.memory_space<hbm>>
    %dma_start3A_1795 = tpu.memref_squeeze %dma_start3A_1794 : memref<1x8x2048xf32, #tpu.memory_space<hbm>> -> memref<8x2048xf32, #tpu.memory_space<hbm>>
    %dma_start3A_1796 = arith.constant 0 : i32
    %dma_start3A_1797 = tpu.memref_slice %arg4[%shift_right_logical3A_3, %dma_start3A_1796, %mul3A_1786] : memref<4x8x1000000xf32, #tpu.memory_space<hbm>> -> memref<1x8x2048xf32, #tpu.memory_space<hbm>>
    %dma_start3A_1798 = tpu.memref_squeeze %dma_start3A_1797 : memref<1x8x2048xf32, #tpu.memory_space<hbm>> -> memref<8x2048xf32, #tpu.memory_space<hbm>>
    tpu.enqueue_dma source(%dma_start3A_1798 : memref<8x2048xf32, #tpu.memory_space<hbm>>) target(%arg6 : memref<8x2048xf32, #tpu.memory_space<vmem>>) target_semaphore(%arg9 : memref<!tpu.dma_semaphore, #tpu.memory_space<semaphore_mem>>)
    %add3A_1799 = arith.constant 416 : i32
    %add3A_1800 = arith.addi %add3A_1799, %and3A_4 : i32
    %mul3A_1801 = arith.constant 2048 : i32
    %mul3A_1802 = arith.muli %add3A_1800, %mul3A_1801 : i32
    %dma_wait3A_1803 = arith.constant 0 : i32
    %dma_wait3A_1804 = tpu.memref_slice %arg4[%shift_right_logical3A_3, %dma_wait3A_1803, %mul3A_1770] : memref<4x8x1000000xf32, #tpu.memory_space<hbm>> -> memref<1x8x2048xf32, #tpu.memory_space<hbm>>
    %dma_wait3A_1805 = tpu.memref_squeeze %dma_wait3A_1804 : memref<1x8x2048xf32, #tpu.memory_space<hbm>> -> memref<8x2048xf32, #tpu.memory_space<hbm>>
    %dma_wait3A_1806 = arith.constant 0 : i32
    %dma_wait3A_1807 = tpu.memref_slice %arg4[%shift_right_logical3A_3, %dma_wait3A_1806, %mul3A_1770] : memref<4x8x1000000xf32, #tpu.memory_space<hbm>> -> memref<1x8x2048xf32, #tpu.memory_space<hbm>>
    %dma_wait3A_1808 = tpu.memref_squeeze %dma_wait3A_1807 : memref<1x8x2048xf32, #tpu.memory_space<hbm>> -> memref<8x2048xf32, #tpu.memory_space<hbm>>
    tpu.wait_dma2 semaphore(%arg10 : memref<!tpu.dma_semaphore, #tpu.memory_space<semaphore_mem>>) src(%dma_wait3A_1808 : memref<8x2048xf32, #tpu.memory_space<hbm>>) dst(%arg7 : memref<8x2048xf32, #tpu.memory_space<vmem>>)
    %dma_start3A_1809 = arith.constant 0 : i32
    %dma_start3A_1810 = tpu.memref_slice %arg4[%shift_right_logical3A_3, %dma_start3A_1809, %mul3A_1802] : memref<4x8x1000000xf32, #tpu.memory_space<hbm>> -> memref<1x8x2048xf32, #tpu.memory_space<hbm>>
    %dma_start3A_1811 = tpu.memref_squeeze %dma_start3A_1810 : memref<1x8x2048xf32, #tpu.memory_space<hbm>> -> memref<8x2048xf32, #tpu.memory_space<hbm>>
    %dma_start3A_1812 = arith.constant 0 : i32
    %dma_start3A_1813 = tpu.memref_slice %arg4[%shift_right_logical3A_3, %dma_start3A_1812, %mul3A_1802] : memref<4x8x1000000xf32, #tpu.memory_space<hbm>> -> memref<1x8x2048xf32, #tpu.memory_space<hbm>>
    %dma_start3A_1814 = tpu.memref_squeeze %dma_start3A_1813 : memref<1x8x2048xf32, #tpu.memory_space<hbm>> -> memref<8x2048xf32, #tpu.memory_space<hbm>>
    tpu.enqueue_dma source(%dma_start3A_1814 : memref<8x2048xf32, #tpu.memory_space<hbm>>) target(%arg7 : memref<8x2048xf32, #tpu.memory_space<vmem>>) target_semaphore(%arg10 : memref<!tpu.dma_semaphore, #tpu.memory_space<semaphore_mem>>)
    %add3A_1815 = arith.constant 424 : i32
    %add3A_1816 = arith.addi %add3A_1815, %and3A_4 : i32
    %mul3A_1817 = arith.constant 2048 : i32
    %mul3A_1818 = arith.muli %add3A_1816, %mul3A_1817 : i32
    %dma_wait3A_1819 = arith.constant 0 : i32
    %dma_wait3A_1820 = tpu.memref_slice %arg4[%shift_right_logical3A_3, %dma_wait3A_1819, %mul3A_1786] : memref<4x8x1000000xf32, #tpu.memory_space<hbm>> -> memref<1x8x2048xf32, #tpu.memory_space<hbm>>
    %dma_wait3A_1821 = tpu.memref_squeeze %dma_wait3A_1820 : memref<1x8x2048xf32, #tpu.memory_space<hbm>> -> memref<8x2048xf32, #tpu.memory_space<hbm>>
    %dma_wait3A_1822 = arith.constant 0 : i32
    %dma_wait3A_1823 = tpu.memref_slice %arg4[%shift_right_logical3A_3, %dma_wait3A_1822, %mul3A_1786] : memref<4x8x1000000xf32, #tpu.memory_space<hbm>> -> memref<1x8x2048xf32, #tpu.memory_space<hbm>>
    %dma_wait3A_1824 = tpu.memref_squeeze %dma_wait3A_1823 : memref<1x8x2048xf32, #tpu.memory_space<hbm>> -> memref<8x2048xf32, #tpu.memory_space<hbm>>
    tpu.wait_dma2 semaphore(%arg9 : memref<!tpu.dma_semaphore, #tpu.memory_space<semaphore_mem>>) src(%dma_wait3A_1824 : memref<8x2048xf32, #tpu.memory_space<hbm>>) dst(%arg6 : memref<8x2048xf32, #tpu.memory_space<vmem>>)
    %dma_start3A_1825 = arith.constant 0 : i32
    %dma_start3A_1826 = tpu.memref_slice %arg4[%shift_right_logical3A_3, %dma_start3A_1825, %mul3A_1818] : memref<4x8x1000000xf32, #tpu.memory_space<hbm>> -> memref<1x8x2048xf32, #tpu.memory_space<hbm>>
    %dma_start3A_1827 = tpu.memref_squeeze %dma_start3A_1826 : memref<1x8x2048xf32, #tpu.memory_space<hbm>> -> memref<8x2048xf32, #tpu.memory_space<hbm>>
    %dma_start3A_1828 = arith.constant 0 : i32
    %dma_start3A_1829 = tpu.memref_slice %arg4[%shift_right_logical3A_3, %dma_start3A_1828, %mul3A_1818] : memref<4x8x1000000xf32, #tpu.memory_space<hbm>> -> memref<1x8x2048xf32, #tpu.memory_space<hbm>>
    %dma_start3A_1830 = tpu.memref_squeeze %dma_start3A_1829 : memref<1x8x2048xf32, #tpu.memory_space<hbm>> -> memref<8x2048xf32, #tpu.memory_space<hbm>>
    tpu.enqueue_dma source(%dma_start3A_1830 : memref<8x2048xf32, #tpu.memory_space<hbm>>) target(%arg6 : memref<8x2048xf32, #tpu.memory_space<vmem>>) target_semaphore(%arg9 : memref<!tpu.dma_semaphore, #tpu.memory_space<semaphore_mem>>)
    %add3A_1831 = arith.constant 432 : i32
    %add3A_1832 = arith.addi %add3A_1831, %and3A_4 : i32
    %mul3A_1833 = arith.constant 2048 : i32
    %mul3A_1834 = arith.muli %add3A_1832, %mul3A_1833 : i32
    %dma_wait3A_1835 = arith.constant 0 : i32
    %dma_wait3A_1836 = tpu.memref_slice %arg4[%shift_right_logical3A_3, %dma_wait3A_1835, %mul3A_1802] : memref<4x8x1000000xf32, #tpu.memory_space<hbm>> -> memref<1x8x2048xf32, #tpu.memory_space<hbm>>
    %dma_wait3A_1837 = tpu.memref_squeeze %dma_wait3A_1836 : memref<1x8x2048xf32, #tpu.memory_space<hbm>> -> memref<8x2048xf32, #tpu.memory_space<hbm>>
    %dma_wait3A_1838 = arith.constant 0 : i32
    %dma_wait3A_1839 = tpu.memref_slice %arg4[%shift_right_logical3A_3, %dma_wait3A_1838, %mul3A_1802] : memref<4x8x1000000xf32, #tpu.memory_space<hbm>> -> memref<1x8x2048xf32, #tpu.memory_space<hbm>>
    %dma_wait3A_1840 = tpu.memref_squeeze %dma_wait3A_1839 : memref<1x8x2048xf32, #tpu.memory_space<hbm>> -> memref<8x2048xf32, #tpu.memory_space<hbm>>
    tpu.wait_dma2 semaphore(%arg10 : memref<!tpu.dma_semaphore, #tpu.memory_space<semaphore_mem>>) src(%dma_wait3A_1840 : memref<8x2048xf32, #tpu.memory_space<hbm>>) dst(%arg7 : memref<8x2048xf32, #tpu.memory_space<vmem>>)
    %dma_start3A_1841 = arith.constant 0 : i32
    %dma_start3A_1842 = tpu.memref_slice %arg4[%shift_right_logical3A_3, %dma_start3A_1841, %mul3A_1834] : memref<4x8x1000000xf32, #tpu.memory_space<hbm>> -> memref<1x8x2048xf32, #tpu.memory_space<hbm>>
    %dma_start3A_1843 = tpu.memref_squeeze %dma_start3A_1842 : memref<1x8x2048xf32, #tpu.memory_space<hbm>> -> memref<8x2048xf32, #tpu.memory_space<hbm>>
    %dma_start3A_1844 = arith.constant 0 : i32
    %dma_start3A_1845 = tpu.memref_slice %arg4[%shift_right_logical3A_3, %dma_start3A_1844, %mul3A_1834] : memref<4x8x1000000xf32, #tpu.memory_space<hbm>> -> memref<1x8x2048xf32, #tpu.memory_space<hbm>>
    %dma_start3A_1846 = tpu.memref_squeeze %dma_start3A_1845 : memref<1x8x2048xf32, #tpu.memory_space<hbm>> -> memref<8x2048xf32, #tpu.memory_space<hbm>>
    tpu.enqueue_dma source(%dma_start3A_1846 : memref<8x2048xf32, #tpu.memory_space<hbm>>) target(%arg7 : memref<8x2048xf32, #tpu.memory_space<vmem>>) target_semaphore(%arg10 : memref<!tpu.dma_semaphore, #tpu.memory_space<semaphore_mem>>)
    %add3A_1847 = arith.constant 440 : i32
    %add3A_1848 = arith.addi %add3A_1847, %and3A_4 : i32
    %mul3A_1849 = arith.constant 2048 : i32
    %mul3A_1850 = arith.muli %add3A_1848, %mul3A_1849 : i32
    %dma_wait3A_1851 = arith.constant 0 : i32
    %dma_wait3A_1852 = tpu.memref_slice %arg4[%shift_right_logical3A_3, %dma_wait3A_1851, %mul3A_1818] : memref<4x8x1000000xf32, #tpu.memory_space<hbm>> -> memref<1x8x2048xf32, #tpu.memory_space<hbm>>
    %dma_wait3A_1853 = tpu.memref_squeeze %dma_wait3A_1852 : memref<1x8x2048xf32, #tpu.memory_space<hbm>> -> memref<8x2048xf32, #tpu.memory_space<hbm>>
    %dma_wait3A_1854 = arith.constant 0 : i32
    %dma_wait3A_1855 = tpu.memref_slice %arg4[%shift_right_logical3A_3, %dma_wait3A_1854, %mul3A_1818] : memref<4x8x1000000xf32, #tpu.memory_space<hbm>> -> memref<1x8x2048xf32, #tpu.memory_space<hbm>>
    %dma_wait3A_1856 = tpu.memref_squeeze %dma_wait3A_1855 : memref<1x8x2048xf32, #tpu.memory_space<hbm>> -> memref<8x2048xf32, #tpu.memory_space<hbm>>
    tpu.wait_dma2 semaphore(%arg9 : memref<!tpu.dma_semaphore, #tpu.memory_space<semaphore_mem>>) src(%dma_wait3A_1856 : memref<8x2048xf32, #tpu.memory_space<hbm>>) dst(%arg6 : memref<8x2048xf32, #tpu.memory_space<vmem>>)
    %dma_start3A_1857 = arith.constant 0 : i32
    %dma_start3A_1858 = tpu.memref_slice %arg4[%shift_right_logical3A_3, %dma_start3A_1857, %mul3A_1850] : memref<4x8x1000000xf32, #tpu.memory_space<hbm>> -> memref<1x8x2048xf32, #tpu.memory_space<hbm>>
    %dma_start3A_1859 = tpu.memref_squeeze %dma_start3A_1858 : memref<1x8x2048xf32, #tpu.memory_space<hbm>> -> memref<8x2048xf32, #tpu.memory_space<hbm>>
    %dma_start3A_1860 = arith.constant 0 : i32
    %dma_start3A_1861 = tpu.memref_slice %arg4[%shift_right_logical3A_3, %dma_start3A_1860, %mul3A_1850] : memref<4x8x1000000xf32, #tpu.memory_space<hbm>> -> memref<1x8x2048xf32, #tpu.memory_space<hbm>>
    %dma_start3A_1862 = tpu.memref_squeeze %dma_start3A_1861 : memref<1x8x2048xf32, #tpu.memory_space<hbm>> -> memref<8x2048xf32, #tpu.memory_space<hbm>>
    tpu.enqueue_dma source(%dma_start3A_1862 : memref<8x2048xf32, #tpu.memory_space<hbm>>) target(%arg6 : memref<8x2048xf32, #tpu.memory_space<vmem>>) target_semaphore(%arg9 : memref<!tpu.dma_semaphore, #tpu.memory_space<semaphore_mem>>)
    %add3A_1863 = arith.constant 448 : i32
    %add3A_1864 = arith.addi %add3A_1863, %and3A_4 : i32
    %mul3A_1865 = arith.constant 2048 : i32
    %mul3A_1866 = arith.muli %add3A_1864, %mul3A_1865 : i32
    %dma_wait3A_1867 = arith.constant 0 : i32
    %dma_wait3A_1868 = tpu.memref_slice %arg4[%shift_right_logical3A_3, %dma_wait3A_1867, %mul3A_1834] : memref<4x8x1000000xf32, #tpu.memory_space<hbm>> -> memref<1x8x2048xf32, #tpu.memory_space<hbm>>
    %dma_wait3A_1869 = tpu.memref_squeeze %dma_wait3A_1868 : memref<1x8x2048xf32, #tpu.memory_space<hbm>> -> memref<8x2048xf32, #tpu.memory_space<hbm>>
    %dma_wait3A_1870 = arith.constant 0 : i32
    %dma_wait3A_1871 = tpu.memref_slice %arg4[%shift_right_logical3A_3, %dma_wait3A_1870, %mul3A_1834] : memref<4x8x1000000xf32, #tpu.memory_space<hbm>> -> memref<1x8x2048xf32, #tpu.memory_space<hbm>>
    %dma_wait3A_1872 = tpu.memref_squeeze %dma_wait3A_1871 : memref<1x8x2048xf32, #tpu.memory_space<hbm>> -> memref<8x2048xf32, #tpu.memory_space<hbm>>
    tpu.wait_dma2 semaphore(%arg10 : memref<!tpu.dma_semaphore, #tpu.memory_space<semaphore_mem>>) src(%dma_wait3A_1872 : memref<8x2048xf32, #tpu.memory_space<hbm>>) dst(%arg7 : memref<8x2048xf32, #tpu.memory_space<vmem>>)
    %dma_start3A_1873 = arith.constant 0 : i32
    %dma_start3A_1874 = tpu.memref_slice %arg4[%shift_right_logical3A_3, %dma_start3A_1873, %mul3A_1866] : memref<4x8x1000000xf32, #tpu.memory_space<hbm>> -> memref<1x8x2048xf32, #tpu.memory_space<hbm>>
    %dma_start3A_1875 = tpu.memref_squeeze %dma_start3A_1874 : memref<1x8x2048xf32, #tpu.memory_space<hbm>> -> memref<8x2048xf32, #tpu.memory_space<hbm>>
    %dma_start3A_1876 = arith.constant 0 : i32
    %dma_start3A_1877 = tpu.memref_slice %arg4[%shift_right_logical3A_3, %dma_start3A_1876, %mul3A_1866] : memref<4x8x1000000xf32, #tpu.memory_space<hbm>> -> memref<1x8x2048xf32, #tpu.memory_space<hbm>>
    %dma_start3A_1878 = tpu.memref_squeeze %dma_start3A_1877 : memref<1x8x2048xf32, #tpu.memory_space<hbm>> -> memref<8x2048xf32, #tpu.memory_space<hbm>>
    tpu.enqueue_dma source(%dma_start3A_1878 : memref<8x2048xf32, #tpu.memory_space<hbm>>) target(%arg7 : memref<8x2048xf32, #tpu.memory_space<vmem>>) target_semaphore(%arg10 : memref<!tpu.dma_semaphore, #tpu.memory_space<semaphore_mem>>)
    %add3A_1879 = arith.constant 456 : i32
    %add3A_1880 = arith.addi %add3A_1879, %and3A_4 : i32
    %mul3A_1881 = arith.constant 2048 : i32
    %mul3A_1882 = arith.muli %add3A_1880, %mul3A_1881 : i32
    %dma_wait3A_1883 = arith.constant 0 : i32
    %dma_wait3A_1884 = tpu.memref_slice %arg4[%shift_right_logical3A_3, %dma_wait3A_1883, %mul3A_1850] : memref<4x8x1000000xf32, #tpu.memory_space<hbm>> -> memref<1x8x2048xf32, #tpu.memory_space<hbm>>
    %dma_wait3A_1885 = tpu.memref_squeeze %dma_wait3A_1884 : memref<1x8x2048xf32, #tpu.memory_space<hbm>> -> memref<8x2048xf32, #tpu.memory_space<hbm>>
    %dma_wait3A_1886 = arith.constant 0 : i32
    %dma_wait3A_1887 = tpu.memref_slice %arg4[%shift_right_logical3A_3, %dma_wait3A_1886, %mul3A_1850] : memref<4x8x1000000xf32, #tpu.memory_space<hbm>> -> memref<1x8x2048xf32, #tpu.memory_space<hbm>>
    %dma_wait3A_1888 = tpu.memref_squeeze %dma_wait3A_1887 : memref<1x8x2048xf32, #tpu.memory_space<hbm>> -> memref<8x2048xf32, #tpu.memory_space<hbm>>
    tpu.wait_dma2 semaphore(%arg9 : memref<!tpu.dma_semaphore, #tpu.memory_space<semaphore_mem>>) src(%dma_wait3A_1888 : memref<8x2048xf32, #tpu.memory_space<hbm>>) dst(%arg6 : memref<8x2048xf32, #tpu.memory_space<vmem>>)
    %dma_start3A_1889 = arith.constant 0 : i32
    %dma_start3A_1890 = tpu.memref_slice %arg4[%shift_right_logical3A_3, %dma_start3A_1889, %mul3A_1882] : memref<4x8x1000000xf32, #tpu.memory_space<hbm>> -> memref<1x8x2048xf32, #tpu.memory_space<hbm>>
    %dma_start3A_1891 = tpu.memref_squeeze %dma_start3A_1890 : memref<1x8x2048xf32, #tpu.memory_space<hbm>> -> memref<8x2048xf32, #tpu.memory_space<hbm>>
    %dma_start3A_1892 = arith.constant 0 : i32
    %dma_start3A_1893 = tpu.memref_slice %arg4[%shift_right_logical3A_3, %dma_start3A_1892, %mul3A_1882] : memref<4x8x1000000xf32, #tpu.memory_space<hbm>> -> memref<1x8x2048xf32, #tpu.memory_space<hbm>>
    %dma_start3A_1894 = tpu.memref_squeeze %dma_start3A_1893 : memref<1x8x2048xf32, #tpu.memory_space<hbm>> -> memref<8x2048xf32, #tpu.memory_space<hbm>>
    tpu.enqueue_dma source(%dma_start3A_1894 : memref<8x2048xf32, #tpu.memory_space<hbm>>) target(%arg6 : memref<8x2048xf32, #tpu.memory_space<vmem>>) target_semaphore(%arg9 : memref<!tpu.dma_semaphore, #tpu.memory_space<semaphore_mem>>)
    %add3A_1895 = arith.constant 464 : i32
    %add3A_1896 = arith.addi %add3A_1895, %and3A_4 : i32
    %mul3A_1897 = arith.constant 2048 : i32
    %mul3A_1898 = arith.muli %add3A_1896, %mul3A_1897 : i32
    %dma_wait3A_1899 = arith.constant 0 : i32
    %dma_wait3A_1900 = tpu.memref_slice %arg4[%shift_right_logical3A_3, %dma_wait3A_1899, %mul3A_1866] : memref<4x8x1000000xf32, #tpu.memory_space<hbm>> -> memref<1x8x2048xf32, #tpu.memory_space<hbm>>
    %dma_wait3A_1901 = tpu.memref_squeeze %dma_wait3A_1900 : memref<1x8x2048xf32, #tpu.memory_space<hbm>> -> memref<8x2048xf32, #tpu.memory_space<hbm>>
    %dma_wait3A_1902 = arith.constant 0 : i32
    %dma_wait3A_1903 = tpu.memref_slice %arg4[%shift_right_logical3A_3, %dma_wait3A_1902, %mul3A_1866] : memref<4x8x1000000xf32, #tpu.memory_space<hbm>> -> memref<1x8x2048xf32, #tpu.memory_space<hbm>>
    %dma_wait3A_1904 = tpu.memref_squeeze %dma_wait3A_1903 : memref<1x8x2048xf32, #tpu.memory_space<hbm>> -> memref<8x2048xf32, #tpu.memory_space<hbm>>
    tpu.wait_dma2 semaphore(%arg10 : memref<!tpu.dma_semaphore, #tpu.memory_space<semaphore_mem>>) src(%dma_wait3A_1904 : memref<8x2048xf32, #tpu.memory_space<hbm>>) dst(%arg7 : memref<8x2048xf32, #tpu.memory_space<vmem>>)
    %dma_start3A_1905 = arith.constant 0 : i32
    %dma_start3A_1906 = tpu.memref_slice %arg4[%shift_right_logical3A_3, %dma_start3A_1905, %mul3A_1898] : memref<4x8x1000000xf32, #tpu.memory_space<hbm>> -> memref<1x8x2048xf32, #tpu.memory_space<hbm>>
    %dma_start3A_1907 = tpu.memref_squeeze %dma_start3A_1906 : memref<1x8x2048xf32, #tpu.memory_space<hbm>> -> memref<8x2048xf32, #tpu.memory_space<hbm>>
    %dma_start3A_1908 = arith.constant 0 : i32
    %dma_start3A_1909 = tpu.memref_slice %arg4[%shift_right_logical3A_3, %dma_start3A_1908, %mul3A_1898] : memref<4x8x1000000xf32, #tpu.memory_space<hbm>> -> memref<1x8x2048xf32, #tpu.memory_space<hbm>>
    %dma_start3A_1910 = tpu.memref_squeeze %dma_start3A_1909 : memref<1x8x2048xf32, #tpu.memory_space<hbm>> -> memref<8x2048xf32, #tpu.memory_space<hbm>>
    tpu.enqueue_dma source(%dma_start3A_1910 : memref<8x2048xf32, #tpu.memory_space<hbm>>) target(%arg7 : memref<8x2048xf32, #tpu.memory_space<vmem>>) target_semaphore(%arg10 : memref<!tpu.dma_semaphore, #tpu.memory_space<semaphore_mem>>)
    %add3A_1911 = arith.constant 472 : i32
    %add3A_1912 = arith.addi %add3A_1911, %and3A_4 : i32
    %mul3A_1913 = arith.constant 2048 : i32
    %mul3A_1914 = arith.muli %add3A_1912, %mul3A_1913 : i32
    %dma_wait3A_1915 = arith.constant 0 : i32
    %dma_wait3A_1916 = tpu.memref_slice %arg4[%shift_right_logical3A_3, %dma_wait3A_1915, %mul3A_1882] : memref<4x8x1000000xf32, #tpu.memory_space<hbm>> -> memref<1x8x2048xf32, #tpu.memory_space<hbm>>
    %dma_wait3A_1917 = tpu.memref_squeeze %dma_wait3A_1916 : memref<1x8x2048xf32, #tpu.memory_space<hbm>> -> memref<8x2048xf32, #tpu.memory_space<hbm>>
    %dma_wait3A_1918 = arith.constant 0 : i32
    %dma_wait3A_1919 = tpu.memref_slice %arg4[%shift_right_logical3A_3, %dma_wait3A_1918, %mul3A_1882] : memref<4x8x1000000xf32, #tpu.memory_space<hbm>> -> memref<1x8x2048xf32, #tpu.memory_space<hbm>>
    %dma_wait3A_1920 = tpu.memref_squeeze %dma_wait3A_1919 : memref<1x8x2048xf32, #tpu.memory_space<hbm>> -> memref<8x2048xf32, #tpu.memory_space<hbm>>
    tpu.wait_dma2 semaphore(%arg9 : memref<!tpu.dma_semaphore, #tpu.memory_space<semaphore_mem>>) src(%dma_wait3A_1920 : memref<8x2048xf32, #tpu.memory_space<hbm>>) dst(%arg6 : memref<8x2048xf32, #tpu.memory_space<vmem>>)
    %dma_start3A_1921 = arith.constant 0 : i32
    %dma_start3A_1922 = tpu.memref_slice %arg4[%shift_right_logical3A_3, %dma_start3A_1921, %mul3A_1914] : memref<4x8x1000000xf32, #tpu.memory_space<hbm>> -> memref<1x8x2048xf32, #tpu.memory_space<hbm>>
    %dma_start3A_1923 = tpu.memref_squeeze %dma_start3A_1922 : memref<1x8x2048xf32, #tpu.memory_space<hbm>> -> memref<8x2048xf32, #tpu.memory_space<hbm>>
    %dma_start3A_1924 = arith.constant 0 : i32
    %dma_start3A_1925 = tpu.memref_slice %arg4[%shift_right_logical3A_3, %dma_start3A_1924, %mul3A_1914] : memref<4x8x1000000xf32, #tpu.memory_space<hbm>> -> memref<1x8x2048xf32, #tpu.memory_space<hbm>>
    %dma_start3A_1926 = tpu.memref_squeeze %dma_start3A_1925 : memref<1x8x2048xf32, #tpu.memory_space<hbm>> -> memref<8x2048xf32, #tpu.memory_space<hbm>>
    tpu.enqueue_dma source(%dma_start3A_1926 : memref<8x2048xf32, #tpu.memory_space<hbm>>) target(%arg6 : memref<8x2048xf32, #tpu.memory_space<vmem>>) target_semaphore(%arg9 : memref<!tpu.dma_semaphore, #tpu.memory_space<semaphore_mem>>)
    %add3A_1927 = arith.constant 480 : i32
    %add3A_1928 = arith.addi %add3A_1927, %and3A_4 : i32
    %mul3A_1929 = arith.constant 2048 : i32
    %mul3A_1930 = arith.muli %add3A_1928, %mul3A_1929 : i32
    %dma_wait3A_1931 = arith.constant 0 : i32
    %dma_wait3A_1932 = tpu.memref_slice %arg4[%shift_right_logical3A_3, %dma_wait3A_1931, %mul3A_1898] : memref<4x8x1000000xf32, #tpu.memory_space<hbm>> -> memref<1x8x2048xf32, #tpu.memory_space<hbm>>
    %dma_wait3A_1933 = tpu.memref_squeeze %dma_wait3A_1932 : memref<1x8x2048xf32, #tpu.memory_space<hbm>> -> memref<8x2048xf32, #tpu.memory_space<hbm>>
    %dma_wait3A_1934 = arith.constant 0 : i32
    %dma_wait3A_1935 = tpu.memref_slice %arg4[%shift_right_logical3A_3, %dma_wait3A_1934, %mul3A_1898] : memref<4x8x1000000xf32, #tpu.memory_space<hbm>> -> memref<1x8x2048xf32, #tpu.memory_space<hbm>>
    %dma_wait3A_1936 = tpu.memref_squeeze %dma_wait3A_1935 : memref<1x8x2048xf32, #tpu.memory_space<hbm>> -> memref<8x2048xf32, #tpu.memory_space<hbm>>
    tpu.wait_dma2 semaphore(%arg10 : memref<!tpu.dma_semaphore, #tpu.memory_space<semaphore_mem>>) src(%dma_wait3A_1936 : memref<8x2048xf32, #tpu.memory_space<hbm>>) dst(%arg7 : memref<8x2048xf32, #tpu.memory_space<vmem>>)
    %dma_start3A_1937 = arith.constant 0 : i32
    %dma_start3A_1938 = tpu.memref_slice %arg4[%shift_right_logical3A_3, %dma_start3A_1937, %mul3A_1930] : memref<4x8x1000000xf32, #tpu.memory_space<hbm>> -> memref<1x8x2048xf32, #tpu.memory_space<hbm>>
    %dma_start3A_1939 = tpu.memref_squeeze %dma_start3A_1938 : memref<1x8x2048xf32, #tpu.memory_space<hbm>> -> memref<8x2048xf32, #tpu.memory_space<hbm>>
    %dma_start3A_1940 = arith.constant 0 : i32
    %dma_start3A_1941 = tpu.memref_slice %arg4[%shift_right_logical3A_3, %dma_start3A_1940, %mul3A_1930] : memref<4x8x1000000xf32, #tpu.memory_space<hbm>> -> memref<1x8x2048xf32, #tpu.memory_space<hbm>>
    %dma_start3A_1942 = tpu.memref_squeeze %dma_start3A_1941 : memref<1x8x2048xf32, #tpu.memory_space<hbm>> -> memref<8x2048xf32, #tpu.memory_space<hbm>>
    tpu.enqueue_dma source(%dma_start3A_1942 : memref<8x2048xf32, #tpu.memory_space<hbm>>) target(%arg7 : memref<8x2048xf32, #tpu.memory_space<vmem>>) target_semaphore(%arg10 : memref<!tpu.dma_semaphore, #tpu.memory_space<semaphore_mem>>)
    %dma_wait3A_1943 = arith.constant 0 : i32
    %dma_wait3A_1944 = tpu.memref_slice %arg4[%shift_right_logical3A_3, %dma_wait3A_1943, %mul3A_1914] : memref<4x8x1000000xf32, #tpu.memory_space<hbm>> -> memref<1x8x2048xf32, #tpu.memory_space<hbm>>
    %dma_wait3A_1945 = tpu.memref_squeeze %dma_wait3A_1944 : memref<1x8x2048xf32, #tpu.memory_space<hbm>> -> memref<8x2048xf32, #tpu.memory_space<hbm>>
    %dma_wait3A_1946 = arith.constant 0 : i32
    %dma_wait3A_1947 = tpu.memref_slice %arg4[%shift_right_logical3A_3, %dma_wait3A_1946, %mul3A_1914] : memref<4x8x1000000xf32, #tpu.memory_space<hbm>> -> memref<1x8x2048xf32, #tpu.memory_space<hbm>>
    %dma_wait3A_1948 = tpu.memref_squeeze %dma_wait3A_1947 : memref<1x8x2048xf32, #tpu.memory_space<hbm>> -> memref<8x2048xf32, #tpu.memory_space<hbm>>
    tpu.wait_dma2 semaphore(%arg9 : memref<!tpu.dma_semaphore, #tpu.memory_space<semaphore_mem>>) src(%dma_wait3A_1948 : memref<8x2048xf32, #tpu.memory_space<hbm>>) dst(%arg6 : memref<8x2048xf32, #tpu.memory_space<vmem>>)
    %dma_wait3A_1949 = arith.constant 0 : i32
    %dma_wait3A_1950 = tpu.memref_slice %arg4[%shift_right_logical3A_3, %dma_wait3A_1949, %mul3A_1930] : memref<4x8x1000000xf32, #tpu.memory_space<hbm>> -> memref<1x8x2048xf32, #tpu.memory_space<hbm>>
    %dma_wait3A_1951 = tpu.memref_squeeze %dma_wait3A_1950 : memref<1x8x2048xf32, #tpu.memory_space<hbm>> -> memref<8x2048xf32, #tpu.memory_space<hbm>>
    %dma_wait3A_1952 = arith.constant 0 : i32
    %dma_wait3A_1953 = tpu.memref_slice %arg4[%shift_right_logical3A_3, %dma_wait3A_1952, %mul3A_1930] : memref<4x8x1000000xf32, #tpu.memory_space<hbm>> -> memref<1x8x2048xf32, #tpu.memory_space<hbm>>
    %dma_wait3A_1954 = tpu.memref_squeeze %dma_wait3A_1953 : memref<1x8x2048xf32, #tpu.memory_space<hbm>> -> memref<8x2048xf32, #tpu.memory_space<hbm>>
    tpu.wait_dma2 semaphore(%arg10 : memref<!tpu.dma_semaphore, #tpu.memory_space<semaphore_mem>>) src(%dma_wait3A_1954 : memref<8x2048xf32, #tpu.memory_space<hbm>>) dst(%arg7 : memref<8x2048xf32, #tpu.memory_space<vmem>>)
    %scan3A = arith.constant 0 : i32
    %scan3A_1955 = arith.constant 0 : i32
    %scan3A_1956 = arith.constant 32 : i32
    %scan3A_1957 = arith.addi %scan3A_1955, %scan3A_1956 : i32
    %scan3A_1958 = arith.constant 1 : i32
    scf.for %scan3A_1960 = %scan3A_1955 to %scan3A_1957 step %scan3A_1958  : i32 {
      %mul3A_1961 = arith.constant 16 : i32
      %mul3A_1962 = arith.muli %scan3A_1960, %mul3A_1961 : i32
      %get3A = arith.constant 0 : i32
      %get3A_1963 = arith.index_cast %get3A : i32 to index
      %get3A_1964 = arith.index_cast %mul3A_1962 : i32 to index
      %get3A_1965 = tpu.vector_load %arg6[%get3A_1963, %get3A_1964] {strides = array<i32>} : memref<8x2048xf32, #tpu.memory_space<vmem>>, vector<16xf32>,
      %mul3A_1966 = arith.constant 16 : i32
      %mul3A_1967 = arith.muli %scan3A_1960, %mul3A_1966 : i32
      %swap3A = arith.index_cast %mul3A_1967 : i32 to index
      %swap3A_1968 = tpu.vector_load %arg8[%swap3A] {strides = array<i32>} : memref<512xf32, #tpu.memory_space<vmem>>, vector<16xf32>,
      tpu.vector_store %arg8[%swap3A], %get3A_1965 {strides = array<i32>} : memref<512xf32, #tpu.memory_space<vmem>>, vector<16xf32>,
    }
    %scan3A_1959 = arith.constant 32 : i32
    "tpu.region"() ({
      %run_scoped3A = tpu.sem_alloc : memref<!tpu.dma_semaphore, #tpu.memory_space<semaphore_mem>>
      %dma_start3A_1960 = tpu.memref_slice %arg5[%mul3A_2] : memref<16384xf32, #tpu.memory_space<hbm>> -> memref<512xf32, #tpu.memory_space<hbm>>
      %dma_start3A_1961 = tpu.memref_slice %arg5[%mul3A_2] : memref<16384xf32, #tpu.memory_space<hbm>> -> memref<512xf32, #tpu.memory_space<hbm>>
      tpu.enqueue_dma source(%arg8 : memref<512xf32, #tpu.memory_space<vmem>>) target(%dma_start3A_1961 : memref<512xf32, #tpu.memory_space<hbm>>) target_semaphore(%run_scoped3A : memref<!tpu.dma_semaphore, #tpu.memory_space<semaphore_mem>>)
      %dma_wait3A_1962 = tpu.memref_slice %arg5[%mul3A_2] : memref<16384xf32, #tpu.memory_space<hbm>> -> memref<512xf32, #tpu.memory_space<hbm>>
      %dma_wait3A_1963 = tpu.memref_slice %arg5[%mul3A_2] : memref<16384xf32, #tpu.memory_space<hbm>> -> memref<512xf32, #tpu.memory_space<hbm>>
      tpu.wait_dma2 semaphore(%run_scoped3A : memref<!tpu.dma_semaphore, #tpu.memory_space<semaphore_mem>>) src(%arg8 : memref<512xf32, #tpu.memory_space<vmem>>) dst(%dma_wait3A_1963 : memref<512xf32, #tpu.memory_space<hbm>>)
      tpu.yield
    }) : () -> ()
    return
  }
}

</mosaic_0001>

<sc_bundles>
// kernel: _probe_call.3.cloned.1.call-start
scs
__scs_entry_jumppad:
0x0: {  	(pc) =	sbr.rel $0x88, $3  }
0x1: {  	(tag) =	ssettag $0x0;
	lr =	simm.s32 $0x1  }
0x2: {  	[smem:$0x3F9E] =	sst lr;
	_ =	strace $0xD0000000  }
0x3: {  	_ = 	snop  }
0x4: {  	_ = 	snop  }
0x5: {  	_ = 	snop  }
0x6: {  	_ = 	snop  }
0x7: {  	_ = 	snop  }
__scs_overlays_trampoline_lowered:
0x8: {  	[smem:$0x3FAD] =	sst s0  }
0x9: {  	[smem:$0x3FAE] =	sst s1  }
0xa: {  	[smem:$0x3FAF] =	sst s2  }
0xb: {  	[smem:$0x3FB0] =	sst s3  }
0xc: {  	[smem:$0x3FB1] =	sst s4  }
0xd: {  	[smem:$0x3FB2] =	sst s5  }
0xe: {  	[smem:$0x3FB3] =	sst s6  }
0xf: {  	[smem:$0x3FB4] =	sst s7  }
0x10: {  	[smem:$0x3FB5] =	sst s8  }
0x11: {  	[smem:$0x3FB6] =	sst s9;
	s0 =	simm.s32 @!p0 $0x0  }
0x12: {  	s1 =	sld [smem:$0x3F9C];
	s0 =	simm.s32 @p0 $0x1  }
0x13: {  	[smem:$0x3FB7] =	sst s0;
	s0 =	simm.s32 @!p1 $0x0  }
0x14: {  	s2 =	sld [smem:$0x3F9B];
	s0 =	simm.s32 @p1 $0x1  }
0x15: {  	[smem:$0x3FB8] =	sst s0;
	s0 =	simm.s32 @!p2 $0x0  }
0x16: {  	s3 =	sld [smem:$0x3FDB];
	s0 =	simm.s32 @p2 $0x1  }
0x17: {  	s4 =	simm.s32 $0x1BF5;
	[smem:$0x3FBA] =	sst s0  }
0x18: {  	s0 =	sld [smem:$0x3F9D];
	_ =	swait.ge [sflag:s4], $0x0  }
0x19: {  	s7 =	sld [smem:$0x3F9E]  }
0x1a: {  	s8 =	sadd.s32 $0xFFFFE003, lr  }
0x1b: {  	s9 =	sadd.s32 $0xFFFFFEF7, lr;
	s5 =	simm.s32 $0xFFFFFFFF;
	p2 =	slt.u32 s8, $0xFFFFF086  }
0x1c: {  	p1 =	slt.u32 s9, $0xF7A;
	s5 =	simm.s32 @!p2 $0x0  }
0x1d: {  	s5 =	simm.s32 @p1 $0x1;
	p0 =	seq.s32 s7, s2  }
0x1e: {  	s7 =	smul.u32 @!p0 $0xF7A, s2;
	p2 =	seq.s32 @!p0 s5, $0x0  }
0x1f: {  	s9 =	smul.u32 $0xF7A, s1;
	s8 =	simm.s32 @!p0 $0x1BF5;
	p2 =	por !p2, p0  }
0x20: {  	[sflag:s8] =	ssyncset.s32 @!p0 $0xFFFFF086;
	s6 =	sadd.s32 @!p0 s3, s7;
	s7 =	simm.s32 @!p0 $0x108  }
0x21: {  	s3 =	sadd.s32 s3, s9;
	s6 =	sadd.s32 @!p0 $0x88, s6;
	s7 =	simm.s32 @p2 $0x1082  }
0x22: {  	[simem:s7], [sflag:s8] =	dma.local @!p0 [hbm:s6], $0xF7A  }
0x23: {  	s9 =	sor.u32 $0xD0000000, s2;
	s6 =	simm.s32 $0x108;
	_ =	swait.ge @!p0 [sflag:s8], $0x0  }
0x24: {  	s3 =	sadd.s32 $0x88, s3;
	s6 =	simm.s32 @!p1 $0x1082;
	[sflag:s4] =	ssyncset.s32 $0xFFFFF086  }
0x25: {  	[simem:s6], [sflag:s4] =	dma.local [hbm:s3], $0xF7A  }
0x26: {  	[smem:$0x3F9E] =	sst s1;
	(tag) =	ssettag s2;
	_ =	strace s9  }
0x27: {  	s1 =	sld [smem:$0x3FAE]  }
0x28: {  	s2 =	sld [smem:$0x3FAF]  }
0x29: {  	s4 =	sld [smem:$0x3FB1]  }
0x2a: {  	p0 =	seq.s32 s5, $0x0;
	s5 =	sld [smem:$0x3FB2]  }
0x2b: {  	s6 =	sld [smem:$0x3FB3]  }
0x2c: {  	s7 =	sld [smem:$0x3FB4]  }
0x2d: {  	s3 =	simm.s32 $0x108;
	s8 =	sld [smem:$0x3FB5]  }
0x2e: {  	s3 =	simm.s32 @!p0 $0x1082;
	s9 =	sld [smem:$0x3FB6]  }
0x2f: {  	lr =	sadd.s32 s0, s3;
	s0 =	sld [smem:$0x3FAD]  }
0x30: {  	s3 =	sld [smem:$0x3FB0]  }
0x31: {  	[smem:$0x3FB9] =	sst s10  }
0x32: {  	s10 =	sld [smem:$0x3FB7];
	_ =	sdelay $0x3  }
0x33: {  	p0 =	seq.s32 s10, $0x1;
	s10 =	sld [smem:$0x3FB9];
	_ =	sdelay $0x3  }
0x34: {  	[smem:$0x3FB9] =	sst s10  }
0x35: {  	s10 =	sld [smem:$0x3FB8];
	_ =	sdelay $0x3  }
0x36: {  	p1 =	seq.s32 s10, $0x1;
	s10 =	sld [smem:$0x3FB9];
	_ =	sdelay $0x3  }
0x37: {  	[smem:$0x3FB9] =	sst s10  }
0x38: {  	s10 =	sld [smem:$0x3FBA]  }
0x39: {  	_ = 	snop;
	(pc) =	sbr.ind lr, $3  }
0x3a: {  	_ = 	snop  }
0x3b: {  	_ = 	snop  }
0x3c: {  	p2 =	seq.s32 s10, $0x1;
	s10 =	sld [smem:$0x3FB9]  }
0x3d: {  	_ =	shalt  }
0x3e: {  	_ =	shalt  }
0x3f: {  	_ =	shalt  }
0x40: {  	_ =	shalt  }
0x41: {  	_ =	shalt  }
0x42: {  	_ =	shalt  }
0x43: {  	_ =	shalt  }
0x44: {  	_ =	shalt  }
0x45: {  	_ =	shalt  }
0x46: {  	_ =	shalt  }
0x47: {  	_ =	shalt  }
0x48: {  	_ =	shalt  }
0x49: {  	_ =	shalt  }
0x4a: {  	_ =	shalt  }
0x4b: {  	_ =	shalt  }
0x4c: {  	_ =	shalt  }
0x4d: {  	_ =	shalt  }
0x4e: {  	_ =	shalt  }
0x4f: {  	_ =	shalt  }
0x50: {  	_ =	shalt  }
0x51: {  	_ =	shalt  }
0x52: {  	_ =	shalt  }
0x53: {  	_ =	shalt  }
0x54: {  	_ =	shalt  }
0x55: {  	_ =	shalt  }
0x56: {  	_ =	shalt  }
0x57: {  	_ =	shalt  }
0x58: {  	_ =	shalt  }
0x59: {  	_ =	shalt  }
0x5a: {  	_ =	shalt  }
0x5b: {  	_ =	shalt  }
0x5c: {  	_ =	shalt  }
0x5d: {  	_ =	shalt  }
0x5e: {  	_ =	shalt  }
0x5f: {  	_ =	shalt  }
0x60: {  	_ =	shalt  }
0x61: {  	_ =	shalt  }
0x62: {  	_ =	shalt  }
0x63: {  	_ =	shalt  }
0x64: {  	_ =	shalt  }
0x65: {  	_ =	shalt  }
0x66: {  	_ =	shalt  }
0x67: {  	_ =	shalt  }
0x68: {  	_ =	shalt  }
0x69: {  	_ =	shalt  }
0x6a: {  	_ =	shalt  }
0x6b: {  	_ =	shalt  }
0x6c: {  	_ =	shalt  }
0x6d: {  	_ =	shalt  }
0x6e: {  	_ =	shalt  }
0x6f: {  	_ =	shalt  }
0x70: {  	_ =	shalt  }
0x71: {  	_ =	shalt  }
0x72: {  	_ =	shalt  }
0x73: {  	_ =	shalt  }
0x74: {  	_ =	shalt  }
0x75: {  	_ =	shalt  }
0x76: {  	_ =	shalt  }
0x77: {  	_ =	shalt  }
0x78: {  	_ =	shalt  }
0x79: {  	_ =	shalt  }
0x7a: {  	_ =	shalt  }
0x7b: {  	_ =	shalt  }
0x7c: {  	_ =	shalt  }
0x7d: {  	_ =	shalt  }
0x7e: {  	_ =	shalt  }
0x7f: {  	_ =	shalt  }
0x80: {  	_ =	shalt  }
0x81: {  	_ =	shalt  }
0x82: {  	_ =	shalt  }
0x83: {  	_ =	shalt  }
0x84: {  	_ =	shalt  }
0x85: {  	_ =	shalt  }
0x86: {  	_ =	shalt  }
0x87: {  	_ =	shalt  }
.Lfunc_end0:
.L_simem_size_0:
called_computation_lowered:
.L_overlay_start_0:
0x88: {  	s2 =	sld [smem:$0x3FD9]  }
0x89: {  	s3 =	sld [smem:$0x3FFE];
	_ =	sdelay $0x1  }
0x8a: {  	s1 =	srdreg.scid  }
0x8b: {  	s0 =	sand.u32 $0x1, s1  }
0x8c: {  	s18 =	sshll.u32 s0, $0xA;
	s2 =	sadd.s32 s3, s2  }
0x8d: {  	s2 =	sadd.s32 s2, s18  }
0x8e: {  	[smem:$0x3FC5] =	sst s2  }
0x8f: {  	_ = 	snop  }
0x90: {  	s2 =	sld [smem:$0x3FC8]  }
0x91: {  	s19 =	sld [smem:$0x3FC7]  }
0x92: {  	s4 =	sld [smem:$0x3FD0];
	(tm) =	ssettm $0x1  }
0x93: {  	s5 =	sld [smem:$0x3FFB];
	_ =	sdelay $0x3  }
0x94: {  	_ =	strace s5  }
0x95: {  	s5 =	sld [smem:$0x3FFC];
	_ =	sdelay $0x3  }
0x96: {  	_ =	strace s5  }
0x97: {  	s5 =	sld [smem:$0x3FFD];
	_ =	sdelay $0x3  }
0x98: {  	_ =	strace s5  }
0x99: {  	_ =	strace $0x8FFFFFFF  }
0x9a: {  	s20 =	sld [smem:$0x3FDB];
	_ =	sdelay $0x1  }
0x9b: {  	s6 =	simm.s32 $_scs_section_size  }
0x9c: {  	s7 =	simm.s32 $_size__tile_overlayer_lowered;
	s8 =	simm.s32 $_tile_overlayer_lowered  }
0x9d: {  	s23 =	simm.s32 $0x1BFF;
	s22 =	sshll.u32 s8, $0x1;
	s5 =	sadd.s32 s6, s20  }
0x9e: {  	s9 =	simm.s32 $0x0;
	s21 =	sshll.u32 s7, $0x1;
	s7 =	sadd.s32 s22, s5  }
0x9f: {  	[timem:s9], [sflag:s23] =	dma.local [hbm:s7], s21  }
0xa0: {  	_ =	swait.ge [sflag:s23], s21  }
0xa1: {  	s6 =	ssub.s32 $0x0, s21;
	[sflag:s23] =	ssyncset.done $0x0  }
0xa2: {  	[sflag:s23] =	ssyncadd.s32 s6;
	_ =	sdelay $0x1  }
0xa3: {  	s24 =	simm.s32 $0x1B8B  }
0xa4: {  	_ =	swait.ge [sflag:s24], $0x1  }
0xa5: {  	[sflag:s24] =	ssyncset.done $0x0  }
0xa6: {  	s25 =	simm.s32 $0x1B8E;
	[sflag:s24] =	ssyncadd.s32 $0xFFFFFFFF  }
0xa7: {  	s26 =	simm.s32 $execute0_lowered;
	[smem:$0x3FD2] =	sst s25  }
0xa8: {  	s6 =	sshll.u32 s26, $0x1;
	_ =	strace $0x80000046;
	[dreg:$0x1] =	wrdreg $0xFFFFFFFF  }
0xa9: {  	s28 =	simm.s32 $_size_execute0_lowered;
	s5 =	sadd.s32 s5, s6;
	[dreg:$0x0] =	wrdreg $0x0  }
0xaa: {  	s6 =	sshll.u32 s28, $0x1;
	[dreg:$0x2] =	wrdreg s5  }
0xab: {  	[dreg:$0x3] =	wrdreg s6  }
0xac: {  	[dreg:$0x4] =	wrdreg $0xC0  }
0xad: {  	_ =	task [dreg:s9], $0x5FFFF  }
0xae: {  	[dreg:$0x1] =	wrdreg $0xFFFFFFFF  }
0xaf: {  	[dreg:$0x0] =	wrdreg $0x60  }
0xb0: {  	[dreg:$0x2] =	wrdreg s2  }
0xb1: {  	[dreg:$0x3] =	wrdreg s19  }
0xb2: {  	[dreg:$0x4] =	wrdreg s4  }
0xb3: {  	[dreg:$0x5] =	wrdreg $0x9  }
0xb4: {  	_ =	task.clear_ibuf [dreg:s9], $0x6FFFF;
	_ =	strace $0x90000046  }
0xb5: {  	s29 =	simm.s32 $0x9;
	_ =	strace $0x80000048  }
0xb6: {  	_ =	swait.ge [sflag:s29], $0x1  }
0xb7: {  	[sflag:s29] =	ssyncadd.s32 $0xFFFFFFFF  }
0xb8: {  	_ =	strace $0x90000048  }
0xb9: {  	_ =	sfence  }
0xba: {  	s30 =	sld [smem:$0x0];
	_ =	sdelay $0x2  }
0xbb: {  	s31 =	sshll.u32 s1, $0xD;
	s1 =	sshrl.u32 s1, $0x2  }
0xbc: {  	s3 =	sand.u32 $0x4000, s31;
	s1 =	sadd.s32 s1, s30  }
0xbd: {  	s0 =	sor.u32 s3, s0;
	s1 =	sshll.u32 s1, $0x11  }
0xbe: {  	s0 =	sor.u32 s1, s0  }
0xbf: {  	s0 =	sadd.s32 $0x8F2B, s0  }
0xc0: {  	[sflag:s0] =	ssyncadd.remote.s32 $0x1  }
0xc1: {  	_ =	sfence.sel $0xFFFF  }
0xc2: {  	[dreg:$0x0] =	wrdreg $0xFFFFFFFF;
	(pc) =	sbr.abs _section_cstart, $3  }
0xc3: {  	[dreg:$0x1] =	wrdreg $0xFFFFFFFF  }
0xc4: {  	_ =	task.clear_ibuf [dreg:s9], $0x2FFFF;
	_ =	strace $0x9FFFFFFF  }
0xc5: {  	(tm) =	ssettm $0x7FFFFFFF  }
tec
execute0_lowered:
.L_overlay_start_1:
0x0: {  	(tag) =	ssettag $0x1  }
0x1: {  	s0 =	srdreg.scid;
	s1 =	stileid.u32  }
0x2: {  	s2 =	sand.u32 $0x1, s0;
	s8 =	sshll.u32 s1, $0x1  }
0x3: {  	s1 =	sshrl.u32 s1, $0x2;
	s0 =	rddreg [dreg:$0x0];
	s3 =	sor.u32 s2, s8  }
0x4: {  	s4 =	smul.u32 $0x7A1400, s1;
	s2 =	ssub.s32 $0x2, s2;
	[smem:$0x7FC] =	sst s3  }
0x5: {  	s5 =	sshll.u32 s3, $0xE;
	s3 =	rddreg [dreg:$0x1];
	s7 =	sshrl.u32 s2, $0x1  }
0x6: {  	s6 =	sand.u32 $0x1C000, s5;
	s2 =	ssub.s32 s2, s7;
	s11 =	sor.u32 $0x60000, s5  }
0x7: {  	s12 =	sor.u32 $0xE0000, s5;
	s13 =	sor.u32 $0x160000, s5;
	s14 =	sor.u32 $0x460000, s5  }
0x8: {  	s15 =	sor.u32 $0x4E0000, s5;
	s16 =	sor.u32 $0x560000, s5;
	s17 =	sor.u32 $0x5E0000, s5  }
0x9: {  	s18 =	sor.u32 $0x660000, s5;
	s6 =	sadd.s32 s4, s6;
	s7 =	sadd.s32 s4, s13  }
0xa: {  	[smem:$0x7FD] =	sst s2;
	s17 =	sadd.s32 s4, s17;
	s24 =	sshrl.u32 s7, $0x3  }
0xb: {  	s8 =	sshrl.u32 s6, $0x3;
	s7 =	sshrl.u32 s17, $0x3;
	[smem:$0x7C3] =	sst s24  }
0xc: {  	s19 =	sor.u32 $0x6E0000, s5;
	s9 =	sadd.s32 s0, s8;
	[smem:$0x7F9] =	sst s7  }
0xd: {  	s13 =	sor.u32 $0x3E0000, s5;
	s10 =	sadd.s32 $0x4000, s8;
	[dreg:$0x4] =	wrdreg s9  }
0xe: {  	s6 =	sadd.s32 s4, s12;
	s26 =	sadd.s32 $0x8000, s8;
	[smem:$0x7AF] =	sst s10  }
0xf: {  	s18 =	sadd.s32 s4, s18;
	s25 =	sshrl.u32 s6, $0x3;
	[smem:$0x7B1] =	sst s26  }
0x10: {  	s14 =	sadd.s32 s4, s14;
	s6 =	sshrl.u32 s18, $0x3;
	[smem:$0x7BB] =	sst s25  }
0x11: {  	s12 =	sor.u32 $0x360000, s5;
	s17 =	sadd.s32 $0x14000, s8;
	[smem:$0x7FA] =	sst s6  }
0x12: {  	s12 =	sadd.s32 s4, s12;
	s2 =	sadd.s32 s0, s10;
	[smem:$0x7B7] =	sst s17  }
0x13: {  	s13 =	sadd.s32 s4, s13;
	s20 =	sshrl.u32 s12, $0x3;
	[dreg:$0x5] =	wrdreg s2  }
0x14: {  	s15 =	sadd.s32 s4, s15;
	s12 =	sshrl.u32 s13, $0x3;
	[smem:$0x7E3] =	sst s20  }
0x15: {  	s16 =	sadd.s32 s4, s16;
	s18 =	sadd.s32 s0, s17;
	[smem:$0x7E8] =	sst s12  }
0x16: {  	s19 =	sadd.s32 s4, s19;
	s13 =	sadd.s32 $0x24000, s8;
	[dreg:$0x9] =	wrdreg s18  }
0x17: {  	s9 =	sor.u32 $0x1E0000, s5;
	s17 =	sadd.s32 $0x30000, s8;
	[smem:$0x7BF] =	sst s13  }
0x18: {  	s10 =	sor.u32 $0x260000, s5;
	s6 =	sadd.s32 s0, s6;
	[smem:$0x7C5] =	sst s17  }
0x19: {  	s2 =	sadd.s32 s4, s11;
	s18 =	sadd.s32 $0x34000, s8;
	[smem:$0x7A4] =	sst s6  }
0x1a: {  	s9 =	sadd.s32 s4, s9;
	s28 =	sshrl.u32 s2, $0x3;
	[smem:$0x7C7] =	sst s18  }
0x1b: {  	s10 =	sadd.s32 s4, s10;
	s23 =	sshrl.u32 s9, $0x3;
	[smem:$0x7B3] =	sst s28  }
0x1c: {  	s11 =	sor.u32 $0x2E0000, s5;
	s22 =	sshrl.u32 s10, $0x3;
	[smem:$0x7CB] =	sst s23  }
0x1d: {  	s5 =	sor.u32 $0x760000, s5;
	s10 =	sshrl.u32 s15, $0x3;
	[smem:$0x7D3] =	sst s22  }
0x1e: {  	s11 =	sadd.s32 s4, s11;
	s9 =	sshrl.u32 s16, $0x3;
	[smem:$0x7F2] =	sst s10  }
0x1f: {  	s4 =	sadd.s32 s4, s5;
	s5 =	sshrl.u32 s19, $0x3;
	[smem:$0x7F7] =	sst s9  }
0x20: {  	s16 =	sadd.s32 $0x10000, s8;
	[smem:$0x7FB] =	sst s5  }
0x21: {  	s19 =	sadd.s32 $0x18000, s8;
	[smem:$0x7B5] =	sst s16  }
0x22: {  	s21 =	sshrl.u32 s11, $0x3;
	[smem:$0x7B9] =	sst s19  }
0x23: {  	s11 =	sshrl.u32 s14, $0x3;
	[smem:$0x7DB] =	sst s21  }
0x24: {  	s14 =	sadd.s32 s0, s26;
	[smem:$0x7ED] =	sst s11  }
0x25: {  	s15 =	sadd.s32 s0, s28;
	[dreg:$0x6] =	wrdreg s14  }
0x26: {  	s2 =	sadd.s32 s0, s16;
	[dreg:$0x7] =	wrdreg s15  }
0x27: {  	s26 =	sadd.s32 s0, s25;
	[dreg:$0x8] =	wrdreg s2  }
0x28: {  	s30 =	sshrl.u32 s4, $0x3;
	s4 =	sadd.s32 $0x20000, s8;
	[dreg:$0xb] =	wrdreg s26  }
0x29: {  	s16 =	sadd.s32 s0, s24;
	[smem:$0x7BD] =	sst s4  }
0x2a: {  	s24 =	sadd.s32 s0, s18;
	[dreg:$0xf] =	wrdreg s16  }
0x2b: {  	s18 =	sadd.s32 $0x54000, s8;
	[dreg:$0x11] =	wrdreg s24  }
0x2c: {  	s5 =	sadd.s32 s0, s5;
	[smem:$0x7D7] =	sst s18  }
0x2d: {  	s2 =	sadd.s32 s0, s19;
	[smem:$0x7A8] =	sst s5  }
0x2e: {  	s14 =	sadd.s32 $0x28000, s8;
	[dreg:$0xa] =	wrdreg s2  }
0x2f: {  	s19 =	sadd.s32 $0x38000, s8;
	[smem:$0x7C1] =	sst s14  }
0x30: {  	s26 =	sadd.s32 s0, s23;
	[smem:$0x7C9] =	sst s19  }
0x31: {  	s16 =	sadd.s32 s0, s22;
	[dreg:$0x13] =	wrdreg s26  }
0x32: {  	s23 =	sadd.s32 s0, s21;
	[dreg:$0x17] =	wrdreg s16  }
0x33: {  	s24 =	sadd.s32 $0x60000, s8;
	[dreg:$0x1b] =	wrdreg s23  }
0x34: {  	s2 =	sadd.s32 s0, s4;
	[smem:$0x7DD] =	sst s24  }
0x35: {  	s15 =	sadd.s32 s0, s14;
	[dreg:$0xc] =	wrdreg s2  }
0x36: {  	s25 =	sadd.s32 s0, s19;
	[dreg:$0xe] =	wrdreg s15  }
0x37: {  	s4 =	sadd.s32 $0x40000, s8;
	[dreg:$0x12] =	wrdreg s25  }
0x38: {  	s19 =	sadd.s32 $0x58000, s8;
	[smem:$0x7CD] =	sst s4  }
0x39: {  	s26 =	sadd.s32 $0x68000, s8;
	[smem:$0x7D9] =	sst s19  }
0x3a: {  	s16 =	sadd.s32 s0, s20;
	[smem:$0x7E1] =	sst s26  }
0x3b: {  	s20 =	sadd.s32 s0, s12;
	[dreg:$0x1f] =	wrdreg s16  }
0x3c: {  	s2 =	sadd.s32 s0, s13;
	[smem:$0x790] =	sst s20  }
0x3d: {  	s13 =	sadd.s32 $0x44000, s8;
	[dreg:$0xd] =	wrdreg s2  }
0x3e: {  	s15 =	sadd.s32 $0x48000, s8;
	[smem:$0x7CF] =	sst s13  }
0x3f: {  	s22 =	sadd.s32 s0, s19;
	[smem:$0x7D1] =	sst s15  }
0x40: {  	s28 =	sadd.s32 $0x78000, s8;
	s25 =	sadd.s32 $0x64000, s8;
	[dreg:$0x1a] =	wrdreg s22  }
0x41: {  	s19 =	sadd.s32 s0, s28;
	[smem:$0x7DF] =	sst s25  }
0x42: {  	s2 =	sadd.s32 s0, s17;
	[smem:$0x78F] =	sst s19  }
0x43: {  	s14 =	sadd.s32 s0, s13;
	[dreg:$0x10] =	wrdreg s2  }
0x44: {  	s16 =	sadd.s32 $0x94000, s8;
	s17 =	sadd.s32 $0x50000, s8;
	[dreg:$0x15] =	wrdreg s14  }
0x45: {  	s12 =	sadd.s32 s0, s16;
	[smem:$0x7D5] =	sst s17  }
0x46: {  	s19 =	sadd.s32 s0, s9;
	[smem:$0x796] =	sst s12  }
0x47: {  	s9 =	sadd.s32 s0, s7;
	[smem:$0x79C] =	sst s19  }
0x48: {  	s2 =	sadd.s32 s0, s4;
	[smem:$0x7A0] =	sst s9  }
0x49: {  	s14 =	sadd.s32 s0, s25;
	[dreg:$0x14] =	wrdreg s2  }
0x4a: {  	s20 =	sadd.s32 $0x90000, s8;
	s4 =	sadd.s32 s0, s11;
	[dreg:$0x1d] =	wrdreg s14  }
0x4b: {  	s11 =	sadd.s32 s0, s20;
	[smem:$0x794] =	sst s4  }
0x4c: {  	s2 =	sadd.s32 s0, s15;
	[smem:$0x795] =	sst s11  }
0x4d: {  	s25 =	sadd.s32 $0x84000, s8;
	s15 =	sadd.s32 s0, s26;
	[dreg:$0x16] =	wrdreg s2  }
0x4e: {  	s22 =	sadd.s32 s0, s25;
	[dreg:$0x1e] =	wrdreg s15  }
0x4f: {  	s19 =	sadd.s32 $0xB8000, s8;
	s14 =	sadd.s32 s0, s10;
	[smem:$0x792] =	sst s22  }
0x50: {  	s12 =	sadd.s32 $0xC4000, s8;
	s4 =	sadd.s32 s0, s19;
	[smem:$0x798] =	sst s14  }
0x51: {  	s11 =	sadd.s32 s0, s12;
	[smem:$0x79F] =	sst s4  }
0x52: {  	s29 =	sadd.s32 $0x70000, s8;
	s2 =	sadd.s32 s0, s17;
	[smem:$0x7A2] =	sst s11  }
0x53: {  	s26 =	sadd.s32 $0x80000, s8;
	s17 =	sadd.s32 s0, s29;
	[dreg:$0x18] =	wrdreg s2  }
0x54: {  	s21 =	sadd.s32 s0, s26;
	[smem:$0x78D] =	sst s17  }
0x55: {  	s31 =	sadd.s32 $0x74000, s8;
	s2 =	sadd.s32 s0, s18;
	[smem:$0x791] =	sst s21  }
0x56: {  	s22 =	sadd.s32 $0x98000, s8;
	s18 =	sadd.s32 s0, s31;
	[dreg:$0x19] =	wrdreg s2  }
0x57: {  	s14 =	sadd.s32 $0xA4000, s8;
	s13 =	sadd.s32 s0, s22;
	[smem:$0x78E] =	sst s18  }
0x58: {  	s11 =	sadd.s32 $0xD4000, s8;
	s17 =	sadd.s32 s0, s14;
	[smem:$0x797] =	sst s13  }
0x59: {  	s9 =	sadd.s32 s0, s11;
	[smem:$0x79A] =	sst s17  }
0x5a: {  	s2 =	sadd.s32 s0, s24;
	s24 =	sadd.s32 $0x88000, s8;
	[smem:$0x7A6] =	sst s9  }
0x5b: {  	s13 =	sadd.s32 $0xA0000, s8;
	[dreg:$0x1c] =	wrdreg s2;
	s23 =	sadd.s32 s0, s24  }
0x5c: {  	s17 =	sadd.s32 $0xB0000, s8;
	s15 =	sadd.s32 s0, s13;
	[smem:$0x793] =	sst s23  }
0x5d: {  	s21 =	sadd.s32 s0, s17;
	[smem:$0x799] =	sst s15;
	s15 =	sadd.s32 $0xA8000, s8  }
0x5e: {  	[smem:$0x79D] =	sst s21;
	s21 =	sadd.s32 $0xC0000, s8;
	s18 =	sadd.s32 s0, s15  }
0x5f: {  	s10 =	sadd.s32 s0, s21;
	[smem:$0x79B] =	sst s18;
	s18 =	sadd.s32 $0xB4000, s8  }
0x60: {  	[smem:$0x7A1] =	sst s10;
	s10 =	sadd.s32 $0xD0000, s8;
	s23 =	sadd.s32 s0, s18  }
0x61: {  	s7 =	sadd.s32 s0, s10;
	[smem:$0x79E] =	sst s23;
	s23 =	sadd.s32 $0xC8000, s8  }
0x62: {  	[smem:$0x7A5] =	sst s7;
	s7 =	sadd.s32 $0xE0000, s8;
	s4 =	sadd.s32 s0, s23  }
0x63: {  	s9 =	sadd.s32 $0xD8000, s8;
	s6 =	sadd.s32 s0, s7;
	[smem:$0x7A3] =	sst s4  }
0x64: {  	s4 =	sadd.s32 s0, s9;
	[smem:$0x7A9] =	sst s6;
	s6 =	sadd.s32 $0xE4000, s8  }
0x65: {  	s5 =	sadd.s32 $0xF0000, s8;
	[smem:$0x7A7] =	sst s4;
	s2 =	sadd.s32 s0, s6  }
0x66: {  	s4 =	sadd.s32 $0xE8000, s8;
	s8 =	sadd.s32 s3, s8;
	[smem:$0x7AA] =	sst s2  }
0x67: {  	[smem:$0x7AE] =	sst s8  }
0x68: {  	s2 =	sadd.s32 s0, s4;
	s8 =	sld [smem:$0x7AF]  }
0x69: {  	[smem:$0x7AB] =	sst s2  }
0x6a: {  	s2 =	smov.u32 s30;
	s30 =	sadd.s32 s0, s30;
	s0 =	sadd.s32 s0, s5  }
0x6b: {  	[smem:$0x7AD] =	sst s0  }
0x6c: {  	s0 =	sadd.s32 s3, s8;
	s8 =	sld [smem:$0x7B1];
	_ =	sdelay $0x1  }
0x6d: {  	[smem:$0x7B0] =	sst s0  }
0x6e: {  	s0 =	sadd.s32 s3, s8;
	s8 =	sld [smem:$0x7B3];
	_ =	sdelay $0x1  }
0x6f: {  	[smem:$0x7B2] =	sst s0  }
0x70: {  	s0 =	sadd.s32 s3, s8;
	s8 =	sld [smem:$0x7B5];
	_ =	sdelay $0x1  }
0x71: {  	[smem:$0x7B4] =	sst s0  }
0x72: {  	s0 =	sadd.s32 s3, s8;
	s8 =	sld [smem:$0x7B7];
	_ =	sdelay $0x1  }
0x73: {  	[smem:$0x7B6] =	sst s0  }
0x74: {  	s0 =	sadd.s32 s3, s8;
	s8 =	sld [smem:$0x7B9];
	_ =	sdelay $0x1  }
0x75: {  	[smem:$0x7B8] =	sst s0  }
0x76: {  	s0 =	sadd.s32 s3, s8;
	s8 =	sld [smem:$0x7BB];
	_ =	sdelay $0x1  }
0x77: {  	[smem:$0x7BA] =	sst s0  }
0x78: {  	s0 =	sadd.s32 s3, s8;
	s8 =	sld [smem:$0x7BD];
	_ =	sdelay $0x1  }
0x79: {  	[smem:$0x7BC] =	sst s0  }
0x7a: {  	s0 =	sadd.s32 s3, s8;
	s8 =	sld [smem:$0x7BF];
	_ =	sdelay $0x1  }
0x7b: {  	[smem:$0x7BE] =	sst s0  }
0x7c: {  	s0 =	sadd.s32 s3, s8;
	s8 =	sld [smem:$0x7C1];
	_ =	sdelay $0x1  }
0x7d: {  	[smem:$0x7C0] =	sst s0  }
0x7e: {  	s0 =	sadd.s32 s3, s8;
	s8 =	sld [smem:$0x7C3];
	_ =	sdelay $0x1  }
0x7f: {  	[smem:$0x7C2] =	sst s0  }
0x80: {  	s0 =	sadd.s32 s3, s8;
	s8 =	sld [smem:$0x7C5];
	_ =	sdelay $0x1  }
0x81: {  	[smem:$0x7C4] =	sst s0  }
0x82: {  	s0 =	sadd.s32 s3, s8;
	s8 =	sld [smem:$0x7C7];
	_ =	sdelay $0x1  }
0x83: {  	[smem:$0x7C6] =	sst s0  }
0x84: {  	s0 =	sadd.s32 s3, s8;
	s8 =	sld [smem:$0x7C9];
	_ =	sdelay $0x1  }
0x85: {  	[smem:$0x7C8] =	sst s0  }
0x86: {  	s0 =	sadd.s32 s3, s8;
	s8 =	sld [smem:$0x7CB];
	_ =	sdelay $0x1  }
0x87: {  	[smem:$0x7CA] =	sst s0  }
0x88: {  	s0 =	sadd.s32 s3, s8;
	s8 =	sld [smem:$0x7CD];
	_ =	sdelay $0x1  }
0x89: {  	[smem:$0x7CC] =	sst s0  }
0x8a: {  	s0 =	sadd.s32 s3, s8;
	s8 =	sld [smem:$0x7CF];
	_ =	sdelay $0x1  }
0x8b: {  	[smem:$0x7CE] =	sst s0  }
0x8c: {  	s0 =	sadd.s32 s3, s8;
	s8 =	sld [smem:$0x7D1];
	_ =	sdelay $0x1  }
0x8d: {  	[smem:$0x7D0] =	sst s0  }
0x8e: {  	s0 =	sadd.s32 s3, s8;
	s8 =	sld [smem:$0x7D3];
	_ =	sdelay $0x1  }
0x8f: {  	[smem:$0x7D2] =	sst s0  }
0x90: {  	s0 =	sadd.s32 s3, s8;
	s8 =	sld [smem:$0x7D5];
	_ =	sdelay $0x1  }
0x91: {  	[smem:$0x7D4] =	sst s0  }
0x92: {  	s1 =	simm.s32 $0x0;
	s0 =	sadd.s32 s3, s8;
	s8 =	sld [smem:$0x7D7]  }
0x93: {  	[smem:$0x7FF] =	sst s1  }
0x94: {  	[smem:$0x7D6] =	sst s0  }
0x95: {  	s26 =	sadd.s32 s3, s26;
	s0 =	sadd.s32 s3, s8;
	s8 =	sld [smem:$0x7D9]  }
0x96: {  	[smem:$0x7EA] =	sst s26  }
0x97: {  	[smem:$0x7D8] =	sst s0  }
0x98: {  	s0 =	sadd.s32 s3, s8;
	s8 =	sld [smem:$0x7DB]  }
0x99: {  	s26 =	sadd.s32 s3, s20;
	s20 =	sld [smem:$0x7F2]  }
0x9a: {  	[smem:$0x7DA] =	sst s0  }
0x9b: {  	s0 =	sadd.s32 s3, s8;
	s8 =	sld [smem:$0x7DD]  }
0x9c: {  	[smem:$0x7EF] =	sst s26  }
0x9d: {  	[smem:$0x7DC] =	sst s0  }
0x9e: {  	s0 =	sadd.s32 s3, s8;
	s8 =	sld [smem:$0x7DF]  }
0x9f: {  	s26 =	sld [smem:$0x7F7]  }
0xa0: {  	[smem:$0x7DE] =	sst s0  }
0xa1: {  	s24 =	sadd.s32 s3, s24;
	s0 =	sadd.s32 s3, s8;
	s8 =	sld [smem:$0x7E1]  }
0xa2: {  	[smem:$0x7EC] =	sst s24  }
0xa3: {  	[smem:$0x7E0] =	sst s0  }
0xa4: {  	s0 =	sadd.s32 s3, s8;
	s8 =	sld [smem:$0x7E3]  }
0xa5: {  	s24 =	sadd.s32 s3, s14;
	s14 =	rddreg [dreg:$0x2]  }
0xa6: {  	[smem:$0x7F5] =	sst s24  }
0xa7: {  	[smem:$0x7E2] =	sst s0;
	s0 =	sadd.s32 s3, s8;
	s8 =	sadd.s32 s3, s29  }
0xa8: {  	[smem:$0x7E5] =	sst s8;
	s8 =	sadd.s32 s3, s31  }
0xa9: {  	[smem:$0x7E6] =	sst s8;
	s8 =	sadd.s32 s3, s28  }
0xaa: {  	[smem:$0x7E7] =	sst s8  }
0xab: {  	s8 =	sld [smem:$0x7E8]  }
0xac: {  	[smem:$0x7AC] =	sst s30  }
0xad: {  	[smem:$0x7E4] =	sst s0  }
0xae: {  	s0 =	sadd.s32 s3, s8;
	s8 =	sadd.s32 s3, s25;
	s25 =	sld [smem:$0x7ED]  }
0xaf: {  	[smem:$0x7E9] =	sst s0  }
0xb0: {  	[smem:$0x7EB] =	sst s8;
	s8 =	sadd.s32 s3, s16  }
0xb1: {  	s16 =	sadd.s32 s3, s22;
	s22 =	sadd.s32 s3, s13;
	s13 =	sld [smem:$0x7FB]  }
0xb2: {  	[smem:$0x7F0] =	sst s8  }
0xb3: {  	s19 =	sadd.s32 s3, s19;
	[smem:$0x7F1] =	sst s16  }
0xb4: {  	s17 =	sadd.s32 s3, s17;
	s21 =	sadd.s32 s3, s21;
	[smem:$0x7F4] =	sst s22  }
0xb5: {  	s18 =	sadd.s32 s3, s18;
	s23 =	sadd.s32 s3, s23;
	s8 =	sld [smem:$0x7F9]  }
0xb6: {  	s30 =	sadd.s32 s3, s7;
	s22 =	sadd.s32 s3, s12;
	s12 =	sld [smem:$0x7FA]  }
0xb7: {  	s0 =	sadd.s32 s3, s25;
	s25 =	sadd.s32 s3, s15;
	s15 =	sld [smem:$0x7FC]  }
0xb8: {  	s2 =	sadd.s32 s3, s2;
	s7 =	simm.s32 $0x1;
	[smem:$0x7EE] =	sst s0  }
0xb9: {  	s31 =	sadd.s32 s3, s6;
	s0 =	sadd.s32 s3, s20;
	[smem:$0x7F6] =	sst s25  }
0xba: {  	s6 =	simm.s32 $0x4000;
	[smem:$0x7F3] =	sst s0;
	s0 =	sadd.s32 s3, s26  }
0xbb: {  	s28 =	sadd.s32 s3, s9;
	s9 =	simm.s32 $0x8000;
	[smem:$0x7F8] =	sst s0  }
0xbc: {  	s25 =	sadd.s32 s3, s10;
	s29 =	sadd.s32 s3, s13;
	_ =	strace $0x80000047  }
0xbd: {  	s10 =	simm.s32 $0x3;
	s20 =	sadd.s32 s3, s8;
	s16 =	sld [smem:$0x7FD]  }
0xbe: {  	s24 =	sadd.s32 s3, s12;
	s26 =	sadd.s32 s3, s11;
	s8 =	simm.s32 $0x2  }
0xbf: {  	s0 =	sadd.s32 s3, s4;
	s3 =	sadd.s32 s3, s5;
	s5 =	sshll.u32 s15, $0x6  }
0xc0: {  	s11 =	simm.s32 $0x0;
	s4 =	sadd.s32 s14, s5;
	s5 =	smax.u32 s16, $0x1  }
.LBB2_1:
0xc1: {  	s12 =	rddreg [dreg:$0x4]  }
0xc2: {  	[tilespmem:s1], [sflag:$0x1] =	stream.linear.gather [hbm4b:s12+s1], $0x4000, $0x38;
	[tilespmem:$0x8200] =	vst v63  }
0xc3: {  	s14 =	rddreg [dreg:$0x5]  }
0xc4: {  	[tilespmem:s6], [sflag:$0x2] =	stream.linear.gather [hbm4b:s14+s1], $0x4000, $0x38;
	[tilespmem:$0x8200] =	vst v63  }
0xc5: {  	_ =	swait.ge [sflag:s7], $0x4000  }
0xc6: {  	[sflag:s7] =	ssyncset.done $0x0  }
0xc7: {  	s15 =	rddreg [dreg:$0x6];
	[sflag:s7] =	ssyncadd.s32 $0xFFFFC000  }
0xc8: {  	[tilespmem:s1], [sflag:$0x1] =	stream.linear.gather [hbm4b:s15+s1], $0x4000, $0x38;
	[tilespmem:$0x8200] =	vst v63  }
0xc9: {  	_ =	swait.ge [sflag:s8], $0x4000  }
0xca: {  	[sflag:s8] =	ssyncset.done $0x0  }
0xcb: {  	s16 =	rddreg [dreg:$0x7];
	[sflag:s8] =	ssyncadd.s32 $0xFFFFC000  }
0xcc: {  	[tilespmem:s6], [sflag:$0x2] =	stream.linear.gather [hbm4b:s16+s1], $0x4000, $0x38;
	[tilespmem:$0x8200] =	vst v63  }
0xcd: {  	_ =	swait.ge [sflag:s7], $0x4000  }
0xce: {  	[sflag:s7] =	ssyncset.done $0x0  }
0xcf: {  	s13 =	rddreg [dreg:$0x8];
	[sflag:s7] =	ssyncadd.s32 $0xFFFFC000  }
0xd0: {  	[tilespmem:s1], [sflag:$0x1] =	stream.linear.gather [hbm4b:s13+s1], $0x4000, $0x38;
	[tilespmem:$0x8200] =	vst v63  }
0xd1: {  	_ =	swait.ge [sflag:s8], $0x4000  }
0xd2: {  	[sflag:s8] =	ssyncset.done $0x0  }
0xd3: {  	s14 =	rddreg [dreg:$0x9];
	[sflag:s8] =	ssyncadd.s32 $0xFFFFC000  }
0xd4: {  	[tilespmem:s6], [sflag:$0x2] =	stream.linear.gather [hbm4b:s14+s1], $0x4000, $0x38;
	[tilespmem:$0x8200] =	vst v63  }
0xd5: {  	_ =	swait.ge [sflag:s7], $0x4000  }
0xd6: {  	[sflag:s7] =	ssyncset.done $0x0  }
0xd7: {  	s15 =	rddreg [dreg:$0xa];
	[sflag:s7] =	ssyncadd.s32 $0xFFFFC000  }
0xd8: {  	[tilespmem:s1], [sflag:$0x1] =	stream.linear.gather [hbm4b:s15+s1], $0x4000, $0x38;
	[tilespmem:$0x8200] =	vst v63  }
0xd9: {  	_ =	swait.ge [sflag:s8], $0x4000  }
0xda: {  	[sflag:s8] =	ssyncset.done $0x0  }
0xdb: {  	s16 =	rddreg [dreg:$0xb];
	[sflag:s8] =	ssyncadd.s32 $0xFFFFC000  }
0xdc: {  	[tilespmem:s6], [sflag:$0x2] =	stream.linear.gather [hbm4b:s16+s1], $0x4000, $0x38;
	[tilespmem:$0x8200] =	vst v63  }
0xdd: {  	_ =	swait.ge [sflag:s7], $0x4000  }
0xde: {  	[sflag:s7] =	ssyncset.done $0x0  }
0xdf: {  	s13 =	rddreg [dreg:$0xc];
	[sflag:s7] =	ssyncadd.s32 $0xFFFFC000  }
0xe0: {  	[tilespmem:s1], [sflag:$0x1] =	stream.linear.gather [hbm4b:s13+s1], $0x4000, $0x38;
	[tilespmem:$0x8200] =	vst v63  }
0xe1: {  	_ =	swait.ge [sflag:s8], $0x4000  }
0xe2: {  	[sflag:s8] =	ssyncset.done $0x0  }
0xe3: {  	s14 =	rddreg [dreg:$0xd];
	[sflag:s8] =	ssyncadd.s32 $0xFFFFC000  }
0xe4: {  	[tilespmem:s6], [sflag:$0x2] =	stream.linear.gather [hbm4b:s14+s1], $0x4000, $0x38;
	[tilespmem:$0x8200] =	vst v63  }
0xe5: {  	_ =	swait.ge [sflag:s7], $0x4000  }
0xe6: {  	[sflag:s7] =	ssyncset.done $0x0  }
0xe7: {  	s15 =	rddreg [dreg:$0xe];
	[sflag:s7] =	ssyncadd.s32 $0xFFFFC000  }
0xe8: {  	[tilespmem:s1], [sflag:$0x1] =	stream.linear.gather [hbm4b:s15+s1], $0x4000, $0x38;
	[tilespmem:$0x8200] =	vst v63  }
0xe9: {  	_ =	swait.ge [sflag:s8], $0x4000  }
0xea: {  	[sflag:s8] =	ssyncset.done $0x0  }
0xeb: {  	s16 =	rddreg [dreg:$0xf];
	[sflag:s8] =	ssyncadd.s32 $0xFFFFC000  }
0xec: {  	[tilespmem:s6], [sflag:$0x2] =	stream.linear.gather [hbm4b:s16+s1], $0x4000, $0x38;
	[tilespmem:$0x8200] =	vst v63  }
0xed: {  	_ =	swait.ge [sflag:s7], $0x4000  }
0xee: {  	[sflag:s7] =	ssyncset.done $0x0  }
0xef: {  	s13 =	rddreg [dreg:$0x10];
	[sflag:s7] =	ssyncadd.s32 $0xFFFFC000  }
0xf0: {  	[tilespmem:s1], [sflag:$0x1] =	stream.linear.gather [hbm4b:s13+s1], $0x4000, $0x38;
	[tilespmem:$0x8200] =	vst v63  }
0xf1: {  	_ =	swait.ge [sflag:s8], $0x4000  }
0xf2: {  	[sflag:s8] =	ssyncset.done $0x0  }
0xf3: {  	s14 =	rddreg [dreg:$0x11];
	[sflag:s8] =	ssyncadd.s32 $0xFFFFC000  }
0xf4: {  	[tilespmem:s6], [sflag:$0x2] =	stream.linear.gather [hbm4b:s14+s1], $0x4000, $0x38;
	[tilespmem:$0x8200] =	vst v63  }
0xf5: {  	_ =	swait.ge [sflag:s7], $0x4000  }
0xf6: {  	[sflag:s7] =	ssyncset.done $0x0  }
0xf7: {  	s15 =	rddreg [dreg:$0x12];
	[sflag:s7] =	ssyncadd.s32 $0xFFFFC000  }
0xf8: {  	[tilespmem:s1], [sflag:$0x1] =	stream.linear.gather [hbm4b:s15+s1], $0x4000, $0x38;
	[tilespmem:$0x8200] =	vst v63  }
0xf9: {  	_ =	swait.ge [sflag:s8], $0x4000  }
0xfa: {  	[sflag:s8] =	ssyncset.done $0x0  }
0xfb: {  	s16 =	rddreg [dreg:$0x13];
	[sflag:s8] =	ssyncadd.s32 $0xFFFFC000  }
0xfc: {  	[tilespmem:s6], [sflag:$0x2] =	stream.linear.gather [hbm4b:s16+s1], $0x4000, $0x38;
	[tilespmem:$0x8200] =	vst v63  }
0xfd: {  	_ =	swait.ge [sflag:s7], $0x4000  }
0xfe: {  	[sflag:s7] =	ssyncset.done $0x0  }
0xff: {  	s13 =	rddreg [dreg:$0x14];
	[sflag:s7] =	ssyncadd.s32 $0xFFFFC000  }
0x100: {  	[tilespmem:s1], [sflag:$0x1] =	stream.linear.gather [hbm4b:s13+s1], $0x4000, $0x38;
	[tilespmem:$0x8200] =	vst v63  }
0x101: {  	_ =	swait.ge [sflag:s8], $0x4000  }
0x102: {  	[sflag:s8] =	ssyncset.done $0x0  }
0x103: {  	s14 =	rddreg [dreg:$0x15];
	[sflag:s8] =	ssyncadd.s32 $0xFFFFC000  }
0x104: {  	[tilespmem:s6], [sflag:$0x2] =	stream.linear.gather [hbm4b:s14+s1], $0x4000, $0x38;
	[tilespmem:$0x8200] =	vst v63  }
0x105: {  	_ =	swait.ge [sflag:s7], $0x4000  }
0x106: {  	[sflag:s7] =	ssyncset.done $0x0  }
0x107: {  	s15 =	rddreg [dreg:$0x16];
	[sflag:s7] =	ssyncadd.s32 $0xFFFFC000  }
0x108: {  	[tilespmem:s1], [sflag:$0x1] =	stream.linear.gather [hbm4b:s15+s1], $0x4000, $0x38;
	[tilespmem:$0x8200] =	vst v63  }
0x109: {  	_ =	swait.ge [sflag:s8], $0x4000  }
0x10a: {  	[sflag:s8] =	ssyncset.done $0x0  }
0x10b: {  	s16 =	rddreg [dreg:$0x17];
	[sflag:s8] =	ssyncadd.s32 $0xFFFFC000  }
0x10c: {  	[tilespmem:s6], [sflag:$0x2] =	stream.linear.gather [hbm4b:s16+s1], $0x4000, $0x38;
	[tilespmem:$0x8200] =	vst v63  }
0x10d: {  	_ =	swait.ge [sflag:s7], $0x4000  }
0x10e: {  	[sflag:s7] =	ssyncset.done $0x0  }
0x10f: {  	s13 =	rddreg [dreg:$0x18];
	[sflag:s7] =	ssyncadd.s32 $0xFFFFC000  }
0x110: {  	[tilespmem:s1], [sflag:$0x1] =	stream.linear.gather [hbm4b:s13+s1], $0x4000, $0x38;
	[tilespmem:$0x8200] =	vst v63  }
0x111: {  	_ =	swait.ge [sflag:s8], $0x4000  }
0x112: {  	[sflag:s8] =	ssyncset.done $0x0  }
0x113: {  	s14 =	rddreg [dreg:$0x19];
	[sflag:s8] =	ssyncadd.s32 $0xFFFFC000  }
0x114: {  	[tilespmem:s6], [sflag:$0x2] =	stream.linear.gather [hbm4b:s14+s1], $0x4000, $0x38;
	[tilespmem:$0x8200] =	vst v63  }
0x115: {  	_ =	swait.ge [sflag:s7], $0x4000  }
0x116: {  	[sflag:s7] =	ssyncset.done $0x0  }
0x117: {  	s15 =	rddreg [dreg:$0x1a];
	[sflag:s7] =	ssyncadd.s32 $0xFFFFC000  }
0x118: {  	[tilespmem:s1], [sflag:$0x1] =	stream.linear.gather [hbm4b:s15+s1], $0x4000, $0x38;
	[tilespmem:$0x8200] =	vst v63  }
0x119: {  	_ =	swait.ge [sflag:s8], $0x4000  }
0x11a: {  	[sflag:s8] =	ssyncset.done $0x0  }
0x11b: {  	s16 =	rddreg [dreg:$0x1b];
	[sflag:s8] =	ssyncadd.s32 $0xFFFFC000  }
0x11c: {  	[tilespmem:s6], [sflag:$0x2] =	stream.linear.gather [hbm4b:s16+s1], $0x4000, $0x38;
	[tilespmem:$0x8200] =	vst v63  }
0x11d: {  	_ =	swait.ge [sflag:s7], $0x4000  }
0x11e: {  	[sflag:s7] =	ssyncset.done $0x0  }
0x11f: {  	s13 =	rddreg [dreg:$0x1c];
	[sflag:s7] =	ssyncadd.s32 $0xFFFFC000  }
0x120: {  	[tilespmem:s1], [sflag:$0x1] =	stream.linear.gather [hbm4b:s13+s1], $0x4000, $0x38;
	[tilespmem:$0x8200] =	vst v63  }
0x121: {  	_ =	swait.ge [sflag:s8], $0x4000  }
0x122: {  	[sflag:s8] =	ssyncset.done $0x0  }
0x123: {  	s14 =	rddreg [dreg:$0x1d];
	[sflag:s8] =	ssyncadd.s32 $0xFFFFC000  }
0x124: {  	[tilespmem:s6], [sflag:$0x2] =	stream.linear.gather [hbm4b:s14+s1], $0x4000, $0x38;
	[tilespmem:$0x8200] =	vst v63  }
0x125: {  	_ =	swait.ge [sflag:s7], $0x4000  }
0x126: {  	[sflag:s7] =	ssyncset.done $0x0  }
0x127: {  	s15 =	rddreg [dreg:$0x1e];
	[sflag:s7] =	ssyncadd.s32 $0xFFFFC000  }
0x128: {  	[tilespmem:s1], [sflag:$0x1] =	stream.linear.gather [hbm4b:s15+s1], $0x4000, $0x38;
	[tilespmem:$0x8200] =	vst v63  }
0x129: {  	_ =	swait.ge [sflag:s8], $0x4000  }
0x12a: {  	[sflag:s8] =	ssyncset.done $0x0  }
0x12b: {  	s16 =	rddreg [dreg:$0x1f];
	[sflag:s8] =	ssyncadd.s32 $0xFFFFC000  }
0x12c: {  	[tilespmem:s6], [sflag:$0x2] =	stream.linear.gather [hbm4b:s16+s1], $0x4000, $0x38;
	[tilespmem:$0x8200] =	vst v63  }
0x12d: {  	_ =	swait.ge [sflag:s7], $0x4000  }
0x12e: {  	s13 =	sld [smem:$0x78D]  }
0x12f: {  	[sflag:s7] =	ssyncset.done $0x0  }
0x130: {  	[sflag:s7] =	ssyncadd.s32 $0xFFFFC000  }
0x131: {  	[tilespmem:s1], [sflag:$0x1] =	stream.linear.gather [hbm4b:s13+s1], $0x4000, $0x38;
	[tilespmem:$0x8200] =	vst v63  }
0x132: {  	_ =	swait.ge [sflag:s8], $0x4000  }
0x133: {  	s14 =	sld [smem:$0x78E]  }
0x134: {  	[sflag:s8] =	ssyncset.done $0x0  }
0x135: {  	[sflag:s8] =	ssyncadd.s32 $0xFFFFC000  }
0x136: {  	[tilespmem:s6], [sflag:$0x2] =	stream.linear.gather [hbm4b:s14+s1], $0x4000, $0x38;
	[tilespmem:$0x8200] =	vst v63  }
0x137: {  	_ =	swait.ge [sflag:s7], $0x4000  }
0x138: {  	s15 =	sld [smem:$0x78F]  }
0x139: {  	[sflag:s7] =	ssyncset.done $0x0  }
0x13a: {  	[sflag:s7] =	ssyncadd.s32 $0xFFFFC000  }
0x13b: {  	[tilespmem:s1], [sflag:$0x1] =	stream.linear.gather [hbm4b:s15+s1], $0x4000, $0x38;
	[tilespmem:$0x8200] =	vst v63  }
0x13c: {  	_ =	swait.ge [sflag:s8], $0x4000  }
0x13d: {  	s16 =	sld [smem:$0x790]  }
0x13e: {  	[sflag:s8] =	ssyncset.done $0x0  }
0x13f: {  	[sflag:s8] =	ssyncadd.s32 $0xFFFFC000  }
0x140: {  	[tilespmem:s6], [sflag:$0x2] =	stream.linear.gather [hbm4b:s16+s1], $0x4000, $0x38;
	[tilespmem:$0x8200] =	vst v63  }
0x141: {  	_ =	swait.ge [sflag:s7], $0x4000  }
0x142: {  	s13 =	sld [smem:$0x791]  }
0x143: {  	[sflag:s7] =	ssyncset.done $0x0  }
0x144: {  	[sflag:s7] =	ssyncadd.s32 $0xFFFFC000  }
0x145: {  	[tilespmem:s1], [sflag:$0x1] =	stream.linear.gather [hbm4b:s13+s1], $0x4000, $0x38;
	[tilespmem:$0x8200] =	vst v63  }
0x146: {  	_ =	swait.ge [sflag:s8], $0x4000  }
0x147: {  	s14 =	sld [smem:$0x792]  }
0x148: {  	[sflag:s8] =	ssyncset.done $0x0  }
0x149: {  	[sflag:s8] =	ssyncadd.s32 $0xFFFFC000  }
0x14a: {  	[tilespmem:s6], [sflag:$0x2] =	stream.linear.gather [hbm4b:s14+s1], $0x4000, $0x38;
	[tilespmem:$0x8200] =	vst v63  }
0x14b: {  	_ =	swait.ge [sflag:s7], $0x4000  }
0x14c: {  	s15 =	sld [smem:$0x793]  }
0x14d: {  	[sflag:s7] =	ssyncset.done $0x0  }
0x14e: {  	[sflag:s7] =	ssyncadd.s32 $0xFFFFC000  }
0x14f: {  	[tilespmem:s1], [sflag:$0x1] =	stream.linear.gather [hbm4b:s15+s1], $0x4000, $0x38;
	[tilespmem:$0x8200] =	vst v63  }
0x150: {  	_ =	swait.ge [sflag:s8], $0x4000  }
0x151: {  	s16 =	sld [smem:$0x794]  }
0x152: {  	[sflag:s8] =	ssyncset.done $0x0  }
0x153: {  	[sflag:s8] =	ssyncadd.s32 $0xFFFFC000  }
0x154: {  	[tilespmem:s6], [sflag:$0x2] =	stream.linear.gather [hbm4b:s16+s1], $0x4000, $0x38;
	[tilespmem:$0x8200] =	vst v63  }
0x155: {  	_ =	swait.ge [sflag:s7], $0x4000  }
0x156: {  	s13 =	sld [smem:$0x795]  }
0x157: {  	[sflag:s7] =	ssyncset.done $0x0  }
0x158: {  	[sflag:s7] =	ssyncadd.s32 $0xFFFFC000  }
0x159: {  	[tilespmem:s1], [sflag:$0x1] =	stream.linear.gather [hbm4b:s13+s1], $0x4000, $0x38;
	[tilespmem:$0x8200] =	vst v63  }
0x15a: {  	_ =	swait.ge [sflag:s8], $0x4000  }
0x15b: {  	s14 =	sld [smem:$0x796]  }
0x15c: {  	[sflag:s8] =	ssyncset.done $0x0  }
0x15d: {  	[sflag:s8] =	ssyncadd.s32 $0xFFFFC000  }
0x15e: {  	[tilespmem:s6], [sflag:$0x2] =	stream.linear.gather [hbm4b:s14+s1], $0x4000, $0x38;
	[tilespmem:$0x8200] =	vst v63  }
0x15f: {  	_ =	swait.ge [sflag:s7], $0x4000  }
0x160: {  	s15 =	sld [smem:$0x797]  }
0x161: {  	[sflag:s7] =	ssyncset.done $0x0  }
0x162: {  	[sflag:s7] =	ssyncadd.s32 $0xFFFFC000  }
0x163: {  	[tilespmem:s1], [sflag:$0x1] =	stream.linear.gather [hbm4b:s15+s1], $0x4000, $0x38;
	[tilespmem:$0x8200] =	vst v63  }
0x164: {  	_ =	swait.ge [sflag:s8], $0x4000  }
0x165: {  	s16 =	sld [smem:$0x798]  }
0x166: {  	[sflag:s8] =	ssyncset.done $0x0  }
0x167: {  	[sflag:s8] =	ssyncadd.s32 $0xFFFFC000  }
0x168: {  	[tilespmem:s6], [sflag:$0x2] =	stream.linear.gather [hbm4b:s16+s1], $0x4000, $0x38;
	[tilespmem:$0x8200] =	vst v63  }
0x169: {  	_ =	swait.ge [sflag:s7], $0x4000  }
0x16a: {  	s13 =	sld [smem:$0x799]  }
0x16b: {  	[sflag:s7] =	ssyncset.done $0x0  }
0x16c: {  	[sflag:s7] =	ssyncadd.s32 $0xFFFFC000  }
0x16d: {  	[tilespmem:s1], [sflag:$0x1] =	stream.linear.gather [hbm4b:s13+s1], $0x4000, $0x38;
	[tilespmem:$0x8200] =	vst v63  }
0x16e: {  	_ =	swait.ge [sflag:s8], $0x4000  }
0x16f: {  	s14 =	sld [smem:$0x79A]  }
0x170: {  	[sflag:s8] =	ssyncset.done $0x0  }
0x171: {  	[sflag:s8] =	ssyncadd.s32 $0xFFFFC000  }
0x172: {  	[tilespmem:s6], [sflag:$0x2] =	stream.linear.gather [hbm4b:s14+s1], $0x4000, $0x38;
	[tilespmem:$0x8200] =	vst v63  }
0x173: {  	_ =	swait.ge [sflag:s7], $0x4000  }
0x174: {  	s15 =	sld [smem:$0x79B]  }
0x175: {  	[sflag:s7] =	ssyncset.done $0x0  }
0x176: {  	[sflag:s7] =	ssyncadd.s32 $0xFFFFC000  }
0x177: {  	[tilespmem:s1], [sflag:$0x1] =	stream.linear.gather [hbm4b:s15+s1], $0x4000, $0x38;
	[tilespmem:$0x8200] =	vst v63  }
0x178: {  	_ =	swait.ge [sflag:s8], $0x4000  }
0x179: {  	s16 =	sld [smem:$0x79C]  }
0x17a: {  	[sflag:s8] =	ssyncset.done $0x0  }
0x17b: {  	[sflag:s8] =	ssyncadd.s32 $0xFFFFC000  }
0x17c: {  	[tilespmem:s6], [sflag:$0x2] =	stream.linear.gather [hbm4b:s16+s1], $0x4000, $0x38;
	[tilespmem:$0x8200] =	vst v63  }
0x17d: {  	_ =	swait.ge [sflag:s7], $0x4000  }
0x17e: {  	s13 =	sld [smem:$0x79D]  }
0x17f: {  	[sflag:s7] =	ssyncset.done $0x0  }
0x180: {  	[sflag:s7] =	ssyncadd.s32 $0xFFFFC000  }
0x181: {  	[tilespmem:s1], [sflag:$0x1] =	stream.linear.gather [hbm4b:s13+s1], $0x4000, $0x38;
	[tilespmem:$0x8200] =	vst v63  }
0x182: {  	_ =	swait.ge [sflag:s8], $0x4000  }
0x183: {  	s14 =	sld [smem:$0x79E]  }
0x184: {  	[sflag:s8] =	ssyncset.done $0x0  }
0x185: {  	[sflag:s8] =	ssyncadd.s32 $0xFFFFC000  }
0x186: {  	[tilespmem:s6], [sflag:$0x2] =	stream.linear.gather [hbm4b:s14+s1], $0x4000, $0x38;
	[tilespmem:$0x8200] =	vst v63  }
0x187: {  	_ =	swait.ge [sflag:s7], $0x4000  }
0x188: {  	s15 =	sld [smem:$0x79F]  }
0x189: {  	[sflag:s7] =	ssyncset.done $0x0  }
0x18a: {  	[sflag:s7] =	ssyncadd.s32 $0xFFFFC000  }
0x18b: {  	[tilespmem:s1], [sflag:$0x1] =	stream.linear.gather [hbm4b:s15+s1], $0x4000, $0x38;
	[tilespmem:$0x8200] =	vst v63  }
0x18c: {  	_ =	swait.ge [sflag:s8], $0x4000  }
0x18d: {  	s16 =	sld [smem:$0x7A0]  }
0x18e: {  	[sflag:s8] =	ssyncset.done $0x0  }
0x18f: {  	[sflag:s8] =	ssyncadd.s32 $0xFFFFC000  }
0x190: {  	[tilespmem:s6], [sflag:$0x2] =	stream.linear.gather [hbm4b:s16+s1], $0x4000, $0x38;
	[tilespmem:$0x8200] =	vst v63  }
0x191: {  	_ =	swait.ge [sflag:s7], $0x4000  }
0x192: {  	s13 =	sld [smem:$0x7A1]  }
0x193: {  	[sflag:s7] =	ssyncset.done $0x0  }
0x194: {  	[sflag:s7] =	ssyncadd.s32 $0xFFFFC000  }
0x195: {  	[tilespmem:s1], [sflag:$0x1] =	stream.linear.gather [hbm4b:s13+s1], $0x4000, $0x38;
	[tilespmem:$0x8200] =	vst v63  }
0x196: {  	_ =	swait.ge [sflag:s8], $0x4000  }
0x197: {  	s14 =	sld [smem:$0x7A2]  }
0x198: {  	[sflag:s8] =	ssyncset.done $0x0  }
0x199: {  	[sflag:s8] =	ssyncadd.s32 $0xFFFFC000  }
0x19a: {  	[tilespmem:s6], [sflag:$0x2] =	stream.linear.gather [hbm4b:s14+s1], $0x4000, $0x38;
	[tilespmem:$0x8200] =	vst v63  }
0x19b: {  	_ =	swait.ge [sflag:s7], $0x4000  }
0x19c: {  	s15 =	sld [smem:$0x7A3]  }
0x19d: {  	[sflag:s7] =	ssyncset.done $0x0  }
0x19e: {  	[sflag:s7] =	ssyncadd.s32 $0xFFFFC000  }
0x19f: {  	[tilespmem:s1], [sflag:$0x1] =	stream.linear.gather [hbm4b:s15+s1], $0x4000, $0x38;
	[tilespmem:$0x8200] =	vst v63  }
0x1a0: {  	_ =	swait.ge [sflag:s8], $0x4000  }
0x1a1: {  	s16 =	sld [smem:$0x7A4]  }
0x1a2: {  	[sflag:s8] =	ssyncset.done $0x0  }
0x1a3: {  	[sflag:s8] =	ssyncadd.s32 $0xFFFFC000  }
0x1a4: {  	[tilespmem:s6], [sflag:$0x2] =	stream.linear.gather [hbm4b:s16+s1], $0x4000, $0x38;
	[tilespmem:$0x8200] =	vst v63  }
0x1a5: {  	_ =	swait.ge [sflag:s7], $0x4000  }
0x1a6: {  	s13 =	sld [smem:$0x7A5]  }
0x1a7: {  	[sflag:s7] =	ssyncset.done $0x0  }
0x1a8: {  	[sflag:s7] =	ssyncadd.s32 $0xFFFFC000  }
0x1a9: {  	[tilespmem:s1], [sflag:$0x1] =	stream.linear.gather [hbm4b:s13+s1], $0x4000, $0x38;
	[tilespmem:$0x8200] =	vst v63  }
0x1aa: {  	_ =	swait.ge [sflag:s8], $0x4000  }
0x1ab: {  	s14 =	sld [smem:$0x7A6]  }
0x1ac: {  	[sflag:s8] =	ssyncset.done $0x0  }
0x1ad: {  	[sflag:s8] =	ssyncadd.s32 $0xFFFFC000  }
0x1ae: {  	[tilespmem:s6], [sflag:$0x2] =	stream.linear.gather [hbm4b:s14+s1], $0x4000, $0x38;
	[tilespmem:$0x8200] =	vst v63  }
0x1af: {  	_ =	swait.ge [sflag:s7], $0x4000  }
0x1b0: {  	s15 =	sld [smem:$0x7A7]  }
0x1b1: {  	[sflag:s7] =	ssyncset.done $0x0  }
0x1b2: {  	[sflag:s7] =	ssyncadd.s32 $0xFFFFC000  }
0x1b3: {  	[tilespmem:s1], [sflag:$0x1] =	stream.linear.gather [hbm4b:s15+s1], $0x4000, $0x38;
	[tilespmem:$0x8200] =	vst v63  }
0x1b4: {  	_ =	swait.ge [sflag:s8], $0x4000  }
0x1b5: {  	s16 =	sld [smem:$0x7A8]  }
0x1b6: {  	[sflag:s8] =	ssyncset.done $0x0  }
0x1b7: {  	[sflag:s8] =	ssyncadd.s32 $0xFFFFC000  }
0x1b8: {  	[tilespmem:s6], [sflag:$0x2] =	stream.linear.gather [hbm4b:s16+s1], $0x4000, $0x38;
	[tilespmem:$0x8200] =	vst v63  }
0x1b9: {  	_ =	swait.ge [sflag:s7], $0x4000  }
0x1ba: {  	s13 =	sld [smem:$0x7A9]  }
0x1bb: {  	[sflag:s7] =	ssyncset.done $0x0  }
0x1bc: {  	[sflag:s7] =	ssyncadd.s32 $0xFFFFC000  }
0x1bd: {  	[tilespmem:s1], [sflag:$0x1] =	stream.linear.gather [hbm4b:s13+s1], $0x4000, $0x38;
	[tilespmem:$0x8200] =	vst v63  }
0x1be: {  	_ =	swait.ge [sflag:s8], $0x4000  }
0x1bf: {  	s14 =	sld [smem:$0x7AA]  }
0x1c0: {  	[sflag:s8] =	ssyncset.done $0x0  }
0x1c1: {  	[sflag:s8] =	ssyncadd.s32 $0xFFFFC000  }
0x1c2: {  	[tilespmem:s6], [sflag:$0x2] =	stream.linear.gather [hbm4b:s14+s1], $0x4000, $0x38;
	[tilespmem:$0x8200] =	vst v63  }
0x1c3: {  	_ =	swait.ge [sflag:s7], $0x4000  }
0x1c4: {  	s15 =	sld [smem:$0x7AB]  }
0x1c5: {  	[sflag:s7] =	ssyncset.done $0x0  }
0x1c6: {  	[sflag:s7] =	ssyncadd.s32 $0xFFFFC000  }
0x1c7: {  	[tilespmem:s1], [sflag:$0x1] =	stream.linear.gather [hbm4b:s15+s1], $0x4000, $0x38;
	[tilespmem:$0x8200] =	vst v63  }
0x1c8: {  	_ =	swait.ge [sflag:s8], $0x4000  }
0x1c9: {  	s16 =	sld [smem:$0x7AC]  }
0x1ca: {  	[sflag:s8] =	ssyncset.done $0x0  }
0x1cb: {  	[sflag:s8] =	ssyncadd.s32 $0xFFFFC000  }
0x1cc: {  	[tilespmem:s6], [sflag:$0x2] =	stream.linear.gather [hbm4b:s16+s1], $0x4000, $0x38;
	[tilespmem:$0x8200] =	vst v63  }
0x1cd: {  	_ =	swait.ge [sflag:s7], $0x4000  }
0x1ce: {  	s13 =	sld [smem:$0x7AD]  }
0x1cf: {  	[sflag:s7] =	ssyncset.done $0x0  }
0x1d0: {  	[sflag:s7] =	ssyncadd.s32 $0xFFFFC000  }
0x1d1: {  	[tilespmem:s1], [sflag:$0x1] =	stream.linear.gather [hbm4b:s13+s1], $0x4000, $0x38;
	[tilespmem:$0x8200] =	vst v63  }
0x1d2: {  	_ =	swait.ge [sflag:s8], $0x4000  }
0x1d3: {  	s14 =	sld [smem:$0x7AE]  }
0x1d4: {  	[sflag:s8] =	ssyncset.done $0x0  }
0x1d5: {  	[sflag:s8] =	ssyncadd.s32 $0xFFFFC000  }
0x1d6: {  	[tilespmem:s6], [sflag:$0x2] =	stream.linear.gather [hbm4b:s14+s1], $0x4000, $0x38;
	[tilespmem:$0x8200] =	vst v63  }
0x1d7: {  	_ =	swait.ge [sflag:s7], $0x4000  }
0x1d8: {  	s15 =	sld [smem:$0x7B0]  }
0x1d9: {  	[sflag:s7] =	ssyncset.done $0x0  }
0x1da: {  	[sflag:s7] =	ssyncadd.s32 $0xFFFFC000  }
0x1db: {  	[tilespmem:s1], [sflag:$0x1] =	stream.linear.gather [hbm4b:s15+s1], $0x4000, $0x38;
	[tilespmem:$0x8200] =	vst v63  }
0x1dc: {  	_ =	swait.ge [sflag:s8], $0x4000  }
0x1dd: {  	s16 =	sld [smem:$0x7B2]  }
0x1de: {  	[sflag:s8] =	ssyncset.done $0x0  }
0x1df: {  	[sflag:s8] =	ssyncadd.s32 $0xFFFFC000  }
0x1e0: {  	[tilespmem:s6], [sflag:$0x2] =	stream.linear.gather [hbm4b:s16+s1], $0x4000, $0x38;
	[tilespmem:$0x8200] =	vst v63  }
0x1e1: {  	_ =	swait.ge [sflag:s7], $0x4000  }
0x1e2: {  	s13 =	sld [smem:$0x7B4]  }
0x1e3: {  	[sflag:s7] =	ssyncset.done $0x0  }
0x1e4: {  	[sflag:s7] =	ssyncadd.s32 $0xFFFFC000  }
0x1e5: {  	[tilespmem:s1], [sflag:$0x1] =	stream.linear.gather [hbm4b:s13+s1], $0x4000, $0x38;
	[tilespmem:$0x8200] =	vst v63  }
0x1e6: {  	_ =	swait.ge [sflag:s8], $0x4000  }
0x1e7: {  	s14 =	sld [smem:$0x7B6]  }
0x1e8: {  	[sflag:s8] =	ssyncset.done $0x0  }
0x1e9: {  	[sflag:s8] =	ssyncadd.s32 $0xFFFFC000  }
0x1ea: {  	[tilespmem:s6], [sflag:$0x2] =	stream.linear.gather [hbm4b:s14+s1], $0x4000, $0x38;
	[tilespmem:$0x8200] =	vst v63  }
0x1eb: {  	_ =	swait.ge [sflag:s7], $0x4000  }
0x1ec: {  	s15 =	sld [smem:$0x7B8]  }
0x1ed: {  	[sflag:s7] =	ssyncset.done $0x0  }
0x1ee: {  	[sflag:s7] =	ssyncadd.s32 $0xFFFFC000  }
0x1ef: {  	[tilespmem:s1], [sflag:$0x1] =	stream.linear.gather [hbm4b:s15+s1], $0x4000, $0x38;
	[tilespmem:$0x8200] =	vst v63  }
0x1f0: {  	_ =	swait.ge [sflag:s8], $0x4000  }
0x1f1: {  	s16 =	sld [smem:$0x7BA]  }
0x1f2: {  	[sflag:s8] =	ssyncset.done $0x0  }
0x1f3: {  	[sflag:s8] =	ssyncadd.s32 $0xFFFFC000  }
0x1f4: {  	[tilespmem:s6], [sflag:$0x2] =	stream.linear.gather [hbm4b:s16+s1], $0x4000, $0x38;
	[tilespmem:$0x8200] =	vst v63  }
0x1f5: {  	_ =	swait.ge [sflag:s7], $0x4000  }
0x1f6: {  	s13 =	sld [smem:$0x7BC]  }
0x1f7: {  	[sflag:s7] =	ssyncset.done $0x0  }
0x1f8: {  	[sflag:s7] =	ssyncadd.s32 $0xFFFFC000  }
0x1f9: {  	[tilespmem:s1], [sflag:$0x1] =	stream.linear.gather [hbm4b:s13+s1], $0x4000, $0x38;
	[tilespmem:$0x8200] =	vst v63  }
0x1fa: {  	_ =	swait.ge [sflag:s8], $0x4000  }
0x1fb: {  	s14 =	sld [smem:$0x7BE]  }
0x1fc: {  	[sflag:s8] =	ssyncset.done $0x0  }
0x1fd: {  	[sflag:s8] =	ssyncadd.s32 $0xFFFFC000  }
0x1fe: {  	[tilespmem:s6], [sflag:$0x2] =	stream.linear.gather [hbm4b:s14+s1], $0x4000, $0x38;
	[tilespmem:$0x8200] =	vst v63  }
0x1ff: {  	_ =	swait.ge [sflag:s7], $0x4000  }
0x200: {  	s15 =	sld [smem:$0x7C0]  }
0x201: {  	[sflag:s7] =	ssyncset.done $0x0  }
0x202: {  	[sflag:s7] =	ssyncadd.s32 $0xFFFFC000  }
0x203: {  	[tilespmem:s1], [sflag:$0x1] =	stream.linear.gather [hbm4b:s15+s1], $0x4000, $0x38;
	[tilespmem:$0x8200] =	vst v63  }
0x204: {  	_ =	swait.ge [sflag:s8], $0x4000  }
0x205: {  	s16 =	sld [smem:$0x7C2]  }
0x206: {  	[sflag:s8] =	ssyncset.done $0x0  }
0x207: {  	[sflag:s8] =	ssyncadd.s32 $0xFFFFC000  }
0x208: {  	[tilespmem:s6], [sflag:$0x2] =	stream.linear.gather [hbm4b:s16+s1], $0x4000, $0x38;
	[tilespmem:$0x8200] =	vst v63  }
0x209: {  	_ =	swait.ge [sflag:s7], $0x4000  }
0x20a: {  	s13 =	sld [smem:$0x7C4]  }
0x20b: {  	[sflag:s7] =	ssyncset.done $0x0  }
0x20c: {  	[sflag:s7] =	ssyncadd.s32 $0xFFFFC000  }
0x20d: {  	[tilespmem:s1], [sflag:$0x1] =	stream.linear.gather [hbm4b:s13+s1], $0x4000, $0x38;
	[tilespmem:$0x8200] =	vst v63  }
0x20e: {  	_ =	swait.ge [sflag:s8], $0x4000  }
0x20f: {  	s14 =	sld [smem:$0x7C6]  }
0x210: {  	[sflag:s8] =	ssyncset.done $0x0  }
0x211: {  	[sflag:s8] =	ssyncadd.s32 $0xFFFFC000  }
0x212: {  	[tilespmem:s6], [sflag:$0x2] =	stream.linear.gather [hbm4b:s14+s1], $0x4000, $0x38;
	[tilespmem:$0x8200] =	vst v63  }
0x213: {  	_ =	swait.ge [sflag:s7], $0x4000  }
0x214: {  	s15 =	sld [smem:$0x7C8]  }
0x215: {  	[sflag:s7] =	ssyncset.done $0x0  }
0x216: {  	[sflag:s7] =	ssyncadd.s32 $0xFFFFC000  }
0x217: {  	[tilespmem:s1], [sflag:$0x1] =	stream.linear.gather [hbm4b:s15+s1], $0x4000, $0x38;
	[tilespmem:$0x8200] =	vst v63  }
0x218: {  	_ =	swait.ge [sflag:s8], $0x4000  }
0x219: {  	s16 =	sld [smem:$0x7CA]  }
0x21a: {  	[sflag:s8] =	ssyncset.done $0x0  }
0x21b: {  	[sflag:s8] =	ssyncadd.s32 $0xFFFFC000  }
0x21c: {  	[tilespmem:s6], [sflag:$0x2] =	stream.linear.gather [hbm4b:s16+s1], $0x4000, $0x38;
	[tilespmem:$0x8200] =	vst v63  }
0x21d: {  	_ =	swait.ge [sflag:s7], $0x4000  }
0x21e: {  	s13 =	sld [smem:$0x7CC]  }
0x21f: {  	[sflag:s7] =	ssyncset.done $0x0  }
0x220: {  	[sflag:s7] =	ssyncadd.s32 $0xFFFFC000  }
0x221: {  	[tilespmem:s1], [sflag:$0x1] =	stream.linear.gather [hbm4b:s13+s1], $0x4000, $0x38;
	[tilespmem:$0x8200] =	vst v63  }
0x222: {  	_ =	swait.ge [sflag:s8], $0x4000  }
0x223: {  	s14 =	sld [smem:$0x7CE]  }
0x224: {  	[sflag:s8] =	ssyncset.done $0x0  }
0x225: {  	[sflag:s8] =	ssyncadd.s32 $0xFFFFC000  }
0x226: {  	[tilespmem:s6], [sflag:$0x2] =	stream.linear.gather [hbm4b:s14+s1], $0x4000, $0x38;
	[tilespmem:$0x8200] =	vst v63  }
0x227: {  	_ =	swait.ge [sflag:s7], $0x4000  }
0x228: {  	s15 =	sld [smem:$0x7D0]  }
0x229: {  	[sflag:s7] =	ssyncset.done $0x0  }
0x22a: {  	[sflag:s7] =	ssyncadd.s32 $0xFFFFC000  }
0x22b: {  	[tilespmem:s1], [sflag:$0x1] =	stream.linear.gather [hbm4b:s15+s1], $0x4000, $0x38;
	[tilespmem:$0x8200] =	vst v63  }
0x22c: {  	_ =	swait.ge [sflag:s8], $0x4000  }
0x22d: {  	s16 =	sld [smem:$0x7D2]  }
0x22e: {  	[sflag:s8] =	ssyncset.done $0x0  }
0x22f: {  	[sflag:s8] =	ssyncadd.s32 $0xFFFFC000  }
0x230: {  	[tilespmem:s6], [sflag:$0x2] =	stream.linear.gather [hbm4b:s16+s1], $0x4000, $0x38;
	[tilespmem:$0x8200] =	vst v63  }
0x231: {  	_ =	swait.ge [sflag:s7], $0x4000  }
0x232: {  	s13 =	sld [smem:$0x7D4]  }
0x233: {  	[sflag:s7] =	ssyncset.done $0x0  }
0x234: {  	[sflag:s7] =	ssyncadd.s32 $0xFFFFC000  }
0x235: {  	[tilespmem:s1], [sflag:$0x1] =	stream.linear.gather [hbm4b:s13+s1], $0x4000, $0x38;
	[tilespmem:$0x8200] =	vst v63  }
0x236: {  	_ =	swait.ge [sflag:s8], $0x4000  }
0x237: {  	s14 =	sld [smem:$0x7D6]  }
0x238: {  	[sflag:s8] =	ssyncset.done $0x0  }
0x239: {  	[sflag:s8] =	ssyncadd.s32 $0xFFFFC000  }
0x23a: {  	[tilespmem:s6], [sflag:$0x2] =	stream.linear.gather [hbm4b:s14+s1], $0x4000, $0x38;
	[tilespmem:$0x8200] =	vst v63  }
0x23b: {  	_ =	swait.ge [sflag:s7], $0x4000  }
0x23c: {  	s15 =	sld [smem:$0x7D8]  }
0x23d: {  	[sflag:s7] =	ssyncset.done $0x0  }
0x23e: {  	[sflag:s7] =	ssyncadd.s32 $0xFFFFC000  }
0x23f: {  	[tilespmem:s1], [sflag:$0x1] =	stream.linear.gather [hbm4b:s15+s1], $0x4000, $0x38;
	[tilespmem:$0x8200] =	vst v63  }
0x240: {  	_ =	swait.ge [sflag:s8], $0x4000  }
0x241: {  	s16 =	sld [smem:$0x7DA]  }
0x242: {  	[sflag:s8] =	ssyncset.done $0x0  }
0x243: {  	[sflag:s8] =	ssyncadd.s32 $0xFFFFC000  }
0x244: {  	[tilespmem:s6], [sflag:$0x2] =	stream.linear.gather [hbm4b:s16+s1], $0x4000, $0x38;
	[tilespmem:$0x8200] =	vst v63  }
0x245: {  	_ =	swait.ge [sflag:s7], $0x4000  }
0x246: {  	s13 =	sld [smem:$0x7DC]  }
0x247: {  	[sflag:s7] =	ssyncset.done $0x0  }
0x248: {  	[sflag:s7] =	ssyncadd.s32 $0xFFFFC000  }
0x249: {  	[tilespmem:s1], [sflag:$0x1] =	stream.linear.gather [hbm4b:s13+s1], $0x4000, $0x38;
	[tilespmem:$0x8200] =	vst v63  }
0x24a: {  	_ =	swait.ge [sflag:s8], $0x4000  }
0x24b: {  	s14 =	sld [smem:$0x7DE]  }
0x24c: {  	[sflag:s8] =	ssyncset.done $0x0  }
0x24d: {  	[sflag:s8] =	ssyncadd.s32 $0xFFFFC000  }
0x24e: {  	[tilespmem:s6], [sflag:$0x2] =	stream.linear.gather [hbm4b:s14+s1], $0x4000, $0x38;
	[tilespmem:$0x8200] =	vst v63  }
0x24f: {  	_ =	swait.ge [sflag:s7], $0x4000  }
0x250: {  	s15 =	sld [smem:$0x7E0]  }
0x251: {  	[sflag:s7] =	ssyncset.done $0x0  }
0x252: {  	[sflag:s7] =	ssyncadd.s32 $0xFFFFC000  }
0x253: {  	[tilespmem:s1], [sflag:$0x1] =	stream.linear.gather [hbm4b:s15+s1], $0x4000, $0x38;
	[tilespmem:$0x8200] =	vst v63  }
0x254: {  	_ =	swait.ge [sflag:s8], $0x4000  }
0x255: {  	s16 =	sld [smem:$0x7E2]  }
0x256: {  	[sflag:s8] =	ssyncset.done $0x0  }
0x257: {  	[sflag:s8] =	ssyncadd.s32 $0xFFFFC000  }
0x258: {  	[tilespmem:s6], [sflag:$0x2] =	stream.linear.gather [hbm4b:s16+s1], $0x4000, $0x38;
	[tilespmem:$0x8200] =	vst v63  }
0x259: {  	_ =	swait.ge [sflag:s7], $0x4000  }
0x25a: {  	s13 =	sld [smem:$0x7E4]  }
0x25b: {  	[sflag:s7] =	ssyncset.done $0x0  }
0x25c: {  	[sflag:s7] =	ssyncadd.s32 $0xFFFFC000  }
0x25d: {  	[tilespmem:s1], [sflag:$0x1] =	stream.linear.gather [hbm4b:s13+s1], $0x4000, $0x38;
	[tilespmem:$0x8200] =	vst v63  }
0x25e: {  	_ =	swait.ge [sflag:s8], $0x4000  }
0x25f: {  	s14 =	sld [smem:$0x7E5]  }
0x260: {  	[sflag:s8] =	ssyncset.done $0x0  }
0x261: {  	[sflag:s8] =	ssyncadd.s32 $0xFFFFC000  }
0x262: {  	[tilespmem:s6], [sflag:$0x2] =	stream.linear.gather [hbm4b:s14+s1], $0x4000, $0x38;
	[tilespmem:$0x8200] =	vst v63  }
0x263: {  	_ =	swait.ge [sflag:s7], $0x4000  }
0x264: {  	s15 =	sld [smem:$0x7E6]  }
0x265: {  	[sflag:s7] =	ssyncset.done $0x0  }
0x266: {  	[sflag:s7] =	ssyncadd.s32 $0xFFFFC000  }
0x267: {  	[tilespmem:s1], [sflag:$0x1] =	stream.linear.gather [hbm4b:s15+s1], $0x4000, $0x38;
	[tilespmem:$0x8200] =	vst v63  }
0x268: {  	_ =	swait.ge [sflag:s8], $0x4000  }
0x269: {  	s16 =	sld [smem:$0x7E7]  }
0x26a: {  	[sflag:s8] =	ssyncset.done $0x0  }
0x26b: {  	[sflag:s8] =	ssyncadd.s32 $0xFFFFC000  }
0x26c: {  	[tilespmem:s6], [sflag:$0x2] =	stream.linear.gather [hbm4b:s16+s1], $0x4000, $0x38;
	[tilespmem:$0x8200] =	vst v63  }
0x26d: {  	_ =	swait.ge [sflag:s7], $0x4000  }
0x26e: {  	s13 =	sld [smem:$0x7E9]  }
0x26f: {  	[sflag:s7] =	ssyncset.done $0x0  }
0x270: {  	[sflag:s7] =	ssyncadd.s32 $0xFFFFC000  }
0x271: {  	[tilespmem:s1], [sflag:$0x1] =	stream.linear.gather [hbm4b:s13+s1], $0x4000, $0x38;
	[tilespmem:$0x8200] =	vst v63  }
0x272: {  	_ =	swait.ge [sflag:s8], $0x4000  }
0x273: {  	s14 =	sld [smem:$0x7EA]  }
0x274: {  	[sflag:s8] =	ssyncset.done $0x0  }
0x275: {  	[sflag:s8] =	ssyncadd.s32 $0xFFFFC000  }
0x276: {  	[tilespmem:s6], [sflag:$0x2] =	stream.linear.gather [hbm4b:s14+s1], $0x4000, $0x38;
	[tilespmem:$0x8200] =	vst v63  }
0x277: {  	_ =	swait.ge [sflag:s7], $0x4000  }
0x278: {  	s15 =	sld [smem:$0x7EB]  }
0x279: {  	[sflag:s7] =	ssyncset.done $0x0  }
0x27a: {  	[sflag:s7] =	ssyncadd.s32 $0xFFFFC000  }
0x27b: {  	[tilespmem:s1], [sflag:$0x1] =	stream.linear.gather [hbm4b:s15+s1], $0x4000, $0x38;
	[tilespmem:$0x8200] =	vst v63  }
0x27c: {  	_ =	swait.ge [sflag:s8], $0x4000  }
0x27d: {  	s16 =	sld [smem:$0x7EC]  }
0x27e: {  	[sflag:s8] =	ssyncset.done $0x0  }
0x27f: {  	[sflag:s8] =	ssyncadd.s32 $0xFFFFC000  }
0x280: {  	[tilespmem:s6], [sflag:$0x2] =	stream.linear.gather [hbm4b:s16+s1], $0x4000, $0x38;
	[tilespmem:$0x8200] =	vst v63  }
0x281: {  	_ =	swait.ge [sflag:s7], $0x4000  }
0x282: {  	s13 =	sld [smem:$0x7EE]  }
0x283: {  	[sflag:s7] =	ssyncset.done $0x0  }
0x284: {  	[sflag:s7] =	ssyncadd.s32 $0xFFFFC000  }
0x285: {  	[tilespmem:s1], [sflag:$0x1] =	stream.linear.gather [hbm4b:s13+s1], $0x4000, $0x38;
	[tilespmem:$0x8200] =	vst v63  }
0x286: {  	_ =	swait.ge [sflag:s8], $0x4000  }
0x287: {  	s14 =	sld [smem:$0x7EF]  }
0x288: {  	[sflag:s8] =	ssyncset.done $0x0  }
0x289: {  	[sflag:s8] =	ssyncadd.s32 $0xFFFFC000  }
0x28a: {  	[tilespmem:s6], [sflag:$0x2] =	stream.linear.gather [hbm4b:s14+s1], $0x4000, $0x38;
	[tilespmem:$0x8200] =	vst v63  }
0x28b: {  	_ =	swait.ge [sflag:s7], $0x4000  }
0x28c: {  	s15 =	sld [smem:$0x7F0]  }
0x28d: {  	[sflag:s7] =	ssyncset.done $0x0  }
0x28e: {  	[sflag:s7] =	ssyncadd.s32 $0xFFFFC000  }
0x28f: {  	[tilespmem:s1], [sflag:$0x1] =	stream.linear.gather [hbm4b:s15+s1], $0x4000, $0x38;
	[tilespmem:$0x8200] =	vst v63  }
0x290: {  	_ =	swait.ge [sflag:s8], $0x4000  }
0x291: {  	s16 =	sld [smem:$0x7F1]  }
0x292: {  	[sflag:s8] =	ssyncset.done $0x0  }
0x293: {  	[sflag:s8] =	ssyncadd.s32 $0xFFFFC000  }
0x294: {  	[tilespmem:s6], [sflag:$0x2] =	stream.linear.gather [hbm4b:s16+s1], $0x4000, $0x38;
	[tilespmem:$0x8200] =	vst v63  }
0x295: {  	_ =	swait.ge [sflag:s7], $0x4000  }
0x296: {  	s13 =	sld [smem:$0x7F3]  }
0x297: {  	[sflag:s7] =	ssyncset.done $0x0  }
0x298: {  	[sflag:s7] =	ssyncadd.s32 $0xFFFFC000  }
0x299: {  	[tilespmem:s1], [sflag:$0x1] =	stream.linear.gather [hbm4b:s13+s1], $0x4000, $0x38;
	[tilespmem:$0x8200] =	vst v63  }
0x29a: {  	_ =	swait.ge [sflag:s8], $0x4000  }
0x29b: {  	s14 =	sld [smem:$0x7F4]  }
0x29c: {  	[sflag:s8] =	ssyncset.done $0x0  }
0x29d: {  	[sflag:s8] =	ssyncadd.s32 $0xFFFFC000  }
0x29e: {  	[tilespmem:s6], [sflag:$0x2] =	stream.linear.gather [hbm4b:s14+s1], $0x4000, $0x38;
	[tilespmem:$0x8200] =	vst v63  }
0x29f: {  	_ =	swait.ge [sflag:s7], $0x4000  }
0x2a0: {  	s15 =	sld [smem:$0x7F5]  }
0x2a1: {  	[sflag:s7] =	ssyncset.done $0x0  }
0x2a2: {  	[sflag:s7] =	ssyncadd.s32 $0xFFFFC000  }
0x2a3: {  	[tilespmem:s1], [sflag:$0x1] =	stream.linear.gather [hbm4b:s15+s1], $0x4000, $0x38;
	[tilespmem:$0x8200] =	vst v63  }
0x2a4: {  	_ =	swait.ge [sflag:s8], $0x4000  }
0x2a5: {  	s16 =	sld [smem:$0x7F6]  }
0x2a6: {  	[sflag:s8] =	ssyncset.done $0x0  }
0x2a7: {  	[sflag:s8] =	ssyncadd.s32 $0xFFFFC000  }
0x2a8: {  	[tilespmem:s6], [sflag:$0x2] =	stream.linear.gather [hbm4b:s16+s1], $0x4000, $0x38;
	[tilespmem:$0x8200] =	vst v63  }
0x2a9: {  	_ =	swait.ge [sflag:s7], $0x4000  }
0x2aa: {  	s13 =	sld [smem:$0x7F8]  }
0x2ab: {  	[sflag:s7] =	ssyncset.done $0x0  }
0x2ac: {  	[sflag:s7] =	ssyncadd.s32 $0xFFFFC000  }
0x2ad: {  	[tilespmem:s1], [sflag:$0x1] =	stream.linear.gather [hbm4b:s13+s1], $0x4000, $0x38;
	[tilespmem:$0x8200] =	vst v63  }
0x2ae: {  	_ =	swait.ge [sflag:s8], $0x4000  }
0x2af: {  	[sflag:s8] =	ssyncset.done $0x0  }
0x2b0: {  	[sflag:s8] =	ssyncadd.s32 $0xFFFFC000  }
0x2b1: {  	[tilespmem:s6], [sflag:$0x2] =	stream.linear.gather [hbm4b:s17+s1], $0x4000, $0x38;
	[tilespmem:$0x8200] =	vst v63  }
0x2b2: {  	_ =	swait.ge [sflag:s7], $0x4000  }
0x2b3: {  	[sflag:s7] =	ssyncset.done $0x0  }
0x2b4: {  	[sflag:s7] =	ssyncadd.s32 $0xFFFFC000  }
0x2b5: {  	[tilespmem:s1], [sflag:$0x1] =	stream.linear.gather [hbm4b:s18+s1], $0x4000, $0x38;
	[tilespmem:$0x8200] =	vst v63  }
0x2b6: {  	_ =	swait.ge [sflag:s8], $0x4000  }
0x2b7: {  	[sflag:s8] =	ssyncset.done $0x0  }
0x2b8: {  	[sflag:s8] =	ssyncadd.s32 $0xFFFFC000  }
0x2b9: {  	[tilespmem:s6], [sflag:$0x2] =	stream.linear.gather [hbm4b:s19+s1], $0x4000, $0x38;
	[tilespmem:$0x8200] =	vst v63  }
0x2ba: {  	_ =	swait.ge [sflag:s7], $0x4000  }
0x2bb: {  	[sflag:s7] =	ssyncset.done $0x0  }
0x2bc: {  	[sflag:s7] =	ssyncadd.s32 $0xFFFFC000  }
0x2bd: {  	[tilespmem:s1], [sflag:$0x1] =	stream.linear.gather [hbm4b:s20+s1], $0x4000, $0x38;
	[tilespmem:$0x8200] =	vst v63  }
0x2be: {  	_ =	swait.ge [sflag:s8], $0x4000  }
0x2bf: {  	[sflag:s8] =	ssyncset.done $0x0  }
0x2c0: {  	[sflag:s8] =	ssyncadd.s32 $0xFFFFC000  }
0x2c1: {  	[tilespmem:s6], [sflag:$0x2] =	stream.linear.gather [hbm4b:s21+s1], $0x4000, $0x38;
	[tilespmem:$0x8200] =	vst v63  }
0x2c2: {  	_ =	swait.ge [sflag:s7], $0x4000  }
0x2c3: {  	[sflag:s7] =	ssyncset.done $0x0  }
0x2c4: {  	[sflag:s7] =	ssyncadd.s32 $0xFFFFC000  }
0x2c5: {  	[tilespmem:s1], [sflag:$0x1] =	stream.linear.gather [hbm4b:s22+s1], $0x4000, $0x38;
	[tilespmem:$0x8200] =	vst v63  }
0x2c6: {  	_ =	swait.ge [sflag:s8], $0x4000  }
0x2c7: {  	[sflag:s8] =	ssyncset.done $0x0  }
0x2c8: {  	[sflag:s8] =	ssyncadd.s32 $0xFFFFC000  }
0x2c9: {  	[tilespmem:s6], [sflag:$0x2] =	stream.linear.gather [hbm4b:s23+s1], $0x4000, $0x38;
	[tilespmem:$0x8200] =	vst v63  }
0x2ca: {  	_ =	swait.ge [sflag:s7], $0x4000  }
0x2cb: {  	[sflag:s7] =	ssyncset.done $0x0  }
0x2cc: {  	[sflag:s7] =	ssyncadd.s32 $0xFFFFC000  }
0x2cd: {  	[tilespmem:s1], [sflag:$0x1] =	stream.linear.gather [hbm4b:s24+s1], $0x4000, $0x38;
	[tilespmem:$0x8200] =	vst v63  }
0x2ce: {  	_ =	swait.ge [sflag:s8], $0x4000  }
0x2cf: {  	[sflag:s8] =	ssyncset.done $0x0  }
0x2d0: {  	[sflag:s8] =	ssyncadd.s32 $0xFFFFC000  }
0x2d1: {  	[tilespmem:s6], [sflag:$0x2] =	stream.linear.gather [hbm4b:s25+s1], $0x4000, $0x38;
	[tilespmem:$0x8200] =	vst v63  }
0x2d2: {  	_ =	swait.ge [sflag:s7], $0x4000  }
0x2d3: {  	[sflag:s7] =	ssyncset.done $0x0  }
0x2d4: {  	[sflag:s7] =	ssyncadd.s32 $0xFFFFC000  }
0x2d5: {  	[tilespmem:s1], [sflag:$0x1] =	stream.linear.gather [hbm4b:s26+s1], $0x4000, $0x38;
	[tilespmem:$0x8200] =	vst v63  }
0x2d6: {  	_ =	swait.ge [sflag:s8], $0x4000  }
0x2d7: {  	[sflag:s8] =	ssyncset.done $0x0  }
0x2d8: {  	[sflag:s8] =	ssyncadd.s32 $0xFFFFC000  }
0x2d9: {  	[tilespmem:s6], [sflag:$0x2] =	stream.linear.gather [hbm4b:s28+s1], $0x4000, $0x38;
	[tilespmem:$0x8200] =	vst v63  }
0x2da: {  	_ =	swait.ge [sflag:s7], $0x4000  }
0x2db: {  	[sflag:s7] =	ssyncset.done $0x0  }
0x2dc: {  	[sflag:s7] =	ssyncadd.s32 $0xFFFFC000  }
0x2dd: {  	[tilespmem:s1], [sflag:$0x1] =	stream.linear.gather [hbm4b:s29+s1], $0x4000, $0x38;
	[tilespmem:$0x8200] =	vst v63  }
0x2de: {  	_ =	swait.ge [sflag:s8], $0x4000  }
0x2df: {  	[sflag:s8] =	ssyncset.done $0x0  }
0x2e0: {  	[sflag:s8] =	ssyncadd.s32 $0xFFFFC000  }
0x2e1: {  	[tilespmem:s6], [sflag:$0x2] =	stream.linear.gather [hbm4b:s30+s1], $0x4000, $0x38;
	[tilespmem:$0x8200] =	vst v63  }
0x2e2: {  	_ =	swait.ge [sflag:s7], $0x4000  }
0x2e3: {  	[sflag:s7] =	ssyncset.done $0x0  }
0x2e4: {  	[sflag:s7] =	ssyncadd.s32 $0xFFFFC000  }
0x2e5: {  	[tilespmem:s1], [sflag:$0x1] =	stream.linear.gather [hbm4b:s31+s1], $0x4000, $0x38;
	[tilespmem:$0x8200] =	vst v63  }
0x2e6: {  	_ =	swait.ge [sflag:s8], $0x4000  }
0x2e7: {  	[sflag:s8] =	ssyncset.done $0x0  }
0x2e8: {  	[sflag:s8] =	ssyncadd.s32 $0xFFFFC000  }
0x2e9: {  	[tilespmem:s6], [sflag:$0x2] =	stream.linear.gather [hbm4b:s0+s1], $0x4000, $0x38;
	[tilespmem:$0x8200] =	vst v63  }
0x2ea: {  	_ =	swait.ge [sflag:s7], $0x4000  }
0x2eb: {  	[sflag:s7] =	ssyncset.done $0x0  }
0x2ec: {  	[sflag:s7] =	ssyncadd.s32 $0xFFFFC000  }
0x2ed: {  	[tilespmem:s1], [sflag:$0x1] =	stream.linear.gather [hbm4b:s2+s1], $0x4000, $0x38;
	[tilespmem:$0x8200] =	vst v63  }
0x2ee: {  	_ =	swait.ge [sflag:s8], $0x4000  }
0x2ef: {  	[sflag:s8] =	ssyncset.done $0x0  }
0x2f0: {  	[sflag:s8] =	ssyncadd.s32 $0xFFFFC000  }
0x2f1: {  	[tilespmem:s6], [sflag:$0x2] =	stream.linear.gather [hbm4b:s3+s1], $0x4000, $0x38;
	[tilespmem:$0x8200] =	vst v63  }
0x2f2: {  	_ =	swait.ge [sflag:s7], $0x4000  }
0x2f3: {  	[sflag:s7] =	ssyncset.done $0x0  }
0x2f4: {  	[sflag:s7] =	ssyncadd.s32 $0xFFFFC000  }
0x2f5: {  	s14 =	sand.u32 $0x3000, s1;
	_ =	swait.ge [sflag:s8], $0x4000  }
0x2f6: {  	s12 =	sshrl.u32 s14, $0x2;
	s13 =	sand.u32 $0x70, s1;
	[sflag:s8] =	ssyncset.done $0x0  }
0x2f7: {  	s12 =	sor.u32 s13, s12;
	[sflag:s8] =	ssyncadd.s32 $0xFFFFC000  }
0x2f8: {  	v0 =	vld [tilespmem:s12+$0x0];
	_ =	sdelay $0x1  }
0x2f9: {  	s15 =	simm.s32 $0x200  }
0x2fa: {  	s16 =	simm.s32 $0x10;
	s12 =	sand.u32 $0x3000, s15  }
0x2fb: {  	s13 =	sand.u32 $0x70, s16;
	s12 =	sshrl.u32 s12, $0x2  }
0x2fc: {  	s13 =	sor.u32 s13, s12;
	[tilespmem:s9+$0x0] =	vst v0  }
0x2fd: {  	v0 =	vld [tilespmem:s13+$0x0]  }
0x2fe: {  	s14 =	simm.s32 $0x400;
	s12 =	simm.s32 $0x20;
	s13 =	simm.s32 $0x8000  }
.LBB2_2:
0x2ff: {  	s15 =	sand.u32 $0x3000, s14;
	p0 =	sne.s32 s12, $0x1F0  }
0x300: {  	s16 =	smov.u32 s12;
	s12 =	sadd.s32 $0x10, s12;
	s13 =	sadd.s32 $0x10, s13  }
.Ltmp0:
0x301: {  	s16 =	sand.u32 $0x70, s16;
	s15 =	sshrl.u32 s15, $0x2;
	(pc) =	sbr.rel @p0 .LBB2_2-.Ltmp0, $3  }
0x302: {  	s15 =	sor.u32 s16, s15;
	[tilespmem:s13+$0x0] =	vst v0  }
0x303: {  	v0 =	vld [tilespmem:s15+$0x0];
	_ =	sdelay $0x1  }
0x304: {  	s14 =	sadd.s32 $0x200, s14  }
0x305: {  	s11 =	sadd.s32 $0x1, s11  }
0x306: {  	s12 =	sadd.s32 $0x10, s13;
	p0 =	sne.s32 s11, s5  }
.Ltmp1:
0x307: {  	[tilespmem:s12+$0x0] =	vst v0;
	(pc) =	sbr.rel @p0 .LBB2_1-.Ltmp1, $4  }
0x308: {  	[hbm4b:s4+s1] =	stream.linear.scatter [tilespmem:s9], [sflag:$0x3], $0x200, $0x38;
	[tilespmem:$0x8200] =	vst v63  }
0x309: {  	_ =	swait.ge [sflag:s10], $0x200  }
0x30a: {  	[sflag:s10] =	ssyncset.done $0x0  }
0x30b: {  	[sflag:s10] =	ssyncadd.s32 $0xFFFFFE00  }
0x30c: {  	_ =	sfence.sel $0x180000  }
0x30d: {  	[bflag:$0x0] =	sbarrier.arrive $0xFFFF  }
0x30e: {  	_ =	strace $0x90000047  }
0x30f: {  	s0 =	stileid.u32;
	[bflag:$0x2] =	sbarrier.arrive $0xFFFF  }
0x310: {  	p0 =	sne.s32 s0, $0x0;
	s0 =	rddreg [dreg:$0x3]  }
0x311: {  	s0 =	sadd.s32 @!p0 $0x100000, s0  }
0x312: {  	[sflag:s0] =	ssyncadd.tile.s32 @!p0 $0x1;
	_ =	shalt  }
.Lfunc_end2:
_tile_overlayer_lowered:
.L_overlay_start_2:
0x313: {  	(tag) =	ssettag $0x2  }
0x314: {  	s0 =	rddreg [dreg:$0x0];
	s2 =	stileid.u32  }
0x315: {  	s1 =	rddreg [dreg:$0x1];
	p0 =	sne.s32 s2, $0x0  }
0x316: {  	s3 =	rddreg [dreg:$0x2];
	[bflag:$0x3] =	sbarrier.arrive $0xFFFF;
	s2 =	simm.s32 @!p0 $0x1C03  }
0x317: {  	[timem:s3], [sflag:s2] =	dma.local @!p0 [hbm:s0], s1  }
0x318: {  	s0 =	simm.s32 @!p0 $0x3  }
0x319: {  	_ =	swait.ge @!p0 [sflag:s0], s1  }
0x31a: {  	s1 =	ssub.s32 @!p0 $0x0, s1;
	[sflag:s0] =	ssyncset.done @!p0 $0x0  }
0x31b: {  	[sflag:s0] =	ssyncadd.s32 @!p0 s1  }
0x31c: {  	[bflag:$0x3] =	sbarrier.arrive $0xFFFF  }
0x31d: {  	_ =	shalt  }

</sc_bundles>
